<compile_context>
chip_gen: v7x
topology: tpu7x:2x2x1
jax: 0.10.2.dev20260603
libtpu: 0.0.44.dev20260713+nightly
codegen_flags: <defaults>
</compile_context>

<pallas_src>
import jax
import jax.numpy as jnp
import numpy as np
from jax import lax
from jax.experimental import pallas as pl
from jax.experimental.pallas import tpu as pltpu
from jax.experimental.pallas import tpu_sc as plsc

N = 131072
C = 32
H = 64
SCALE = np.float32(1.0 / 0.02)
VOX = np.float32(0.02)
KPAD = 125056
CH = 512
DEPTH = 4
NCH = N // CH

NUM_CORES = 2
NUM_SUBCORES = 16
NW = NUM_CORES * NUM_SUBCORES

BLK_A = 4096
BLK_B = 2048
BLK_C = 2048


def _minmax_body(x_ref, mn_ref, mx_ref):
    @pl.when(pl.program_id(0) == 0)
    def _():
        mn_ref[...] = jnp.full((8, 128), jnp.inf, jnp.float32)
        mx_ref[...] = jnp.full((8, 128), -jnp.inf, jnp.float32)

    a = x_ref[...] * SCALE
    mn = jnp.min(a, axis=1, keepdims=True)
    mx = jnp.max(a, axis=1, keepdims=True)
    mn_ref[...] = jnp.minimum(mn_ref[...], jnp.broadcast_to(mn, (8, 128)))
    mx_ref[...] = jnp.maximum(mx_ref[...], jnp.broadcast_to(mx, (8, 128)))


def _minmax(xyzT8):
    return pl.pallas_call(
        _minmax_body,
        grid=(N // BLK_A,),
        in_specs=[pl.BlockSpec((8, BLK_A), lambda i: (0, i))],
        out_specs=[pl.BlockSpec((8, 128), lambda i: (0, 0)),
                   pl.BlockSpec((8, 128), lambda i: (0, 0))],
        out_shape=[jax.ShapeDtypeStruct((8, 128), jnp.float32),
                   jax.ShapeDtypeStruct((8, 128), jnp.float32)],
    )(xyzT8)


def _enc_body(x_ref, f_ref, mn_ref, mx_ref, wf_ref, wx_ref, b_ref,
              key_ref, h_ref):
    xs = x_ref[0:3, :]
    a = xs * SCALE
    mn = mn_ref[0:3, 0:1]
    mx = mx_ref[0:3, 0:1]
    ca = jnp.floor(a - mn)
    dims = jnp.floor(mx - mn) + 1.0
    d2 = dims[2:3, :]
    d12 = dims[1:2, :] * d2
    kf = ca[0:1, :] * d12 + ca[1:2, :] * d2 + ca[2:3, :]
    key_ref[...] = kf.astype(jnp.int32).reshape(1, 1, kf.shape[1])

    rel = xs - (ca + mn) * VOX
    h = lax.dot_general(wf_ref[...], f_ref[...], (((1,), (0,)), ((), ())),
                        preferred_element_type=jnp.float32)
    h = h + wx_ref[:, 0:1] * rel[0:1, :]
    h = h + wx_ref[:, 1:2] * rel[1:2, :]
    h = h + wx_ref[:, 2:3] * rel[2:3, :]
    h_ref[...] = jnp.maximum(h + b_ref[:, 0:1], 0.0)


def _encode(xyzT8, featT, mn8, mx8, wfT, wxT, benc):
    nb = N // BLK_B
    return pl.pallas_call(
        _enc_body,
        grid=(nb,),
        in_specs=[
            pl.BlockSpec((8, BLK_B), lambda i: (0, i)),
            pl.BlockSpec((C, BLK_B), lambda i: (0, i)),
            pl.BlockSpec((8, 128), lambda i: (0, 0)),
            pl.BlockSpec((8, 128), lambda i: (0, 0)),
            pl.BlockSpec((H, C), lambda i: (0, 0)),
            pl.BlockSpec((H, 8), lambda i: (0, 0)),
            pl.BlockSpec((H, 128), lambda i: (0, 0)),
        ],
        out_specs=[pl.BlockSpec((1, 1, BLK_B), lambda i: (i, 0, 0)),
                   pl.BlockSpec((H, BLK_B), lambda i: (0, i))],
        out_shape=[jax.ShapeDtypeStruct((nb, 1, BLK_B), jnp.int32),
                   jax.ShapeDtypeStruct((H, N), jnp.float32)],
    )(xyzT8, featT, mn8, mx8, wfT, wxT, benc)


def _sc_body(keys_hbm, hT_hbm, zeros_hbm, gT_hbm, table_v, keys_v, vals_v,
             kl0, kl1, kl2, kl3, vl0, vl1, vl2, vl3, zsem):
    wid = lax.axis_index("s") * NUM_CORES + lax.axis_index("c")
    klsem = (kl0, kl1, kl2, kl3)
    vlsem = (vl0, vl1, vl2, vl3)

    def start_keys(ci, k):
        pltpu.async_copy(keys_hbm.at[pl.ds(ci * CH, CH)],
                         keys_v.at[k], klsem[k])

    def wait_keys(k):
        pltpu.make_async_copy(keys_hbm.at[pl.ds(0, CH)],
                              keys_v.at[k], klsem[k]).wait()

    def start_vals(ci, k, col):
        pltpu.async_copy(hT_hbm.at[col, pl.ds(ci * CH, CH)],
                         vals_v.at[k], vlsem[k])

    def wait_vals(k):
        pltpu.make_async_copy(hT_hbm.at[0, pl.ds(0, CH)],
                              vals_v.at[k], vlsem[k]).wait()

    def wait_outs(k):
        pltpu.make_async_copy(vals_v.at[k],
                              gT_hbm.at[0, pl.ds(0, CH)], vlsem[k]).wait()

    for half in range(2):
        col = wid + NW * half

        pltpu.async_copy(zeros_hbm, table_v, zsem).wait()

        for k in range(DEPTH):
            start_keys(k, k)
            start_vals(k, k, col)

        def scat_round(g, carry):
            for k in range(DEPTH):
                ci = g * DEPTH + k
                wait_keys(k)
                wait_vals(k)

                @plsc.parallel_loop(0, CH, step=16, unroll=16)
                def _scat(o):
                    idx = keys_v[k, pl.ds(o, 16)]
                    val = vals_v[k, pl.ds(o, 16)]
                    cur = plsc.load_gather(table_v, [idx])
                    plsc.store_scatter(table_v, [idx],
                                       jnp.maximum(cur, val), mask=cur < val)

                def vpass(_c):
                    @plsc.parallel_loop(0, CH, step=16, unroll=16,
                                        carry=jnp.zeros((16,), jnp.int32))
                    def acc(o, a):
                        idx = keys_v[k, pl.ds(o, 16)]
                        val = vals_v[k, pl.ds(o, 16)]
                        chk = plsc.load_gather(table_v, [idx])
                        bad = chk < val
                        plsc.store_scatter(table_v, [idx],
                                           jnp.maximum(chk, val), mask=bad)
                        return a | bad.astype(jnp.int32)
                    return jnp.max(acc)
                lax.while_loop(lambda c: c > 0, vpass, jnp.int32(1))

                @pl.when(ci + DEPTH < NCH)
                def _():
                    start_keys(ci + DEPTH, k)
                    start_vals(ci + DEPTH, k, col)
            return carry
        lax.fori_loop(0, NCH // DEPTH, scat_round, 0)

        for k in range(DEPTH):
            start_keys(k, k)

        def gath_round(g, carry):
            for k in range(DEPTH):
                ci = g * DEPTH + k
                wait_keys(k)

                @pl.when(ci >= DEPTH)
                def _():
                    wait_outs(k)

                @plsc.parallel_loop(0, CH, step=16, unroll=16)
                def _gath(o):
                    idx = keys_v[k, pl.ds(o, 16)]
                    vals_v[k, pl.ds(o, 16)] = plsc.load_gather(table_v, [idx])

                pltpu.async_copy(vals_v.at[k],
                                 gT_hbm.at[col, pl.ds(ci * CH, CH)], vlsem[k])

                @pl.when(ci + DEPTH < NCH)
                def _():
                    start_keys(ci + DEPTH, k)
            return carry
        lax.fori_loop(0, NCH // DEPTH, gath_round, 0)
        for k in range(DEPTH):
            wait_outs(k)


def _sc_segmax_gather(keys, hT, zeros_hbm):
    mesh = plsc.VectorSubcoreMesh(core_axis_name="c", subcore_axis_name="s")
    f = pl.kernel(
        _sc_body,
        out_type=jax.ShapeDtypeStruct((H, N), jnp.float32),
        mesh=mesh,
        compiler_params=pltpu.CompilerParams(needs_layout_passes=False),
        scratch_types=[
            pltpu.VMEM((KPAD,), jnp.float32),
            pltpu.VMEM((DEPTH, CH), jnp.int32),
            pltpu.VMEM((DEPTH, CH), jnp.float32),
        ] + [pltpu.SemaphoreType.DMA] * 9,
    )
    return f(keys, hT, zeros_hbm)


def _mlp_body(g_ref, w1_ref, b1_ref, w2_ref, b2_ref, wl_ref, bl_ref, o_ref):
    g = g_ref[...]
    dn = (((1,), (0,)), ((), ()))
    v = lax.dot_general(w1_ref[...], g, dn, preferred_element_type=jnp.float32)
    v = jnp.maximum(v + b1_ref[:, 0:1], 0.0)
    v = lax.dot_general(w2_ref[...], v, dn, preferred_element_type=jnp.float32)
    v = jnp.maximum(v + b2_ref[:, 0:1], 0.0)
    o = lax.dot_general(wl_ref[...], v, dn,
                        preferred_element_type=jnp.float32)
    o = o + bl_ref[:, 0:1]
    conf = 1.0 / (1.0 + jnp.exp(-o[C:C + 1, :]))
    o_ref[...] = o
    o_ref[C:C + 1, :] = conf


def _mlp(gT, w1T, b1b, w2T, b2b, wlT, blb):
    return pl.pallas_call(
        _mlp_body,
        grid=(N // BLK_C,),
        in_specs=[
            pl.BlockSpec((H, BLK_C), lambda i: (0, i)),
            pl.BlockSpec((H, H), lambda i: (0, 0)),
            pl.BlockSpec((H, 128), lambda i: (0, 0)),
            pl.BlockSpec((H, H), lambda i: (0, 0)),
            pl.BlockSpec((H, 128), lambda i: (0, 0)),
            pl.BlockSpec((C + 1, H), lambda i: (0, 0)),
            pl.BlockSpec((C + 1, 128), lambda i: (0, 0)),
        ],
        out_specs=[pl.BlockSpec((C + 1, BLK_C), lambda i: (0, i))],
        out_shape=[jax.ShapeDtypeStruct((C + 1, N), jnp.float32)],
    )(gT, w1T, b1b, w2T, b2b, wlT, blb)[0]


def kernel(pts_xyz, pts_feat, W_enc, b_enc, W1, b1, W2, b2, W_last, b_last):
    xyzT = pts_xyz.T
    xyzT8 = jnp.concatenate(
        [xyzT, jnp.broadcast_to(xyzT[0:1], (5, N))], axis=0)
    featT = pts_feat[0].T
    wfT = W_enc[3:].T
    wxT = jnp.pad(W_enc[:3].T, ((0, 0), (0, 5)))
    benc = jnp.broadcast_to(b_enc.reshape(H, 1), (H, 128))

    mn8, mx8 = _minmax(xyzT8)
    keys3, hT = _encode(xyzT8, featT, mn8, mx8, wfT, wxT, benc)
    keys = keys3.reshape(N)

    zeros_hbm = jnp.zeros((KPAD,), jnp.float32)
    gT = _sc_segmax_gather(keys, hT, zeros_hbm)

    w1T = W1.T
    w2T = W2.T
    wlT = W_last.T
    b1b = jnp.broadcast_to(b1.reshape(H, 1), (H, 128))
    b2b = jnp.broadcast_to(b2.reshape(H, 1), (H, 128))
    blb = jnp.broadcast_to(b_last.reshape(C + 1, 1), (C + 1, 128))
    outT = _mlp(gT, w1T, b1b, w2T, b2b, wlT, blb)
    return outT.T

# --- scband reference (transcript-rebuilt; emitter-appended) ---
"""Pipeline reference for scband-backbone-67585605370037 (READ-ONLY COPY).

The authoritative reference and input builder live on the scoring server;
editing this copy changes nothing except your own understanding.
"""

import jax, jax.numpy as jnp
import numpy as np

VOXEL = 0.02
C = 32
H = 64
N = 131072


def _voxelize_np(xyz_np):
    # mirrors voxelize(): scale by 1/voxel_size, shift to min, floor, sparse_quantize
    scale = 1.0 / VOXEL
    ca = xyz_np * scale
    mn = ca.min(axis=0)
    ca = np.floor(ca - mn)
    dims = ca.max(axis=0) + 1.0
    key = (ca[:, 0] * dims[1] * dims[2] + ca[:, 1] * dims[2] + ca[:, 2]).astype(np.int64)
    _, inds, inv = np.unique(key, return_index=True, return_inverse=True)
    coords_vox = ca[inds]
    return coords_vox, inds, inv, mn


def setup_inputs(seed: int = 0) -> dict:
    key = jax.random.key(seed)
    ks = jax.random.split(key, 12)
    pts_xyz = jax.random.uniform(ks[0], (N, 3), dtype=jnp.float32)
    pts_feat = jax.random.normal(ks[1], (1, N, C), dtype=jnp.float32)
    # pointnet encoder (dim = 3 + backbone_pts_dim)
    W_enc = jax.random.normal(ks[2], (3 + C, H), dtype=jnp.float32) * 0.05
    b_enc = jnp.zeros((H,), dtype=jnp.float32)
    # stand-in sparse-UNet trunk over voxel features
    W1 = jax.random.normal(ks[3], (H, H), dtype=jnp.float32) * 0.05
    b1 = jnp.zeros((H,), dtype=jnp.float32)
    W2 = jax.random.normal(ks[4], (H, H), dtype=jnp.float32) * 0.05
    b2 = jnp.zeros((H,), dtype=jnp.float32)
    # per-level linear head: out_dim = point_features_dim + 1 (conf, point_conf_mode='1')
    W_last = jax.random.normal(ks[5], (H, C + 1), dtype=jnp.float32) * 0.05
    b_last = jnp.zeros((C + 1,), dtype=jnp.float32)
    return {"pts_xyz": pts_xyz, "pts_feat": pts_feat, "W_enc": W_enc, "b_enc": b_enc,
            "W1": W1, "b1": b1, "W2": W2, "b2": b2, "W_last": W_last, "b_last": b_last}


def reference(pts_xyz, pts_feat, W_enc, b_enc, W1, b1, W2, b2, W_last, b_last):
    # pts2sparsetensor: voxelize on coords (traceable, fixed-shape), gather features to voxels
    n_pts = pts_xyz.shape[0]
    scale = 1.0 / VOXEL
    ca = pts_xyz * scale
    mn = ca.min(axis=0)
    ca = jnp.floor(ca - mn)
    dims = ca.max(axis=0) + 1.0
    key = (ca[:, 0] * dims[1] * dims[2] + ca[:, 1] * dims[2] + ca[:, 2]).astype(jnp.int32)
    order = jnp.argsort(key)
    sk = key[order]
    flags = jnp.concatenate(
        [jnp.zeros((1,), dtype=jnp.int32), (sk[1:] != sk[:-1]).astype(jnp.int32)]
    )
    ranks = jnp.cumsum(flags)
    inv = jnp.zeros((n_pts,), dtype=jnp.int32).at[order].set(ranks.astype(jnp.int32))
    # grid2world: voxel coords back to world frame (constant wrt autodiff, as in original);
    # since the voxel key is a bijection of ca, coords_w[inv] == per-point (ca + mn) * VOXEL
    coords_w_per_pt = ((ca + mn) * VOXEL).astype(jnp.float32)
    feat = pts_feat[0]  # squeeze(0)
    # pointnet_ae encoder: relative xyz + point features, segment-max pool to voxels
    pts_rel = pts_xyz - coords_w_per_pt
    h = jax.nn.relu(jnp.concatenate([pts_rel, feat], axis=-1) @ W_enc + b_enc)
    feat_vox = jax.ops.segment_max(h, inv, num_segments=n_pts)
    # sparse backbone trunk (MinkUNet stand-in) on voxel features
    v = jax.nn.relu(feat_vox @ W1 + b1)
    v = jax.nn.relu(v @ W2 + b2)
    out = v @ W_last + b_last
    feat_out = out[:, :C]
    conf = jax.nn.sigmoid(out[:, C:C + 1])  # point_conf_mode='1'
    out_full = jnp.concatenate([feat_out, conf], axis=-1)
    # scatter voxel features back to points (inds_inverse gather)
    return out_full[inv]

if __name__ == "__main__":
    import jax
    _d = setup_inputs()
    print(jax.jit(kernel)(*tuple(_d.values())))

</pallas_src>

<mosaic_0001>
#map = affine_map<(d0, d1) -> (0)>
#map1 = affine_map<(d0, d1) -> (0, 0)>
module attributes {stable_mosaic.version = 14 : i64} {
  func.func @_sc_body(%arg0: i32, %arg1: i32, %arg2: memref<131072xi32, #tpu.memory_space<hbm>>, %arg3: memref<64x131072xf32, #tpu.memory_space<hbm>>, %arg4: memref<125056xf32, #tpu.memory_space<hbm>>, %arg5: memref<64x131072xf32, #tpu.memory_space<hbm>>, %arg6: memref<125056xf32, #tpu.memory_space<vmem>>, %arg7: memref<4x512xi32, #tpu.memory_space<vmem>>, %arg8: memref<4x512xf32, #tpu.memory_space<vmem>>, %arg9: memref<!tpu.dma_semaphore, #tpu.memory_space<semaphore_mem>>, %arg10: memref<!tpu.dma_semaphore, #tpu.memory_space<semaphore_mem>>, %arg11: memref<!tpu.dma_semaphore, #tpu.memory_space<semaphore_mem>>, %arg12: memref<!tpu.dma_semaphore, #tpu.memory_space<semaphore_mem>>, %arg13: memref<!tpu.dma_semaphore, #tpu.memory_space<semaphore_mem>>, %arg14: memref<!tpu.dma_semaphore, #tpu.memory_space<semaphore_mem>>, %arg15: memref<!tpu.dma_semaphore, #tpu.memory_space<semaphore_mem>>, %arg16: memref<!tpu.dma_semaphore, #tpu.memory_space<semaphore_mem>>, %arg17: memref<!tpu.dma_semaphore, #tpu.memory_space<semaphore_mem>>) attributes {dimension_semantics = [#tpu.dimension_semantics<core_parallel>, #tpu.dimension_semantics<subcore_parallel>], iteration_bounds = array<i64: 2, 16>, scalar_prefetch = 0 : i64, scratch_operands = 12 : i64, tpu.core_type = #tpu.core_type<sc_vector_subcore>, window_params = [{transform_indices = #map}, {transform_indices = #map1}, {transform_indices = #map}, {transform_indices = #map1}]} {
    %mul3A = arith.constant 2 : i32
    %mul3A_0 = arith.muli %arg1, %mul3A : i32
    %add3A = arith.addi %mul3A_0, %arg0 : i32
    %add3A_1 = arith.constant 0 : i32
    %add3A_2 = arith.addi %add3A, %add3A_1 : i32
    tpu.enqueue_dma source(%arg4 : memref<125056xf32, #tpu.memory_space<hbm>>) target(%arg6 : memref<125056xf32, #tpu.memory_space<vmem>>) target_semaphore(%arg17 : memref<!tpu.dma_semaphore, #tpu.memory_space<semaphore_mem>>)
    tpu.wait_dma2 semaphore(%arg17 : memref<!tpu.dma_semaphore, #tpu.memory_space<semaphore_mem>>) src(%arg4 : memref<125056xf32, #tpu.memory_space<hbm>>) dst(%arg6 : memref<125056xf32, #tpu.memory_space<vmem>>)
    %dma_start3A = arith.constant 0 : i32
    %dma_start3A_3 = arith.constant 0 : i32
    %dma_start3A_4 = tpu.memref_slice %arg7[%dma_start3A, %dma_start3A_3] : memref<4x512xi32, #tpu.memory_space<vmem>> -> memref<1x512xi32, #tpu.memory_space<vmem>>
    %dma_start3A_5 = tpu.memref_squeeze %dma_start3A_4 : memref<1x512xi32, #tpu.memory_space<vmem>> -> memref<512xi32, #tpu.memory_space<vmem>>
    %dma_start3A_6 = arith.constant 0 : i32
    %dma_start3A_7 = tpu.memref_slice %arg2[%dma_start3A_6] : memref<131072xi32, #tpu.memory_space<hbm>> -> memref<512xi32, #tpu.memory_space<hbm>>
    %dma_start3A_8 = arith.constant 0 : i32
    %dma_start3A_9 = tpu.memref_slice %arg7[%dma_start3A, %dma_start3A_8] : memref<4x512xi32, #tpu.memory_space<vmem>> -> memref<1x512xi32, #tpu.memory_space<vmem>>
    %dma_start3A_10 = tpu.memref_squeeze %dma_start3A_9 : memref<1x512xi32, #tpu.memory_space<vmem>> -> memref<512xi32, #tpu.memory_space<vmem>>
    %dma_start3A_11 = arith.constant 0 : i32
    %dma_start3A_12 = tpu.memref_slice %arg2[%dma_start3A_11] : memref<131072xi32, #tpu.memory_space<hbm>> -> memref<512xi32, #tpu.memory_space<hbm>>
    tpu.enqueue_dma source(%dma_start3A_12 : memref<512xi32, #tpu.memory_space<hbm>>) target(%dma_start3A_10 : memref<512xi32, #tpu.memory_space<vmem>>) target_semaphore(%arg9 : memref<!tpu.dma_semaphore, #tpu.memory_space<semaphore_mem>>)
    %dma_start3A_13 = arith.constant 0 : i32
    %dma_start3A_14 = arith.constant 0 : i32
    %dma_start3A_15 = tpu.memref_slice %arg8[%dma_start3A_13, %dma_start3A_14] : memref<4x512xf32, #tpu.memory_space<vmem>> -> memref<1x512xf32, #tpu.memory_space<vmem>>
    %dma_start3A_16 = tpu.memref_squeeze %dma_start3A_15 : memref<1x512xf32, #tpu.memory_space<vmem>> -> memref<512xf32, #tpu.memory_space<vmem>>
    %dma_start3A_17 = arith.constant 0 : i32
    %dma_start3A_18 = tpu.memref_slice %arg3[%add3A_2, %dma_start3A_17] : memref<64x131072xf32, #tpu.memory_space<hbm>> -> memref<1x512xf32, #tpu.memory_space<hbm>>
    %dma_start3A_19 = tpu.memref_squeeze %dma_start3A_18 : memref<1x512xf32, #tpu.memory_space<hbm>> -> memref<512xf32, #tpu.memory_space<hbm>>
    %dma_start3A_20 = arith.constant 0 : i32
    %dma_start3A_21 = tpu.memref_slice %arg8[%dma_start3A_13, %dma_start3A_20] : memref<4x512xf32, #tpu.memory_space<vmem>> -> memref<1x512xf32, #tpu.memory_space<vmem>>
    %dma_start3A_22 = tpu.memref_squeeze %dma_start3A_21 : memref<1x512xf32, #tpu.memory_space<vmem>> -> memref<512xf32, #tpu.memory_space<vmem>>
    %dma_start3A_23 = arith.constant 0 : i32
    %dma_start3A_24 = tpu.memref_slice %arg3[%add3A_2, %dma_start3A_23] : memref<64x131072xf32, #tpu.memory_space<hbm>> -> memref<1x512xf32, #tpu.memory_space<hbm>>
    %dma_start3A_25 = tpu.memref_squeeze %dma_start3A_24 : memref<1x512xf32, #tpu.memory_space<hbm>> -> memref<512xf32, #tpu.memory_space<hbm>>
    tpu.enqueue_dma source(%dma_start3A_25 : memref<512xf32, #tpu.memory_space<hbm>>) target(%dma_start3A_22 : memref<512xf32, #tpu.memory_space<vmem>>) target_semaphore(%arg13 : memref<!tpu.dma_semaphore, #tpu.memory_space<semaphore_mem>>)
    %dma_start3A_26 = arith.constant 1 : i32
    %dma_start3A_27 = arith.constant 0 : i32
    %dma_start3A_28 = tpu.memref_slice %arg7[%dma_start3A_26, %dma_start3A_27] : memref<4x512xi32, #tpu.memory_space<vmem>> -> memref<1x512xi32, #tpu.memory_space<vmem>>
    %dma_start3A_29 = tpu.memref_squeeze %dma_start3A_28 : memref<1x512xi32, #tpu.memory_space<vmem>> -> memref<512xi32, #tpu.memory_space<vmem>>
    %dma_start3A_30 = arith.constant 512 : i32
    %dma_start3A_31 = tpu.memref_slice %arg2[%dma_start3A_30] : memref<131072xi32, #tpu.memory_space<hbm>> -> memref<512xi32, #tpu.memory_space<hbm>>
    %dma_start3A_32 = arith.constant 0 : i32
    %dma_start3A_33 = tpu.memref_slice %arg7[%dma_start3A_26, %dma_start3A_32] : memref<4x512xi32, #tpu.memory_space<vmem>> -> memref<1x512xi32, #tpu.memory_space<vmem>>
    %dma_start3A_34 = tpu.memref_squeeze %dma_start3A_33 : memref<1x512xi32, #tpu.memory_space<vmem>> -> memref<512xi32, #tpu.memory_space<vmem>>
    %dma_start3A_35 = arith.constant 512 : i32
    %dma_start3A_36 = tpu.memref_slice %arg2[%dma_start3A_35] : memref<131072xi32, #tpu.memory_space<hbm>> -> memref<512xi32, #tpu.memory_space<hbm>>
    tpu.enqueue_dma source(%dma_start3A_36 : memref<512xi32, #tpu.memory_space<hbm>>) target(%dma_start3A_34 : memref<512xi32, #tpu.memory_space<vmem>>) target_semaphore(%arg10 : memref<!tpu.dma_semaphore, #tpu.memory_space<semaphore_mem>>)
    %dma_start3A_37 = arith.constant 1 : i32
    %dma_start3A_38 = arith.constant 0 : i32
    %dma_start3A_39 = tpu.memref_slice %arg8[%dma_start3A_37, %dma_start3A_38] : memref<4x512xf32, #tpu.memory_space<vmem>> -> memref<1x512xf32, #tpu.memory_space<vmem>>
    %dma_start3A_40 = tpu.memref_squeeze %dma_start3A_39 : memref<1x512xf32, #tpu.memory_space<vmem>> -> memref<512xf32, #tpu.memory_space<vmem>>
    %dma_start3A_41 = arith.constant 512 : i32
    %dma_start3A_42 = tpu.memref_slice %arg3[%add3A_2, %dma_start3A_41] : memref<64x131072xf32, #tpu.memory_space<hbm>> -> memref<1x512xf32, #tpu.memory_space<hbm>>
    %dma_start3A_43 = tpu.memref_squeeze %dma_start3A_42 : memref<1x512xf32, #tpu.memory_space<hbm>> -> memref<512xf32, #tpu.memory_space<hbm>>
    %dma_start3A_44 = arith.constant 0 : i32
    %dma_start3A_45 = tpu.memref_slice %arg8[%dma_start3A_37, %dma_start3A_44] : memref<4x512xf32, #tpu.memory_space<vmem>> -> memref<1x512xf32, #tpu.memory_space<vmem>>
    %dma_start3A_46 = tpu.memref_squeeze %dma_start3A_45 : memref<1x512xf32, #tpu.memory_space<vmem>> -> memref<512xf32, #tpu.memory_space<vmem>>
    %dma_start3A_47 = arith.constant 512 : i32
    %dma_start3A_48 = tpu.memref_slice %arg3[%add3A_2, %dma_start3A_47] : memref<64x131072xf32, #tpu.memory_space<hbm>> -> memref<1x512xf32, #tpu.memory_space<hbm>>
    %dma_start3A_49 = tpu.memref_squeeze %dma_start3A_48 : memref<1x512xf32, #tpu.memory_space<hbm>> -> memref<512xf32, #tpu.memory_space<hbm>>
    tpu.enqueue_dma source(%dma_start3A_49 : memref<512xf32, #tpu.memory_space<hbm>>) target(%dma_start3A_46 : memref<512xf32, #tpu.memory_space<vmem>>) target_semaphore(%arg14 : memref<!tpu.dma_semaphore, #tpu.memory_space<semaphore_mem>>)
    %dma_start3A_50 = arith.constant 2 : i32
    %dma_start3A_51 = arith.constant 0 : i32
    %dma_start3A_52 = tpu.memref_slice %arg7[%dma_start3A_50, %dma_start3A_51] : memref<4x512xi32, #tpu.memory_space<vmem>> -> memref<1x512xi32, #tpu.memory_space<vmem>>
    %dma_start3A_53 = tpu.memref_squeeze %dma_start3A_52 : memref<1x512xi32, #tpu.memory_space<vmem>> -> memref<512xi32, #tpu.memory_space<vmem>>
    %dma_start3A_54 = arith.constant 1024 : i32
    %dma_start3A_55 = tpu.memref_slice %arg2[%dma_start3A_54] : memref<131072xi32, #tpu.memory_space<hbm>> -> memref<512xi32, #tpu.memory_space<hbm>>
    %dma_start3A_56 = arith.constant 0 : i32
    %dma_start3A_57 = tpu.memref_slice %arg7[%dma_start3A_50, %dma_start3A_56] : memref<4x512xi32, #tpu.memory_space<vmem>> -> memref<1x512xi32, #tpu.memory_space<vmem>>
    %dma_start3A_58 = tpu.memref_squeeze %dma_start3A_57 : memref<1x512xi32, #tpu.memory_space<vmem>> -> memref<512xi32, #tpu.memory_space<vmem>>
    %dma_start3A_59 = arith.constant 1024 : i32
    %dma_start3A_60 = tpu.memref_slice %arg2[%dma_start3A_59] : memref<131072xi32, #tpu.memory_space<hbm>> -> memref<512xi32, #tpu.memory_space<hbm>>
    tpu.enqueue_dma source(%dma_start3A_60 : memref<512xi32, #tpu.memory_space<hbm>>) target(%dma_start3A_58 : memref<512xi32, #tpu.memory_space<vmem>>) target_semaphore(%arg11 : memref<!tpu.dma_semaphore, #tpu.memory_space<semaphore_mem>>)
    %dma_start3A_61 = arith.constant 2 : i32
    %dma_start3A_62 = arith.constant 0 : i32
    %dma_start3A_63 = tpu.memref_slice %arg8[%dma_start3A_61, %dma_start3A_62] : memref<4x512xf32, #tpu.memory_space<vmem>> -> memref<1x512xf32, #tpu.memory_space<vmem>>
    %dma_start3A_64 = tpu.memref_squeeze %dma_start3A_63 : memref<1x512xf32, #tpu.memory_space<vmem>> -> memref<512xf32, #tpu.memory_space<vmem>>
    %dma_start3A_65 = arith.constant 1024 : i32
    %dma_start3A_66 = tpu.memref_slice %arg3[%add3A_2, %dma_start3A_65] : memref<64x131072xf32, #tpu.memory_space<hbm>> -> memref<1x512xf32, #tpu.memory_space<hbm>>
    %dma_start3A_67 = tpu.memref_squeeze %dma_start3A_66 : memref<1x512xf32, #tpu.memory_space<hbm>> -> memref<512xf32, #tpu.memory_space<hbm>>
    %dma_start3A_68 = arith.constant 0 : i32
    %dma_start3A_69 = tpu.memref_slice %arg8[%dma_start3A_61, %dma_start3A_68] : memref<4x512xf32, #tpu.memory_space<vmem>> -> memref<1x512xf32, #tpu.memory_space<vmem>>
    %dma_start3A_70 = tpu.memref_squeeze %dma_start3A_69 : memref<1x512xf32, #tpu.memory_space<vmem>> -> memref<512xf32, #tpu.memory_space<vmem>>
    %dma_start3A_71 = arith.constant 1024 : i32
    %dma_start3A_72 = tpu.memref_slice %arg3[%add3A_2, %dma_start3A_71] : memref<64x131072xf32, #tpu.memory_space<hbm>> -> memref<1x512xf32, #tpu.memory_space<hbm>>
    %dma_start3A_73 = tpu.memref_squeeze %dma_start3A_72 : memref<1x512xf32, #tpu.memory_space<hbm>> -> memref<512xf32, #tpu.memory_space<hbm>>
    tpu.enqueue_dma source(%dma_start3A_73 : memref<512xf32, #tpu.memory_space<hbm>>) target(%dma_start3A_70 : memref<512xf32, #tpu.memory_space<vmem>>) target_semaphore(%arg15 : memref<!tpu.dma_semaphore, #tpu.memory_space<semaphore_mem>>)
    %dma_start3A_74 = arith.constant 3 : i32
    %dma_start3A_75 = arith.constant 0 : i32
    %dma_start3A_76 = tpu.memref_slice %arg7[%dma_start3A_74, %dma_start3A_75] : memref<4x512xi32, #tpu.memory_space<vmem>> -> memref<1x512xi32, #tpu.memory_space<vmem>>
    %dma_start3A_77 = tpu.memref_squeeze %dma_start3A_76 : memref<1x512xi32, #tpu.memory_space<vmem>> -> memref<512xi32, #tpu.memory_space<vmem>>
    %dma_start3A_78 = arith.constant 1536 : i32
    %dma_start3A_79 = tpu.memref_slice %arg2[%dma_start3A_78] : memref<131072xi32, #tpu.memory_space<hbm>> -> memref<512xi32, #tpu.memory_space<hbm>>
    %dma_start3A_80 = arith.constant 0 : i32
    %dma_start3A_81 = tpu.memref_slice %arg7[%dma_start3A_74, %dma_start3A_80] : memref<4x512xi32, #tpu.memory_space<vmem>> -> memref<1x512xi32, #tpu.memory_space<vmem>>
    %dma_start3A_82 = tpu.memref_squeeze %dma_start3A_81 : memref<1x512xi32, #tpu.memory_space<vmem>> -> memref<512xi32, #tpu.memory_space<vmem>>
    %dma_start3A_83 = arith.constant 1536 : i32
    %dma_start3A_84 = tpu.memref_slice %arg2[%dma_start3A_83] : memref<131072xi32, #tpu.memory_space<hbm>> -> memref<512xi32, #tpu.memory_space<hbm>>
    tpu.enqueue_dma source(%dma_start3A_84 : memref<512xi32, #tpu.memory_space<hbm>>) target(%dma_start3A_82 : memref<512xi32, #tpu.memory_space<vmem>>) target_semaphore(%arg12 : memref<!tpu.dma_semaphore, #tpu.memory_space<semaphore_mem>>)
    %dma_start3A_85 = arith.constant 3 : i32
    %dma_start3A_86 = arith.constant 0 : i32
    %dma_start3A_87 = tpu.memref_slice %arg8[%dma_start3A_85, %dma_start3A_86] : memref<4x512xf32, #tpu.memory_space<vmem>> -> memref<1x512xf32, #tpu.memory_space<vmem>>
    %dma_start3A_88 = tpu.memref_squeeze %dma_start3A_87 : memref<1x512xf32, #tpu.memory_space<vmem>> -> memref<512xf32, #tpu.memory_space<vmem>>
    %dma_start3A_89 = arith.constant 1536 : i32
    %dma_start3A_90 = tpu.memref_slice %arg3[%add3A_2, %dma_start3A_89] : memref<64x131072xf32, #tpu.memory_space<hbm>> -> memref<1x512xf32, #tpu.memory_space<hbm>>
    %dma_start3A_91 = tpu.memref_squeeze %dma_start3A_90 : memref<1x512xf32, #tpu.memory_space<hbm>> -> memref<512xf32, #tpu.memory_space<hbm>>
    %dma_start3A_92 = arith.constant 0 : i32
    %dma_start3A_93 = tpu.memref_slice %arg8[%dma_start3A_85, %dma_start3A_92] : memref<4x512xf32, #tpu.memory_space<vmem>> -> memref<1x512xf32, #tpu.memory_space<vmem>>
    %dma_start3A_94 = tpu.memref_squeeze %dma_start3A_93 : memref<1x512xf32, #tpu.memory_space<vmem>> -> memref<512xf32, #tpu.memory_space<vmem>>
    %dma_start3A_95 = arith.constant 1536 : i32
    %dma_start3A_96 = tpu.memref_slice %arg3[%add3A_2, %dma_start3A_95] : memref<64x131072xf32, #tpu.memory_space<hbm>> -> memref<1x512xf32, #tpu.memory_space<hbm>>
    %dma_start3A_97 = tpu.memref_squeeze %dma_start3A_96 : memref<1x512xf32, #tpu.memory_space<hbm>> -> memref<512xf32, #tpu.memory_space<hbm>>
    tpu.enqueue_dma source(%dma_start3A_97 : memref<512xf32, #tpu.memory_space<hbm>>) target(%dma_start3A_94 : memref<512xf32, #tpu.memory_space<vmem>>) target_semaphore(%arg16 : memref<!tpu.dma_semaphore, #tpu.memory_space<semaphore_mem>>)
    %scan3A = arith.constant 0 : i32
    %scan3A_98 = arith.constant 0 : i32
    %scan3A_99 = arith.constant 64 : i32
    %scan3A_100 = arith.addi %scan3A_98, %scan3A_99 : i32
    %scan3A_101 = arith.constant 1 : i32
    scf.for %scan3A_418 = %scan3A_98 to %scan3A_100 step %scan3A_101  : i32 {
      %mul3A_419 = arith.constant 4 : i32
      %mul3A_420 = arith.muli %scan3A_418, %mul3A_419 : i32
      %add3A_421 = arith.constant 0 : i32
      %add3A_422 = arith.addi %mul3A_420, %add3A_421 : i32
      %dma_wait3A_423 = arith.constant 0 : i32
      %dma_wait3A_424 = arith.constant 0 : i32
      %dma_wait3A_425 = tpu.memref_slice %arg7[%dma_wait3A_423, %dma_wait3A_424] : memref<4x512xi32, #tpu.memory_space<vmem>> -> memref<1x512xi32, #tpu.memory_space<vmem>>
      %dma_wait3A_426 = tpu.memref_squeeze %dma_wait3A_425 : memref<1x512xi32, #tpu.memory_space<vmem>> -> memref<512xi32, #tpu.memory_space<vmem>>
      %dma_wait3A_427 = arith.constant 0 : i32
      %dma_wait3A_428 = tpu.memref_slice %arg2[%dma_wait3A_427] : memref<131072xi32, #tpu.memory_space<hbm>> -> memref<512xi32, #tpu.memory_space<hbm>>
      %dma_wait3A_429 = arith.constant 0 : i32
      %dma_wait3A_430 = tpu.memref_slice %arg7[%dma_wait3A_423, %dma_wait3A_429] : memref<4x512xi32, #tpu.memory_space<vmem>> -> memref<1x512xi32, #tpu.memory_space<vmem>>
      %dma_wait3A_431 = tpu.memref_squeeze %dma_wait3A_430 : memref<1x512xi32, #tpu.memory_space<vmem>> -> memref<512xi32, #tpu.memory_space<vmem>>
      %dma_wait3A_432 = arith.constant 0 : i32
      %dma_wait3A_433 = tpu.memref_slice %arg2[%dma_wait3A_432] : memref<131072xi32, #tpu.memory_space<hbm>> -> memref<512xi32, #tpu.memory_space<hbm>>
      tpu.wait_dma2 semaphore(%arg9 : memref<!tpu.dma_semaphore, #tpu.memory_space<semaphore_mem>>) src(%dma_wait3A_433 : memref<512xi32, #tpu.memory_space<hbm>>) dst(%dma_wait3A_431 : memref<512xi32, #tpu.memory_space<vmem>>)
      %dma_wait3A_434 = arith.constant 0 : i32
      %dma_wait3A_435 = arith.constant 0 : i32
      %dma_wait3A_436 = arith.constant 0 : i32
      %dma_wait3A_437 = tpu.memref_slice %arg8[%dma_wait3A_435, %dma_wait3A_436] : memref<4x512xf32, #tpu.memory_space<vmem>> -> memref<1x512xf32, #tpu.memory_space<vmem>>
      %dma_wait3A_438 = tpu.memref_squeeze %dma_wait3A_437 : memref<1x512xf32, #tpu.memory_space<vmem>> -> memref<512xf32, #tpu.memory_space<vmem>>
      %dma_wait3A_439 = arith.constant 0 : i32
      %dma_wait3A_440 = tpu.memref_slice %arg3[%dma_wait3A_434, %dma_wait3A_439] : memref<64x131072xf32, #tpu.memory_space<hbm>> -> memref<1x512xf32, #tpu.memory_space<hbm>>
      %dma_wait3A_441 = tpu.memref_squeeze %dma_wait3A_440 : memref<1x512xf32, #tpu.memory_space<hbm>> -> memref<512xf32, #tpu.memory_space<hbm>>
      %dma_wait3A_442 = arith.constant 0 : i32
      %dma_wait3A_443 = tpu.memref_slice %arg8[%dma_wait3A_435, %dma_wait3A_442] : memref<4x512xf32, #tpu.memory_space<vmem>> -> memref<1x512xf32, #tpu.memory_space<vmem>>
      %dma_wait3A_444 = tpu.memref_squeeze %dma_wait3A_443 : memref<1x512xf32, #tpu.memory_space<vmem>> -> memref<512xf32, #tpu.memory_space<vmem>>
      %dma_wait3A_445 = arith.constant 0 : i32
      %dma_wait3A_446 = tpu.memref_slice %arg3[%dma_wait3A_434, %dma_wait3A_445] : memref<64x131072xf32, #tpu.memory_space<hbm>> -> memref<1x512xf32, #tpu.memory_space<hbm>>
      %dma_wait3A_447 = tpu.memref_squeeze %dma_wait3A_446 : memref<1x512xf32, #tpu.memory_space<hbm>> -> memref<512xf32, #tpu.memory_space<hbm>>
      tpu.wait_dma2 semaphore(%arg13 : memref<!tpu.dma_semaphore, #tpu.memory_space<semaphore_mem>>) src(%dma_wait3A_447 : memref<512xf32, #tpu.memory_space<hbm>>) dst(%dma_wait3A_444 : memref<512xf32, #tpu.memory_space<vmem>>)
      %parallel_loop3A = arith.constant 0 : i32
      %parallel_loop3A_448 = arith.constant 512 : i32
      %parallel_loop3A_449 = arith.constant 16 : i32
      scf.for %parallel_loop3A_578 = %parallel_loop3A to %parallel_loop3A_448 step %parallel_loop3A_449  : i32 {
        %parallel_loop3A_579 = arith.constant 0 : i32
        %parallel_loop3A_580 = arith.index_cast %parallel_loop3A_579 : i32 to index
        %parallel_loop3A_581 = arith.index_cast %parallel_loop3A_578 : i32 to index
        %parallel_loop3A_582 = tpu.vector_load %arg7[%parallel_loop3A_580, %parallel_loop3A_581] {strides = array<i32>} : memref<4x512xi32, #tpu.memory_space<vmem>>, vector<16xi32>,
        %parallel_loop3A_583 = arith.constant 0 : i32
        %parallel_loop3A_584 = arith.index_cast %parallel_loop3A_583 : i32 to index
        %parallel_loop3A_585 = arith.index_cast %parallel_loop3A_578 : i32 to index
        %parallel_loop3A_586 = tpu.vector_load %arg8[%parallel_loop3A_584, %parallel_loop3A_585] {strides = array<i32>} : memref<4x512xf32, #tpu.memory_space<vmem>>, vector<16xf32>,
        %parallel_loop3A_587 = tpu.vector_load_idx %arg6[%parallel_loop3A_582] : memref<125056xf32, #tpu.memory_space<vmem>>[vector<16xi32>], vector<16xf32>,
        %parallel_loop3A_588 = arith.maximumf %parallel_loop3A_587, %parallel_loop3A_586 : vector<16xf32>
        %parallel_loop3A_589 = arith.cmpf olt, %parallel_loop3A_587, %parallel_loop3A_586 : vector<16xf32>
        tpu.vector_store_idx %arg6[%parallel_loop3A_582], %parallel_loop3A_588 masked %parallel_loop3A_589 : memref<125056xf32, #tpu.memory_space<vmem>>[vector<16xi32>], vector<16xf32>, vector<16xi1>
      } {sc.loop_unroll_factor = 16 : i64, sc.parallel_access}
      %while3A = arith.constant 1 : i32
      %while3A_450 = scf.while (%while3A_578 = %while3A) : (i32) -> i32 {
        %gt3A = arith.constant 0 : i32
        %gt3A_579 = arith.cmpi sgt, %while3A_578, %gt3A : i32
        scf.condition(%gt3A_579) %while3A_578 : i32
      } do {
      ^bb0(%while3A_578: i32):
        %broadcast_in_dim3A = arith.constant 0 : i32
        %broadcast_in_dim3A_579 = vector.broadcast %broadcast_in_dim3A : i32 to vector<16xi32>
        %parallel_loop3A_580 = arith.constant 0 : i32
        %parallel_loop3A_581 = arith.constant 512 : i32
        %parallel_loop3A_582 = arith.constant 16 : i32
        %parallel_loop3A_583 = scf.for %parallel_loop3A_591 = %parallel_loop3A_580 to %parallel_loop3A_581 step %parallel_loop3A_582 iter_args(%parallel_loop3A_592 = %broadcast_in_dim3A_579) -> (vector<16xi32>)  : i32 {
          %parallel_loop3A_593 = arith.constant 0 : i32
          %parallel_loop3A_594 = arith.index_cast %parallel_loop3A_593 : i32 to index
          %parallel_loop3A_595 = arith.index_cast %parallel_loop3A_591 : i32 to index
          %parallel_loop3A_596 = tpu.vector_load %arg7[%parallel_loop3A_594, %parallel_loop3A_595] {strides = array<i32>} : memref<4x512xi32, #tpu.memory_space<vmem>>, vector<16xi32>,
          %parallel_loop3A_597 = arith.constant 0 : i32
          %parallel_loop3A_598 = arith.index_cast %parallel_loop3A_597 : i32 to index
          %parallel_loop3A_599 = arith.index_cast %parallel_loop3A_591 : i32 to index
          %parallel_loop3A_600 = tpu.vector_load %arg8[%parallel_loop3A_598, %parallel_loop3A_599] {strides = array<i32>} : memref<4x512xf32, #tpu.memory_space<vmem>>, vector<16xf32>,
          %parallel_loop3A_601 = tpu.vector_load_idx %arg6[%parallel_loop3A_596] : memref<125056xf32, #tpu.memory_space<vmem>>[vector<16xi32>], vector<16xf32>,
          %parallel_loop3A_602 = arith.cmpf olt, %parallel_loop3A_601, %parallel_loop3A_600 : vector<16xf32>
          %parallel_loop3A_603 = arith.maximumf %parallel_loop3A_601, %parallel_loop3A_600 : vector<16xf32>
          tpu.vector_store_idx %arg6[%parallel_loop3A_596], %parallel_loop3A_603 masked %parallel_loop3A_602 : memref<125056xf32, #tpu.memory_space<vmem>>[vector<16xi32>], vector<16xf32>, vector<16xi1>
          %parallel_loop3A_604 = arith.extui %parallel_loop3A_602 : vector<16xi1> to vector<16xi32>
          %parallel_loop3A_605 = arith.ori %parallel_loop3A_592, %parallel_loop3A_604 : vector<16xi32>
          scf.yield %parallel_loop3A_605 : vector<16xi32>
        } {sc.loop_unroll_factor = 16 : i64, sc.parallel_access}
        %reduce_max3A = arith.constant true
        %reduce_max3A_584 = vector.broadcast %reduce_max3A : i1 to vector<16xi1>
        %reduce_max3A_585 = arith.constant -2147483648 : i32
        %reduce_max3A_586 = vector.broadcast %reduce_max3A_585 : i32 to vector<16xi32>
        %reduce_max3A_587 = arith.xori %parallel_loop3A_583, %reduce_max3A_586 : vector<16xi32>
        %reduce_max3A_588 = tpu.scan <max>, %reduce_max3A_587 masked %reduce_max3A_584 : vector<16xi32>, vector<16xi1> -> vector<16xi32>
        %reduce_max3A_589 = arith.xori %reduce_max3A_588, %reduce_max3A_586 : vector<16xi32>
        %reduce_max3A_590 = vector.extract %reduce_max3A_589[15] : i32 from vector<16xi32>
        scf.yield %reduce_max3A_590 : i32
      }
      %add3A_451 = arith.constant 4 : i32
      %add3A_452 = arith.addi %add3A_422, %add3A_451 : i32
      %lt3A = arith.constant 256 : i32
      %lt3A_453 = arith.cmpi slt, %add3A_452, %lt3A : i32
      %convert_element_type3A = arith.extui %lt3A_453 : i1 to i32
      %cond3A = arith.constant 0 : i32
      %cond3A_454 = arith.cmpi ne, %convert_element_type3A, %cond3A : i32
      scf.if %cond3A_454 {
        %add3A_578 = arith.constant 4 : i32
        %add3A_579 = arith.addi %add3A_422, %add3A_578 : i32
        %mul3A_580 = arith.constant 512 : i32
        %mul3A_581 = arith.muli %add3A_579, %mul3A_580 : i32
        %dma_start3A_582 = arith.constant 0 : i32
        %dma_start3A_583 = arith.constant 0 : i32
        %dma_start3A_584 = tpu.memref_slice %arg7[%dma_start3A_582, %dma_start3A_583] : memref<4x512xi32, #tpu.memory_space<vmem>> -> memref<1x512xi32, #tpu.memory_space<vmem>>
        %dma_start3A_585 = tpu.memref_squeeze %dma_start3A_584 : memref<1x512xi32, #tpu.memory_space<vmem>> -> memref<512xi32, #tpu.memory_space<vmem>>
        %dma_start3A_586 = tpu.memref_slice %arg2[%mul3A_581] : memref<131072xi32, #tpu.memory_space<hbm>> -> memref<512xi32, #tpu.memory_space<hbm>>
        %dma_start3A_587 = arith.constant 0 : i32
        %dma_start3A_588 = tpu.memref_slice %arg7[%dma_start3A_582, %dma_start3A_587] : memref<4x512xi32, #tpu.memory_space<vmem>> -> memref<1x512xi32, #tpu.memory_space<vmem>>
        %dma_start3A_589 = tpu.memref_squeeze %dma_start3A_588 : memref<1x512xi32, #tpu.memory_space<vmem>> -> memref<512xi32, #tpu.memory_space<vmem>>
        %dma_start3A_590 = tpu.memref_slice %arg2[%mul3A_581] : memref<131072xi32, #tpu.memory_space<hbm>> -> memref<512xi32, #tpu.memory_space<hbm>>
        tpu.enqueue_dma source(%dma_start3A_590 : memref<512xi32, #tpu.memory_space<hbm>>) target(%dma_start3A_589 : memref<512xi32, #tpu.memory_space<vmem>>) target_semaphore(%arg9 : memref<!tpu.dma_semaphore, #tpu.memory_space<semaphore_mem>>)
        %add3A_591 = arith.constant 4 : i32
        %add3A_592 = arith.addi %add3A_422, %add3A_591 : i32
        %mul3A_593 = arith.constant 512 : i32
        %mul3A_594 = arith.muli %add3A_592, %mul3A_593 : i32
        %dma_start3A_595 = arith.constant 0 : i32
        %dma_start3A_596 = arith.constant 0 : i32
        %dma_start3A_597 = tpu.memref_slice %arg8[%dma_start3A_595, %dma_start3A_596] : memref<4x512xf32, #tpu.memory_space<vmem>> -> memref<1x512xf32, #tpu.memory_space<vmem>>
        %dma_start3A_598 = tpu.memref_squeeze %dma_start3A_597 : memref<1x512xf32, #tpu.memory_space<vmem>> -> memref<512xf32, #tpu.memory_space<vmem>>
        %dma_start3A_599 = tpu.memref_slice %arg3[%add3A_2, %mul3A_594] : memref<64x131072xf32, #tpu.memory_space<hbm>> -> memref<1x512xf32, #tpu.memory_space<hbm>>
        %dma_start3A_600 = tpu.memref_squeeze %dma_start3A_599 : memref<1x512xf32, #tpu.memory_space<hbm>> -> memref<512xf32, #tpu.memory_space<hbm>>
        %dma_start3A_601 = arith.constant 0 : i32
        %dma_start3A_602 = tpu.memref_slice %arg8[%dma_start3A_595, %dma_start3A_601] : memref<4x512xf32, #tpu.memory_space<vmem>> -> memref<1x512xf32, #tpu.memory_space<vmem>>
        %dma_start3A_603 = tpu.memref_squeeze %dma_start3A_602 : memref<1x512xf32, #tpu.memory_space<vmem>> -> memref<512xf32, #tpu.memory_space<vmem>>
        %dma_start3A_604 = tpu.memref_slice %arg3[%add3A_2, %mul3A_594] : memref<64x131072xf32, #tpu.memory_space<hbm>> -> memref<1x512xf32, #tpu.memory_space<hbm>>
        %dma_start3A_605 = tpu.memref_squeeze %dma_start3A_604 : memref<1x512xf32, #tpu.memory_space<hbm>> -> memref<512xf32, #tpu.memory_space<hbm>>
        tpu.enqueue_dma source(%dma_start3A_605 : memref<512xf32, #tpu.memory_space<hbm>>) target(%dma_start3A_603 : memref<512xf32, #tpu.memory_space<vmem>>) target_semaphore(%arg13 : memref<!tpu.dma_semaphore, #tpu.memory_space<semaphore_mem>>)
      } else {
      }
      %mul3A_455 = arith.constant 4 : i32
      %mul3A_456 = arith.muli %scan3A_418, %mul3A_455 : i32
      %add3A_457 = arith.constant 1 : i32
      %add3A_458 = arith.addi %mul3A_456, %add3A_457 : i32
      %dma_wait3A_459 = arith.constant 1 : i32
      %dma_wait3A_460 = arith.constant 0 : i32
      %dma_wait3A_461 = tpu.memref_slice %arg7[%dma_wait3A_459, %dma_wait3A_460] : memref<4x512xi32, #tpu.memory_space<vmem>> -> memref<1x512xi32, #tpu.memory_space<vmem>>
      %dma_wait3A_462 = tpu.memref_squeeze %dma_wait3A_461 : memref<1x512xi32, #tpu.memory_space<vmem>> -> memref<512xi32, #tpu.memory_space<vmem>>
      %dma_wait3A_463 = arith.constant 0 : i32
      %dma_wait3A_464 = tpu.memref_slice %arg2[%dma_wait3A_463] : memref<131072xi32, #tpu.memory_space<hbm>> -> memref<512xi32, #tpu.memory_space<hbm>>
      %dma_wait3A_465 = arith.constant 0 : i32
      %dma_wait3A_466 = tpu.memref_slice %arg7[%dma_wait3A_459, %dma_wait3A_465] : memref<4x512xi32, #tpu.memory_space<vmem>> -> memref<1x512xi32, #tpu.memory_space<vmem>>
      %dma_wait3A_467 = tpu.memref_squeeze %dma_wait3A_466 : memref<1x512xi32, #tpu.memory_space<vmem>> -> memref<512xi32, #tpu.memory_space<vmem>>
      %dma_wait3A_468 = arith.constant 0 : i32
      %dma_wait3A_469 = tpu.memref_slice %arg2[%dma_wait3A_468] : memref<131072xi32, #tpu.memory_space<hbm>> -> memref<512xi32, #tpu.memory_space<hbm>>
      tpu.wait_dma2 semaphore(%arg10 : memref<!tpu.dma_semaphore, #tpu.memory_space<semaphore_mem>>) src(%dma_wait3A_469 : memref<512xi32, #tpu.memory_space<hbm>>) dst(%dma_wait3A_467 : memref<512xi32, #tpu.memory_space<vmem>>)
      %dma_wait3A_470 = arith.constant 0 : i32
      %dma_wait3A_471 = arith.constant 1 : i32
      %dma_wait3A_472 = arith.constant 0 : i32
      %dma_wait3A_473 = tpu.memref_slice %arg8[%dma_wait3A_471, %dma_wait3A_472] : memref<4x512xf32, #tpu.memory_space<vmem>> -> memref<1x512xf32, #tpu.memory_space<vmem>>
      %dma_wait3A_474 = tpu.memref_squeeze %dma_wait3A_473 : memref<1x512xf32, #tpu.memory_space<vmem>> -> memref<512xf32, #tpu.memory_space<vmem>>
      %dma_wait3A_475 = arith.constant 0 : i32
      %dma_wait3A_476 = tpu.memref_slice %arg3[%dma_wait3A_470, %dma_wait3A_475] : memref<64x131072xf32, #tpu.memory_space<hbm>> -> memref<1x512xf32, #tpu.memory_space<hbm>>
      %dma_wait3A_477 = tpu.memref_squeeze %dma_wait3A_476 : memref<1x512xf32, #tpu.memory_space<hbm>> -> memref<512xf32, #tpu.memory_space<hbm>>
      %dma_wait3A_478 = arith.constant 0 : i32
      %dma_wait3A_479 = tpu.memref_slice %arg8[%dma_wait3A_471, %dma_wait3A_478] : memref<4x512xf32, #tpu.memory_space<vmem>> -> memref<1x512xf32, #tpu.memory_space<vmem>>
      %dma_wait3A_480 = tpu.memref_squeeze %dma_wait3A_479 : memref<1x512xf32, #tpu.memory_space<vmem>> -> memref<512xf32, #tpu.memory_space<vmem>>
      %dma_wait3A_481 = arith.constant 0 : i32
      %dma_wait3A_482 = tpu.memref_slice %arg3[%dma_wait3A_470, %dma_wait3A_481] : memref<64x131072xf32, #tpu.memory_space<hbm>> -> memref<1x512xf32, #tpu.memory_space<hbm>>
      %dma_wait3A_483 = tpu.memref_squeeze %dma_wait3A_482 : memref<1x512xf32, #tpu.memory_space<hbm>> -> memref<512xf32, #tpu.memory_space<hbm>>
      tpu.wait_dma2 semaphore(%arg14 : memref<!tpu.dma_semaphore, #tpu.memory_space<semaphore_mem>>) src(%dma_wait3A_483 : memref<512xf32, #tpu.memory_space<hbm>>) dst(%dma_wait3A_480 : memref<512xf32, #tpu.memory_space<vmem>>)
      %parallel_loop3A_484 = arith.constant 0 : i32
      %parallel_loop3A_485 = arith.constant 512 : i32
      %parallel_loop3A_486 = arith.constant 16 : i32
      scf.for %parallel_loop3A_578 = %parallel_loop3A_484 to %parallel_loop3A_485 step %parallel_loop3A_486  : i32 {
        %parallel_loop3A_579 = arith.constant 1 : i32
        %parallel_loop3A_580 = arith.index_cast %parallel_loop3A_579 : i32 to index
        %parallel_loop3A_581 = arith.index_cast %parallel_loop3A_578 : i32 to index
        %parallel_loop3A_582 = tpu.vector_load %arg7[%parallel_loop3A_580, %parallel_loop3A_581] {strides = array<i32>} : memref<4x512xi32, #tpu.memory_space<vmem>>, vector<16xi32>,
        %parallel_loop3A_583 = arith.constant 1 : i32
        %parallel_loop3A_584 = arith.index_cast %parallel_loop3A_583 : i32 to index
        %parallel_loop3A_585 = arith.index_cast %parallel_loop3A_578 : i32 to index
        %parallel_loop3A_586 = tpu.vector_load %arg8[%parallel_loop3A_584, %parallel_loop3A_585] {strides = array<i32>} : memref<4x512xf32, #tpu.memory_space<vmem>>, vector<16xf32>,
        %parallel_loop3A_587 = tpu.vector_load_idx %arg6[%parallel_loop3A_582] : memref<125056xf32, #tpu.memory_space<vmem>>[vector<16xi32>], vector<16xf32>,
        %parallel_loop3A_588 = arith.maximumf %parallel_loop3A_587, %parallel_loop3A_586 : vector<16xf32>
        %parallel_loop3A_589 = arith.cmpf olt, %parallel_loop3A_587, %parallel_loop3A_586 : vector<16xf32>
        tpu.vector_store_idx %arg6[%parallel_loop3A_582], %parallel_loop3A_588 masked %parallel_loop3A_589 : memref<125056xf32, #tpu.memory_space<vmem>>[vector<16xi32>], vector<16xf32>, vector<16xi1>
      } {sc.loop_unroll_factor = 16 : i64, sc.parallel_access}
      %while3A_487 = arith.constant 1 : i32
      %while3A_488 = scf.while (%while3A_578 = %while3A_487) : (i32) -> i32 {
        %gt3A = arith.constant 0 : i32
        %gt3A_579 = arith.cmpi sgt, %while3A_578, %gt3A : i32
        scf.condition(%gt3A_579) %while3A_578 : i32
      } do {
      ^bb0(%while3A_578: i32):
        %broadcast_in_dim3A = arith.constant 0 : i32
        %broadcast_in_dim3A_579 = vector.broadcast %broadcast_in_dim3A : i32 to vector<16xi32>
        %parallel_loop3A_580 = arith.constant 0 : i32
        %parallel_loop3A_581 = arith.constant 512 : i32
        %parallel_loop3A_582 = arith.constant 16 : i32
        %parallel_loop3A_583 = scf.for %parallel_loop3A_591 = %parallel_loop3A_580 to %parallel_loop3A_581 step %parallel_loop3A_582 iter_args(%parallel_loop3A_592 = %broadcast_in_dim3A_579) -> (vector<16xi32>)  : i32 {
          %parallel_loop3A_593 = arith.constant 1 : i32
          %parallel_loop3A_594 = arith.index_cast %parallel_loop3A_593 : i32 to index
          %parallel_loop3A_595 = arith.index_cast %parallel_loop3A_591 : i32 to index
          %parallel_loop3A_596 = tpu.vector_load %arg7[%parallel_loop3A_594, %parallel_loop3A_595] {strides = array<i32>} : memref<4x512xi32, #tpu.memory_space<vmem>>, vector<16xi32>,
          %parallel_loop3A_597 = arith.constant 1 : i32
          %parallel_loop3A_598 = arith.index_cast %parallel_loop3A_597 : i32 to index
          %parallel_loop3A_599 = arith.index_cast %parallel_loop3A_591 : i32 to index
          %parallel_loop3A_600 = tpu.vector_load %arg8[%parallel_loop3A_598, %parallel_loop3A_599] {strides = array<i32>} : memref<4x512xf32, #tpu.memory_space<vmem>>, vector<16xf32>,
          %parallel_loop3A_601 = tpu.vector_load_idx %arg6[%parallel_loop3A_596] : memref<125056xf32, #tpu.memory_space<vmem>>[vector<16xi32>], vector<16xf32>,
          %parallel_loop3A_602 = arith.cmpf olt, %parallel_loop3A_601, %parallel_loop3A_600 : vector<16xf32>
          %parallel_loop3A_603 = arith.maximumf %parallel_loop3A_601, %parallel_loop3A_600 : vector<16xf32>
          tpu.vector_store_idx %arg6[%parallel_loop3A_596], %parallel_loop3A_603 masked %parallel_loop3A_602 : memref<125056xf32, #tpu.memory_space<vmem>>[vector<16xi32>], vector<16xf32>, vector<16xi1>
          %parallel_loop3A_604 = arith.extui %parallel_loop3A_602 : vector<16xi1> to vector<16xi32>
          %parallel_loop3A_605 = arith.ori %parallel_loop3A_592, %parallel_loop3A_604 : vector<16xi32>
          scf.yield %parallel_loop3A_605 : vector<16xi32>
        } {sc.loop_unroll_factor = 16 : i64, sc.parallel_access}
        %reduce_max3A = arith.constant true
        %reduce_max3A_584 = vector.broadcast %reduce_max3A : i1 to vector<16xi1>
        %reduce_max3A_585 = arith.constant -2147483648 : i32
        %reduce_max3A_586 = vector.broadcast %reduce_max3A_585 : i32 to vector<16xi32>
        %reduce_max3A_587 = arith.xori %parallel_loop3A_583, %reduce_max3A_586 : vector<16xi32>
        %reduce_max3A_588 = tpu.scan <max>, %reduce_max3A_587 masked %reduce_max3A_584 : vector<16xi32>, vector<16xi1> -> vector<16xi32>
        %reduce_max3A_589 = arith.xori %reduce_max3A_588, %reduce_max3A_586 : vector<16xi32>
        %reduce_max3A_590 = vector.extract %reduce_max3A_589[15] : i32 from vector<16xi32>
        scf.yield %reduce_max3A_590 : i32
      }
      %add3A_489 = arith.constant 4 : i32
      %add3A_490 = arith.addi %add3A_458, %add3A_489 : i32
      %lt3A_491 = arith.constant 256 : i32
      %lt3A_492 = arith.cmpi slt, %add3A_490, %lt3A_491 : i32
      %convert_element_type3A_493 = arith.extui %lt3A_492 : i1 to i32
      %cond3A_494 = arith.constant 0 : i32
      %cond3A_495 = arith.cmpi ne, %convert_element_type3A_493, %cond3A_494 : i32
      scf.if %cond3A_495 {
        %add3A_578 = arith.constant 4 : i32
        %add3A_579 = arith.addi %add3A_458, %add3A_578 : i32
        %mul3A_580 = arith.constant 512 : i32
        %mul3A_581 = arith.muli %add3A_579, %mul3A_580 : i32
        %dma_start3A_582 = arith.constant 1 : i32
        %dma_start3A_583 = arith.constant 0 : i32
        %dma_start3A_584 = tpu.memref_slice %arg7[%dma_start3A_582, %dma_start3A_583] : memref<4x512xi32, #tpu.memory_space<vmem>> -> memref<1x512xi32, #tpu.memory_space<vmem>>
        %dma_start3A_585 = tpu.memref_squeeze %dma_start3A_584 : memref<1x512xi32, #tpu.memory_space<vmem>> -> memref<512xi32, #tpu.memory_space<vmem>>
        %dma_start3A_586 = tpu.memref_slice %arg2[%mul3A_581] : memref<131072xi32, #tpu.memory_space<hbm>> -> memref<512xi32, #tpu.memory_space<hbm>>
        %dma_start3A_587 = arith.constant 0 : i32
        %dma_start3A_588 = tpu.memref_slice %arg7[%dma_start3A_582, %dma_start3A_587] : memref<4x512xi32, #tpu.memory_space<vmem>> -> memref<1x512xi32, #tpu.memory_space<vmem>>
        %dma_start3A_589 = tpu.memref_squeeze %dma_start3A_588 : memref<1x512xi32, #tpu.memory_space<vmem>> -> memref<512xi32, #tpu.memory_space<vmem>>
        %dma_start3A_590 = tpu.memref_slice %arg2[%mul3A_581] : memref<131072xi32, #tpu.memory_space<hbm>> -> memref<512xi32, #tpu.memory_space<hbm>>
        tpu.enqueue_dma source(%dma_start3A_590 : memref<512xi32, #tpu.memory_space<hbm>>) target(%dma_start3A_589 : memref<512xi32, #tpu.memory_space<vmem>>) target_semaphore(%arg10 : memref<!tpu.dma_semaphore, #tpu.memory_space<semaphore_mem>>)
        %add3A_591 = arith.constant 4 : i32
        %add3A_592 = arith.addi %add3A_458, %add3A_591 : i32
        %mul3A_593 = arith.constant 512 : i32
        %mul3A_594 = arith.muli %add3A_592, %mul3A_593 : i32
        %dma_start3A_595 = arith.constant 1 : i32
        %dma_start3A_596 = arith.constant 0 : i32
        %dma_start3A_597 = tpu.memref_slice %arg8[%dma_start3A_595, %dma_start3A_596] : memref<4x512xf32, #tpu.memory_space<vmem>> -> memref<1x512xf32, #tpu.memory_space<vmem>>
        %dma_start3A_598 = tpu.memref_squeeze %dma_start3A_597 : memref<1x512xf32, #tpu.memory_space<vmem>> -> memref<512xf32, #tpu.memory_space<vmem>>
        %dma_start3A_599 = tpu.memref_slice %arg3[%add3A_2, %mul3A_594] : memref<64x131072xf32, #tpu.memory_space<hbm>> -> memref<1x512xf32, #tpu.memory_space<hbm>>
        %dma_start3A_600 = tpu.memref_squeeze %dma_start3A_599 : memref<1x512xf32, #tpu.memory_space<hbm>> -> memref<512xf32, #tpu.memory_space<hbm>>
        %dma_start3A_601 = arith.constant 0 : i32
        %dma_start3A_602 = tpu.memref_slice %arg8[%dma_start3A_595, %dma_start3A_601] : memref<4x512xf32, #tpu.memory_space<vmem>> -> memref<1x512xf32, #tpu.memory_space<vmem>>
        %dma_start3A_603 = tpu.memref_squeeze %dma_start3A_602 : memref<1x512xf32, #tpu.memory_space<vmem>> -> memref<512xf32, #tpu.memory_space<vmem>>
        %dma_start3A_604 = tpu.memref_slice %arg3[%add3A_2, %mul3A_594] : memref<64x131072xf32, #tpu.memory_space<hbm>> -> memref<1x512xf32, #tpu.memory_space<hbm>>
        %dma_start3A_605 = tpu.memref_squeeze %dma_start3A_604 : memref<1x512xf32, #tpu.memory_space<hbm>> -> memref<512xf32, #tpu.memory_space<hbm>>
        tpu.enqueue_dma source(%dma_start3A_605 : memref<512xf32, #tpu.memory_space<hbm>>) target(%dma_start3A_603 : memref<512xf32, #tpu.memory_space<vmem>>) target_semaphore(%arg14 : memref<!tpu.dma_semaphore, #tpu.memory_space<semaphore_mem>>)
      } else {
      }
      %mul3A_496 = arith.constant 4 : i32
      %mul3A_497 = arith.muli %scan3A_418, %mul3A_496 : i32
      %add3A_498 = arith.constant 2 : i32
      %add3A_499 = arith.addi %mul3A_497, %add3A_498 : i32
      %dma_wait3A_500 = arith.constant 2 : i32
      %dma_wait3A_501 = arith.constant 0 : i32
      %dma_wait3A_502 = tpu.memref_slice %arg7[%dma_wait3A_500, %dma_wait3A_501] : memref<4x512xi32, #tpu.memory_space<vmem>> -> memref<1x512xi32, #tpu.memory_space<vmem>>
      %dma_wait3A_503 = tpu.memref_squeeze %dma_wait3A_502 : memref<1x512xi32, #tpu.memory_space<vmem>> -> memref<512xi32, #tpu.memory_space<vmem>>
      %dma_wait3A_504 = arith.constant 0 : i32
      %dma_wait3A_505 = tpu.memref_slice %arg2[%dma_wait3A_504] : memref<131072xi32, #tpu.memory_space<hbm>> -> memref<512xi32, #tpu.memory_space<hbm>>
      %dma_wait3A_506 = arith.constant 0 : i32
      %dma_wait3A_507 = tpu.memref_slice %arg7[%dma_wait3A_500, %dma_wait3A_506] : memref<4x512xi32, #tpu.memory_space<vmem>> -> memref<1x512xi32, #tpu.memory_space<vmem>>
      %dma_wait3A_508 = tpu.memref_squeeze %dma_wait3A_507 : memref<1x512xi32, #tpu.memory_space<vmem>> -> memref<512xi32, #tpu.memory_space<vmem>>
      %dma_wait3A_509 = arith.constant 0 : i32
      %dma_wait3A_510 = tpu.memref_slice %arg2[%dma_wait3A_509] : memref<131072xi32, #tpu.memory_space<hbm>> -> memref<512xi32, #tpu.memory_space<hbm>>
      tpu.wait_dma2 semaphore(%arg11 : memref<!tpu.dma_semaphore, #tpu.memory_space<semaphore_mem>>) src(%dma_wait3A_510 : memref<512xi32, #tpu.memory_space<hbm>>) dst(%dma_wait3A_508 : memref<512xi32, #tpu.memory_space<vmem>>)
      %dma_wait3A_511 = arith.constant 0 : i32
      %dma_wait3A_512 = arith.constant 2 : i32
      %dma_wait3A_513 = arith.constant 0 : i32
      %dma_wait3A_514 = tpu.memref_slice %arg8[%dma_wait3A_512, %dma_wait3A_513] : memref<4x512xf32, #tpu.memory_space<vmem>> -> memref<1x512xf32, #tpu.memory_space<vmem>>
      %dma_wait3A_515 = tpu.memref_squeeze %dma_wait3A_514 : memref<1x512xf32, #tpu.memory_space<vmem>> -> memref<512xf32, #tpu.memory_space<vmem>>
      %dma_wait3A_516 = arith.constant 0 : i32
      %dma_wait3A_517 = tpu.memref_slice %arg3[%dma_wait3A_511, %dma_wait3A_516] : memref<64x131072xf32, #tpu.memory_space<hbm>> -> memref<1x512xf32, #tpu.memory_space<hbm>>
      %dma_wait3A_518 = tpu.memref_squeeze %dma_wait3A_517 : memref<1x512xf32, #tpu.memory_space<hbm>> -> memref<512xf32, #tpu.memory_space<hbm>>
      %dma_wait3A_519 = arith.constant 0 : i32
      %dma_wait3A_520 = tpu.memref_slice %arg8[%dma_wait3A_512, %dma_wait3A_519] : memref<4x512xf32, #tpu.memory_space<vmem>> -> memref<1x512xf32, #tpu.memory_space<vmem>>
      %dma_wait3A_521 = tpu.memref_squeeze %dma_wait3A_520 : memref<1x512xf32, #tpu.memory_space<vmem>> -> memref<512xf32, #tpu.memory_space<vmem>>
      %dma_wait3A_522 = arith.constant 0 : i32
      %dma_wait3A_523 = tpu.memref_slice %arg3[%dma_wait3A_511, %dma_wait3A_522] : memref<64x131072xf32, #tpu.memory_space<hbm>> -> memref<1x512xf32, #tpu.memory_space<hbm>>
      %dma_wait3A_524 = tpu.memref_squeeze %dma_wait3A_523 : memref<1x512xf32, #tpu.memory_space<hbm>> -> memref<512xf32, #tpu.memory_space<hbm>>
      tpu.wait_dma2 semaphore(%arg15 : memref<!tpu.dma_semaphore, #tpu.memory_space<semaphore_mem>>) src(%dma_wait3A_524 : memref<512xf32, #tpu.memory_space<hbm>>) dst(%dma_wait3A_521 : memref<512xf32, #tpu.memory_space<vmem>>)
      %parallel_loop3A_525 = arith.constant 0 : i32
      %parallel_loop3A_526 = arith.constant 512 : i32
      %parallel_loop3A_527 = arith.constant 16 : i32
      scf.for %parallel_loop3A_578 = %parallel_loop3A_525 to %parallel_loop3A_526 step %parallel_loop3A_527  : i32 {
        %parallel_loop3A_579 = arith.constant 2 : i32
        %parallel_loop3A_580 = arith.index_cast %parallel_loop3A_579 : i32 to index
        %parallel_loop3A_581 = arith.index_cast %parallel_loop3A_578 : i32 to index
        %parallel_loop3A_582 = tpu.vector_load %arg7[%parallel_loop3A_580, %parallel_loop3A_581] {strides = array<i32>} : memref<4x512xi32, #tpu.memory_space<vmem>>, vector<16xi32>,
        %parallel_loop3A_583 = arith.constant 2 : i32
        %parallel_loop3A_584 = arith.index_cast %parallel_loop3A_583 : i32 to index
        %parallel_loop3A_585 = arith.index_cast %parallel_loop3A_578 : i32 to index
        %parallel_loop3A_586 = tpu.vector_load %arg8[%parallel_loop3A_584, %parallel_loop3A_585] {strides = array<i32>} : memref<4x512xf32, #tpu.memory_space<vmem>>, vector<16xf32>,
        %parallel_loop3A_587 = tpu.vector_load_idx %arg6[%parallel_loop3A_582] : memref<125056xf32, #tpu.memory_space<vmem>>[vector<16xi32>], vector<16xf32>,
        %parallel_loop3A_588 = arith.maximumf %parallel_loop3A_587, %parallel_loop3A_586 : vector<16xf32>
        %parallel_loop3A_589 = arith.cmpf olt, %parallel_loop3A_587, %parallel_loop3A_586 : vector<16xf32>
        tpu.vector_store_idx %arg6[%parallel_loop3A_582], %parallel_loop3A_588 masked %parallel_loop3A_589 : memref<125056xf32, #tpu.memory_space<vmem>>[vector<16xi32>], vector<16xf32>, vector<16xi1>
      } {sc.loop_unroll_factor = 16 : i64, sc.parallel_access}
      %while3A_528 = arith.constant 1 : i32
      %while3A_529 = scf.while (%while3A_578 = %while3A_528) : (i32) -> i32 {
        %gt3A = arith.constant 0 : i32
        %gt3A_579 = arith.cmpi sgt, %while3A_578, %gt3A : i32
        scf.condition(%gt3A_579) %while3A_578 : i32
      } do {
      ^bb0(%while3A_578: i32):
        %broadcast_in_dim3A = arith.constant 0 : i32
        %broadcast_in_dim3A_579 = vector.broadcast %broadcast_in_dim3A : i32 to vector<16xi32>
        %parallel_loop3A_580 = arith.constant 0 : i32
        %parallel_loop3A_581 = arith.constant 512 : i32
        %parallel_loop3A_582 = arith.constant 16 : i32
        %parallel_loop3A_583 = scf.for %parallel_loop3A_591 = %parallel_loop3A_580 to %parallel_loop3A_581 step %parallel_loop3A_582 iter_args(%parallel_loop3A_592 = %broadcast_in_dim3A_579) -> (vector<16xi32>)  : i32 {
          %parallel_loop3A_593 = arith.constant 2 : i32
          %parallel_loop3A_594 = arith.index_cast %parallel_loop3A_593 : i32 to index
          %parallel_loop3A_595 = arith.index_cast %parallel_loop3A_591 : i32 to index
          %parallel_loop3A_596 = tpu.vector_load %arg7[%parallel_loop3A_594, %parallel_loop3A_595] {strides = array<i32>} : memref<4x512xi32, #tpu.memory_space<vmem>>, vector<16xi32>,
          %parallel_loop3A_597 = arith.constant 2 : i32
          %parallel_loop3A_598 = arith.index_cast %parallel_loop3A_597 : i32 to index
          %parallel_loop3A_599 = arith.index_cast %parallel_loop3A_591 : i32 to index
          %parallel_loop3A_600 = tpu.vector_load %arg8[%parallel_loop3A_598, %parallel_loop3A_599] {strides = array<i32>} : memref<4x512xf32, #tpu.memory_space<vmem>>, vector<16xf32>,
          %parallel_loop3A_601 = tpu.vector_load_idx %arg6[%parallel_loop3A_596] : memref<125056xf32, #tpu.memory_space<vmem>>[vector<16xi32>], vector<16xf32>,
          %parallel_loop3A_602 = arith.cmpf olt, %parallel_loop3A_601, %parallel_loop3A_600 : vector<16xf32>
          %parallel_loop3A_603 = arith.maximumf %parallel_loop3A_601, %parallel_loop3A_600 : vector<16xf32>
          tpu.vector_store_idx %arg6[%parallel_loop3A_596], %parallel_loop3A_603 masked %parallel_loop3A_602 : memref<125056xf32, #tpu.memory_space<vmem>>[vector<16xi32>], vector<16xf32>, vector<16xi1>
          %parallel_loop3A_604 = arith.extui %parallel_loop3A_602 : vector<16xi1> to vector<16xi32>
          %parallel_loop3A_605 = arith.ori %parallel_loop3A_592, %parallel_loop3A_604 : vector<16xi32>
          scf.yield %parallel_loop3A_605 : vector<16xi32>
        } {sc.loop_unroll_factor = 16 : i64, sc.parallel_access}
        %reduce_max3A = arith.constant true
        %reduce_max3A_584 = vector.broadcast %reduce_max3A : i1 to vector<16xi1>
        %reduce_max3A_585 = arith.constant -2147483648 : i32
        %reduce_max3A_586 = vector.broadcast %reduce_max3A_585 : i32 to vector<16xi32>
        %reduce_max3A_587 = arith.xori %parallel_loop3A_583, %reduce_max3A_586 : vector<16xi32>
        %reduce_max3A_588 = tpu.scan <max>, %reduce_max3A_587 masked %reduce_max3A_584 : vector<16xi32>, vector<16xi1> -> vector<16xi32>
        %reduce_max3A_589 = arith.xori %reduce_max3A_588, %reduce_max3A_586 : vector<16xi32>
        %reduce_max3A_590 = vector.extract %reduce_max3A_589[15] : i32 from vector<16xi32>
        scf.yield %reduce_max3A_590 : i32
      }
      %add3A_530 = arith.constant 4 : i32
      %add3A_531 = arith.addi %add3A_499, %add3A_530 : i32
      %lt3A_532 = arith.constant 256 : i32
      %lt3A_533 = arith.cmpi slt, %add3A_531, %lt3A_532 : i32
      %convert_element_type3A_534 = arith.extui %lt3A_533 : i1 to i32
      %cond3A_535 = arith.constant 0 : i32
      %cond3A_536 = arith.cmpi ne, %convert_element_type3A_534, %cond3A_535 : i32
      scf.if %cond3A_536 {
        %add3A_578 = arith.constant 4 : i32
        %add3A_579 = arith.addi %add3A_499, %add3A_578 : i32
        %mul3A_580 = arith.constant 512 : i32
        %mul3A_581 = arith.muli %add3A_579, %mul3A_580 : i32
        %dma_start3A_582 = arith.constant 2 : i32
        %dma_start3A_583 = arith.constant 0 : i32
        %dma_start3A_584 = tpu.memref_slice %arg7[%dma_start3A_582, %dma_start3A_583] : memref<4x512xi32, #tpu.memory_space<vmem>> -> memref<1x512xi32, #tpu.memory_space<vmem>>
        %dma_start3A_585 = tpu.memref_squeeze %dma_start3A_584 : memref<1x512xi32, #tpu.memory_space<vmem>> -> memref<512xi32, #tpu.memory_space<vmem>>
        %dma_start3A_586 = tpu.memref_slice %arg2[%mul3A_581] : memref<131072xi32, #tpu.memory_space<hbm>> -> memref<512xi32, #tpu.memory_space<hbm>>
        %dma_start3A_587 = arith.constant 0 : i32
        %dma_start3A_588 = tpu.memref_slice %arg7[%dma_start3A_582, %dma_start3A_587] : memref<4x512xi32, #tpu.memory_space<vmem>> -> memref<1x512xi32, #tpu.memory_space<vmem>>
        %dma_start3A_589 = tpu.memref_squeeze %dma_start3A_588 : memref<1x512xi32, #tpu.memory_space<vmem>> -> memref<512xi32, #tpu.memory_space<vmem>>
        %dma_start3A_590 = tpu.memref_slice %arg2[%mul3A_581] : memref<131072xi32, #tpu.memory_space<hbm>> -> memref<512xi32, #tpu.memory_space<hbm>>
        tpu.enqueue_dma source(%dma_start3A_590 : memref<512xi32, #tpu.memory_space<hbm>>) target(%dma_start3A_589 : memref<512xi32, #tpu.memory_space<vmem>>) target_semaphore(%arg11 : memref<!tpu.dma_semaphore, #tpu.memory_space<semaphore_mem>>)
        %add3A_591 = arith.constant 4 : i32
        %add3A_592 = arith.addi %add3A_499, %add3A_591 : i32
        %mul3A_593 = arith.constant 512 : i32
        %mul3A_594 = arith.muli %add3A_592, %mul3A_593 : i32
        %dma_start3A_595 = arith.constant 2 : i32
        %dma_start3A_596 = arith.constant 0 : i32
        %dma_start3A_597 = tpu.memref_slice %arg8[%dma_start3A_595, %dma_start3A_596] : memref<4x512xf32, #tpu.memory_space<vmem>> -> memref<1x512xf32, #tpu.memory_space<vmem>>
        %dma_start3A_598 = tpu.memref_squeeze %dma_start3A_597 : memref<1x512xf32, #tpu.memory_space<vmem>> -> memref<512xf32, #tpu.memory_space<vmem>>
        %dma_start3A_599 = tpu.memref_slice %arg3[%add3A_2, %mul3A_594] : memref<64x131072xf32, #tpu.memory_space<hbm>> -> memref<1x512xf32, #tpu.memory_space<hbm>>
        %dma_start3A_600 = tpu.memref_squeeze %dma_start3A_599 : memref<1x512xf32, #tpu.memory_space<hbm>> -> memref<512xf32, #tpu.memory_space<hbm>>
        %dma_start3A_601 = arith.constant 0 : i32
        %dma_start3A_602 = tpu.memref_slice %arg8[%dma_start3A_595, %dma_start3A_601] : memref<4x512xf32, #tpu.memory_space<vmem>> -> memref<1x512xf32, #tpu.memory_space<vmem>>
        %dma_start3A_603 = tpu.memref_squeeze %dma_start3A_602 : memref<1x512xf32, #tpu.memory_space<vmem>> -> memref<512xf32, #tpu.memory_space<vmem>>
        %dma_start3A_604 = tpu.memref_slice %arg3[%add3A_2, %mul3A_594] : memref<64x131072xf32, #tpu.memory_space<hbm>> -> memref<1x512xf32, #tpu.memory_space<hbm>>
        %dma_start3A_605 = tpu.memref_squeeze %dma_start3A_604 : memref<1x512xf32, #tpu.memory_space<hbm>> -> memref<512xf32, #tpu.memory_space<hbm>>
        tpu.enqueue_dma source(%dma_start3A_605 : memref<512xf32, #tpu.memory_space<hbm>>) target(%dma_start3A_603 : memref<512xf32, #tpu.memory_space<vmem>>) target_semaphore(%arg15 : memref<!tpu.dma_semaphore, #tpu.memory_space<semaphore_mem>>)
      } else {
      }
      %mul3A_537 = arith.constant 4 : i32
      %mul3A_538 = arith.muli %scan3A_418, %mul3A_537 : i32
      %add3A_539 = arith.constant 3 : i32
      %add3A_540 = arith.addi %mul3A_538, %add3A_539 : i32
      %dma_wait3A_541 = arith.constant 3 : i32
      %dma_wait3A_542 = arith.constant 0 : i32
      %dma_wait3A_543 = tpu.memref_slice %arg7[%dma_wait3A_541, %dma_wait3A_542] : memref<4x512xi32, #tpu.memory_space<vmem>> -> memref<1x512xi32, #tpu.memory_space<vmem>>
      %dma_wait3A_544 = tpu.memref_squeeze %dma_wait3A_543 : memref<1x512xi32, #tpu.memory_space<vmem>> -> memref<512xi32, #tpu.memory_space<vmem>>
      %dma_wait3A_545 = arith.constant 0 : i32
      %dma_wait3A_546 = tpu.memref_slice %arg2[%dma_wait3A_545] : memref<131072xi32, #tpu.memory_space<hbm>> -> memref<512xi32, #tpu.memory_space<hbm>>
      %dma_wait3A_547 = arith.constant 0 : i32
      %dma_wait3A_548 = tpu.memref_slice %arg7[%dma_wait3A_541, %dma_wait3A_547] : memref<4x512xi32, #tpu.memory_space<vmem>> -> memref<1x512xi32, #tpu.memory_space<vmem>>
      %dma_wait3A_549 = tpu.memref_squeeze %dma_wait3A_548 : memref<1x512xi32, #tpu.memory_space<vmem>> -> memref<512xi32, #tpu.memory_space<vmem>>
      %dma_wait3A_550 = arith.constant 0 : i32
      %dma_wait3A_551 = tpu.memref_slice %arg2[%dma_wait3A_550] : memref<131072xi32, #tpu.memory_space<hbm>> -> memref<512xi32, #tpu.memory_space<hbm>>
      tpu.wait_dma2 semaphore(%arg12 : memref<!tpu.dma_semaphore, #tpu.memory_space<semaphore_mem>>) src(%dma_wait3A_551 : memref<512xi32, #tpu.memory_space<hbm>>) dst(%dma_wait3A_549 : memref<512xi32, #tpu.memory_space<vmem>>)
      %dma_wait3A_552 = arith.constant 0 : i32
      %dma_wait3A_553 = arith.constant 3 : i32
      %dma_wait3A_554 = arith.constant 0 : i32
      %dma_wait3A_555 = tpu.memref_slice %arg8[%dma_wait3A_553, %dma_wait3A_554] : memref<4x512xf32, #tpu.memory_space<vmem>> -> memref<1x512xf32, #tpu.memory_space<vmem>>
      %dma_wait3A_556 = tpu.memref_squeeze %dma_wait3A_555 : memref<1x512xf32, #tpu.memory_space<vmem>> -> memref<512xf32, #tpu.memory_space<vmem>>
      %dma_wait3A_557 = arith.constant 0 : i32
      %dma_wait3A_558 = tpu.memref_slice %arg3[%dma_wait3A_552, %dma_wait3A_557] : memref<64x131072xf32, #tpu.memory_space<hbm>> -> memref<1x512xf32, #tpu.memory_space<hbm>>
      %dma_wait3A_559 = tpu.memref_squeeze %dma_wait3A_558 : memref<1x512xf32, #tpu.memory_space<hbm>> -> memref<512xf32, #tpu.memory_space<hbm>>
      %dma_wait3A_560 = arith.constant 0 : i32
      %dma_wait3A_561 = tpu.memref_slice %arg8[%dma_wait3A_553, %dma_wait3A_560] : memref<4x512xf32, #tpu.memory_space<vmem>> -> memref<1x512xf32, #tpu.memory_space<vmem>>
      %dma_wait3A_562 = tpu.memref_squeeze %dma_wait3A_561 : memref<1x512xf32, #tpu.memory_space<vmem>> -> memref<512xf32, #tpu.memory_space<vmem>>
      %dma_wait3A_563 = arith.constant 0 : i32
      %dma_wait3A_564 = tpu.memref_slice %arg3[%dma_wait3A_552, %dma_wait3A_563] : memref<64x131072xf32, #tpu.memory_space<hbm>> -> memref<1x512xf32, #tpu.memory_space<hbm>>
      %dma_wait3A_565 = tpu.memref_squeeze %dma_wait3A_564 : memref<1x512xf32, #tpu.memory_space<hbm>> -> memref<512xf32, #tpu.memory_space<hbm>>
      tpu.wait_dma2 semaphore(%arg16 : memref<!tpu.dma_semaphore, #tpu.memory_space<semaphore_mem>>) src(%dma_wait3A_565 : memref<512xf32, #tpu.memory_space<hbm>>) dst(%dma_wait3A_562 : memref<512xf32, #tpu.memory_space<vmem>>)
      %parallel_loop3A_566 = arith.constant 0 : i32
      %parallel_loop3A_567 = arith.constant 512 : i32
      %parallel_loop3A_568 = arith.constant 16 : i32
      scf.for %parallel_loop3A_578 = %parallel_loop3A_566 to %parallel_loop3A_567 step %parallel_loop3A_568  : i32 {
        %parallel_loop3A_579 = arith.constant 3 : i32
        %parallel_loop3A_580 = arith.index_cast %parallel_loop3A_579 : i32 to index
        %parallel_loop3A_581 = arith.index_cast %parallel_loop3A_578 : i32 to index
        %parallel_loop3A_582 = tpu.vector_load %arg7[%parallel_loop3A_580, %parallel_loop3A_581] {strides = array<i32>} : memref<4x512xi32, #tpu.memory_space<vmem>>, vector<16xi32>,
        %parallel_loop3A_583 = arith.constant 3 : i32
        %parallel_loop3A_584 = arith.index_cast %parallel_loop3A_583 : i32 to index
        %parallel_loop3A_585 = arith.index_cast %parallel_loop3A_578 : i32 to index
        %parallel_loop3A_586 = tpu.vector_load %arg8[%parallel_loop3A_584, %parallel_loop3A_585] {strides = array<i32>} : memref<4x512xf32, #tpu.memory_space<vmem>>, vector<16xf32>,
        %parallel_loop3A_587 = tpu.vector_load_idx %arg6[%parallel_loop3A_582] : memref<125056xf32, #tpu.memory_space<vmem>>[vector<16xi32>], vector<16xf32>,
        %parallel_loop3A_588 = arith.maximumf %parallel_loop3A_587, %parallel_loop3A_586 : vector<16xf32>
        %parallel_loop3A_589 = arith.cmpf olt, %parallel_loop3A_587, %parallel_loop3A_586 : vector<16xf32>
        tpu.vector_store_idx %arg6[%parallel_loop3A_582], %parallel_loop3A_588 masked %parallel_loop3A_589 : memref<125056xf32, #tpu.memory_space<vmem>>[vector<16xi32>], vector<16xf32>, vector<16xi1>
      } {sc.loop_unroll_factor = 16 : i64, sc.parallel_access}
      %while3A_569 = arith.constant 1 : i32
      %while3A_570 = scf.while (%while3A_578 = %while3A_569) : (i32) -> i32 {
        %gt3A = arith.constant 0 : i32
        %gt3A_579 = arith.cmpi sgt, %while3A_578, %gt3A : i32
        scf.condition(%gt3A_579) %while3A_578 : i32
      } do {
      ^bb0(%while3A_578: i32):
        %broadcast_in_dim3A = arith.constant 0 : i32
        %broadcast_in_dim3A_579 = vector.broadcast %broadcast_in_dim3A : i32 to vector<16xi32>
        %parallel_loop3A_580 = arith.constant 0 : i32
        %parallel_loop3A_581 = arith.constant 512 : i32
        %parallel_loop3A_582 = arith.constant 16 : i32
        %parallel_loop3A_583 = scf.for %parallel_loop3A_591 = %parallel_loop3A_580 to %parallel_loop3A_581 step %parallel_loop3A_582 iter_args(%parallel_loop3A_592 = %broadcast_in_dim3A_579) -> (vector<16xi32>)  : i32 {
          %parallel_loop3A_593 = arith.constant 3 : i32
          %parallel_loop3A_594 = arith.index_cast %parallel_loop3A_593 : i32 to index
          %parallel_loop3A_595 = arith.index_cast %parallel_loop3A_591 : i32 to index
          %parallel_loop3A_596 = tpu.vector_load %arg7[%parallel_loop3A_594, %parallel_loop3A_595] {strides = array<i32>} : memref<4x512xi32, #tpu.memory_space<vmem>>, vector<16xi32>,
          %parallel_loop3A_597 = arith.constant 3 : i32
          %parallel_loop3A_598 = arith.index_cast %parallel_loop3A_597 : i32 to index
          %parallel_loop3A_599 = arith.index_cast %parallel_loop3A_591 : i32 to index
          %parallel_loop3A_600 = tpu.vector_load %arg8[%parallel_loop3A_598, %parallel_loop3A_599] {strides = array<i32>} : memref<4x512xf32, #tpu.memory_space<vmem>>, vector<16xf32>,
          %parallel_loop3A_601 = tpu.vector_load_idx %arg6[%parallel_loop3A_596] : memref<125056xf32, #tpu.memory_space<vmem>>[vector<16xi32>], vector<16xf32>,
          %parallel_loop3A_602 = arith.cmpf olt, %parallel_loop3A_601, %parallel_loop3A_600 : vector<16xf32>
          %parallel_loop3A_603 = arith.maximumf %parallel_loop3A_601, %parallel_loop3A_600 : vector<16xf32>
          tpu.vector_store_idx %arg6[%parallel_loop3A_596], %parallel_loop3A_603 masked %parallel_loop3A_602 : memref<125056xf32, #tpu.memory_space<vmem>>[vector<16xi32>], vector<16xf32>, vector<16xi1>
          %parallel_loop3A_604 = arith.extui %parallel_loop3A_602 : vector<16xi1> to vector<16xi32>
          %parallel_loop3A_605 = arith.ori %parallel_loop3A_592, %parallel_loop3A_604 : vector<16xi32>
          scf.yield %parallel_loop3A_605 : vector<16xi32>
        } {sc.loop_unroll_factor = 16 : i64, sc.parallel_access}
        %reduce_max3A = arith.constant true
        %reduce_max3A_584 = vector.broadcast %reduce_max3A : i1 to vector<16xi1>
        %reduce_max3A_585 = arith.constant -2147483648 : i32
        %reduce_max3A_586 = vector.broadcast %reduce_max3A_585 : i32 to vector<16xi32>
        %reduce_max3A_587 = arith.xori %parallel_loop3A_583, %reduce_max3A_586 : vector<16xi32>
        %reduce_max3A_588 = tpu.scan <max>, %reduce_max3A_587 masked %reduce_max3A_584 : vector<16xi32>, vector<16xi1> -> vector<16xi32>
        %reduce_max3A_589 = arith.xori %reduce_max3A_588, %reduce_max3A_586 : vector<16xi32>
        %reduce_max3A_590 = vector.extract %reduce_max3A_589[15] : i32 from vector<16xi32>
        scf.yield %reduce_max3A_590 : i32
      }
      %add3A_571 = arith.constant 4 : i32
      %add3A_572 = arith.addi %add3A_540, %add3A_571 : i32
      %lt3A_573 = arith.constant 256 : i32
      %lt3A_574 = arith.cmpi slt, %add3A_572, %lt3A_573 : i32
      %convert_element_type3A_575 = arith.extui %lt3A_574 : i1 to i32
      %cond3A_576 = arith.constant 0 : i32
      %cond3A_577 = arith.cmpi ne, %convert_element_type3A_575, %cond3A_576 : i32
      scf.if %cond3A_577 {
        %add3A_578 = arith.constant 4 : i32
        %add3A_579 = arith.addi %add3A_540, %add3A_578 : i32
        %mul3A_580 = arith.constant 512 : i32
        %mul3A_581 = arith.muli %add3A_579, %mul3A_580 : i32
        %dma_start3A_582 = arith.constant 3 : i32
        %dma_start3A_583 = arith.constant 0 : i32
        %dma_start3A_584 = tpu.memref_slice %arg7[%dma_start3A_582, %dma_start3A_583] : memref<4x512xi32, #tpu.memory_space<vmem>> -> memref<1x512xi32, #tpu.memory_space<vmem>>
        %dma_start3A_585 = tpu.memref_squeeze %dma_start3A_584 : memref<1x512xi32, #tpu.memory_space<vmem>> -> memref<512xi32, #tpu.memory_space<vmem>>
        %dma_start3A_586 = tpu.memref_slice %arg2[%mul3A_581] : memref<131072xi32, #tpu.memory_space<hbm>> -> memref<512xi32, #tpu.memory_space<hbm>>
        %dma_start3A_587 = arith.constant 0 : i32
        %dma_start3A_588 = tpu.memref_slice %arg7[%dma_start3A_582, %dma_start3A_587] : memref<4x512xi32, #tpu.memory_space<vmem>> -> memref<1x512xi32, #tpu.memory_space<vmem>>
        %dma_start3A_589 = tpu.memref_squeeze %dma_start3A_588 : memref<1x512xi32, #tpu.memory_space<vmem>> -> memref<512xi32, #tpu.memory_space<vmem>>
        %dma_start3A_590 = tpu.memref_slice %arg2[%mul3A_581] : memref<131072xi32, #tpu.memory_space<hbm>> -> memref<512xi32, #tpu.memory_space<hbm>>
        tpu.enqueue_dma source(%dma_start3A_590 : memref<512xi32, #tpu.memory_space<hbm>>) target(%dma_start3A_589 : memref<512xi32, #tpu.memory_space<vmem>>) target_semaphore(%arg12 : memref<!tpu.dma_semaphore, #tpu.memory_space<semaphore_mem>>)
        %add3A_591 = arith.constant 4 : i32
        %add3A_592 = arith.addi %add3A_540, %add3A_591 : i32
        %mul3A_593 = arith.constant 512 : i32
        %mul3A_594 = arith.muli %add3A_592, %mul3A_593 : i32
        %dma_start3A_595 = arith.constant 3 : i32
        %dma_start3A_596 = arith.constant 0 : i32
        %dma_start3A_597 = tpu.memref_slice %arg8[%dma_start3A_595, %dma_start3A_596] : memref<4x512xf32, #tpu.memory_space<vmem>> -> memref<1x512xf32, #tpu.memory_space<vmem>>
        %dma_start3A_598 = tpu.memref_squeeze %dma_start3A_597 : memref<1x512xf32, #tpu.memory_space<vmem>> -> memref<512xf32, #tpu.memory_space<vmem>>
        %dma_start3A_599 = tpu.memref_slice %arg3[%add3A_2, %mul3A_594] : memref<64x131072xf32, #tpu.memory_space<hbm>> -> memref<1x512xf32, #tpu.memory_space<hbm>>
        %dma_start3A_600 = tpu.memref_squeeze %dma_start3A_599 : memref<1x512xf32, #tpu.memory_space<hbm>> -> memref<512xf32, #tpu.memory_space<hbm>>
        %dma_start3A_601 = arith.constant 0 : i32
        %dma_start3A_602 = tpu.memref_slice %arg8[%dma_start3A_595, %dma_start3A_601] : memref<4x512xf32, #tpu.memory_space<vmem>> -> memref<1x512xf32, #tpu.memory_space<vmem>>
        %dma_start3A_603 = tpu.memref_squeeze %dma_start3A_602 : memref<1x512xf32, #tpu.memory_space<vmem>> -> memref<512xf32, #tpu.memory_space<vmem>>
        %dma_start3A_604 = tpu.memref_slice %arg3[%add3A_2, %mul3A_594] : memref<64x131072xf32, #tpu.memory_space<hbm>> -> memref<1x512xf32, #tpu.memory_space<hbm>>
        %dma_start3A_605 = tpu.memref_squeeze %dma_start3A_604 : memref<1x512xf32, #tpu.memory_space<hbm>> -> memref<512xf32, #tpu.memory_space<hbm>>
        tpu.enqueue_dma source(%dma_start3A_605 : memref<512xf32, #tpu.memory_space<hbm>>) target(%dma_start3A_603 : memref<512xf32, #tpu.memory_space<vmem>>) target_semaphore(%arg16 : memref<!tpu.dma_semaphore, #tpu.memory_space<semaphore_mem>>)
      } else {
      }
    }
    %scan3A_102 = arith.constant 64 : i32
    %dma_start3A_103 = arith.constant 0 : i32
    %dma_start3A_104 = arith.constant 0 : i32
    %dma_start3A_105 = tpu.memref_slice %arg7[%dma_start3A_103, %dma_start3A_104] : memref<4x512xi32, #tpu.memory_space<vmem>> -> memref<1x512xi32, #tpu.memory_space<vmem>>
    %dma_start3A_106 = tpu.memref_squeeze %dma_start3A_105 : memref<1x512xi32, #tpu.memory_space<vmem>> -> memref<512xi32, #tpu.memory_space<vmem>>
    %dma_start3A_107 = arith.constant 0 : i32
    %dma_start3A_108 = tpu.memref_slice %arg2[%dma_start3A_107] : memref<131072xi32, #tpu.memory_space<hbm>> -> memref<512xi32, #tpu.memory_space<hbm>>
    %dma_start3A_109 = arith.constant 0 : i32
    %dma_start3A_110 = tpu.memref_slice %arg7[%dma_start3A_103, %dma_start3A_109] : memref<4x512xi32, #tpu.memory_space<vmem>> -> memref<1x512xi32, #tpu.memory_space<vmem>>
    %dma_start3A_111 = tpu.memref_squeeze %dma_start3A_110 : memref<1x512xi32, #tpu.memory_space<vmem>> -> memref<512xi32, #tpu.memory_space<vmem>>
    %dma_start3A_112 = arith.constant 0 : i32
    %dma_start3A_113 = tpu.memref_slice %arg2[%dma_start3A_112] : memref<131072xi32, #tpu.memory_space<hbm>> -> memref<512xi32, #tpu.memory_space<hbm>>
    tpu.enqueue_dma source(%dma_start3A_113 : memref<512xi32, #tpu.memory_space<hbm>>) target(%dma_start3A_111 : memref<512xi32, #tpu.memory_space<vmem>>) target_semaphore(%arg9 : memref<!tpu.dma_semaphore, #tpu.memory_space<semaphore_mem>>)
    %dma_start3A_114 = arith.constant 1 : i32
    %dma_start3A_115 = arith.constant 0 : i32
    %dma_start3A_116 = tpu.memref_slice %arg7[%dma_start3A_114, %dma_start3A_115] : memref<4x512xi32, #tpu.memory_space<vmem>> -> memref<1x512xi32, #tpu.memory_space<vmem>>
    %dma_start3A_117 = tpu.memref_squeeze %dma_start3A_116 : memref<1x512xi32, #tpu.memory_space<vmem>> -> memref<512xi32, #tpu.memory_space<vmem>>
    %dma_start3A_118 = arith.constant 512 : i32
    %dma_start3A_119 = tpu.memref_slice %arg2[%dma_start3A_118] : memref<131072xi32, #tpu.memory_space<hbm>> -> memref<512xi32, #tpu.memory_space<hbm>>
    %dma_start3A_120 = arith.constant 0 : i32
    %dma_start3A_121 = tpu.memref_slice %arg7[%dma_start3A_114, %dma_start3A_120] : memref<4x512xi32, #tpu.memory_space<vmem>> -> memref<1x512xi32, #tpu.memory_space<vmem>>
    %dma_start3A_122 = tpu.memref_squeeze %dma_start3A_121 : memref<1x512xi32, #tpu.memory_space<vmem>> -> memref<512xi32, #tpu.memory_space<vmem>>
    %dma_start3A_123 = arith.constant 512 : i32
    %dma_start3A_124 = tpu.memref_slice %arg2[%dma_start3A_123] : memref<131072xi32, #tpu.memory_space<hbm>> -> memref<512xi32, #tpu.memory_space<hbm>>
    tpu.enqueue_dma source(%dma_start3A_124 : memref<512xi32, #tpu.memory_space<hbm>>) target(%dma_start3A_122 : memref<512xi32, #tpu.memory_space<vmem>>) target_semaphore(%arg10 : memref<!tpu.dma_semaphore, #tpu.memory_space<semaphore_mem>>)
    %dma_start3A_125 = arith.constant 2 : i32
    %dma_start3A_126 = arith.constant 0 : i32
    %dma_start3A_127 = tpu.memref_slice %arg7[%dma_start3A_125, %dma_start3A_126] : memref<4x512xi32, #tpu.memory_space<vmem>> -> memref<1x512xi32, #tpu.memory_space<vmem>>
    %dma_start3A_128 = tpu.memref_squeeze %dma_start3A_127 : memref<1x512xi32, #tpu.memory_space<vmem>> -> memref<512xi32, #tpu.memory_space<vmem>>
    %dma_start3A_129 = arith.constant 1024 : i32
    %dma_start3A_130 = tpu.memref_slice %arg2[%dma_start3A_129] : memref<131072xi32, #tpu.memory_space<hbm>> -> memref<512xi32, #tpu.memory_space<hbm>>
    %dma_start3A_131 = arith.constant 0 : i32
    %dma_start3A_132 = tpu.memref_slice %arg7[%dma_start3A_125, %dma_start3A_131] : memref<4x512xi32, #tpu.memory_space<vmem>> -> memref<1x512xi32, #tpu.memory_space<vmem>>
    %dma_start3A_133 = tpu.memref_squeeze %dma_start3A_132 : memref<1x512xi32, #tpu.memory_space<vmem>> -> memref<512xi32, #tpu.memory_space<vmem>>
    %dma_start3A_134 = arith.constant 1024 : i32
    %dma_start3A_135 = tpu.memref_slice %arg2[%dma_start3A_134] : memref<131072xi32, #tpu.memory_space<hbm>> -> memref<512xi32, #tpu.memory_space<hbm>>
    tpu.enqueue_dma source(%dma_start3A_135 : memref<512xi32, #tpu.memory_space<hbm>>) target(%dma_start3A_133 : memref<512xi32, #tpu.memory_space<vmem>>) target_semaphore(%arg11 : memref<!tpu.dma_semaphore, #tpu.memory_space<semaphore_mem>>)
    %dma_start3A_136 = arith.constant 3 : i32
    %dma_start3A_137 = arith.constant 0 : i32
    %dma_start3A_138 = tpu.memref_slice %arg7[%dma_start3A_136, %dma_start3A_137] : memref<4x512xi32, #tpu.memory_space<vmem>> -> memref<1x512xi32, #tpu.memory_space<vmem>>
    %dma_start3A_139 = tpu.memref_squeeze %dma_start3A_138 : memref<1x512xi32, #tpu.memory_space<vmem>> -> memref<512xi32, #tpu.memory_space<vmem>>
    %dma_start3A_140 = arith.constant 1536 : i32
    %dma_start3A_141 = tpu.memref_slice %arg2[%dma_start3A_140] : memref<131072xi32, #tpu.memory_space<hbm>> -> memref<512xi32, #tpu.memory_space<hbm>>
    %dma_start3A_142 = arith.constant 0 : i32
    %dma_start3A_143 = tpu.memref_slice %arg7[%dma_start3A_136, %dma_start3A_142] : memref<4x512xi32, #tpu.memory_space<vmem>> -> memref<1x512xi32, #tpu.memory_space<vmem>>
    %dma_start3A_144 = tpu.memref_squeeze %dma_start3A_143 : memref<1x512xi32, #tpu.memory_space<vmem>> -> memref<512xi32, #tpu.memory_space<vmem>>
    %dma_start3A_145 = arith.constant 1536 : i32
    %dma_start3A_146 = tpu.memref_slice %arg2[%dma_start3A_145] : memref<131072xi32, #tpu.memory_space<hbm>> -> memref<512xi32, #tpu.memory_space<hbm>>
    tpu.enqueue_dma source(%dma_start3A_146 : memref<512xi32, #tpu.memory_space<hbm>>) target(%dma_start3A_144 : memref<512xi32, #tpu.memory_space<vmem>>) target_semaphore(%arg12 : memref<!tpu.dma_semaphore, #tpu.memory_space<semaphore_mem>>)
    %scan3A_147 = arith.constant 0 : i32
    %scan3A_148 = arith.constant 0 : i32
    %scan3A_149 = arith.constant 64 : i32
    %scan3A_150 = arith.addi %scan3A_148, %scan3A_149 : i32
    %scan3A_151 = arith.constant 1 : i32
    scf.for %scan3A_418 = %scan3A_148 to %scan3A_150 step %scan3A_151  : i32 {
      %mul3A_419 = arith.constant 4 : i32
      %mul3A_420 = arith.muli %scan3A_418, %mul3A_419 : i32
      %add3A_421 = arith.constant 0 : i32
      %add3A_422 = arith.addi %mul3A_420, %add3A_421 : i32
      %dma_wait3A_423 = arith.constant 0 : i32
      %dma_wait3A_424 = arith.constant 0 : i32
      %dma_wait3A_425 = tpu.memref_slice %arg7[%dma_wait3A_423, %dma_wait3A_424] : memref<4x512xi32, #tpu.memory_space<vmem>> -> memref<1x512xi32, #tpu.memory_space<vmem>>
      %dma_wait3A_426 = tpu.memref_squeeze %dma_wait3A_425 : memref<1x512xi32, #tpu.memory_space<vmem>> -> memref<512xi32, #tpu.memory_space<vmem>>
      %dma_wait3A_427 = arith.constant 0 : i32
      %dma_wait3A_428 = tpu.memref_slice %arg2[%dma_wait3A_427] : memref<131072xi32, #tpu.memory_space<hbm>> -> memref<512xi32, #tpu.memory_space<hbm>>
      %dma_wait3A_429 = arith.constant 0 : i32
      %dma_wait3A_430 = tpu.memref_slice %arg7[%dma_wait3A_423, %dma_wait3A_429] : memref<4x512xi32, #tpu.memory_space<vmem>> -> memref<1x512xi32, #tpu.memory_space<vmem>>
      %dma_wait3A_431 = tpu.memref_squeeze %dma_wait3A_430 : memref<1x512xi32, #tpu.memory_space<vmem>> -> memref<512xi32, #tpu.memory_space<vmem>>
      %dma_wait3A_432 = arith.constant 0 : i32
      %dma_wait3A_433 = tpu.memref_slice %arg2[%dma_wait3A_432] : memref<131072xi32, #tpu.memory_space<hbm>> -> memref<512xi32, #tpu.memory_space<hbm>>
      tpu.wait_dma2 semaphore(%arg9 : memref<!tpu.dma_semaphore, #tpu.memory_space<semaphore_mem>>) src(%dma_wait3A_433 : memref<512xi32, #tpu.memory_space<hbm>>) dst(%dma_wait3A_431 : memref<512xi32, #tpu.memory_space<vmem>>)
      %ge3A = arith.constant 4 : i32
      %ge3A_434 = arith.cmpi sge, %add3A_422, %ge3A : i32
      %convert_element_type3A = arith.extui %ge3A_434 : i1 to i32
      %cond3A = arith.constant 0 : i32
      %cond3A_435 = arith.cmpi ne, %convert_element_type3A, %cond3A : i32
      scf.if %cond3A_435 {
        %dma_wait3A_586 = arith.constant 0 : i32
        %dma_wait3A_587 = arith.constant 0 : i32
        %dma_wait3A_588 = arith.constant 0 : i32
        %dma_wait3A_589 = tpu.memref_slice %arg8[%dma_wait3A_586, %dma_wait3A_588] : memref<4x512xf32, #tpu.memory_space<vmem>> -> memref<1x512xf32, #tpu.memory_space<vmem>>
        %dma_wait3A_590 = tpu.memref_squeeze %dma_wait3A_589 : memref<1x512xf32, #tpu.memory_space<vmem>> -> memref<512xf32, #tpu.memory_space<vmem>>
        %dma_wait3A_591 = arith.constant 0 : i32
        %dma_wait3A_592 = tpu.memref_slice %arg5[%dma_wait3A_587, %dma_wait3A_591] : memref<64x131072xf32, #tpu.memory_space<hbm>> -> memref<1x512xf32, #tpu.memory_space<hbm>>
        %dma_wait3A_593 = tpu.memref_squeeze %dma_wait3A_592 : memref<1x512xf32, #tpu.memory_space<hbm>> -> memref<512xf32, #tpu.memory_space<hbm>>
        %dma_wait3A_594 = arith.constant 0 : i32
        %dma_wait3A_595 = tpu.memref_slice %arg5[%dma_wait3A_587, %dma_wait3A_594] : memref<64x131072xf32, #tpu.memory_space<hbm>> -> memref<1x512xf32, #tpu.memory_space<hbm>>
        %dma_wait3A_596 = tpu.memref_squeeze %dma_wait3A_595 : memref<1x512xf32, #tpu.memory_space<hbm>> -> memref<512xf32, #tpu.memory_space<hbm>>
        %dma_wait3A_597 = arith.constant 0 : i32
        %dma_wait3A_598 = tpu.memref_slice %arg8[%dma_wait3A_586, %dma_wait3A_597] : memref<4x512xf32, #tpu.memory_space<vmem>> -> memref<1x512xf32, #tpu.memory_space<vmem>>
        %dma_wait3A_599 = tpu.memref_squeeze %dma_wait3A_598 : memref<1x512xf32, #tpu.memory_space<vmem>> -> memref<512xf32, #tpu.memory_space<vmem>>
        tpu.wait_dma2 semaphore(%arg13 : memref<!tpu.dma_semaphore, #tpu.memory_space<semaphore_mem>>) src(%dma_wait3A_599 : memref<512xf32, #tpu.memory_space<vmem>>) dst(%dma_wait3A_596 : memref<512xf32, #tpu.memory_space<hbm>>)
      } else {
      }
      %parallel_loop3A = arith.constant 0 : i32
      %parallel_loop3A_436 = arith.constant 512 : i32
      %parallel_loop3A_437 = arith.constant 16 : i32
      scf.for %parallel_loop3A_586 = %parallel_loop3A to %parallel_loop3A_436 step %parallel_loop3A_437  : i32 {
        %parallel_loop3A_587 = arith.constant 0 : i32
        %parallel_loop3A_588 = arith.index_cast %parallel_loop3A_587 : i32 to index
        %parallel_loop3A_589 = arith.index_cast %parallel_loop3A_586 : i32 to index
        %parallel_loop3A_590 = tpu.vector_load %arg7[%parallel_loop3A_588, %parallel_loop3A_589] {strides = array<i32>} : memref<4x512xi32, #tpu.memory_space<vmem>>, vector<16xi32>,
        %parallel_loop3A_591 = tpu.vector_load_idx %arg6[%parallel_loop3A_590] : memref<125056xf32, #tpu.memory_space<vmem>>[vector<16xi32>], vector<16xf32>,
        %parallel_loop3A_592 = arith.constant 0 : i32
        %parallel_loop3A_593 = arith.index_cast %parallel_loop3A_592 : i32 to index
        %parallel_loop3A_594 = arith.index_cast %parallel_loop3A_586 : i32 to index
        %parallel_loop3A_595 = tpu.vector_load %arg8[%parallel_loop3A_593, %parallel_loop3A_594] {strides = array<i32>} : memref<4x512xf32, #tpu.memory_space<vmem>>, vector<16xf32>,
        tpu.vector_store %arg8[%parallel_loop3A_593, %parallel_loop3A_594], %parallel_loop3A_591 {strides = array<i32>} : memref<4x512xf32, #tpu.memory_space<vmem>>, vector<16xf32>,
      } {sc.loop_unroll_factor = 16 : i64, sc.parallel_access}
      %mul3A_438 = arith.constant 512 : i32
      %mul3A_439 = arith.muli %add3A_422, %mul3A_438 : i32
      %dma_start3A_440 = arith.constant 0 : i32
      %dma_start3A_441 = arith.constant 0 : i32
      %dma_start3A_442 = tpu.memref_slice %arg8[%dma_start3A_440, %dma_start3A_441] : memref<4x512xf32, #tpu.memory_space<vmem>> -> memref<1x512xf32, #tpu.memory_space<vmem>>
      %dma_start3A_443 = tpu.memref_squeeze %dma_start3A_442 : memref<1x512xf32, #tpu.memory_space<vmem>> -> memref<512xf32, #tpu.memory_space<vmem>>
      %dma_start3A_444 = tpu.memref_slice %arg5[%add3A_2, %mul3A_439] : memref<64x131072xf32, #tpu.memory_space<hbm>> -> memref<1x512xf32, #tpu.memory_space<hbm>>
      %dma_start3A_445 = tpu.memref_squeeze %dma_start3A_444 : memref<1x512xf32, #tpu.memory_space<hbm>> -> memref<512xf32, #tpu.memory_space<hbm>>
      %dma_start3A_446 = tpu.memref_slice %arg5[%add3A_2, %mul3A_439] : memref<64x131072xf32, #tpu.memory_space<hbm>> -> memref<1x512xf32, #tpu.memory_space<hbm>>
      %dma_start3A_447 = tpu.memref_squeeze %dma_start3A_446 : memref<1x512xf32, #tpu.memory_space<hbm>> -> memref<512xf32, #tpu.memory_space<hbm>>
      %dma_start3A_448 = arith.constant 0 : i32
      %dma_start3A_449 = tpu.memref_slice %arg8[%dma_start3A_440, %dma_start3A_448] : memref<4x512xf32, #tpu.memory_space<vmem>> -> memref<1x512xf32, #tpu.memory_space<vmem>>
      %dma_start3A_450 = tpu.memref_squeeze %dma_start3A_449 : memref<1x512xf32, #tpu.memory_space<vmem>> -> memref<512xf32, #tpu.memory_space<vmem>>
      tpu.enqueue_dma source(%dma_start3A_450 : memref<512xf32, #tpu.memory_space<vmem>>) target(%dma_start3A_447 : memref<512xf32, #tpu.memory_space<hbm>>) target_semaphore(%arg13 : memref<!tpu.dma_semaphore, #tpu.memory_space<semaphore_mem>>)
      %add3A_451 = arith.constant 4 : i32
      %add3A_452 = arith.addi %add3A_422, %add3A_451 : i32
      %lt3A = arith.constant 256 : i32
      %lt3A_453 = arith.cmpi slt, %add3A_452, %lt3A : i32
      %convert_element_type3A_454 = arith.extui %lt3A_453 : i1 to i32
      %cond3A_455 = arith.constant 0 : i32
      %cond3A_456 = arith.cmpi ne, %convert_element_type3A_454, %cond3A_455 : i32
      scf.if %cond3A_456 {
        %add3A_586 = arith.constant 4 : i32
        %add3A_587 = arith.addi %add3A_422, %add3A_586 : i32
        %mul3A_588 = arith.constant 512 : i32
        %mul3A_589 = arith.muli %add3A_587, %mul3A_588 : i32
        %dma_start3A_590 = arith.constant 0 : i32
        %dma_start3A_591 = arith.constant 0 : i32
        %dma_start3A_592 = tpu.memref_slice %arg7[%dma_start3A_590, %dma_start3A_591] : memref<4x512xi32, #tpu.memory_space<vmem>> -> memref<1x512xi32, #tpu.memory_space<vmem>>
        %dma_start3A_593 = tpu.memref_squeeze %dma_start3A_592 : memref<1x512xi32, #tpu.memory_space<vmem>> -> memref<512xi32, #tpu.memory_space<vmem>>
        %dma_start3A_594 = tpu.memref_slice %arg2[%mul3A_589] : memref<131072xi32, #tpu.memory_space<hbm>> -> memref<512xi32, #tpu.memory_space<hbm>>
        %dma_start3A_595 = arith.constant 0 : i32
        %dma_start3A_596 = tpu.memref_slice %arg7[%dma_start3A_590, %dma_start3A_595] : memref<4x512xi32, #tpu.memory_space<vmem>> -> memref<1x512xi32, #tpu.memory_space<vmem>>
        %dma_start3A_597 = tpu.memref_squeeze %dma_start3A_596 : memref<1x512xi32, #tpu.memory_space<vmem>> -> memref<512xi32, #tpu.memory_space<vmem>>
        %dma_start3A_598 = tpu.memref_slice %arg2[%mul3A_589] : memref<131072xi32, #tpu.memory_space<hbm>> -> memref<512xi32, #tpu.memory_space<hbm>>
        tpu.enqueue_dma source(%dma_start3A_598 : memref<512xi32, #tpu.memory_space<hbm>>) target(%dma_start3A_597 : memref<512xi32, #tpu.memory_space<vmem>>) target_semaphore(%arg9 : memref<!tpu.dma_semaphore, #tpu.memory_space<semaphore_mem>>)
      } else {
      }
      %mul3A_457 = arith.constant 4 : i32
      %mul3A_458 = arith.muli %scan3A_418, %mul3A_457 : i32
      %add3A_459 = arith.constant 1 : i32
      %add3A_460 = arith.addi %mul3A_458, %add3A_459 : i32
      %dma_wait3A_461 = arith.constant 1 : i32
      %dma_wait3A_462 = arith.constant 0 : i32
      %dma_wait3A_463 = tpu.memref_slice %arg7[%dma_wait3A_461, %dma_wait3A_462] : memref<4x512xi32, #tpu.memory_space<vmem>> -> memref<1x512xi32, #tpu.memory_space<vmem>>
      %dma_wait3A_464 = tpu.memref_squeeze %dma_wait3A_463 : memref<1x512xi32, #tpu.memory_space<vmem>> -> memref<512xi32, #tpu.memory_space<vmem>>
      %dma_wait3A_465 = arith.constant 0 : i32
      %dma_wait3A_466 = tpu.memref_slice %arg2[%dma_wait3A_465] : memref<131072xi32, #tpu.memory_space<hbm>> -> memref<512xi32, #tpu.memory_space<hbm>>
      %dma_wait3A_467 = arith.constant 0 : i32
      %dma_wait3A_468 = tpu.memref_slice %arg7[%dma_wait3A_461, %dma_wait3A_467] : memref<4x512xi32, #tpu.memory_space<vmem>> -> memref<1x512xi32, #tpu.memory_space<vmem>>
      %dma_wait3A_469 = tpu.memref_squeeze %dma_wait3A_468 : memref<1x512xi32, #tpu.memory_space<vmem>> -> memref<512xi32, #tpu.memory_space<vmem>>
      %dma_wait3A_470 = arith.constant 0 : i32
      %dma_wait3A_471 = tpu.memref_slice %arg2[%dma_wait3A_470] : memref<131072xi32, #tpu.memory_space<hbm>> -> memref<512xi32, #tpu.memory_space<hbm>>
      tpu.wait_dma2 semaphore(%arg10 : memref<!tpu.dma_semaphore, #tpu.memory_space<semaphore_mem>>) src(%dma_wait3A_471 : memref<512xi32, #tpu.memory_space<hbm>>) dst(%dma_wait3A_469 : memref<512xi32, #tpu.memory_space<vmem>>)
      %ge3A_472 = arith.constant 4 : i32
      %ge3A_473 = arith.cmpi sge, %add3A_460, %ge3A_472 : i32
      %convert_element_type3A_474 = arith.extui %ge3A_473 : i1 to i32
      %cond3A_475 = arith.constant 0 : i32
      %cond3A_476 = arith.cmpi ne, %convert_element_type3A_474, %cond3A_475 : i32
      scf.if %cond3A_476 {
        %dma_wait3A_586 = arith.constant 1 : i32
        %dma_wait3A_587 = arith.constant 0 : i32
        %dma_wait3A_588 = arith.constant 0 : i32
        %dma_wait3A_589 = tpu.memref_slice %arg8[%dma_wait3A_586, %dma_wait3A_588] : memref<4x512xf32, #tpu.memory_space<vmem>> -> memref<1x512xf32, #tpu.memory_space<vmem>>
        %dma_wait3A_590 = tpu.memref_squeeze %dma_wait3A_589 : memref<1x512xf32, #tpu.memory_space<vmem>> -> memref<512xf32, #tpu.memory_space<vmem>>
        %dma_wait3A_591 = arith.constant 0 : i32
        %dma_wait3A_592 = tpu.memref_slice %arg5[%dma_wait3A_587, %dma_wait3A_591] : memref<64x131072xf32, #tpu.memory_space<hbm>> -> memref<1x512xf32, #tpu.memory_space<hbm>>
        %dma_wait3A_593 = tpu.memref_squeeze %dma_wait3A_592 : memref<1x512xf32, #tpu.memory_space<hbm>> -> memref<512xf32, #tpu.memory_space<hbm>>
        %dma_wait3A_594 = arith.constant 0 : i32
        %dma_wait3A_595 = tpu.memref_slice %arg5[%dma_wait3A_587, %dma_wait3A_594] : memref<64x131072xf32, #tpu.memory_space<hbm>> -> memref<1x512xf32, #tpu.memory_space<hbm>>
        %dma_wait3A_596 = tpu.memref_squeeze %dma_wait3A_595 : memref<1x512xf32, #tpu.memory_space<hbm>> -> memref<512xf32, #tpu.memory_space<hbm>>
        %dma_wait3A_597 = arith.constant 0 : i32
        %dma_wait3A_598 = tpu.memref_slice %arg8[%dma_wait3A_586, %dma_wait3A_597] : memref<4x512xf32, #tpu.memory_space<vmem>> -> memref<1x512xf32, #tpu.memory_space<vmem>>
        %dma_wait3A_599 = tpu.memref_squeeze %dma_wait3A_598 : memref<1x512xf32, #tpu.memory_space<vmem>> -> memref<512xf32, #tpu.memory_space<vmem>>
        tpu.wait_dma2 semaphore(%arg14 : memref<!tpu.dma_semaphore, #tpu.memory_space<semaphore_mem>>) src(%dma_wait3A_599 : memref<512xf32, #tpu.memory_space<vmem>>) dst(%dma_wait3A_596 : memref<512xf32, #tpu.memory_space<hbm>>)
      } else {
      }
      %parallel_loop3A_477 = arith.constant 0 : i32
      %parallel_loop3A_478 = arith.constant 512 : i32
      %parallel_loop3A_479 = arith.constant 16 : i32
      scf.for %parallel_loop3A_586 = %parallel_loop3A_477 to %parallel_loop3A_478 step %parallel_loop3A_479  : i32 {
        %parallel_loop3A_587 = arith.constant 1 : i32
        %parallel_loop3A_588 = arith.index_cast %parallel_loop3A_587 : i32 to index
        %parallel_loop3A_589 = arith.index_cast %parallel_loop3A_586 : i32 to index
        %parallel_loop3A_590 = tpu.vector_load %arg7[%parallel_loop3A_588, %parallel_loop3A_589] {strides = array<i32>} : memref<4x512xi32, #tpu.memory_space<vmem>>, vector<16xi32>,
        %parallel_loop3A_591 = tpu.vector_load_idx %arg6[%parallel_loop3A_590] : memref<125056xf32, #tpu.memory_space<vmem>>[vector<16xi32>], vector<16xf32>,
        %parallel_loop3A_592 = arith.constant 1 : i32
        %parallel_loop3A_593 = arith.index_cast %parallel_loop3A_592 : i32 to index
        %parallel_loop3A_594 = arith.index_cast %parallel_loop3A_586 : i32 to index
        %parallel_loop3A_595 = tpu.vector_load %arg8[%parallel_loop3A_593, %parallel_loop3A_594] {strides = array<i32>} : memref<4x512xf32, #tpu.memory_space<vmem>>, vector<16xf32>,
        tpu.vector_store %arg8[%parallel_loop3A_593, %parallel_loop3A_594], %parallel_loop3A_591 {strides = array<i32>} : memref<4x512xf32, #tpu.memory_space<vmem>>, vector<16xf32>,
      } {sc.loop_unroll_factor = 16 : i64, sc.parallel_access}
      %mul3A_480 = arith.constant 512 : i32
      %mul3A_481 = arith.muli %add3A_460, %mul3A_480 : i32
      %dma_start3A_482 = arith.constant 1 : i32
      %dma_start3A_483 = arith.constant 0 : i32
      %dma_start3A_484 = tpu.memref_slice %arg8[%dma_start3A_482, %dma_start3A_483] : memref<4x512xf32, #tpu.memory_space<vmem>> -> memref<1x512xf32, #tpu.memory_space<vmem>>
      %dma_start3A_485 = tpu.memref_squeeze %dma_start3A_484 : memref<1x512xf32, #tpu.memory_space<vmem>> -> memref<512xf32, #tpu.memory_space<vmem>>
      %dma_start3A_486 = tpu.memref_slice %arg5[%add3A_2, %mul3A_481] : memref<64x131072xf32, #tpu.memory_space<hbm>> -> memref<1x512xf32, #tpu.memory_space<hbm>>
      %dma_start3A_487 = tpu.memref_squeeze %dma_start3A_486 : memref<1x512xf32, #tpu.memory_space<hbm>> -> memref<512xf32, #tpu.memory_space<hbm>>
      %dma_start3A_488 = tpu.memref_slice %arg5[%add3A_2, %mul3A_481] : memref<64x131072xf32, #tpu.memory_space<hbm>> -> memref<1x512xf32, #tpu.memory_space<hbm>>
      %dma_start3A_489 = tpu.memref_squeeze %dma_start3A_488 : memref<1x512xf32, #tpu.memory_space<hbm>> -> memref<512xf32, #tpu.memory_space<hbm>>
      %dma_start3A_490 = arith.constant 0 : i32
      %dma_start3A_491 = tpu.memref_slice %arg8[%dma_start3A_482, %dma_start3A_490] : memref<4x512xf32, #tpu.memory_space<vmem>> -> memref<1x512xf32, #tpu.memory_space<vmem>>
      %dma_start3A_492 = tpu.memref_squeeze %dma_start3A_491 : memref<1x512xf32, #tpu.memory_space<vmem>> -> memref<512xf32, #tpu.memory_space<vmem>>
      tpu.enqueue_dma source(%dma_start3A_492 : memref<512xf32, #tpu.memory_space<vmem>>) target(%dma_start3A_489 : memref<512xf32, #tpu.memory_space<hbm>>) target_semaphore(%arg14 : memref<!tpu.dma_semaphore, #tpu.memory_space<semaphore_mem>>)
      %add3A_493 = arith.constant 4 : i32
      %add3A_494 = arith.addi %add3A_460, %add3A_493 : i32
      %lt3A_495 = arith.constant 256 : i32
      %lt3A_496 = arith.cmpi slt, %add3A_494, %lt3A_495 : i32
      %convert_element_type3A_497 = arith.extui %lt3A_496 : i1 to i32
      %cond3A_498 = arith.constant 0 : i32
      %cond3A_499 = arith.cmpi ne, %convert_element_type3A_497, %cond3A_498 : i32
      scf.if %cond3A_499 {
        %add3A_586 = arith.constant 4 : i32
        %add3A_587 = arith.addi %add3A_460, %add3A_586 : i32
        %mul3A_588 = arith.constant 512 : i32
        %mul3A_589 = arith.muli %add3A_587, %mul3A_588 : i32
        %dma_start3A_590 = arith.constant 1 : i32
        %dma_start3A_591 = arith.constant 0 : i32
        %dma_start3A_592 = tpu.memref_slice %arg7[%dma_start3A_590, %dma_start3A_591] : memref<4x512xi32, #tpu.memory_space<vmem>> -> memref<1x512xi32, #tpu.memory_space<vmem>>
        %dma_start3A_593 = tpu.memref_squeeze %dma_start3A_592 : memref<1x512xi32, #tpu.memory_space<vmem>> -> memref<512xi32, #tpu.memory_space<vmem>>
        %dma_start3A_594 = tpu.memref_slice %arg2[%mul3A_589] : memref<131072xi32, #tpu.memory_space<hbm>> -> memref<512xi32, #tpu.memory_space<hbm>>
        %dma_start3A_595 = arith.constant 0 : i32
        %dma_start3A_596 = tpu.memref_slice %arg7[%dma_start3A_590, %dma_start3A_595] : memref<4x512xi32, #tpu.memory_space<vmem>> -> memref<1x512xi32, #tpu.memory_space<vmem>>
        %dma_start3A_597 = tpu.memref_squeeze %dma_start3A_596 : memref<1x512xi32, #tpu.memory_space<vmem>> -> memref<512xi32, #tpu.memory_space<vmem>>
        %dma_start3A_598 = tpu.memref_slice %arg2[%mul3A_589] : memref<131072xi32, #tpu.memory_space<hbm>> -> memref<512xi32, #tpu.memory_space<hbm>>
        tpu.enqueue_dma source(%dma_start3A_598 : memref<512xi32, #tpu.memory_space<hbm>>) target(%dma_start3A_597 : memref<512xi32, #tpu.memory_space<vmem>>) target_semaphore(%arg10 : memref<!tpu.dma_semaphore, #tpu.memory_space<semaphore_mem>>)
      } else {
      }
      %mul3A_500 = arith.constant 4 : i32
      %mul3A_501 = arith.muli %scan3A_418, %mul3A_500 : i32
      %add3A_502 = arith.constant 2 : i32
      %add3A_503 = arith.addi %mul3A_501, %add3A_502 : i32
      %dma_wait3A_504 = arith.constant 2 : i32
      %dma_wait3A_505 = arith.constant 0 : i32
      %dma_wait3A_506 = tpu.memref_slice %arg7[%dma_wait3A_504, %dma_wait3A_505] : memref<4x512xi32, #tpu.memory_space<vmem>> -> memref<1x512xi32, #tpu.memory_space<vmem>>
      %dma_wait3A_507 = tpu.memref_squeeze %dma_wait3A_506 : memref<1x512xi32, #tpu.memory_space<vmem>> -> memref<512xi32, #tpu.memory_space<vmem>>
      %dma_wait3A_508 = arith.constant 0 : i32
      %dma_wait3A_509 = tpu.memref_slice %arg2[%dma_wait3A_508] : memref<131072xi32, #tpu.memory_space<hbm>> -> memref<512xi32, #tpu.memory_space<hbm>>
      %dma_wait3A_510 = arith.constant 0 : i32
      %dma_wait3A_511 = tpu.memref_slice %arg7[%dma_wait3A_504, %dma_wait3A_510] : memref<4x512xi32, #tpu.memory_space<vmem>> -> memref<1x512xi32, #tpu.memory_space<vmem>>
      %dma_wait3A_512 = tpu.memref_squeeze %dma_wait3A_511 : memref<1x512xi32, #tpu.memory_space<vmem>> -> memref<512xi32, #tpu.memory_space<vmem>>
      %dma_wait3A_513 = arith.constant 0 : i32
      %dma_wait3A_514 = tpu.memref_slice %arg2[%dma_wait3A_513] : memref<131072xi32, #tpu.memory_space<hbm>> -> memref<512xi32, #tpu.memory_space<hbm>>
      tpu.wait_dma2 semaphore(%arg11 : memref<!tpu.dma_semaphore, #tpu.memory_space<semaphore_mem>>) src(%dma_wait3A_514 : memref<512xi32, #tpu.memory_space<hbm>>) dst(%dma_wait3A_512 : memref<512xi32, #tpu.memory_space<vmem>>)
      %ge3A_515 = arith.constant 4 : i32
      %ge3A_516 = arith.cmpi sge, %add3A_503, %ge3A_515 : i32
      %convert_element_type3A_517 = arith.extui %ge3A_516 : i1 to i32
      %cond3A_518 = arith.constant 0 : i32
      %cond3A_519 = arith.cmpi ne, %convert_element_type3A_517, %cond3A_518 : i32
      scf.if %cond3A_519 {
        %dma_wait3A_586 = arith.constant 2 : i32
        %dma_wait3A_587 = arith.constant 0 : i32
        %dma_wait3A_588 = arith.constant 0 : i32
        %dma_wait3A_589 = tpu.memref_slice %arg8[%dma_wait3A_586, %dma_wait3A_588] : memref<4x512xf32, #tpu.memory_space<vmem>> -> memref<1x512xf32, #tpu.memory_space<vmem>>
        %dma_wait3A_590 = tpu.memref_squeeze %dma_wait3A_589 : memref<1x512xf32, #tpu.memory_space<vmem>> -> memref<512xf32, #tpu.memory_space<vmem>>
        %dma_wait3A_591 = arith.constant 0 : i32
        %dma_wait3A_592 = tpu.memref_slice %arg5[%dma_wait3A_587, %dma_wait3A_591] : memref<64x131072xf32, #tpu.memory_space<hbm>> -> memref<1x512xf32, #tpu.memory_space<hbm>>
        %dma_wait3A_593 = tpu.memref_squeeze %dma_wait3A_592 : memref<1x512xf32, #tpu.memory_space<hbm>> -> memref<512xf32, #tpu.memory_space<hbm>>
        %dma_wait3A_594 = arith.constant 0 : i32
        %dma_wait3A_595 = tpu.memref_slice %arg5[%dma_wait3A_587, %dma_wait3A_594] : memref<64x131072xf32, #tpu.memory_space<hbm>> -> memref<1x512xf32, #tpu.memory_space<hbm>>
        %dma_wait3A_596 = tpu.memref_squeeze %dma_wait3A_595 : memref<1x512xf32, #tpu.memory_space<hbm>> -> memref<512xf32, #tpu.memory_space<hbm>>
        %dma_wait3A_597 = arith.constant 0 : i32
        %dma_wait3A_598 = tpu.memref_slice %arg8[%dma_wait3A_586, %dma_wait3A_597] : memref<4x512xf32, #tpu.memory_space<vmem>> -> memref<1x512xf32, #tpu.memory_space<vmem>>
        %dma_wait3A_599 = tpu.memref_squeeze %dma_wait3A_598 : memref<1x512xf32, #tpu.memory_space<vmem>> -> memref<512xf32, #tpu.memory_space<vmem>>
        tpu.wait_dma2 semaphore(%arg15 : memref<!tpu.dma_semaphore, #tpu.memory_space<semaphore_mem>>) src(%dma_wait3A_599 : memref<512xf32, #tpu.memory_space<vmem>>) dst(%dma_wait3A_596 : memref<512xf32, #tpu.memory_space<hbm>>)
      } else {
      }
      %parallel_loop3A_520 = arith.constant 0 : i32
      %parallel_loop3A_521 = arith.constant 512 : i32
      %parallel_loop3A_522 = arith.constant 16 : i32
      scf.for %parallel_loop3A_586 = %parallel_loop3A_520 to %parallel_loop3A_521 step %parallel_loop3A_522  : i32 {
        %parallel_loop3A_587 = arith.constant 2 : i32
        %parallel_loop3A_588 = arith.index_cast %parallel_loop3A_587 : i32 to index
        %parallel_loop3A_589 = arith.index_cast %parallel_loop3A_586 : i32 to index
        %parallel_loop3A_590 = tpu.vector_load %arg7[%parallel_loop3A_588, %parallel_loop3A_589] {strides = array<i32>} : memref<4x512xi32, #tpu.memory_space<vmem>>, vector<16xi32>,
        %parallel_loop3A_591 = tpu.vector_load_idx %arg6[%parallel_loop3A_590] : memref<125056xf32, #tpu.memory_space<vmem>>[vector<16xi32>], vector<16xf32>,
        %parallel_loop3A_592 = arith.constant 2 : i32
        %parallel_loop3A_593 = arith.index_cast %parallel_loop3A_592 : i32 to index
        %parallel_loop3A_594 = arith.index_cast %parallel_loop3A_586 : i32 to index
        %parallel_loop3A_595 = tpu.vector_load %arg8[%parallel_loop3A_593, %parallel_loop3A_594] {strides = array<i32>} : memref<4x512xf32, #tpu.memory_space<vmem>>, vector<16xf32>,
        tpu.vector_store %arg8[%parallel_loop3A_593, %parallel_loop3A_594], %parallel_loop3A_591 {strides = array<i32>} : memref<4x512xf32, #tpu.memory_space<vmem>>, vector<16xf32>,
      } {sc.loop_unroll_factor = 16 : i64, sc.parallel_access}
      %mul3A_523 = arith.constant 512 : i32
      %mul3A_524 = arith.muli %add3A_503, %mul3A_523 : i32
      %dma_start3A_525 = arith.constant 2 : i32
      %dma_start3A_526 = arith.constant 0 : i32
      %dma_start3A_527 = tpu.memref_slice %arg8[%dma_start3A_525, %dma_start3A_526] : memref<4x512xf32, #tpu.memory_space<vmem>> -> memref<1x512xf32, #tpu.memory_space<vmem>>
      %dma_start3A_528 = tpu.memref_squeeze %dma_start3A_527 : memref<1x512xf32, #tpu.memory_space<vmem>> -> memref<512xf32, #tpu.memory_space<vmem>>
      %dma_start3A_529 = tpu.memref_slice %arg5[%add3A_2, %mul3A_524] : memref<64x131072xf32, #tpu.memory_space<hbm>> -> memref<1x512xf32, #tpu.memory_space<hbm>>
      %dma_start3A_530 = tpu.memref_squeeze %dma_start3A_529 : memref<1x512xf32, #tpu.memory_space<hbm>> -> memref<512xf32, #tpu.memory_space<hbm>>
      %dma_start3A_531 = tpu.memref_slice %arg5[%add3A_2, %mul3A_524] : memref<64x131072xf32, #tpu.memory_space<hbm>> -> memref<1x512xf32, #tpu.memory_space<hbm>>
      %dma_start3A_532 = tpu.memref_squeeze %dma_start3A_531 : memref<1x512xf32, #tpu.memory_space<hbm>> -> memref<512xf32, #tpu.memory_space<hbm>>
      %dma_start3A_533 = arith.constant 0 : i32
      %dma_start3A_534 = tpu.memref_slice %arg8[%dma_start3A_525, %dma_start3A_533] : memref<4x512xf32, #tpu.memory_space<vmem>> -> memref<1x512xf32, #tpu.memory_space<vmem>>
      %dma_start3A_535 = tpu.memref_squeeze %dma_start3A_534 : memref<1x512xf32, #tpu.memory_space<vmem>> -> memref<512xf32, #tpu.memory_space<vmem>>
      tpu.enqueue_dma source(%dma_start3A_535 : memref<512xf32, #tpu.memory_space<vmem>>) target(%dma_start3A_532 : memref<512xf32, #tpu.memory_space<hbm>>) target_semaphore(%arg15 : memref<!tpu.dma_semaphore, #tpu.memory_space<semaphore_mem>>)
      %add3A_536 = arith.constant 4 : i32
      %add3A_537 = arith.addi %add3A_503, %add3A_536 : i32
      %lt3A_538 = arith.constant 256 : i32
      %lt3A_539 = arith.cmpi slt, %add3A_537, %lt3A_538 : i32
      %convert_element_type3A_540 = arith.extui %lt3A_539 : i1 to i32
      %cond3A_541 = arith.constant 0 : i32
      %cond3A_542 = arith.cmpi ne, %convert_element_type3A_540, %cond3A_541 : i32
      scf.if %cond3A_542 {
        %add3A_586 = arith.constant 4 : i32
        %add3A_587 = arith.addi %add3A_503, %add3A_586 : i32
        %mul3A_588 = arith.constant 512 : i32
        %mul3A_589 = arith.muli %add3A_587, %mul3A_588 : i32
        %dma_start3A_590 = arith.constant 2 : i32
        %dma_start3A_591 = arith.constant 0 : i32
        %dma_start3A_592 = tpu.memref_slice %arg7[%dma_start3A_590, %dma_start3A_591] : memref<4x512xi32, #tpu.memory_space<vmem>> -> memref<1x512xi32, #tpu.memory_space<vmem>>
        %dma_start3A_593 = tpu.memref_squeeze %dma_start3A_592 : memref<1x512xi32, #tpu.memory_space<vmem>> -> memref<512xi32, #tpu.memory_space<vmem>>
        %dma_start3A_594 = tpu.memref_slice %arg2[%mul3A_589] : memref<131072xi32, #tpu.memory_space<hbm>> -> memref<512xi32, #tpu.memory_space<hbm>>
        %dma_start3A_595 = arith.constant 0 : i32
        %dma_start3A_596 = tpu.memref_slice %arg7[%dma_start3A_590, %dma_start3A_595] : memref<4x512xi32, #tpu.memory_space<vmem>> -> memref<1x512xi32, #tpu.memory_space<vmem>>
        %dma_start3A_597 = tpu.memref_squeeze %dma_start3A_596 : memref<1x512xi32, #tpu.memory_space<vmem>> -> memref<512xi32, #tpu.memory_space<vmem>>
        %dma_start3A_598 = tpu.memref_slice %arg2[%mul3A_589] : memref<131072xi32, #tpu.memory_space<hbm>> -> memref<512xi32, #tpu.memory_space<hbm>>
        tpu.enqueue_dma source(%dma_start3A_598 : memref<512xi32, #tpu.memory_space<hbm>>) target(%dma_start3A_597 : memref<512xi32, #tpu.memory_space<vmem>>) target_semaphore(%arg11 : memref<!tpu.dma_semaphore, #tpu.memory_space<semaphore_mem>>)
      } else {
      }
      %mul3A_543 = arith.constant 4 : i32
      %mul3A_544 = arith.muli %scan3A_418, %mul3A_543 : i32
      %add3A_545 = arith.constant 3 : i32
      %add3A_546 = arith.addi %mul3A_544, %add3A_545 : i32
      %dma_wait3A_547 = arith.constant 3 : i32
      %dma_wait3A_548 = arith.constant 0 : i32
      %dma_wait3A_549 = tpu.memref_slice %arg7[%dma_wait3A_547, %dma_wait3A_548] : memref<4x512xi32, #tpu.memory_space<vmem>> -> memref<1x512xi32, #tpu.memory_space<vmem>>
      %dma_wait3A_550 = tpu.memref_squeeze %dma_wait3A_549 : memref<1x512xi32, #tpu.memory_space<vmem>> -> memref<512xi32, #tpu.memory_space<vmem>>
      %dma_wait3A_551 = arith.constant 0 : i32
      %dma_wait3A_552 = tpu.memref_slice %arg2[%dma_wait3A_551] : memref<131072xi32, #tpu.memory_space<hbm>> -> memref<512xi32, #tpu.memory_space<hbm>>
      %dma_wait3A_553 = arith.constant 0 : i32
      %dma_wait3A_554 = tpu.memref_slice %arg7[%dma_wait3A_547, %dma_wait3A_553] : memref<4x512xi32, #tpu.memory_space<vmem>> -> memref<1x512xi32, #tpu.memory_space<vmem>>
      %dma_wait3A_555 = tpu.memref_squeeze %dma_wait3A_554 : memref<1x512xi32, #tpu.memory_space<vmem>> -> memref<512xi32, #tpu.memory_space<vmem>>
      %dma_wait3A_556 = arith.constant 0 : i32
      %dma_wait3A_557 = tpu.memref_slice %arg2[%dma_wait3A_556] : memref<131072xi32, #tpu.memory_space<hbm>> -> memref<512xi32, #tpu.memory_space<hbm>>
      tpu.wait_dma2 semaphore(%arg12 : memref<!tpu.dma_semaphore, #tpu.memory_space<semaphore_mem>>) src(%dma_wait3A_557 : memref<512xi32, #tpu.memory_space<hbm>>) dst(%dma_wait3A_555 : memref<512xi32, #tpu.memory_space<vmem>>)
      %ge3A_558 = arith.constant 4 : i32
      %ge3A_559 = arith.cmpi sge, %add3A_546, %ge3A_558 : i32
      %convert_element_type3A_560 = arith.extui %ge3A_559 : i1 to i32
      %cond3A_561 = arith.constant 0 : i32
      %cond3A_562 = arith.cmpi ne, %convert_element_type3A_560, %cond3A_561 : i32
      scf.if %cond3A_562 {
        %dma_wait3A_586 = arith.constant 3 : i32
        %dma_wait3A_587 = arith.constant 0 : i32
        %dma_wait3A_588 = arith.constant 0 : i32
        %dma_wait3A_589 = tpu.memref_slice %arg8[%dma_wait3A_586, %dma_wait3A_588] : memref<4x512xf32, #tpu.memory_space<vmem>> -> memref<1x512xf32, #tpu.memory_space<vmem>>
        %dma_wait3A_590 = tpu.memref_squeeze %dma_wait3A_589 : memref<1x512xf32, #tpu.memory_space<vmem>> -> memref<512xf32, #tpu.memory_space<vmem>>
        %dma_wait3A_591 = arith.constant 0 : i32
        %dma_wait3A_592 = tpu.memref_slice %arg5[%dma_wait3A_587, %dma_wait3A_591] : memref<64x131072xf32, #tpu.memory_space<hbm>> -> memref<1x512xf32, #tpu.memory_space<hbm>>
        %dma_wait3A_593 = tpu.memref_squeeze %dma_wait3A_592 : memref<1x512xf32, #tpu.memory_space<hbm>> -> memref<512xf32, #tpu.memory_space<hbm>>
        %dma_wait3A_594 = arith.constant 0 : i32
        %dma_wait3A_595 = tpu.memref_slice %arg5[%dma_wait3A_587, %dma_wait3A_594] : memref<64x131072xf32, #tpu.memory_space<hbm>> -> memref<1x512xf32, #tpu.memory_space<hbm>>
        %dma_wait3A_596 = tpu.memref_squeeze %dma_wait3A_595 : memref<1x512xf32, #tpu.memory_space<hbm>> -> memref<512xf32, #tpu.memory_space<hbm>>
        %dma_wait3A_597 = arith.constant 0 : i32
        %dma_wait3A_598 = tpu.memref_slice %arg8[%dma_wait3A_586, %dma_wait3A_597] : memref<4x512xf32, #tpu.memory_space<vmem>> -> memref<1x512xf32, #tpu.memory_space<vmem>>
        %dma_wait3A_599 = tpu.memref_squeeze %dma_wait3A_598 : memref<1x512xf32, #tpu.memory_space<vmem>> -> memref<512xf32, #tpu.memory_space<vmem>>
        tpu.wait_dma2 semaphore(%arg16 : memref<!tpu.dma_semaphore, #tpu.memory_space<semaphore_mem>>) src(%dma_wait3A_599 : memref<512xf32, #tpu.memory_space<vmem>>) dst(%dma_wait3A_596 : memref<512xf32, #tpu.memory_space<hbm>>)
      } else {
      }
      %parallel_loop3A_563 = arith.constant 0 : i32
      %parallel_loop3A_564 = arith.constant 512 : i32
      %parallel_loop3A_565 = arith.constant 16 : i32
      scf.for %parallel_loop3A_586 = %parallel_loop3A_563 to %parallel_loop3A_564 step %parallel_loop3A_565  : i32 {
        %parallel_loop3A_587 = arith.constant 3 : i32
        %parallel_loop3A_588 = arith.index_cast %parallel_loop3A_587 : i32 to index
        %parallel_loop3A_589 = arith.index_cast %parallel_loop3A_586 : i32 to index
        %parallel_loop3A_590 = tpu.vector_load %arg7[%parallel_loop3A_588, %parallel_loop3A_589] {strides = array<i32>} : memref<4x512xi32, #tpu.memory_space<vmem>>, vector<16xi32>,
        %parallel_loop3A_591 = tpu.vector_load_idx %arg6[%parallel_loop3A_590] : memref<125056xf32, #tpu.memory_space<vmem>>[vector<16xi32>], vector<16xf32>,
        %parallel_loop3A_592 = arith.constant 3 : i32
        %parallel_loop3A_593 = arith.index_cast %parallel_loop3A_592 : i32 to index
        %parallel_loop3A_594 = arith.index_cast %parallel_loop3A_586 : i32 to index
        %parallel_loop3A_595 = tpu.vector_load %arg8[%parallel_loop3A_593, %parallel_loop3A_594] {strides = array<i32>} : memref<4x512xf32, #tpu.memory_space<vmem>>, vector<16xf32>,
        tpu.vector_store %arg8[%parallel_loop3A_593, %parallel_loop3A_594], %parallel_loop3A_591 {strides = array<i32>} : memref<4x512xf32, #tpu.memory_space<vmem>>, vector<16xf32>,
      } {sc.loop_unroll_factor = 16 : i64, sc.parallel_access}
      %mul3A_566 = arith.constant 512 : i32
      %mul3A_567 = arith.muli %add3A_546, %mul3A_566 : i32
      %dma_start3A_568 = arith.constant 3 : i32
      %dma_start3A_569 = arith.constant 0 : i32
      %dma_start3A_570 = tpu.memref_slice %arg8[%dma_start3A_568, %dma_start3A_569] : memref<4x512xf32, #tpu.memory_space<vmem>> -> memref<1x512xf32, #tpu.memory_space<vmem>>
      %dma_start3A_571 = tpu.memref_squeeze %dma_start3A_570 : memref<1x512xf32, #tpu.memory_space<vmem>> -> memref<512xf32, #tpu.memory_space<vmem>>
      %dma_start3A_572 = tpu.memref_slice %arg5[%add3A_2, %mul3A_567] : memref<64x131072xf32, #tpu.memory_space<hbm>> -> memref<1x512xf32, #tpu.memory_space<hbm>>
      %dma_start3A_573 = tpu.memref_squeeze %dma_start3A_572 : memref<1x512xf32, #tpu.memory_space<hbm>> -> memref<512xf32, #tpu.memory_space<hbm>>
      %dma_start3A_574 = tpu.memref_slice %arg5[%add3A_2, %mul3A_567] : memref<64x131072xf32, #tpu.memory_space<hbm>> -> memref<1x512xf32, #tpu.memory_space<hbm>>
      %dma_start3A_575 = tpu.memref_squeeze %dma_start3A_574 : memref<1x512xf32, #tpu.memory_space<hbm>> -> memref<512xf32, #tpu.memory_space<hbm>>
      %dma_start3A_576 = arith.constant 0 : i32
      %dma_start3A_577 = tpu.memref_slice %arg8[%dma_start3A_568, %dma_start3A_576] : memref<4x512xf32, #tpu.memory_space<vmem>> -> memref<1x512xf32, #tpu.memory_space<vmem>>
      %dma_start3A_578 = tpu.memref_squeeze %dma_start3A_577 : memref<1x512xf32, #tpu.memory_space<vmem>> -> memref<512xf32, #tpu.memory_space<vmem>>
      tpu.enqueue_dma source(%dma_start3A_578 : memref<512xf32, #tpu.memory_space<vmem>>) target(%dma_start3A_575 : memref<512xf32, #tpu.memory_space<hbm>>) target_semaphore(%arg16 : memref<!tpu.dma_semaphore, #tpu.memory_space<semaphore_mem>>)
      %add3A_579 = arith.constant 4 : i32
      %add3A_580 = arith.addi %add3A_546, %add3A_579 : i32
      %lt3A_581 = arith.constant 256 : i32
      %lt3A_582 = arith.cmpi slt, %add3A_580, %lt3A_581 : i32
      %convert_element_type3A_583 = arith.extui %lt3A_582 : i1 to i32
      %cond3A_584 = arith.constant 0 : i32
      %cond3A_585 = arith.cmpi ne, %convert_element_type3A_583, %cond3A_584 : i32
      scf.if %cond3A_585 {
        %add3A_586 = arith.constant 4 : i32
        %add3A_587 = arith.addi %add3A_546, %add3A_586 : i32
        %mul3A_588 = arith.constant 512 : i32
        %mul3A_589 = arith.muli %add3A_587, %mul3A_588 : i32
        %dma_start3A_590 = arith.constant 3 : i32
        %dma_start3A_591 = arith.constant 0 : i32
        %dma_start3A_592 = tpu.memref_slice %arg7[%dma_start3A_590, %dma_start3A_591] : memref<4x512xi32, #tpu.memory_space<vmem>> -> memref<1x512xi32, #tpu.memory_space<vmem>>
        %dma_start3A_593 = tpu.memref_squeeze %dma_start3A_592 : memref<1x512xi32, #tpu.memory_space<vmem>> -> memref<512xi32, #tpu.memory_space<vmem>>
        %dma_start3A_594 = tpu.memref_slice %arg2[%mul3A_589] : memref<131072xi32, #tpu.memory_space<hbm>> -> memref<512xi32, #tpu.memory_space<hbm>>
        %dma_start3A_595 = arith.constant 0 : i32
        %dma_start3A_596 = tpu.memref_slice %arg7[%dma_start3A_590, %dma_start3A_595] : memref<4x512xi32, #tpu.memory_space<vmem>> -> memref<1x512xi32, #tpu.memory_space<vmem>>
        %dma_start3A_597 = tpu.memref_squeeze %dma_start3A_596 : memref<1x512xi32, #tpu.memory_space<vmem>> -> memref<512xi32, #tpu.memory_space<vmem>>
        %dma_start3A_598 = tpu.memref_slice %arg2[%mul3A_589] : memref<131072xi32, #tpu.memory_space<hbm>> -> memref<512xi32, #tpu.memory_space<hbm>>
        tpu.enqueue_dma source(%dma_start3A_598 : memref<512xi32, #tpu.memory_space<hbm>>) target(%dma_start3A_597 : memref<512xi32, #tpu.memory_space<vmem>>) target_semaphore(%arg12 : memref<!tpu.dma_semaphore, #tpu.memory_space<semaphore_mem>>)
      } else {
      }
    }
    %scan3A_152 = arith.constant 64 : i32
    %dma_wait3A = arith.constant 0 : i32
    %dma_wait3A_153 = arith.constant 0 : i32
    %dma_wait3A_154 = arith.constant 0 : i32
    %dma_wait3A_155 = tpu.memref_slice %arg8[%dma_wait3A, %dma_wait3A_154] : memref<4x512xf32, #tpu.memory_space<vmem>> -> memref<1x512xf32, #tpu.memory_space<vmem>>
    %dma_wait3A_156 = tpu.memref_squeeze %dma_wait3A_155 : memref<1x512xf32, #tpu.memory_space<vmem>> -> memref<512xf32, #tpu.memory_space<vmem>>
    %dma_wait3A_157 = arith.constant 0 : i32
    %dma_wait3A_158 = tpu.memref_slice %arg5[%dma_wait3A_153, %dma_wait3A_157] : memref<64x131072xf32, #tpu.memory_space<hbm>> -> memref<1x512xf32, #tpu.memory_space<hbm>>
    %dma_wait3A_159 = tpu.memref_squeeze %dma_wait3A_158 : memref<1x512xf32, #tpu.memory_space<hbm>> -> memref<512xf32, #tpu.memory_space<hbm>>
    %dma_wait3A_160 = arith.constant 0 : i32
    %dma_wait3A_161 = tpu.memref_slice %arg5[%dma_wait3A_153, %dma_wait3A_160] : memref<64x131072xf32, #tpu.memory_space<hbm>> -> memref<1x512xf32, #tpu.memory_space<hbm>>
    %dma_wait3A_162 = tpu.memref_squeeze %dma_wait3A_161 : memref<1x512xf32, #tpu.memory_space<hbm>> -> memref<512xf32, #tpu.memory_space<hbm>>
    %dma_wait3A_163 = arith.constant 0 : i32
    %dma_wait3A_164 = tpu.memref_slice %arg8[%dma_wait3A, %dma_wait3A_163] : memref<4x512xf32, #tpu.memory_space<vmem>> -> memref<1x512xf32, #tpu.memory_space<vmem>>
    %dma_wait3A_165 = tpu.memref_squeeze %dma_wait3A_164 : memref<1x512xf32, #tpu.memory_space<vmem>> -> memref<512xf32, #tpu.memory_space<vmem>>
    tpu.wait_dma2 semaphore(%arg13 : memref<!tpu.dma_semaphore, #tpu.memory_space<semaphore_mem>>) src(%dma_wait3A_165 : memref<512xf32, #tpu.memory_space<vmem>>) dst(%dma_wait3A_162 : memref<512xf32, #tpu.memory_space<hbm>>)
    %dma_wait3A_166 = arith.constant 1 : i32
    %dma_wait3A_167 = arith.constant 0 : i32
    %dma_wait3A_168 = arith.constant 0 : i32
    %dma_wait3A_169 = tpu.memref_slice %arg8[%dma_wait3A_166, %dma_wait3A_168] : memref<4x512xf32, #tpu.memory_space<vmem>> -> memref<1x512xf32, #tpu.memory_space<vmem>>
    %dma_wait3A_170 = tpu.memref_squeeze %dma_wait3A_169 : memref<1x512xf32, #tpu.memory_space<vmem>> -> memref<512xf32, #tpu.memory_space<vmem>>
    %dma_wait3A_171 = arith.constant 0 : i32
    %dma_wait3A_172 = tpu.memref_slice %arg5[%dma_wait3A_167, %dma_wait3A_171] : memref<64x131072xf32, #tpu.memory_space<hbm>> -> memref<1x512xf32, #tpu.memory_space<hbm>>
    %dma_wait3A_173 = tpu.memref_squeeze %dma_wait3A_172 : memref<1x512xf32, #tpu.memory_space<hbm>> -> memref<512xf32, #tpu.memory_space<hbm>>
    %dma_wait3A_174 = arith.constant 0 : i32
    %dma_wait3A_175 = tpu.memref_slice %arg5[%dma_wait3A_167, %dma_wait3A_174] : memref<64x131072xf32, #tpu.memory_space<hbm>> -> memref<1x512xf32, #tpu.memory_space<hbm>>
    %dma_wait3A_176 = tpu.memref_squeeze %dma_wait3A_175 : memref<1x512xf32, #tpu.memory_space<hbm>> -> memref<512xf32, #tpu.memory_space<hbm>>
    %dma_wait3A_177 = arith.constant 0 : i32
    %dma_wait3A_178 = tpu.memref_slice %arg8[%dma_wait3A_166, %dma_wait3A_177] : memref<4x512xf32, #tpu.memory_space<vmem>> -> memref<1x512xf32, #tpu.memory_space<vmem>>
    %dma_wait3A_179 = tpu.memref_squeeze %dma_wait3A_178 : memref<1x512xf32, #tpu.memory_space<vmem>> -> memref<512xf32, #tpu.memory_space<vmem>>
    tpu.wait_dma2 semaphore(%arg14 : memref<!tpu.dma_semaphore, #tpu.memory_space<semaphore_mem>>) src(%dma_wait3A_179 : memref<512xf32, #tpu.memory_space<vmem>>) dst(%dma_wait3A_176 : memref<512xf32, #tpu.memory_space<hbm>>)
    %dma_wait3A_180 = arith.constant 2 : i32
    %dma_wait3A_181 = arith.constant 0 : i32
    %dma_wait3A_182 = arith.constant 0 : i32
    %dma_wait3A_183 = tpu.memref_slice %arg8[%dma_wait3A_180, %dma_wait3A_182] : memref<4x512xf32, #tpu.memory_space<vmem>> -> memref<1x512xf32, #tpu.memory_space<vmem>>
    %dma_wait3A_184 = tpu.memref_squeeze %dma_wait3A_183 : memref<1x512xf32, #tpu.memory_space<vmem>> -> memref<512xf32, #tpu.memory_space<vmem>>
    %dma_wait3A_185 = arith.constant 0 : i32
    %dma_wait3A_186 = tpu.memref_slice %arg5[%dma_wait3A_181, %dma_wait3A_185] : memref<64x131072xf32, #tpu.memory_space<hbm>> -> memref<1x512xf32, #tpu.memory_space<hbm>>
    %dma_wait3A_187 = tpu.memref_squeeze %dma_wait3A_186 : memref<1x512xf32, #tpu.memory_space<hbm>> -> memref<512xf32, #tpu.memory_space<hbm>>
    %dma_wait3A_188 = arith.constant 0 : i32
    %dma_wait3A_189 = tpu.memref_slice %arg5[%dma_wait3A_181, %dma_wait3A_188] : memref<64x131072xf32, #tpu.memory_space<hbm>> -> memref<1x512xf32, #tpu.memory_space<hbm>>
    %dma_wait3A_190 = tpu.memref_squeeze %dma_wait3A_189 : memref<1x512xf32, #tpu.memory_space<hbm>> -> memref<512xf32, #tpu.memory_space<hbm>>
    %dma_wait3A_191 = arith.constant 0 : i32
    %dma_wait3A_192 = tpu.memref_slice %arg8[%dma_wait3A_180, %dma_wait3A_191] : memref<4x512xf32, #tpu.memory_space<vmem>> -> memref<1x512xf32, #tpu.memory_space<vmem>>
    %dma_wait3A_193 = tpu.memref_squeeze %dma_wait3A_192 : memref<1x512xf32, #tpu.memory_space<vmem>> -> memref<512xf32, #tpu.memory_space<vmem>>
    tpu.wait_dma2 semaphore(%arg15 : memref<!tpu.dma_semaphore, #tpu.memory_space<semaphore_mem>>) src(%dma_wait3A_193 : memref<512xf32, #tpu.memory_space<vmem>>) dst(%dma_wait3A_190 : memref<512xf32, #tpu.memory_space<hbm>>)
    %dma_wait3A_194 = arith.constant 3 : i32
    %dma_wait3A_195 = arith.constant 0 : i32
    %dma_wait3A_196 = arith.constant 0 : i32
    %dma_wait3A_197 = tpu.memref_slice %arg8[%dma_wait3A_194, %dma_wait3A_196] : memref<4x512xf32, #tpu.memory_space<vmem>> -> memref<1x512xf32, #tpu.memory_space<vmem>>
    %dma_wait3A_198 = tpu.memref_squeeze %dma_wait3A_197 : memref<1x512xf32, #tpu.memory_space<vmem>> -> memref<512xf32, #tpu.memory_space<vmem>>
    %dma_wait3A_199 = arith.constant 0 : i32
    %dma_wait3A_200 = tpu.memref_slice %arg5[%dma_wait3A_195, %dma_wait3A_199] : memref<64x131072xf32, #tpu.memory_space<hbm>> -> memref<1x512xf32, #tpu.memory_space<hbm>>
    %dma_wait3A_201 = tpu.memref_squeeze %dma_wait3A_200 : memref<1x512xf32, #tpu.memory_space<hbm>> -> memref<512xf32, #tpu.memory_space<hbm>>
    %dma_wait3A_202 = arith.constant 0 : i32
    %dma_wait3A_203 = tpu.memref_slice %arg5[%dma_wait3A_195, %dma_wait3A_202] : memref<64x131072xf32, #tpu.memory_space<hbm>> -> memref<1x512xf32, #tpu.memory_space<hbm>>
    %dma_wait3A_204 = tpu.memref_squeeze %dma_wait3A_203 : memref<1x512xf32, #tpu.memory_space<hbm>> -> memref<512xf32, #tpu.memory_space<hbm>>
    %dma_wait3A_205 = arith.constant 0 : i32
    %dma_wait3A_206 = tpu.memref_slice %arg8[%dma_wait3A_194, %dma_wait3A_205] : memref<4x512xf32, #tpu.memory_space<vmem>> -> memref<1x512xf32, #tpu.memory_space<vmem>>
    %dma_wait3A_207 = tpu.memref_squeeze %dma_wait3A_206 : memref<1x512xf32, #tpu.memory_space<vmem>> -> memref<512xf32, #tpu.memory_space<vmem>>
    tpu.wait_dma2 semaphore(%arg16 : memref<!tpu.dma_semaphore, #tpu.memory_space<semaphore_mem>>) src(%dma_wait3A_207 : memref<512xf32, #tpu.memory_space<vmem>>) dst(%dma_wait3A_204 : memref<512xf32, #tpu.memory_space<hbm>>)
    %add3A_208 = arith.constant 32 : i32
    %add3A_209 = arith.addi %add3A, %add3A_208 : i32
    tpu.enqueue_dma source(%arg4 : memref<125056xf32, #tpu.memory_space<hbm>>) target(%arg6 : memref<125056xf32, #tpu.memory_space<vmem>>) target_semaphore(%arg17 : memref<!tpu.dma_semaphore, #tpu.memory_space<semaphore_mem>>)
    tpu.wait_dma2 semaphore(%arg17 : memref<!tpu.dma_semaphore, #tpu.memory_space<semaphore_mem>>) src(%arg4 : memref<125056xf32, #tpu.memory_space<hbm>>) dst(%arg6 : memref<125056xf32, #tpu.memory_space<vmem>>)
    %dma_start3A_210 = arith.constant 0 : i32
    %dma_start3A_211 = arith.constant 0 : i32
    %dma_start3A_212 = tpu.memref_slice %arg7[%dma_start3A_210, %dma_start3A_211] : memref<4x512xi32, #tpu.memory_space<vmem>> -> memref<1x512xi32, #tpu.memory_space<vmem>>
    %dma_start3A_213 = tpu.memref_squeeze %dma_start3A_212 : memref<1x512xi32, #tpu.memory_space<vmem>> -> memref<512xi32, #tpu.memory_space<vmem>>
    %dma_start3A_214 = arith.constant 0 : i32
    %dma_start3A_215 = tpu.memref_slice %arg2[%dma_start3A_214] : memref<131072xi32, #tpu.memory_space<hbm>> -> memref<512xi32, #tpu.memory_space<hbm>>
    %dma_start3A_216 = arith.constant 0 : i32
    %dma_start3A_217 = tpu.memref_slice %arg7[%dma_start3A_210, %dma_start3A_216] : memref<4x512xi32, #tpu.memory_space<vmem>> -> memref<1x512xi32, #tpu.memory_space<vmem>>
    %dma_start3A_218 = tpu.memref_squeeze %dma_start3A_217 : memref<1x512xi32, #tpu.memory_space<vmem>> -> memref<512xi32, #tpu.memory_space<vmem>>
    %dma_start3A_219 = arith.constant 0 : i32
    %dma_start3A_220 = tpu.memref_slice %arg2[%dma_start3A_219] : memref<131072xi32, #tpu.memory_space<hbm>> -> memref<512xi32, #tpu.memory_space<hbm>>
    tpu.enqueue_dma source(%dma_start3A_220 : memref<512xi32, #tpu.memory_space<hbm>>) target(%dma_start3A_218 : memref<512xi32, #tpu.memory_space<vmem>>) target_semaphore(%arg9 : memref<!tpu.dma_semaphore, #tpu.memory_space<semaphore_mem>>)
    %dma_start3A_221 = arith.constant 0 : i32
    %dma_start3A_222 = arith.constant 0 : i32
    %dma_start3A_223 = tpu.memref_slice %arg8[%dma_start3A_221, %dma_start3A_222] : memref<4x512xf32, #tpu.memory_space<vmem>> -> memref<1x512xf32, #tpu.memory_space<vmem>>
    %dma_start3A_224 = tpu.memref_squeeze %dma_start3A_223 : memref<1x512xf32, #tpu.memory_space<vmem>> -> memref<512xf32, #tpu.memory_space<vmem>>
    %dma_start3A_225 = arith.constant 0 : i32
    %dma_start3A_226 = tpu.memref_slice %arg3[%add3A_209, %dma_start3A_225] : memref<64x131072xf32, #tpu.memory_space<hbm>> -> memref<1x512xf32, #tpu.memory_space<hbm>>
    %dma_start3A_227 = tpu.memref_squeeze %dma_start3A_226 : memref<1x512xf32, #tpu.memory_space<hbm>> -> memref<512xf32, #tpu.memory_space<hbm>>
    %dma_start3A_228 = arith.constant 0 : i32
    %dma_start3A_229 = tpu.memref_slice %arg8[%dma_start3A_221, %dma_start3A_228] : memref<4x512xf32, #tpu.memory_space<vmem>> -> memref<1x512xf32, #tpu.memory_space<vmem>>
    %dma_start3A_230 = tpu.memref_squeeze %dma_start3A_229 : memref<1x512xf32, #tpu.memory_space<vmem>> -> memref<512xf32, #tpu.memory_space<vmem>>
    %dma_start3A_231 = arith.constant 0 : i32
    %dma_start3A_232 = tpu.memref_slice %arg3[%add3A_209, %dma_start3A_231] : memref<64x131072xf32, #tpu.memory_space<hbm>> -> memref<1x512xf32, #tpu.memory_space<hbm>>
    %dma_start3A_233 = tpu.memref_squeeze %dma_start3A_232 : memref<1x512xf32, #tpu.memory_space<hbm>> -> memref<512xf32, #tpu.memory_space<hbm>>
    tpu.enqueue_dma source(%dma_start3A_233 : memref<512xf32, #tpu.memory_space<hbm>>) target(%dma_start3A_230 : memref<512xf32, #tpu.memory_space<vmem>>) target_semaphore(%arg13 : memref<!tpu.dma_semaphore, #tpu.memory_space<semaphore_mem>>)
    %dma_start3A_234 = arith.constant 1 : i32
    %dma_start3A_235 = arith.constant 0 : i32
    %dma_start3A_236 = tpu.memref_slice %arg7[%dma_start3A_234, %dma_start3A_235] : memref<4x512xi32, #tpu.memory_space<vmem>> -> memref<1x512xi32, #tpu.memory_space<vmem>>
    %dma_start3A_237 = tpu.memref_squeeze %dma_start3A_236 : memref<1x512xi32, #tpu.memory_space<vmem>> -> memref<512xi32, #tpu.memory_space<vmem>>
    %dma_start3A_238 = arith.constant 512 : i32
    %dma_start3A_239 = tpu.memref_slice %arg2[%dma_start3A_238] : memref<131072xi32, #tpu.memory_space<hbm>> -> memref<512xi32, #tpu.memory_space<hbm>>
    %dma_start3A_240 = arith.constant 0 : i32
    %dma_start3A_241 = tpu.memref_slice %arg7[%dma_start3A_234, %dma_start3A_240] : memref<4x512xi32, #tpu.memory_space<vmem>> -> memref<1x512xi32, #tpu.memory_space<vmem>>
    %dma_start3A_242 = tpu.memref_squeeze %dma_start3A_241 : memref<1x512xi32, #tpu.memory_space<vmem>> -> memref<512xi32, #tpu.memory_space<vmem>>
    %dma_start3A_243 = arith.constant 512 : i32
    %dma_start3A_244 = tpu.memref_slice %arg2[%dma_start3A_243] : memref<131072xi32, #tpu.memory_space<hbm>> -> memref<512xi32, #tpu.memory_space<hbm>>
    tpu.enqueue_dma source(%dma_start3A_244 : memref<512xi32, #tpu.memory_space<hbm>>) target(%dma_start3A_242 : memref<512xi32, #tpu.memory_space<vmem>>) target_semaphore(%arg10 : memref<!tpu.dma_semaphore, #tpu.memory_space<semaphore_mem>>)
    %dma_start3A_245 = arith.constant 1 : i32
    %dma_start3A_246 = arith.constant 0 : i32
    %dma_start3A_247 = tpu.memref_slice %arg8[%dma_start3A_245, %dma_start3A_246] : memref<4x512xf32, #tpu.memory_space<vmem>> -> memref<1x512xf32, #tpu.memory_space<vmem>>
    %dma_start3A_248 = tpu.memref_squeeze %dma_start3A_247 : memref<1x512xf32, #tpu.memory_space<vmem>> -> memref<512xf32, #tpu.memory_space<vmem>>
    %dma_start3A_249 = arith.constant 512 : i32
    %dma_start3A_250 = tpu.memref_slice %arg3[%add3A_209, %dma_start3A_249] : memref<64x131072xf32, #tpu.memory_space<hbm>> -> memref<1x512xf32, #tpu.memory_space<hbm>>
    %dma_start3A_251 = tpu.memref_squeeze %dma_start3A_250 : memref<1x512xf32, #tpu.memory_space<hbm>> -> memref<512xf32, #tpu.memory_space<hbm>>
    %dma_start3A_252 = arith.constant 0 : i32
    %dma_start3A_253 = tpu.memref_slice %arg8[%dma_start3A_245, %dma_start3A_252] : memref<4x512xf32, #tpu.memory_space<vmem>> -> memref<1x512xf32, #tpu.memory_space<vmem>>
    %dma_start3A_254 = tpu.memref_squeeze %dma_start3A_253 : memref<1x512xf32, #tpu.memory_space<vmem>> -> memref<512xf32, #tpu.memory_space<vmem>>
    %dma_start3A_255 = arith.constant 512 : i32
    %dma_start3A_256 = tpu.memref_slice %arg3[%add3A_209, %dma_start3A_255] : memref<64x131072xf32, #tpu.memory_space<hbm>> -> memref<1x512xf32, #tpu.memory_space<hbm>>
    %dma_start3A_257 = tpu.memref_squeeze %dma_start3A_256 : memref<1x512xf32, #tpu.memory_space<hbm>> -> memref<512xf32, #tpu.memory_space<hbm>>
    tpu.enqueue_dma source(%dma_start3A_257 : memref<512xf32, #tpu.memory_space<hbm>>) target(%dma_start3A_254 : memref<512xf32, #tpu.memory_space<vmem>>) target_semaphore(%arg14 : memref<!tpu.dma_semaphore, #tpu.memory_space<semaphore_mem>>)
    %dma_start3A_258 = arith.constant 2 : i32
    %dma_start3A_259 = arith.constant 0 : i32
    %dma_start3A_260 = tpu.memref_slice %arg7[%dma_start3A_258, %dma_start3A_259] : memref<4x512xi32, #tpu.memory_space<vmem>> -> memref<1x512xi32, #tpu.memory_space<vmem>>
    %dma_start3A_261 = tpu.memref_squeeze %dma_start3A_260 : memref<1x512xi32, #tpu.memory_space<vmem>> -> memref<512xi32, #tpu.memory_space<vmem>>
    %dma_start3A_262 = arith.constant 1024 : i32
    %dma_start3A_263 = tpu.memref_slice %arg2[%dma_start3A_262] : memref<131072xi32, #tpu.memory_space<hbm>> -> memref<512xi32, #tpu.memory_space<hbm>>
    %dma_start3A_264 = arith.constant 0 : i32
    %dma_start3A_265 = tpu.memref_slice %arg7[%dma_start3A_258, %dma_start3A_264] : memref<4x512xi32, #tpu.memory_space<vmem>> -> memref<1x512xi32, #tpu.memory_space<vmem>>
    %dma_start3A_266 = tpu.memref_squeeze %dma_start3A_265 : memref<1x512xi32, #tpu.memory_space<vmem>> -> memref<512xi32, #tpu.memory_space<vmem>>
    %dma_start3A_267 = arith.constant 1024 : i32
    %dma_start3A_268 = tpu.memref_slice %arg2[%dma_start3A_267] : memref<131072xi32, #tpu.memory_space<hbm>> -> memref<512xi32, #tpu.memory_space<hbm>>
    tpu.enqueue_dma source(%dma_start3A_268 : memref<512xi32, #tpu.memory_space<hbm>>) target(%dma_start3A_266 : memref<512xi32, #tpu.memory_space<vmem>>) target_semaphore(%arg11 : memref<!tpu.dma_semaphore, #tpu.memory_space<semaphore_mem>>)
    %dma_start3A_269 = arith.constant 2 : i32
    %dma_start3A_270 = arith.constant 0 : i32
    %dma_start3A_271 = tpu.memref_slice %arg8[%dma_start3A_269, %dma_start3A_270] : memref<4x512xf32, #tpu.memory_space<vmem>> -> memref<1x512xf32, #tpu.memory_space<vmem>>
    %dma_start3A_272 = tpu.memref_squeeze %dma_start3A_271 : memref<1x512xf32, #tpu.memory_space<vmem>> -> memref<512xf32, #tpu.memory_space<vmem>>
    %dma_start3A_273 = arith.constant 1024 : i32
    %dma_start3A_274 = tpu.memref_slice %arg3[%add3A_209, %dma_start3A_273] : memref<64x131072xf32, #tpu.memory_space<hbm>> -> memref<1x512xf32, #tpu.memory_space<hbm>>
    %dma_start3A_275 = tpu.memref_squeeze %dma_start3A_274 : memref<1x512xf32, #tpu.memory_space<hbm>> -> memref<512xf32, #tpu.memory_space<hbm>>
    %dma_start3A_276 = arith.constant 0 : i32
    %dma_start3A_277 = tpu.memref_slice %arg8[%dma_start3A_269, %dma_start3A_276] : memref<4x512xf32, #tpu.memory_space<vmem>> -> memref<1x512xf32, #tpu.memory_space<vmem>>
    %dma_start3A_278 = tpu.memref_squeeze %dma_start3A_277 : memref<1x512xf32, #tpu.memory_space<vmem>> -> memref<512xf32, #tpu.memory_space<vmem>>
    %dma_start3A_279 = arith.constant 1024 : i32
    %dma_start3A_280 = tpu.memref_slice %arg3[%add3A_209, %dma_start3A_279] : memref<64x131072xf32, #tpu.memory_space<hbm>> -> memref<1x512xf32, #tpu.memory_space<hbm>>
    %dma_start3A_281 = tpu.memref_squeeze %dma_start3A_280 : memref<1x512xf32, #tpu.memory_space<hbm>> -> memref<512xf32, #tpu.memory_space<hbm>>
    tpu.enqueue_dma source(%dma_start3A_281 : memref<512xf32, #tpu.memory_space<hbm>>) target(%dma_start3A_278 : memref<512xf32, #tpu.memory_space<vmem>>) target_semaphore(%arg15 : memref<!tpu.dma_semaphore, #tpu.memory_space<semaphore_mem>>)
    %dma_start3A_282 = arith.constant 3 : i32
    %dma_start3A_283 = arith.constant 0 : i32
    %dma_start3A_284 = tpu.memref_slice %arg7[%dma_start3A_282, %dma_start3A_283] : memref<4x512xi32, #tpu.memory_space<vmem>> -> memref<1x512xi32, #tpu.memory_space<vmem>>
    %dma_start3A_285 = tpu.memref_squeeze %dma_start3A_284 : memref<1x512xi32, #tpu.memory_space<vmem>> -> memref<512xi32, #tpu.memory_space<vmem>>
    %dma_start3A_286 = arith.constant 1536 : i32
    %dma_start3A_287 = tpu.memref_slice %arg2[%dma_start3A_286] : memref<131072xi32, #tpu.memory_space<hbm>> -> memref<512xi32, #tpu.memory_space<hbm>>
    %dma_start3A_288 = arith.constant 0 : i32
    %dma_start3A_289 = tpu.memref_slice %arg7[%dma_start3A_282, %dma_start3A_288] : memref<4x512xi32, #tpu.memory_space<vmem>> -> memref<1x512xi32, #tpu.memory_space<vmem>>
    %dma_start3A_290 = tpu.memref_squeeze %dma_start3A_289 : memref<1x512xi32, #tpu.memory_space<vmem>> -> memref<512xi32, #tpu.memory_space<vmem>>
    %dma_start3A_291 = arith.constant 1536 : i32
    %dma_start3A_292 = tpu.memref_slice %arg2[%dma_start3A_291] : memref<131072xi32, #tpu.memory_space<hbm>> -> memref<512xi32, #tpu.memory_space<hbm>>
    tpu.enqueue_dma source(%dma_start3A_292 : memref<512xi32, #tpu.memory_space<hbm>>) target(%dma_start3A_290 : memref<512xi32, #tpu.memory_space<vmem>>) target_semaphore(%arg12 : memref<!tpu.dma_semaphore, #tpu.memory_space<semaphore_mem>>)
    %dma_start3A_293 = arith.constant 3 : i32
    %dma_start3A_294 = arith.constant 0 : i32
    %dma_start3A_295 = tpu.memref_slice %arg8[%dma_start3A_293, %dma_start3A_294] : memref<4x512xf32, #tpu.memory_space<vmem>> -> memref<1x512xf32, #tpu.memory_space<vmem>>
    %dma_start3A_296 = tpu.memref_squeeze %dma_start3A_295 : memref<1x512xf32, #tpu.memory_space<vmem>> -> memref<512xf32, #tpu.memory_space<vmem>>
    %dma_start3A_297 = arith.constant 1536 : i32
    %dma_start3A_298 = tpu.memref_slice %arg3[%add3A_209, %dma_start3A_297] : memref<64x131072xf32, #tpu.memory_space<hbm>> -> memref<1x512xf32, #tpu.memory_space<hbm>>
    %dma_start3A_299 = tpu.memref_squeeze %dma_start3A_298 : memref<1x512xf32, #tpu.memory_space<hbm>> -> memref<512xf32, #tpu.memory_space<hbm>>
    %dma_start3A_300 = arith.constant 0 : i32
    %dma_start3A_301 = tpu.memref_slice %arg8[%dma_start3A_293, %dma_start3A_300] : memref<4x512xf32, #tpu.memory_space<vmem>> -> memref<1x512xf32, #tpu.memory_space<vmem>>
    %dma_start3A_302 = tpu.memref_squeeze %dma_start3A_301 : memref<1x512xf32, #tpu.memory_space<vmem>> -> memref<512xf32, #tpu.memory_space<vmem>>
    %dma_start3A_303 = arith.constant 1536 : i32
    %dma_start3A_304 = tpu.memref_slice %arg3[%add3A_209, %dma_start3A_303] : memref<64x131072xf32, #tpu.memory_space<hbm>> -> memref<1x512xf32, #tpu.memory_space<hbm>>
    %dma_start3A_305 = tpu.memref_squeeze %dma_start3A_304 : memref<1x512xf32, #tpu.memory_space<hbm>> -> memref<512xf32, #tpu.memory_space<hbm>>
    tpu.enqueue_dma source(%dma_start3A_305 : memref<512xf32, #tpu.memory_space<hbm>>) target(%dma_start3A_302 : memref<512xf32, #tpu.memory_space<vmem>>) target_semaphore(%arg16 : memref<!tpu.dma_semaphore, #tpu.memory_space<semaphore_mem>>)
    %scan3A_306 = arith.constant 0 : i32
    %scan3A_307 = arith.constant 0 : i32
    %scan3A_308 = arith.constant 64 : i32
    %scan3A_309 = arith.addi %scan3A_307, %scan3A_308 : i32
    %scan3A_310 = arith.constant 1 : i32
    scf.for %scan3A_418 = %scan3A_307 to %scan3A_309 step %scan3A_310  : i32 {
      %mul3A_419 = arith.constant 4 : i32
      %mul3A_420 = arith.muli %scan3A_418, %mul3A_419 : i32
      %add3A_421 = arith.constant 0 : i32
      %add3A_422 = arith.addi %mul3A_420, %add3A_421 : i32
      %dma_wait3A_423 = arith.constant 0 : i32
      %dma_wait3A_424 = arith.constant 0 : i32
      %dma_wait3A_425 = tpu.memref_slice %arg7[%dma_wait3A_423, %dma_wait3A_424] : memref<4x512xi32, #tpu.memory_space<vmem>> -> memref<1x512xi32, #tpu.memory_space<vmem>>
      %dma_wait3A_426 = tpu.memref_squeeze %dma_wait3A_425 : memref<1x512xi32, #tpu.memory_space<vmem>> -> memref<512xi32, #tpu.memory_space<vmem>>
      %dma_wait3A_427 = arith.constant 0 : i32
      %dma_wait3A_428 = tpu.memref_slice %arg2[%dma_wait3A_427] : memref<131072xi32, #tpu.memory_space<hbm>> -> memref<512xi32, #tpu.memory_space<hbm>>
      %dma_wait3A_429 = arith.constant 0 : i32
      %dma_wait3A_430 = tpu.memref_slice %arg7[%dma_wait3A_423, %dma_wait3A_429] : memref<4x512xi32, #tpu.memory_space<vmem>> -> memref<1x512xi32, #tpu.memory_space<vmem>>
      %dma_wait3A_431 = tpu.memref_squeeze %dma_wait3A_430 : memref<1x512xi32, #tpu.memory_space<vmem>> -> memref<512xi32, #tpu.memory_space<vmem>>
      %dma_wait3A_432 = arith.constant 0 : i32
      %dma_wait3A_433 = tpu.memref_slice %arg2[%dma_wait3A_432] : memref<131072xi32, #tpu.memory_space<hbm>> -> memref<512xi32, #tpu.memory_space<hbm>>
      tpu.wait_dma2 semaphore(%arg9 : memref<!tpu.dma_semaphore, #tpu.memory_space<semaphore_mem>>) src(%dma_wait3A_433 : memref<512xi32, #tpu.memory_space<hbm>>) dst(%dma_wait3A_431 : memref<512xi32, #tpu.memory_space<vmem>>)
      %dma_wait3A_434 = arith.constant 0 : i32
      %dma_wait3A_435 = arith.constant 0 : i32
      %dma_wait3A_436 = arith.constant 0 : i32
      %dma_wait3A_437 = tpu.memref_slice %arg8[%dma_wait3A_435, %dma_wait3A_436] : memref<4x512xf32, #tpu.memory_space<vmem>> -> memref<1x512xf32, #tpu.memory_space<vmem>>
      %dma_wait3A_438 = tpu.memref_squeeze %dma_wait3A_437 : memref<1x512xf32, #tpu.memory_space<vmem>> -> memref<512xf32, #tpu.memory_space<vmem>>
      %dma_wait3A_439 = arith.constant 0 : i32
      %dma_wait3A_440 = tpu.memref_slice %arg3[%dma_wait3A_434, %dma_wait3A_439] : memref<64x131072xf32, #tpu.memory_space<hbm>> -> memref<1x512xf32, #tpu.memory_space<hbm>>
      %dma_wait3A_441 = tpu.memref_squeeze %dma_wait3A_440 : memref<1x512xf32, #tpu.memory_space<hbm>> -> memref<512xf32, #tpu.memory_space<hbm>>
      %dma_wait3A_442 = arith.constant 0 : i32
      %dma_wait3A_443 = tpu.memref_slice %arg8[%dma_wait3A_435, %dma_wait3A_442] : memref<4x512xf32, #tpu.memory_space<vmem>> -> memref<1x512xf32, #tpu.memory_space<vmem>>
      %dma_wait3A_444 = tpu.memref_squeeze %dma_wait3A_443 : memref<1x512xf32, #tpu.memory_space<vmem>> -> memref<512xf32, #tpu.memory_space<vmem>>
      %dma_wait3A_445 = arith.constant 0 : i32
      %dma_wait3A_446 = tpu.memref_slice %arg3[%dma_wait3A_434, %dma_wait3A_445] : memref<64x131072xf32, #tpu.memory_space<hbm>> -> memref<1x512xf32, #tpu.memory_space<hbm>>
      %dma_wait3A_447 = tpu.memref_squeeze %dma_wait3A_446 : memref<1x512xf32, #tpu.memory_space<hbm>> -> memref<512xf32, #tpu.memory_space<hbm>>
      tpu.wait_dma2 semaphore(%arg13 : memref<!tpu.dma_semaphore, #tpu.memory_space<semaphore_mem>>) src(%dma_wait3A_447 : memref<512xf32, #tpu.memory_space<hbm>>) dst(%dma_wait3A_444 : memref<512xf32, #tpu.memory_space<vmem>>)
      %parallel_loop3A = arith.constant 0 : i32
      %parallel_loop3A_448 = arith.constant 512 : i32
      %parallel_loop3A_449 = arith.constant 16 : i32
      scf.for %parallel_loop3A_578 = %parallel_loop3A to %parallel_loop3A_448 step %parallel_loop3A_449  : i32 {
        %parallel_loop3A_579 = arith.constant 0 : i32
        %parallel_loop3A_580 = arith.index_cast %parallel_loop3A_579 : i32 to index
        %parallel_loop3A_581 = arith.index_cast %parallel_loop3A_578 : i32 to index
        %parallel_loop3A_582 = tpu.vector_load %arg7[%parallel_loop3A_580, %parallel_loop3A_581] {strides = array<i32>} : memref<4x512xi32, #tpu.memory_space<vmem>>, vector<16xi32>,
        %parallel_loop3A_583 = arith.constant 0 : i32
        %parallel_loop3A_584 = arith.index_cast %parallel_loop3A_583 : i32 to index
        %parallel_loop3A_585 = arith.index_cast %parallel_loop3A_578 : i32 to index
        %parallel_loop3A_586 = tpu.vector_load %arg8[%parallel_loop3A_584, %parallel_loop3A_585] {strides = array<i32>} : memref<4x512xf32, #tpu.memory_space<vmem>>, vector<16xf32>,
        %parallel_loop3A_587 = tpu.vector_load_idx %arg6[%parallel_loop3A_582] : memref<125056xf32, #tpu.memory_space<vmem>>[vector<16xi32>], vector<16xf32>,
        %parallel_loop3A_588 = arith.maximumf %parallel_loop3A_587, %parallel_loop3A_586 : vector<16xf32>
        %parallel_loop3A_589 = arith.cmpf olt, %parallel_loop3A_587, %parallel_loop3A_586 : vector<16xf32>
        tpu.vector_store_idx %arg6[%parallel_loop3A_582], %parallel_loop3A_588 masked %parallel_loop3A_589 : memref<125056xf32, #tpu.memory_space<vmem>>[vector<16xi32>], vector<16xf32>, vector<16xi1>
      } {sc.loop_unroll_factor = 16 : i64, sc.parallel_access}
      %while3A = arith.constant 1 : i32
      %while3A_450 = scf.while (%while3A_578 = %while3A) : (i32) -> i32 {
        %gt3A = arith.constant 0 : i32
        %gt3A_579 = arith.cmpi sgt, %while3A_578, %gt3A : i32
        scf.condition(%gt3A_579) %while3A_578 : i32
      } do {
      ^bb0(%while3A_578: i32):
        %broadcast_in_dim3A = arith.constant 0 : i32
        %broadcast_in_dim3A_579 = vector.broadcast %broadcast_in_dim3A : i32 to vector<16xi32>
        %parallel_loop3A_580 = arith.constant 0 : i32
        %parallel_loop3A_581 = arith.constant 512 : i32
        %parallel_loop3A_582 = arith.constant 16 : i32
        %parallel_loop3A_583 = scf.for %parallel_loop3A_591 = %parallel_loop3A_580 to %parallel_loop3A_581 step %parallel_loop3A_582 iter_args(%parallel_loop3A_592 = %broadcast_in_dim3A_579) -> (vector<16xi32>)  : i32 {
          %parallel_loop3A_593 = arith.constant 0 : i32
          %parallel_loop3A_594 = arith.index_cast %parallel_loop3A_593 : i32 to index
          %parallel_loop3A_595 = arith.index_cast %parallel_loop3A_591 : i32 to index
          %parallel_loop3A_596 = tpu.vector_load %arg7[%parallel_loop3A_594, %parallel_loop3A_595] {strides = array<i32>} : memref<4x512xi32, #tpu.memory_space<vmem>>, vector<16xi32>,
          %parallel_loop3A_597 = arith.constant 0 : i32
          %parallel_loop3A_598 = arith.index_cast %parallel_loop3A_597 : i32 to index
          %parallel_loop3A_599 = arith.index_cast %parallel_loop3A_591 : i32 to index
          %parallel_loop3A_600 = tpu.vector_load %arg8[%parallel_loop3A_598, %parallel_loop3A_599] {strides = array<i32>} : memref<4x512xf32, #tpu.memory_space<vmem>>, vector<16xf32>,
          %parallel_loop3A_601 = tpu.vector_load_idx %arg6[%parallel_loop3A_596] : memref<125056xf32, #tpu.memory_space<vmem>>[vector<16xi32>], vector<16xf32>,
          %parallel_loop3A_602 = arith.cmpf olt, %parallel_loop3A_601, %parallel_loop3A_600 : vector<16xf32>
          %parallel_loop3A_603 = arith.maximumf %parallel_loop3A_601, %parallel_loop3A_600 : vector<16xf32>
          tpu.vector_store_idx %arg6[%parallel_loop3A_596], %parallel_loop3A_603 masked %parallel_loop3A_602 : memref<125056xf32, #tpu.memory_space<vmem>>[vector<16xi32>], vector<16xf32>, vector<16xi1>
          %parallel_loop3A_604 = arith.extui %parallel_loop3A_602 : vector<16xi1> to vector<16xi32>
          %parallel_loop3A_605 = arith.ori %parallel_loop3A_592, %parallel_loop3A_604 : vector<16xi32>
          scf.yield %parallel_loop3A_605 : vector<16xi32>
        } {sc.loop_unroll_factor = 16 : i64, sc.parallel_access}
        %reduce_max3A = arith.constant true
        %reduce_max3A_584 = vector.broadcast %reduce_max3A : i1 to vector<16xi1>
        %reduce_max3A_585 = arith.constant -2147483648 : i32
        %reduce_max3A_586 = vector.broadcast %reduce_max3A_585 : i32 to vector<16xi32>
        %reduce_max3A_587 = arith.xori %parallel_loop3A_583, %reduce_max3A_586 : vector<16xi32>
        %reduce_max3A_588 = tpu.scan <max>, %reduce_max3A_587 masked %reduce_max3A_584 : vector<16xi32>, vector<16xi1> -> vector<16xi32>
        %reduce_max3A_589 = arith.xori %reduce_max3A_588, %reduce_max3A_586 : vector<16xi32>
        %reduce_max3A_590 = vector.extract %reduce_max3A_589[15] : i32 from vector<16xi32>
        scf.yield %reduce_max3A_590 : i32
      }
      %add3A_451 = arith.constant 4 : i32
      %add3A_452 = arith.addi %add3A_422, %add3A_451 : i32
      %lt3A = arith.constant 256 : i32
      %lt3A_453 = arith.cmpi slt, %add3A_452, %lt3A : i32
      %convert_element_type3A = arith.extui %lt3A_453 : i1 to i32
      %cond3A = arith.constant 0 : i32
      %cond3A_454 = arith.cmpi ne, %convert_element_type3A, %cond3A : i32
      scf.if %cond3A_454 {
        %add3A_578 = arith.constant 4 : i32
        %add3A_579 = arith.addi %add3A_422, %add3A_578 : i32
        %mul3A_580 = arith.constant 512 : i32
        %mul3A_581 = arith.muli %add3A_579, %mul3A_580 : i32
        %dma_start3A_582 = arith.constant 0 : i32
        %dma_start3A_583 = arith.constant 0 : i32
        %dma_start3A_584 = tpu.memref_slice %arg7[%dma_start3A_582, %dma_start3A_583] : memref<4x512xi32, #tpu.memory_space<vmem>> -> memref<1x512xi32, #tpu.memory_space<vmem>>
        %dma_start3A_585 = tpu.memref_squeeze %dma_start3A_584 : memref<1x512xi32, #tpu.memory_space<vmem>> -> memref<512xi32, #tpu.memory_space<vmem>>
        %dma_start3A_586 = tpu.memref_slice %arg2[%mul3A_581] : memref<131072xi32, #tpu.memory_space<hbm>> -> memref<512xi32, #tpu.memory_space<hbm>>
        %dma_start3A_587 = arith.constant 0 : i32
        %dma_start3A_588 = tpu.memref_slice %arg7[%dma_start3A_582, %dma_start3A_587] : memref<4x512xi32, #tpu.memory_space<vmem>> -> memref<1x512xi32, #tpu.memory_space<vmem>>
        %dma_start3A_589 = tpu.memref_squeeze %dma_start3A_588 : memref<1x512xi32, #tpu.memory_space<vmem>> -> memref<512xi32, #tpu.memory_space<vmem>>
        %dma_start3A_590 = tpu.memref_slice %arg2[%mul3A_581] : memref<131072xi32, #tpu.memory_space<hbm>> -> memref<512xi32, #tpu.memory_space<hbm>>
        tpu.enqueue_dma source(%dma_start3A_590 : memref<512xi32, #tpu.memory_space<hbm>>) target(%dma_start3A_589 : memref<512xi32, #tpu.memory_space<vmem>>) target_semaphore(%arg9 : memref<!tpu.dma_semaphore, #tpu.memory_space<semaphore_mem>>)
        %add3A_591 = arith.constant 4 : i32
        %add3A_592 = arith.addi %add3A_422, %add3A_591 : i32
        %mul3A_593 = arith.constant 512 : i32
        %mul3A_594 = arith.muli %add3A_592, %mul3A_593 : i32
        %dma_start3A_595 = arith.constant 0 : i32
        %dma_start3A_596 = arith.constant 0 : i32
        %dma_start3A_597 = tpu.memref_slice %arg8[%dma_start3A_595, %dma_start3A_596] : memref<4x512xf32, #tpu.memory_space<vmem>> -> memref<1x512xf32, #tpu.memory_space<vmem>>
        %dma_start3A_598 = tpu.memref_squeeze %dma_start3A_597 : memref<1x512xf32, #tpu.memory_space<vmem>> -> memref<512xf32, #tpu.memory_space<vmem>>
        %dma_start3A_599 = tpu.memref_slice %arg3[%add3A_209, %mul3A_594] : memref<64x131072xf32, #tpu.memory_space<hbm>> -> memref<1x512xf32, #tpu.memory_space<hbm>>
        %dma_start3A_600 = tpu.memref_squeeze %dma_start3A_599 : memref<1x512xf32, #tpu.memory_space<hbm>> -> memref<512xf32, #tpu.memory_space<hbm>>
        %dma_start3A_601 = arith.constant 0 : i32
        %dma_start3A_602 = tpu.memref_slice %arg8[%dma_start3A_595, %dma_start3A_601] : memref<4x512xf32, #tpu.memory_space<vmem>> -> memref<1x512xf32, #tpu.memory_space<vmem>>
        %dma_start3A_603 = tpu.memref_squeeze %dma_start3A_602 : memref<1x512xf32, #tpu.memory_space<vmem>> -> memref<512xf32, #tpu.memory_space<vmem>>
        %dma_start3A_604 = tpu.memref_slice %arg3[%add3A_209, %mul3A_594] : memref<64x131072xf32, #tpu.memory_space<hbm>> -> memref<1x512xf32, #tpu.memory_space<hbm>>
        %dma_start3A_605 = tpu.memref_squeeze %dma_start3A_604 : memref<1x512xf32, #tpu.memory_space<hbm>> -> memref<512xf32, #tpu.memory_space<hbm>>
        tpu.enqueue_dma source(%dma_start3A_605 : memref<512xf32, #tpu.memory_space<hbm>>) target(%dma_start3A_603 : memref<512xf32, #tpu.memory_space<vmem>>) target_semaphore(%arg13 : memref<!tpu.dma_semaphore, #tpu.memory_space<semaphore_mem>>)
      } else {
      }
      %mul3A_455 = arith.constant 4 : i32
      %mul3A_456 = arith.muli %scan3A_418, %mul3A_455 : i32
      %add3A_457 = arith.constant 1 : i32
      %add3A_458 = arith.addi %mul3A_456, %add3A_457 : i32
      %dma_wait3A_459 = arith.constant 1 : i32
      %dma_wait3A_460 = arith.constant 0 : i32
      %dma_wait3A_461 = tpu.memref_slice %arg7[%dma_wait3A_459, %dma_wait3A_460] : memref<4x512xi32, #tpu.memory_space<vmem>> -> memref<1x512xi32, #tpu.memory_space<vmem>>
      %dma_wait3A_462 = tpu.memref_squeeze %dma_wait3A_461 : memref<1x512xi32, #tpu.memory_space<vmem>> -> memref<512xi32, #tpu.memory_space<vmem>>
      %dma_wait3A_463 = arith.constant 0 : i32
      %dma_wait3A_464 = tpu.memref_slice %arg2[%dma_wait3A_463] : memref<131072xi32, #tpu.memory_space<hbm>> -> memref<512xi32, #tpu.memory_space<hbm>>
      %dma_wait3A_465 = arith.constant 0 : i32
      %dma_wait3A_466 = tpu.memref_slice %arg7[%dma_wait3A_459, %dma_wait3A_465] : memref<4x512xi32, #tpu.memory_space<vmem>> -> memref<1x512xi32, #tpu.memory_space<vmem>>
      %dma_wait3A_467 = tpu.memref_squeeze %dma_wait3A_466 : memref<1x512xi32, #tpu.memory_space<vmem>> -> memref<512xi32, #tpu.memory_space<vmem>>
      %dma_wait3A_468 = arith.constant 0 : i32
      %dma_wait3A_469 = tpu.memref_slice %arg2[%dma_wait3A_468] : memref<131072xi32, #tpu.memory_space<hbm>> -> memref<512xi32, #tpu.memory_space<hbm>>
      tpu.wait_dma2 semaphore(%arg10 : memref<!tpu.dma_semaphore, #tpu.memory_space<semaphore_mem>>) src(%dma_wait3A_469 : memref<512xi32, #tpu.memory_space<hbm>>) dst(%dma_wait3A_467 : memref<512xi32, #tpu.memory_space<vmem>>)
      %dma_wait3A_470 = arith.constant 0 : i32
      %dma_wait3A_471 = arith.constant 1 : i32
      %dma_wait3A_472 = arith.constant 0 : i32
      %dma_wait3A_473 = tpu.memref_slice %arg8[%dma_wait3A_471, %dma_wait3A_472] : memref<4x512xf32, #tpu.memory_space<vmem>> -> memref<1x512xf32, #tpu.memory_space<vmem>>
      %dma_wait3A_474 = tpu.memref_squeeze %dma_wait3A_473 : memref<1x512xf32, #tpu.memory_space<vmem>> -> memref<512xf32, #tpu.memory_space<vmem>>
      %dma_wait3A_475 = arith.constant 0 : i32
      %dma_wait3A_476 = tpu.memref_slice %arg3[%dma_wait3A_470, %dma_wait3A_475] : memref<64x131072xf32, #tpu.memory_space<hbm>> -> memref<1x512xf32, #tpu.memory_space<hbm>>
      %dma_wait3A_477 = tpu.memref_squeeze %dma_wait3A_476 : memref<1x512xf32, #tpu.memory_space<hbm>> -> memref<512xf32, #tpu.memory_space<hbm>>
      %dma_wait3A_478 = arith.constant 0 : i32
      %dma_wait3A_479 = tpu.memref_slice %arg8[%dma_wait3A_471, %dma_wait3A_478] : memref<4x512xf32, #tpu.memory_space<vmem>> -> memref<1x512xf32, #tpu.memory_space<vmem>>
      %dma_wait3A_480 = tpu.memref_squeeze %dma_wait3A_479 : memref<1x512xf32, #tpu.memory_space<vmem>> -> memref<512xf32, #tpu.memory_space<vmem>>
      %dma_wait3A_481 = arith.constant 0 : i32
      %dma_wait3A_482 = tpu.memref_slice %arg3[%dma_wait3A_470, %dma_wait3A_481] : memref<64x131072xf32, #tpu.memory_space<hbm>> -> memref<1x512xf32, #tpu.memory_space<hbm>>
      %dma_wait3A_483 = tpu.memref_squeeze %dma_wait3A_482 : memref<1x512xf32, #tpu.memory_space<hbm>> -> memref<512xf32, #tpu.memory_space<hbm>>
      tpu.wait_dma2 semaphore(%arg14 : memref<!tpu.dma_semaphore, #tpu.memory_space<semaphore_mem>>) src(%dma_wait3A_483 : memref<512xf32, #tpu.memory_space<hbm>>) dst(%dma_wait3A_480 : memref<512xf32, #tpu.memory_space<vmem>>)
      %parallel_loop3A_484 = arith.constant 0 : i32
      %parallel_loop3A_485 = arith.constant 512 : i32
      %parallel_loop3A_486 = arith.constant 16 : i32
      scf.for %parallel_loop3A_578 = %parallel_loop3A_484 to %parallel_loop3A_485 step %parallel_loop3A_486  : i32 {
        %parallel_loop3A_579 = arith.constant 1 : i32
        %parallel_loop3A_580 = arith.index_cast %parallel_loop3A_579 : i32 to index
        %parallel_loop3A_581 = arith.index_cast %parallel_loop3A_578 : i32 to index
        %parallel_loop3A_582 = tpu.vector_load %arg7[%parallel_loop3A_580, %parallel_loop3A_581] {strides = array<i32>} : memref<4x512xi32, #tpu.memory_space<vmem>>, vector<16xi32>,
        %parallel_loop3A_583 = arith.constant 1 : i32
        %parallel_loop3A_584 = arith.index_cast %parallel_loop3A_583 : i32 to index
        %parallel_loop3A_585 = arith.index_cast %parallel_loop3A_578 : i32 to index
        %parallel_loop3A_586 = tpu.vector_load %arg8[%parallel_loop3A_584, %parallel_loop3A_585] {strides = array<i32>} : memref<4x512xf32, #tpu.memory_space<vmem>>, vector<16xf32>,
        %parallel_loop3A_587 = tpu.vector_load_idx %arg6[%parallel_loop3A_582] : memref<125056xf32, #tpu.memory_space<vmem>>[vector<16xi32>], vector<16xf32>,
        %parallel_loop3A_588 = arith.maximumf %parallel_loop3A_587, %parallel_loop3A_586 : vector<16xf32>
        %parallel_loop3A_589 = arith.cmpf olt, %parallel_loop3A_587, %parallel_loop3A_586 : vector<16xf32>
        tpu.vector_store_idx %arg6[%parallel_loop3A_582], %parallel_loop3A_588 masked %parallel_loop3A_589 : memref<125056xf32, #tpu.memory_space<vmem>>[vector<16xi32>], vector<16xf32>, vector<16xi1>
      } {sc.loop_unroll_factor = 16 : i64, sc.parallel_access}
      %while3A_487 = arith.constant 1 : i32
      %while3A_488 = scf.while (%while3A_578 = %while3A_487) : (i32) -> i32 {
        %gt3A = arith.constant 0 : i32
        %gt3A_579 = arith.cmpi sgt, %while3A_578, %gt3A : i32
        scf.condition(%gt3A_579) %while3A_578 : i32
      } do {
      ^bb0(%while3A_578: i32):
        %broadcast_in_dim3A = arith.constant 0 : i32
        %broadcast_in_dim3A_579 = vector.broadcast %broadcast_in_dim3A : i32 to vector<16xi32>
        %parallel_loop3A_580 = arith.constant 0 : i32
        %parallel_loop3A_581 = arith.constant 512 : i32
        %parallel_loop3A_582 = arith.constant 16 : i32
        %parallel_loop3A_583 = scf.for %parallel_loop3A_591 = %parallel_loop3A_580 to %parallel_loop3A_581 step %parallel_loop3A_582 iter_args(%parallel_loop3A_592 = %broadcast_in_dim3A_579) -> (vector<16xi32>)  : i32 {
          %parallel_loop3A_593 = arith.constant 1 : i32
          %parallel_loop3A_594 = arith.index_cast %parallel_loop3A_593 : i32 to index
          %parallel_loop3A_595 = arith.index_cast %parallel_loop3A_591 : i32 to index
          %parallel_loop3A_596 = tpu.vector_load %arg7[%parallel_loop3A_594, %parallel_loop3A_595] {strides = array<i32>} : memref<4x512xi32, #tpu.memory_space<vmem>>, vector<16xi32>,
          %parallel_loop3A_597 = arith.constant 1 : i32
          %parallel_loop3A_598 = arith.index_cast %parallel_loop3A_597 : i32 to index
          %parallel_loop3A_599 = arith.index_cast %parallel_loop3A_591 : i32 to index
          %parallel_loop3A_600 = tpu.vector_load %arg8[%parallel_loop3A_598, %parallel_loop3A_599] {strides = array<i32>} : memref<4x512xf32, #tpu.memory_space<vmem>>, vector<16xf32>,
          %parallel_loop3A_601 = tpu.vector_load_idx %arg6[%parallel_loop3A_596] : memref<125056xf32, #tpu.memory_space<vmem>>[vector<16xi32>], vector<16xf32>,
          %parallel_loop3A_602 = arith.cmpf olt, %parallel_loop3A_601, %parallel_loop3A_600 : vector<16xf32>
          %parallel_loop3A_603 = arith.maximumf %parallel_loop3A_601, %parallel_loop3A_600 : vector<16xf32>
          tpu.vector_store_idx %arg6[%parallel_loop3A_596], %parallel_loop3A_603 masked %parallel_loop3A_602 : memref<125056xf32, #tpu.memory_space<vmem>>[vector<16xi32>], vector<16xf32>, vector<16xi1>
          %parallel_loop3A_604 = arith.extui %parallel_loop3A_602 : vector<16xi1> to vector<16xi32>
          %parallel_loop3A_605 = arith.ori %parallel_loop3A_592, %parallel_loop3A_604 : vector<16xi32>
          scf.yield %parallel_loop3A_605 : vector<16xi32>
        } {sc.loop_unroll_factor = 16 : i64, sc.parallel_access}
        %reduce_max3A = arith.constant true
        %reduce_max3A_584 = vector.broadcast %reduce_max3A : i1 to vector<16xi1>
        %reduce_max3A_585 = arith.constant -2147483648 : i32
        %reduce_max3A_586 = vector.broadcast %reduce_max3A_585 : i32 to vector<16xi32>
        %reduce_max3A_587 = arith.xori %parallel_loop3A_583, %reduce_max3A_586 : vector<16xi32>
        %reduce_max3A_588 = tpu.scan <max>, %reduce_max3A_587 masked %reduce_max3A_584 : vector<16xi32>, vector<16xi1> -> vector<16xi32>
        %reduce_max3A_589 = arith.xori %reduce_max3A_588, %reduce_max3A_586 : vector<16xi32>
        %reduce_max3A_590 = vector.extract %reduce_max3A_589[15] : i32 from vector<16xi32>
        scf.yield %reduce_max3A_590 : i32
      }
      %add3A_489 = arith.constant 4 : i32
      %add3A_490 = arith.addi %add3A_458, %add3A_489 : i32
      %lt3A_491 = arith.constant 256 : i32
      %lt3A_492 = arith.cmpi slt, %add3A_490, %lt3A_491 : i32
      %convert_element_type3A_493 = arith.extui %lt3A_492 : i1 to i32
      %cond3A_494 = arith.constant 0 : i32
      %cond3A_495 = arith.cmpi ne, %convert_element_type3A_493, %cond3A_494 : i32
      scf.if %cond3A_495 {
        %add3A_578 = arith.constant 4 : i32
        %add3A_579 = arith.addi %add3A_458, %add3A_578 : i32
        %mul3A_580 = arith.constant 512 : i32
        %mul3A_581 = arith.muli %add3A_579, %mul3A_580 : i32
        %dma_start3A_582 = arith.constant 1 : i32
        %dma_start3A_583 = arith.constant 0 : i32
        %dma_start3A_584 = tpu.memref_slice %arg7[%dma_start3A_582, %dma_start3A_583] : memref<4x512xi32, #tpu.memory_space<vmem>> -> memref<1x512xi32, #tpu.memory_space<vmem>>
        %dma_start3A_585 = tpu.memref_squeeze %dma_start3A_584 : memref<1x512xi32, #tpu.memory_space<vmem>> -> memref<512xi32, #tpu.memory_space<vmem>>
        %dma_start3A_586 = tpu.memref_slice %arg2[%mul3A_581] : memref<131072xi32, #tpu.memory_space<hbm>> -> memref<512xi32, #tpu.memory_space<hbm>>
        %dma_start3A_587 = arith.constant 0 : i32
        %dma_start3A_588 = tpu.memref_slice %arg7[%dma_start3A_582, %dma_start3A_587] : memref<4x512xi32, #tpu.memory_space<vmem>> -> memref<1x512xi32, #tpu.memory_space<vmem>>
        %dma_start3A_589 = tpu.memref_squeeze %dma_start3A_588 : memref<1x512xi32, #tpu.memory_space<vmem>> -> memref<512xi32, #tpu.memory_space<vmem>>
        %dma_start3A_590 = tpu.memref_slice %arg2[%mul3A_581] : memref<131072xi32, #tpu.memory_space<hbm>> -> memref<512xi32, #tpu.memory_space<hbm>>
        tpu.enqueue_dma source(%dma_start3A_590 : memref<512xi32, #tpu.memory_space<hbm>>) target(%dma_start3A_589 : memref<512xi32, #tpu.memory_space<vmem>>) target_semaphore(%arg10 : memref<!tpu.dma_semaphore, #tpu.memory_space<semaphore_mem>>)
        %add3A_591 = arith.constant 4 : i32
        %add3A_592 = arith.addi %add3A_458, %add3A_591 : i32
        %mul3A_593 = arith.constant 512 : i32
        %mul3A_594 = arith.muli %add3A_592, %mul3A_593 : i32
        %dma_start3A_595 = arith.constant 1 : i32
        %dma_start3A_596 = arith.constant 0 : i32
        %dma_start3A_597 = tpu.memref_slice %arg8[%dma_start3A_595, %dma_start3A_596] : memref<4x512xf32, #tpu.memory_space<vmem>> -> memref<1x512xf32, #tpu.memory_space<vmem>>
        %dma_start3A_598 = tpu.memref_squeeze %dma_start3A_597 : memref<1x512xf32, #tpu.memory_space<vmem>> -> memref<512xf32, #tpu.memory_space<vmem>>
        %dma_start3A_599 = tpu.memref_slice %arg3[%add3A_209, %mul3A_594] : memref<64x131072xf32, #tpu.memory_space<hbm>> -> memref<1x512xf32, #tpu.memory_space<hbm>>
        %dma_start3A_600 = tpu.memref_squeeze %dma_start3A_599 : memref<1x512xf32, #tpu.memory_space<hbm>> -> memref<512xf32, #tpu.memory_space<hbm>>
        %dma_start3A_601 = arith.constant 0 : i32
        %dma_start3A_602 = tpu.memref_slice %arg8[%dma_start3A_595, %dma_start3A_601] : memref<4x512xf32, #tpu.memory_space<vmem>> -> memref<1x512xf32, #tpu.memory_space<vmem>>
        %dma_start3A_603 = tpu.memref_squeeze %dma_start3A_602 : memref<1x512xf32, #tpu.memory_space<vmem>> -> memref<512xf32, #tpu.memory_space<vmem>>
        %dma_start3A_604 = tpu.memref_slice %arg3[%add3A_209, %mul3A_594] : memref<64x131072xf32, #tpu.memory_space<hbm>> -> memref<1x512xf32, #tpu.memory_space<hbm>>
        %dma_start3A_605 = tpu.memref_squeeze %dma_start3A_604 : memref<1x512xf32, #tpu.memory_space<hbm>> -> memref<512xf32, #tpu.memory_space<hbm>>
        tpu.enqueue_dma source(%dma_start3A_605 : memref<512xf32, #tpu.memory_space<hbm>>) target(%dma_start3A_603 : memref<512xf32, #tpu.memory_space<vmem>>) target_semaphore(%arg14 : memref<!tpu.dma_semaphore, #tpu.memory_space<semaphore_mem>>)
      } else {
      }
      %mul3A_496 = arith.constant 4 : i32
      %mul3A_497 = arith.muli %scan3A_418, %mul3A_496 : i32
      %add3A_498 = arith.constant 2 : i32
      %add3A_499 = arith.addi %mul3A_497, %add3A_498 : i32
      %dma_wait3A_500 = arith.constant 2 : i32
      %dma_wait3A_501 = arith.constant 0 : i32
      %dma_wait3A_502 = tpu.memref_slice %arg7[%dma_wait3A_500, %dma_wait3A_501] : memref<4x512xi32, #tpu.memory_space<vmem>> -> memref<1x512xi32, #tpu.memory_space<vmem>>
      %dma_wait3A_503 = tpu.memref_squeeze %dma_wait3A_502 : memref<1x512xi32, #tpu.memory_space<vmem>> -> memref<512xi32, #tpu.memory_space<vmem>>
      %dma_wait3A_504 = arith.constant 0 : i32
      %dma_wait3A_505 = tpu.memref_slice %arg2[%dma_wait3A_504] : memref<131072xi32, #tpu.memory_space<hbm>> -> memref<512xi32, #tpu.memory_space<hbm>>
      %dma_wait3A_506 = arith.constant 0 : i32
      %dma_wait3A_507 = tpu.memref_slice %arg7[%dma_wait3A_500, %dma_wait3A_506] : memref<4x512xi32, #tpu.memory_space<vmem>> -> memref<1x512xi32, #tpu.memory_space<vmem>>
      %dma_wait3A_508 = tpu.memref_squeeze %dma_wait3A_507 : memref<1x512xi32, #tpu.memory_space<vmem>> -> memref<512xi32, #tpu.memory_space<vmem>>
      %dma_wait3A_509 = arith.constant 0 : i32
      %dma_wait3A_510 = tpu.memref_slice %arg2[%dma_wait3A_509] : memref<131072xi32, #tpu.memory_space<hbm>> -> memref<512xi32, #tpu.memory_space<hbm>>
      tpu.wait_dma2 semaphore(%arg11 : memref<!tpu.dma_semaphore, #tpu.memory_space<semaphore_mem>>) src(%dma_wait3A_510 : memref<512xi32, #tpu.memory_space<hbm>>) dst(%dma_wait3A_508 : memref<512xi32, #tpu.memory_space<vmem>>)
      %dma_wait3A_511 = arith.constant 0 : i32
      %dma_wait3A_512 = arith.constant 2 : i32
      %dma_wait3A_513 = arith.constant 0 : i32
      %dma_wait3A_514 = tpu.memref_slice %arg8[%dma_wait3A_512, %dma_wait3A_513] : memref<4x512xf32, #tpu.memory_space<vmem>> -> memref<1x512xf32, #tpu.memory_space<vmem>>
      %dma_wait3A_515 = tpu.memref_squeeze %dma_wait3A_514 : memref<1x512xf32, #tpu.memory_space<vmem>> -> memref<512xf32, #tpu.memory_space<vmem>>
      %dma_wait3A_516 = arith.constant 0 : i32
      %dma_wait3A_517 = tpu.memref_slice %arg3[%dma_wait3A_511, %dma_wait3A_516] : memref<64x131072xf32, #tpu.memory_space<hbm>> -> memref<1x512xf32, #tpu.memory_space<hbm>>
      %dma_wait3A_518 = tpu.memref_squeeze %dma_wait3A_517 : memref<1x512xf32, #tpu.memory_space<hbm>> -> memref<512xf32, #tpu.memory_space<hbm>>
      %dma_wait3A_519 = arith.constant 0 : i32
      %dma_wait3A_520 = tpu.memref_slice %arg8[%dma_wait3A_512, %dma_wait3A_519] : memref<4x512xf32, #tpu.memory_space<vmem>> -> memref<1x512xf32, #tpu.memory_space<vmem>>
      %dma_wait3A_521 = tpu.memref_squeeze %dma_wait3A_520 : memref<1x512xf32, #tpu.memory_space<vmem>> -> memref<512xf32, #tpu.memory_space<vmem>>
      %dma_wait3A_522 = arith.constant 0 : i32
      %dma_wait3A_523 = tpu.memref_slice %arg3[%dma_wait3A_511, %dma_wait3A_522] : memref<64x131072xf32, #tpu.memory_space<hbm>> -> memref<1x512xf32, #tpu.memory_space<hbm>>
      %dma_wait3A_524 = tpu.memref_squeeze %dma_wait3A_523 : memref<1x512xf32, #tpu.memory_space<hbm>> -> memref<512xf32, #tpu.memory_space<hbm>>
      tpu.wait_dma2 semaphore(%arg15 : memref<!tpu.dma_semaphore, #tpu.memory_space<semaphore_mem>>) src(%dma_wait3A_524 : memref<512xf32, #tpu.memory_space<hbm>>) dst(%dma_wait3A_521 : memref<512xf32, #tpu.memory_space<vmem>>)
      %parallel_loop3A_525 = arith.constant 0 : i32
      %parallel_loop3A_526 = arith.constant 512 : i32
      %parallel_loop3A_527 = arith.constant 16 : i32
      scf.for %parallel_loop3A_578 = %parallel_loop3A_525 to %parallel_loop3A_526 step %parallel_loop3A_527  : i32 {
        %parallel_loop3A_579 = arith.constant 2 : i32
        %parallel_loop3A_580 = arith.index_cast %parallel_loop3A_579 : i32 to index
        %parallel_loop3A_581 = arith.index_cast %parallel_loop3A_578 : i32 to index
        %parallel_loop3A_582 = tpu.vector_load %arg7[%parallel_loop3A_580, %parallel_loop3A_581] {strides = array<i32>} : memref<4x512xi32, #tpu.memory_space<vmem>>, vector<16xi32>,
        %parallel_loop3A_583 = arith.constant 2 : i32
        %parallel_loop3A_584 = arith.index_cast %parallel_loop3A_583 : i32 to index
        %parallel_loop3A_585 = arith.index_cast %parallel_loop3A_578 : i32 to index
        %parallel_loop3A_586 = tpu.vector_load %arg8[%parallel_loop3A_584, %parallel_loop3A_585] {strides = array<i32>} : memref<4x512xf32, #tpu.memory_space<vmem>>, vector<16xf32>,
        %parallel_loop3A_587 = tpu.vector_load_idx %arg6[%parallel_loop3A_582] : memref<125056xf32, #tpu.memory_space<vmem>>[vector<16xi32>], vector<16xf32>,
        %parallel_loop3A_588 = arith.maximumf %parallel_loop3A_587, %parallel_loop3A_586 : vector<16xf32>
        %parallel_loop3A_589 = arith.cmpf olt, %parallel_loop3A_587, %parallel_loop3A_586 : vector<16xf32>
        tpu.vector_store_idx %arg6[%parallel_loop3A_582], %parallel_loop3A_588 masked %parallel_loop3A_589 : memref<125056xf32, #tpu.memory_space<vmem>>[vector<16xi32>], vector<16xf32>, vector<16xi1>
      } {sc.loop_unroll_factor = 16 : i64, sc.parallel_access}
      %while3A_528 = arith.constant 1 : i32
      %while3A_529 = scf.while (%while3A_578 = %while3A_528) : (i32) -> i32 {
        %gt3A = arith.constant 0 : i32
        %gt3A_579 = arith.cmpi sgt, %while3A_578, %gt3A : i32
        scf.condition(%gt3A_579) %while3A_578 : i32
      } do {
      ^bb0(%while3A_578: i32):
        %broadcast_in_dim3A = arith.constant 0 : i32
        %broadcast_in_dim3A_579 = vector.broadcast %broadcast_in_dim3A : i32 to vector<16xi32>
        %parallel_loop3A_580 = arith.constant 0 : i32
        %parallel_loop3A_581 = arith.constant 512 : i32
        %parallel_loop3A_582 = arith.constant 16 : i32
        %parallel_loop3A_583 = scf.for %parallel_loop3A_591 = %parallel_loop3A_580 to %parallel_loop3A_581 step %parallel_loop3A_582 iter_args(%parallel_loop3A_592 = %broadcast_in_dim3A_579) -> (vector<16xi32>)  : i32 {
          %parallel_loop3A_593 = arith.constant 2 : i32
          %parallel_loop3A_594 = arith.index_cast %parallel_loop3A_593 : i32 to index
          %parallel_loop3A_595 = arith.index_cast %parallel_loop3A_591 : i32 to index
          %parallel_loop3A_596 = tpu.vector_load %arg7[%parallel_loop3A_594, %parallel_loop3A_595] {strides = array<i32>} : memref<4x512xi32, #tpu.memory_space<vmem>>, vector<16xi32>,
          %parallel_loop3A_597 = arith.constant 2 : i32
          %parallel_loop3A_598 = arith.index_cast %parallel_loop3A_597 : i32 to index
          %parallel_loop3A_599 = arith.index_cast %parallel_loop3A_591 : i32 to index
          %parallel_loop3A_600 = tpu.vector_load %arg8[%parallel_loop3A_598, %parallel_loop3A_599] {strides = array<i32>} : memref<4x512xf32, #tpu.memory_space<vmem>>, vector<16xf32>,
          %parallel_loop3A_601 = tpu.vector_load_idx %arg6[%parallel_loop3A_596] : memref<125056xf32, #tpu.memory_space<vmem>>[vector<16xi32>], vector<16xf32>,
          %parallel_loop3A_602 = arith.cmpf olt, %parallel_loop3A_601, %parallel_loop3A_600 : vector<16xf32>
          %parallel_loop3A_603 = arith.maximumf %parallel_loop3A_601, %parallel_loop3A_600 : vector<16xf32>
          tpu.vector_store_idx %arg6[%parallel_loop3A_596], %parallel_loop3A_603 masked %parallel_loop3A_602 : memref<125056xf32, #tpu.memory_space<vmem>>[vector<16xi32>], vector<16xf32>, vector<16xi1>
          %parallel_loop3A_604 = arith.extui %parallel_loop3A_602 : vector<16xi1> to vector<16xi32>
          %parallel_loop3A_605 = arith.ori %parallel_loop3A_592, %parallel_loop3A_604 : vector<16xi32>
          scf.yield %parallel_loop3A_605 : vector<16xi32>
        } {sc.loop_unroll_factor = 16 : i64, sc.parallel_access}
        %reduce_max3A = arith.constant true
        %reduce_max3A_584 = vector.broadcast %reduce_max3A : i1 to vector<16xi1>
        %reduce_max3A_585 = arith.constant -2147483648 : i32
        %reduce_max3A_586 = vector.broadcast %reduce_max3A_585 : i32 to vector<16xi32>
        %reduce_max3A_587 = arith.xori %parallel_loop3A_583, %reduce_max3A_586 : vector<16xi32>
        %reduce_max3A_588 = tpu.scan <max>, %reduce_max3A_587 masked %reduce_max3A_584 : vector<16xi32>, vector<16xi1> -> vector<16xi32>
        %reduce_max3A_589 = arith.xori %reduce_max3A_588, %reduce_max3A_586 : vector<16xi32>
        %reduce_max3A_590 = vector.extract %reduce_max3A_589[15] : i32 from vector<16xi32>
        scf.yield %reduce_max3A_590 : i32
      }
      %add3A_530 = arith.constant 4 : i32
      %add3A_531 = arith.addi %add3A_499, %add3A_530 : i32
      %lt3A_532 = arith.constant 256 : i32
      %lt3A_533 = arith.cmpi slt, %add3A_531, %lt3A_532 : i32
      %convert_element_type3A_534 = arith.extui %lt3A_533 : i1 to i32
      %cond3A_535 = arith.constant 0 : i32
      %cond3A_536 = arith.cmpi ne, %convert_element_type3A_534, %cond3A_535 : i32
      scf.if %cond3A_536 {
        %add3A_578 = arith.constant 4 : i32
        %add3A_579 = arith.addi %add3A_499, %add3A_578 : i32
        %mul3A_580 = arith.constant 512 : i32
        %mul3A_581 = arith.muli %add3A_579, %mul3A_580 : i32
        %dma_start3A_582 = arith.constant 2 : i32
        %dma_start3A_583 = arith.constant 0 : i32
        %dma_start3A_584 = tpu.memref_slice %arg7[%dma_start3A_582, %dma_start3A_583] : memref<4x512xi32, #tpu.memory_space<vmem>> -> memref<1x512xi32, #tpu.memory_space<vmem>>
        %dma_start3A_585 = tpu.memref_squeeze %dma_start3A_584 : memref<1x512xi32, #tpu.memory_space<vmem>> -> memref<512xi32, #tpu.memory_space<vmem>>
        %dma_start3A_586 = tpu.memref_slice %arg2[%mul3A_581] : memref<131072xi32, #tpu.memory_space<hbm>> -> memref<512xi32, #tpu.memory_space<hbm>>
        %dma_start3A_587 = arith.constant 0 : i32
        %dma_start3A_588 = tpu.memref_slice %arg7[%dma_start3A_582, %dma_start3A_587] : memref<4x512xi32, #tpu.memory_space<vmem>> -> memref<1x512xi32, #tpu.memory_space<vmem>>
        %dma_start3A_589 = tpu.memref_squeeze %dma_start3A_588 : memref<1x512xi32, #tpu.memory_space<vmem>> -> memref<512xi32, #tpu.memory_space<vmem>>
        %dma_start3A_590 = tpu.memref_slice %arg2[%mul3A_581] : memref<131072xi32, #tpu.memory_space<hbm>> -> memref<512xi32, #tpu.memory_space<hbm>>
        tpu.enqueue_dma source(%dma_start3A_590 : memref<512xi32, #tpu.memory_space<hbm>>) target(%dma_start3A_589 : memref<512xi32, #tpu.memory_space<vmem>>) target_semaphore(%arg11 : memref<!tpu.dma_semaphore, #tpu.memory_space<semaphore_mem>>)
        %add3A_591 = arith.constant 4 : i32
        %add3A_592 = arith.addi %add3A_499, %add3A_591 : i32
        %mul3A_593 = arith.constant 512 : i32
        %mul3A_594 = arith.muli %add3A_592, %mul3A_593 : i32
        %dma_start3A_595 = arith.constant 2 : i32
        %dma_start3A_596 = arith.constant 0 : i32
        %dma_start3A_597 = tpu.memref_slice %arg8[%dma_start3A_595, %dma_start3A_596] : memref<4x512xf32, #tpu.memory_space<vmem>> -> memref<1x512xf32, #tpu.memory_space<vmem>>
        %dma_start3A_598 = tpu.memref_squeeze %dma_start3A_597 : memref<1x512xf32, #tpu.memory_space<vmem>> -> memref<512xf32, #tpu.memory_space<vmem>>
        %dma_start3A_599 = tpu.memref_slice %arg3[%add3A_209, %mul3A_594] : memref<64x131072xf32, #tpu.memory_space<hbm>> -> memref<1x512xf32, #tpu.memory_space<hbm>>
        %dma_start3A_600 = tpu.memref_squeeze %dma_start3A_599 : memref<1x512xf32, #tpu.memory_space<hbm>> -> memref<512xf32, #tpu.memory_space<hbm>>
        %dma_start3A_601 = arith.constant 0 : i32
        %dma_start3A_602 = tpu.memref_slice %arg8[%dma_start3A_595, %dma_start3A_601] : memref<4x512xf32, #tpu.memory_space<vmem>> -> memref<1x512xf32, #tpu.memory_space<vmem>>
        %dma_start3A_603 = tpu.memref_squeeze %dma_start3A_602 : memref<1x512xf32, #tpu.memory_space<vmem>> -> memref<512xf32, #tpu.memory_space<vmem>>
        %dma_start3A_604 = tpu.memref_slice %arg3[%add3A_209, %mul3A_594] : memref<64x131072xf32, #tpu.memory_space<hbm>> -> memref<1x512xf32, #tpu.memory_space<hbm>>
        %dma_start3A_605 = tpu.memref_squeeze %dma_start3A_604 : memref<1x512xf32, #tpu.memory_space<hbm>> -> memref<512xf32, #tpu.memory_space<hbm>>
        tpu.enqueue_dma source(%dma_start3A_605 : memref<512xf32, #tpu.memory_space<hbm>>) target(%dma_start3A_603 : memref<512xf32, #tpu.memory_space<vmem>>) target_semaphore(%arg15 : memref<!tpu.dma_semaphore, #tpu.memory_space<semaphore_mem>>)
      } else {
      }
      %mul3A_537 = arith.constant 4 : i32
      %mul3A_538 = arith.muli %scan3A_418, %mul3A_537 : i32
      %add3A_539 = arith.constant 3 : i32
      %add3A_540 = arith.addi %mul3A_538, %add3A_539 : i32
      %dma_wait3A_541 = arith.constant 3 : i32
      %dma_wait3A_542 = arith.constant 0 : i32
      %dma_wait3A_543 = tpu.memref_slice %arg7[%dma_wait3A_541, %dma_wait3A_542] : memref<4x512xi32, #tpu.memory_space<vmem>> -> memref<1x512xi32, #tpu.memory_space<vmem>>
      %dma_wait3A_544 = tpu.memref_squeeze %dma_wait3A_543 : memref<1x512xi32, #tpu.memory_space<vmem>> -> memref<512xi32, #tpu.memory_space<vmem>>
      %dma_wait3A_545 = arith.constant 0 : i32
      %dma_wait3A_546 = tpu.memref_slice %arg2[%dma_wait3A_545] : memref<131072xi32, #tpu.memory_space<hbm>> -> memref<512xi32, #tpu.memory_space<hbm>>
      %dma_wait3A_547 = arith.constant 0 : i32
      %dma_wait3A_548 = tpu.memref_slice %arg7[%dma_wait3A_541, %dma_wait3A_547] : memref<4x512xi32, #tpu.memory_space<vmem>> -> memref<1x512xi32, #tpu.memory_space<vmem>>
      %dma_wait3A_549 = tpu.memref_squeeze %dma_wait3A_548 : memref<1x512xi32, #tpu.memory_space<vmem>> -> memref<512xi32, #tpu.memory_space<vmem>>
      %dma_wait3A_550 = arith.constant 0 : i32
      %dma_wait3A_551 = tpu.memref_slice %arg2[%dma_wait3A_550] : memref<131072xi32, #tpu.memory_space<hbm>> -> memref<512xi32, #tpu.memory_space<hbm>>
      tpu.wait_dma2 semaphore(%arg12 : memref<!tpu.dma_semaphore, #tpu.memory_space<semaphore_mem>>) src(%dma_wait3A_551 : memref<512xi32, #tpu.memory_space<hbm>>) dst(%dma_wait3A_549 : memref<512xi32, #tpu.memory_space<vmem>>)
      %dma_wait3A_552 = arith.constant 0 : i32
      %dma_wait3A_553 = arith.constant 3 : i32
      %dma_wait3A_554 = arith.constant 0 : i32
      %dma_wait3A_555 = tpu.memref_slice %arg8[%dma_wait3A_553, %dma_wait3A_554] : memref<4x512xf32, #tpu.memory_space<vmem>> -> memref<1x512xf32, #tpu.memory_space<vmem>>
      %dma_wait3A_556 = tpu.memref_squeeze %dma_wait3A_555 : memref<1x512xf32, #tpu.memory_space<vmem>> -> memref<512xf32, #tpu.memory_space<vmem>>
      %dma_wait3A_557 = arith.constant 0 : i32
      %dma_wait3A_558 = tpu.memref_slice %arg3[%dma_wait3A_552, %dma_wait3A_557] : memref<64x131072xf32, #tpu.memory_space<hbm>> -> memref<1x512xf32, #tpu.memory_space<hbm>>
      %dma_wait3A_559 = tpu.memref_squeeze %dma_wait3A_558 : memref<1x512xf32, #tpu.memory_space<hbm>> -> memref<512xf32, #tpu.memory_space<hbm>>
      %dma_wait3A_560 = arith.constant 0 : i32
      %dma_wait3A_561 = tpu.memref_slice %arg8[%dma_wait3A_553, %dma_wait3A_560] : memref<4x512xf32, #tpu.memory_space<vmem>> -> memref<1x512xf32, #tpu.memory_space<vmem>>
      %dma_wait3A_562 = tpu.memref_squeeze %dma_wait3A_561 : memref<1x512xf32, #tpu.memory_space<vmem>> -> memref<512xf32, #tpu.memory_space<vmem>>
      %dma_wait3A_563 = arith.constant 0 : i32
      %dma_wait3A_564 = tpu.memref_slice %arg3[%dma_wait3A_552, %dma_wait3A_563] : memref<64x131072xf32, #tpu.memory_space<hbm>> -> memref<1x512xf32, #tpu.memory_space<hbm>>
      %dma_wait3A_565 = tpu.memref_squeeze %dma_wait3A_564 : memref<1x512xf32, #tpu.memory_space<hbm>> -> memref<512xf32, #tpu.memory_space<hbm>>
      tpu.wait_dma2 semaphore(%arg16 : memref<!tpu.dma_semaphore, #tpu.memory_space<semaphore_mem>>) src(%dma_wait3A_565 : memref<512xf32, #tpu.memory_space<hbm>>) dst(%dma_wait3A_562 : memref<512xf32, #tpu.memory_space<vmem>>)
      %parallel_loop3A_566 = arith.constant 0 : i32
      %parallel_loop3A_567 = arith.constant 512 : i32
      %parallel_loop3A_568 = arith.constant 16 : i32
      scf.for %parallel_loop3A_578 = %parallel_loop3A_566 to %parallel_loop3A_567 step %parallel_loop3A_568  : i32 {
        %parallel_loop3A_579 = arith.constant 3 : i32
        %parallel_loop3A_580 = arith.index_cast %parallel_loop3A_579 : i32 to index
        %parallel_loop3A_581 = arith.index_cast %parallel_loop3A_578 : i32 to index
        %parallel_loop3A_582 = tpu.vector_load %arg7[%parallel_loop3A_580, %parallel_loop3A_581] {strides = array<i32>} : memref<4x512xi32, #tpu.memory_space<vmem>>, vector<16xi32>,
        %parallel_loop3A_583 = arith.constant 3 : i32
        %parallel_loop3A_584 = arith.index_cast %parallel_loop3A_583 : i32 to index
        %parallel_loop3A_585 = arith.index_cast %parallel_loop3A_578 : i32 to index
        %parallel_loop3A_586 = tpu.vector_load %arg8[%parallel_loop3A_584, %parallel_loop3A_585] {strides = array<i32>} : memref<4x512xf32, #tpu.memory_space<vmem>>, vector<16xf32>,
        %parallel_loop3A_587 = tpu.vector_load_idx %arg6[%parallel_loop3A_582] : memref<125056xf32, #tpu.memory_space<vmem>>[vector<16xi32>], vector<16xf32>,
        %parallel_loop3A_588 = arith.maximumf %parallel_loop3A_587, %parallel_loop3A_586 : vector<16xf32>
        %parallel_loop3A_589 = arith.cmpf olt, %parallel_loop3A_587, %parallel_loop3A_586 : vector<16xf32>
        tpu.vector_store_idx %arg6[%parallel_loop3A_582], %parallel_loop3A_588 masked %parallel_loop3A_589 : memref<125056xf32, #tpu.memory_space<vmem>>[vector<16xi32>], vector<16xf32>, vector<16xi1>
      } {sc.loop_unroll_factor = 16 : i64, sc.parallel_access}
      %while3A_569 = arith.constant 1 : i32
      %while3A_570 = scf.while (%while3A_578 = %while3A_569) : (i32) -> i32 {
        %gt3A = arith.constant 0 : i32
        %gt3A_579 = arith.cmpi sgt, %while3A_578, %gt3A : i32
        scf.condition(%gt3A_579) %while3A_578 : i32
      } do {
      ^bb0(%while3A_578: i32):
        %broadcast_in_dim3A = arith.constant 0 : i32
        %broadcast_in_dim3A_579 = vector.broadcast %broadcast_in_dim3A : i32 to vector<16xi32>
        %parallel_loop3A_580 = arith.constant 0 : i32
        %parallel_loop3A_581 = arith.constant 512 : i32
        %parallel_loop3A_582 = arith.constant 16 : i32
        %parallel_loop3A_583 = scf.for %parallel_loop3A_591 = %parallel_loop3A_580 to %parallel_loop3A_581 step %parallel_loop3A_582 iter_args(%parallel_loop3A_592 = %broadcast_in_dim3A_579) -> (vector<16xi32>)  : i32 {
          %parallel_loop3A_593 = arith.constant 3 : i32
          %parallel_loop3A_594 = arith.index_cast %parallel_loop3A_593 : i32 to index
          %parallel_loop3A_595 = arith.index_cast %parallel_loop3A_591 : i32 to index
          %parallel_loop3A_596 = tpu.vector_load %arg7[%parallel_loop3A_594, %parallel_loop3A_595] {strides = array<i32>} : memref<4x512xi32, #tpu.memory_space<vmem>>, vector<16xi32>,
          %parallel_loop3A_597 = arith.constant 3 : i32
          %parallel_loop3A_598 = arith.index_cast %parallel_loop3A_597 : i32 to index
          %parallel_loop3A_599 = arith.index_cast %parallel_loop3A_591 : i32 to index
          %parallel_loop3A_600 = tpu.vector_load %arg8[%parallel_loop3A_598, %parallel_loop3A_599] {strides = array<i32>} : memref<4x512xf32, #tpu.memory_space<vmem>>, vector<16xf32>,
          %parallel_loop3A_601 = tpu.vector_load_idx %arg6[%parallel_loop3A_596] : memref<125056xf32, #tpu.memory_space<vmem>>[vector<16xi32>], vector<16xf32>,
          %parallel_loop3A_602 = arith.cmpf olt, %parallel_loop3A_601, %parallel_loop3A_600 : vector<16xf32>
          %parallel_loop3A_603 = arith.maximumf %parallel_loop3A_601, %parallel_loop3A_600 : vector<16xf32>
          tpu.vector_store_idx %arg6[%parallel_loop3A_596], %parallel_loop3A_603 masked %parallel_loop3A_602 : memref<125056xf32, #tpu.memory_space<vmem>>[vector<16xi32>], vector<16xf32>, vector<16xi1>
          %parallel_loop3A_604 = arith.extui %parallel_loop3A_602 : vector<16xi1> to vector<16xi32>
          %parallel_loop3A_605 = arith.ori %parallel_loop3A_592, %parallel_loop3A_604 : vector<16xi32>
          scf.yield %parallel_loop3A_605 : vector<16xi32>
        } {sc.loop_unroll_factor = 16 : i64, sc.parallel_access}
        %reduce_max3A = arith.constant true
        %reduce_max3A_584 = vector.broadcast %reduce_max3A : i1 to vector<16xi1>
        %reduce_max3A_585 = arith.constant -2147483648 : i32
        %reduce_max3A_586 = vector.broadcast %reduce_max3A_585 : i32 to vector<16xi32>
        %reduce_max3A_587 = arith.xori %parallel_loop3A_583, %reduce_max3A_586 : vector<16xi32>
        %reduce_max3A_588 = tpu.scan <max>, %reduce_max3A_587 masked %reduce_max3A_584 : vector<16xi32>, vector<16xi1> -> vector<16xi32>
        %reduce_max3A_589 = arith.xori %reduce_max3A_588, %reduce_max3A_586 : vector<16xi32>
        %reduce_max3A_590 = vector.extract %reduce_max3A_589[15] : i32 from vector<16xi32>
        scf.yield %reduce_max3A_590 : i32
      }
      %add3A_571 = arith.constant 4 : i32
      %add3A_572 = arith.addi %add3A_540, %add3A_571 : i32
      %lt3A_573 = arith.constant 256 : i32
      %lt3A_574 = arith.cmpi slt, %add3A_572, %lt3A_573 : i32
      %convert_element_type3A_575 = arith.extui %lt3A_574 : i1 to i32
      %cond3A_576 = arith.constant 0 : i32
      %cond3A_577 = arith.cmpi ne, %convert_element_type3A_575, %cond3A_576 : i32
      scf.if %cond3A_577 {
        %add3A_578 = arith.constant 4 : i32
        %add3A_579 = arith.addi %add3A_540, %add3A_578 : i32
        %mul3A_580 = arith.constant 512 : i32
        %mul3A_581 = arith.muli %add3A_579, %mul3A_580 : i32
        %dma_start3A_582 = arith.constant 3 : i32
        %dma_start3A_583 = arith.constant 0 : i32
        %dma_start3A_584 = tpu.memref_slice %arg7[%dma_start3A_582, %dma_start3A_583] : memref<4x512xi32, #tpu.memory_space<vmem>> -> memref<1x512xi32, #tpu.memory_space<vmem>>
        %dma_start3A_585 = tpu.memref_squeeze %dma_start3A_584 : memref<1x512xi32, #tpu.memory_space<vmem>> -> memref<512xi32, #tpu.memory_space<vmem>>
        %dma_start3A_586 = tpu.memref_slice %arg2[%mul3A_581] : memref<131072xi32, #tpu.memory_space<hbm>> -> memref<512xi32, #tpu.memory_space<hbm>>
        %dma_start3A_587 = arith.constant 0 : i32
        %dma_start3A_588 = tpu.memref_slice %arg7[%dma_start3A_582, %dma_start3A_587] : memref<4x512xi32, #tpu.memory_space<vmem>> -> memref<1x512xi32, #tpu.memory_space<vmem>>
        %dma_start3A_589 = tpu.memref_squeeze %dma_start3A_588 : memref<1x512xi32, #tpu.memory_space<vmem>> -> memref<512xi32, #tpu.memory_space<vmem>>
        %dma_start3A_590 = tpu.memref_slice %arg2[%mul3A_581] : memref<131072xi32, #tpu.memory_space<hbm>> -> memref<512xi32, #tpu.memory_space<hbm>>
        tpu.enqueue_dma source(%dma_start3A_590 : memref<512xi32, #tpu.memory_space<hbm>>) target(%dma_start3A_589 : memref<512xi32, #tpu.memory_space<vmem>>) target_semaphore(%arg12 : memref<!tpu.dma_semaphore, #tpu.memory_space<semaphore_mem>>)
        %add3A_591 = arith.constant 4 : i32
        %add3A_592 = arith.addi %add3A_540, %add3A_591 : i32
        %mul3A_593 = arith.constant 512 : i32
        %mul3A_594 = arith.muli %add3A_592, %mul3A_593 : i32
        %dma_start3A_595 = arith.constant 3 : i32
        %dma_start3A_596 = arith.constant 0 : i32
        %dma_start3A_597 = tpu.memref_slice %arg8[%dma_start3A_595, %dma_start3A_596] : memref<4x512xf32, #tpu.memory_space<vmem>> -> memref<1x512xf32, #tpu.memory_space<vmem>>
        %dma_start3A_598 = tpu.memref_squeeze %dma_start3A_597 : memref<1x512xf32, #tpu.memory_space<vmem>> -> memref<512xf32, #tpu.memory_space<vmem>>
        %dma_start3A_599 = tpu.memref_slice %arg3[%add3A_209, %mul3A_594] : memref<64x131072xf32, #tpu.memory_space<hbm>> -> memref<1x512xf32, #tpu.memory_space<hbm>>
        %dma_start3A_600 = tpu.memref_squeeze %dma_start3A_599 : memref<1x512xf32, #tpu.memory_space<hbm>> -> memref<512xf32, #tpu.memory_space<hbm>>
        %dma_start3A_601 = arith.constant 0 : i32
        %dma_start3A_602 = tpu.memref_slice %arg8[%dma_start3A_595, %dma_start3A_601] : memref<4x512xf32, #tpu.memory_space<vmem>> -> memref<1x512xf32, #tpu.memory_space<vmem>>
        %dma_start3A_603 = tpu.memref_squeeze %dma_start3A_602 : memref<1x512xf32, #tpu.memory_space<vmem>> -> memref<512xf32, #tpu.memory_space<vmem>>
        %dma_start3A_604 = tpu.memref_slice %arg3[%add3A_209, %mul3A_594] : memref<64x131072xf32, #tpu.memory_space<hbm>> -> memref<1x512xf32, #tpu.memory_space<hbm>>
        %dma_start3A_605 = tpu.memref_squeeze %dma_start3A_604 : memref<1x512xf32, #tpu.memory_space<hbm>> -> memref<512xf32, #tpu.memory_space<hbm>>
        tpu.enqueue_dma source(%dma_start3A_605 : memref<512xf32, #tpu.memory_space<hbm>>) target(%dma_start3A_603 : memref<512xf32, #tpu.memory_space<vmem>>) target_semaphore(%arg16 : memref<!tpu.dma_semaphore, #tpu.memory_space<semaphore_mem>>)
      } else {
      }
    }
    %scan3A_311 = arith.constant 64 : i32
    %dma_start3A_312 = arith.constant 0 : i32
    %dma_start3A_313 = arith.constant 0 : i32
    %dma_start3A_314 = tpu.memref_slice %arg7[%dma_start3A_312, %dma_start3A_313] : memref<4x512xi32, #tpu.memory_space<vmem>> -> memref<1x512xi32, #tpu.memory_space<vmem>>
    %dma_start3A_315 = tpu.memref_squeeze %dma_start3A_314 : memref<1x512xi32, #tpu.memory_space<vmem>> -> memref<512xi32, #tpu.memory_space<vmem>>
    %dma_start3A_316 = arith.constant 0 : i32
    %dma_start3A_317 = tpu.memref_slice %arg2[%dma_start3A_316] : memref<131072xi32, #tpu.memory_space<hbm>> -> memref<512xi32, #tpu.memory_space<hbm>>
    %dma_start3A_318 = arith.constant 0 : i32
    %dma_start3A_319 = tpu.memref_slice %arg7[%dma_start3A_312, %dma_start3A_318] : memref<4x512xi32, #tpu.memory_space<vmem>> -> memref<1x512xi32, #tpu.memory_space<vmem>>
    %dma_start3A_320 = tpu.memref_squeeze %dma_start3A_319 : memref<1x512xi32, #tpu.memory_space<vmem>> -> memref<512xi32, #tpu.memory_space<vmem>>
    %dma_start3A_321 = arith.constant 0 : i32
    %dma_start3A_322 = tpu.memref_slice %arg2[%dma_start3A_321] : memref<131072xi32, #tpu.memory_space<hbm>> -> memref<512xi32, #tpu.memory_space<hbm>>
    tpu.enqueue_dma source(%dma_start3A_322 : memref<512xi32, #tpu.memory_space<hbm>>) target(%dma_start3A_320 : memref<512xi32, #tpu.memory_space<vmem>>) target_semaphore(%arg9 : memref<!tpu.dma_semaphore, #tpu.memory_space<semaphore_mem>>)
    %dma_start3A_323 = arith.constant 1 : i32
    %dma_start3A_324 = arith.constant 0 : i32
    %dma_start3A_325 = tpu.memref_slice %arg7[%dma_start3A_323, %dma_start3A_324] : memref<4x512xi32, #tpu.memory_space<vmem>> -> memref<1x512xi32, #tpu.memory_space<vmem>>
    %dma_start3A_326 = tpu.memref_squeeze %dma_start3A_325 : memref<1x512xi32, #tpu.memory_space<vmem>> -> memref<512xi32, #tpu.memory_space<vmem>>
    %dma_start3A_327 = arith.constant 512 : i32
    %dma_start3A_328 = tpu.memref_slice %arg2[%dma_start3A_327] : memref<131072xi32, #tpu.memory_space<hbm>> -> memref<512xi32, #tpu.memory_space<hbm>>
    %dma_start3A_329 = arith.constant 0 : i32
    %dma_start3A_330 = tpu.memref_slice %arg7[%dma_start3A_323, %dma_start3A_329] : memref<4x512xi32, #tpu.memory_space<vmem>> -> memref<1x512xi32, #tpu.memory_space<vmem>>
    %dma_start3A_331 = tpu.memref_squeeze %dma_start3A_330 : memref<1x512xi32, #tpu.memory_space<vmem>> -> memref<512xi32, #tpu.memory_space<vmem>>
    %dma_start3A_332 = arith.constant 512 : i32
    %dma_start3A_333 = tpu.memref_slice %arg2[%dma_start3A_332] : memref<131072xi32, #tpu.memory_space<hbm>> -> memref<512xi32, #tpu.memory_space<hbm>>
    tpu.enqueue_dma source(%dma_start3A_333 : memref<512xi32, #tpu.memory_space<hbm>>) target(%dma_start3A_331 : memref<512xi32, #tpu.memory_space<vmem>>) target_semaphore(%arg10 : memref<!tpu.dma_semaphore, #tpu.memory_space<semaphore_mem>>)
    %dma_start3A_334 = arith.constant 2 : i32
    %dma_start3A_335 = arith.constant 0 : i32
    %dma_start3A_336 = tpu.memref_slice %arg7[%dma_start3A_334, %dma_start3A_335] : memref<4x512xi32, #tpu.memory_space<vmem>> -> memref<1x512xi32, #tpu.memory_space<vmem>>
    %dma_start3A_337 = tpu.memref_squeeze %dma_start3A_336 : memref<1x512xi32, #tpu.memory_space<vmem>> -> memref<512xi32, #tpu.memory_space<vmem>>
    %dma_start3A_338 = arith.constant 1024 : i32
    %dma_start3A_339 = tpu.memref_slice %arg2[%dma_start3A_338] : memref<131072xi32, #tpu.memory_space<hbm>> -> memref<512xi32, #tpu.memory_space<hbm>>
    %dma_start3A_340 = arith.constant 0 : i32
    %dma_start3A_341 = tpu.memref_slice %arg7[%dma_start3A_334, %dma_start3A_340] : memref<4x512xi32, #tpu.memory_space<vmem>> -> memref<1x512xi32, #tpu.memory_space<vmem>>
    %dma_start3A_342 = tpu.memref_squeeze %dma_start3A_341 : memref<1x512xi32, #tpu.memory_space<vmem>> -> memref<512xi32, #tpu.memory_space<vmem>>
    %dma_start3A_343 = arith.constant 1024 : i32
    %dma_start3A_344 = tpu.memref_slice %arg2[%dma_start3A_343] : memref<131072xi32, #tpu.memory_space<hbm>> -> memref<512xi32, #tpu.memory_space<hbm>>
    tpu.enqueue_dma source(%dma_start3A_344 : memref<512xi32, #tpu.memory_space<hbm>>) target(%dma_start3A_342 : memref<512xi32, #tpu.memory_space<vmem>>) target_semaphore(%arg11 : memref<!tpu.dma_semaphore, #tpu.memory_space<semaphore_mem>>)
    %dma_start3A_345 = arith.constant 3 : i32
    %dma_start3A_346 = arith.constant 0 : i32
    %dma_start3A_347 = tpu.memref_slice %arg7[%dma_start3A_345, %dma_start3A_346] : memref<4x512xi32, #tpu.memory_space<vmem>> -> memref<1x512xi32, #tpu.memory_space<vmem>>
    %dma_start3A_348 = tpu.memref_squeeze %dma_start3A_347 : memref<1x512xi32, #tpu.memory_space<vmem>> -> memref<512xi32, #tpu.memory_space<vmem>>
    %dma_start3A_349 = arith.constant 1536 : i32
    %dma_start3A_350 = tpu.memref_slice %arg2[%dma_start3A_349] : memref<131072xi32, #tpu.memory_space<hbm>> -> memref<512xi32, #tpu.memory_space<hbm>>
    %dma_start3A_351 = arith.constant 0 : i32
    %dma_start3A_352 = tpu.memref_slice %arg7[%dma_start3A_345, %dma_start3A_351] : memref<4x512xi32, #tpu.memory_space<vmem>> -> memref<1x512xi32, #tpu.memory_space<vmem>>
    %dma_start3A_353 = tpu.memref_squeeze %dma_start3A_352 : memref<1x512xi32, #tpu.memory_space<vmem>> -> memref<512xi32, #tpu.memory_space<vmem>>
    %dma_start3A_354 = arith.constant 1536 : i32
    %dma_start3A_355 = tpu.memref_slice %arg2[%dma_start3A_354] : memref<131072xi32, #tpu.memory_space<hbm>> -> memref<512xi32, #tpu.memory_space<hbm>>
    tpu.enqueue_dma source(%dma_start3A_355 : memref<512xi32, #tpu.memory_space<hbm>>) target(%dma_start3A_353 : memref<512xi32, #tpu.memory_space<vmem>>) target_semaphore(%arg12 : memref<!tpu.dma_semaphore, #tpu.memory_space<semaphore_mem>>)
    %scan3A_356 = arith.constant 0 : i32
    %scan3A_357 = arith.constant 0 : i32
    %scan3A_358 = arith.constant 64 : i32
    %scan3A_359 = arith.addi %scan3A_357, %scan3A_358 : i32
    %scan3A_360 = arith.constant 1 : i32
    scf.for %scan3A_418 = %scan3A_357 to %scan3A_359 step %scan3A_360  : i32 {
      %mul3A_419 = arith.constant 4 : i32
      %mul3A_420 = arith.muli %scan3A_418, %mul3A_419 : i32
      %add3A_421 = arith.constant 0 : i32
      %add3A_422 = arith.addi %mul3A_420, %add3A_421 : i32
      %dma_wait3A_423 = arith.constant 0 : i32
      %dma_wait3A_424 = arith.constant 0 : i32
      %dma_wait3A_425 = tpu.memref_slice %arg7[%dma_wait3A_423, %dma_wait3A_424] : memref<4x512xi32, #tpu.memory_space<vmem>> -> memref<1x512xi32, #tpu.memory_space<vmem>>
      %dma_wait3A_426 = tpu.memref_squeeze %dma_wait3A_425 : memref<1x512xi32, #tpu.memory_space<vmem>> -> memref<512xi32, #tpu.memory_space<vmem>>
      %dma_wait3A_427 = arith.constant 0 : i32
      %dma_wait3A_428 = tpu.memref_slice %arg2[%dma_wait3A_427] : memref<131072xi32, #tpu.memory_space<hbm>> -> memref<512xi32, #tpu.memory_space<hbm>>
      %dma_wait3A_429 = arith.constant 0 : i32
      %dma_wait3A_430 = tpu.memref_slice %arg7[%dma_wait3A_423, %dma_wait3A_429] : memref<4x512xi32, #tpu.memory_space<vmem>> -> memref<1x512xi32, #tpu.memory_space<vmem>>
      %dma_wait3A_431 = tpu.memref_squeeze %dma_wait3A_430 : memref<1x512xi32, #tpu.memory_space<vmem>> -> memref<512xi32, #tpu.memory_space<vmem>>
      %dma_wait3A_432 = arith.constant 0 : i32
      %dma_wait3A_433 = tpu.memref_slice %arg2[%dma_wait3A_432] : memref<131072xi32, #tpu.memory_space<hbm>> -> memref<512xi32, #tpu.memory_space<hbm>>
      tpu.wait_dma2 semaphore(%arg9 : memref<!tpu.dma_semaphore, #tpu.memory_space<semaphore_mem>>) src(%dma_wait3A_433 : memref<512xi32, #tpu.memory_space<hbm>>) dst(%dma_wait3A_431 : memref<512xi32, #tpu.memory_space<vmem>>)
      %ge3A = arith.constant 4 : i32
      %ge3A_434 = arith.cmpi sge, %add3A_422, %ge3A : i32
      %convert_element_type3A = arith.extui %ge3A_434 : i1 to i32
      %cond3A = arith.constant 0 : i32
      %cond3A_435 = arith.cmpi ne, %convert_element_type3A, %cond3A : i32
      scf.if %cond3A_435 {
        %dma_wait3A_586 = arith.constant 0 : i32
        %dma_wait3A_587 = arith.constant 0 : i32
        %dma_wait3A_588 = arith.constant 0 : i32
        %dma_wait3A_589 = tpu.memref_slice %arg8[%dma_wait3A_586, %dma_wait3A_588] : memref<4x512xf32, #tpu.memory_space<vmem>> -> memref<1x512xf32, #tpu.memory_space<vmem>>
        %dma_wait3A_590 = tpu.memref_squeeze %dma_wait3A_589 : memref<1x512xf32, #tpu.memory_space<vmem>> -> memref<512xf32, #tpu.memory_space<vmem>>
        %dma_wait3A_591 = arith.constant 0 : i32
        %dma_wait3A_592 = tpu.memref_slice %arg5[%dma_wait3A_587, %dma_wait3A_591] : memref<64x131072xf32, #tpu.memory_space<hbm>> -> memref<1x512xf32, #tpu.memory_space<hbm>>
        %dma_wait3A_593 = tpu.memref_squeeze %dma_wait3A_592 : memref<1x512xf32, #tpu.memory_space<hbm>> -> memref<512xf32, #tpu.memory_space<hbm>>
        %dma_wait3A_594 = arith.constant 0 : i32
        %dma_wait3A_595 = tpu.memref_slice %arg5[%dma_wait3A_587, %dma_wait3A_594] : memref<64x131072xf32, #tpu.memory_space<hbm>> -> memref<1x512xf32, #tpu.memory_space<hbm>>
        %dma_wait3A_596 = tpu.memref_squeeze %dma_wait3A_595 : memref<1x512xf32, #tpu.memory_space<hbm>> -> memref<512xf32, #tpu.memory_space<hbm>>
        %dma_wait3A_597 = arith.constant 0 : i32
        %dma_wait3A_598 = tpu.memref_slice %arg8[%dma_wait3A_586, %dma_wait3A_597] : memref<4x512xf32, #tpu.memory_space<vmem>> -> memref<1x512xf32, #tpu.memory_space<vmem>>
        %dma_wait3A_599 = tpu.memref_squeeze %dma_wait3A_598 : memref<1x512xf32, #tpu.memory_space<vmem>> -> memref<512xf32, #tpu.memory_space<vmem>>
        tpu.wait_dma2 semaphore(%arg13 : memref<!tpu.dma_semaphore, #tpu.memory_space<semaphore_mem>>) src(%dma_wait3A_599 : memref<512xf32, #tpu.memory_space<vmem>>) dst(%dma_wait3A_596 : memref<512xf32, #tpu.memory_space<hbm>>)
      } else {
      }
      %parallel_loop3A = arith.constant 0 : i32
      %parallel_loop3A_436 = arith.constant 512 : i32
      %parallel_loop3A_437 = arith.constant 16 : i32
      scf.for %parallel_loop3A_586 = %parallel_loop3A to %parallel_loop3A_436 step %parallel_loop3A_437  : i32 {
        %parallel_loop3A_587 = arith.constant 0 : i32
        %parallel_loop3A_588 = arith.index_cast %parallel_loop3A_587 : i32 to index
        %parallel_loop3A_589 = arith.index_cast %parallel_loop3A_586 : i32 to index
        %parallel_loop3A_590 = tpu.vector_load %arg7[%parallel_loop3A_588, %parallel_loop3A_589] {strides = array<i32>} : memref<4x512xi32, #tpu.memory_space<vmem>>, vector<16xi32>,
        %parallel_loop3A_591 = tpu.vector_load_idx %arg6[%parallel_loop3A_590] : memref<125056xf32, #tpu.memory_space<vmem>>[vector<16xi32>], vector<16xf32>,
        %parallel_loop3A_592 = arith.constant 0 : i32
        %parallel_loop3A_593 = arith.index_cast %parallel_loop3A_592 : i32 to index
        %parallel_loop3A_594 = arith.index_cast %parallel_loop3A_586 : i32 to index
        %parallel_loop3A_595 = tpu.vector_load %arg8[%parallel_loop3A_593, %parallel_loop3A_594] {strides = array<i32>} : memref<4x512xf32, #tpu.memory_space<vmem>>, vector<16xf32>,
        tpu.vector_store %arg8[%parallel_loop3A_593, %parallel_loop3A_594], %parallel_loop3A_591 {strides = array<i32>} : memref<4x512xf32, #tpu.memory_space<vmem>>, vector<16xf32>,
      } {sc.loop_unroll_factor = 16 : i64, sc.parallel_access}
      %mul3A_438 = arith.constant 512 : i32
      %mul3A_439 = arith.muli %add3A_422, %mul3A_438 : i32
      %dma_start3A_440 = arith.constant 0 : i32
      %dma_start3A_441 = arith.constant 0 : i32
      %dma_start3A_442 = tpu.memref_slice %arg8[%dma_start3A_440, %dma_start3A_441] : memref<4x512xf32, #tpu.memory_space<vmem>> -> memref<1x512xf32, #tpu.memory_space<vmem>>
      %dma_start3A_443 = tpu.memref_squeeze %dma_start3A_442 : memref<1x512xf32, #tpu.memory_space<vmem>> -> memref<512xf32, #tpu.memory_space<vmem>>
      %dma_start3A_444 = tpu.memref_slice %arg5[%add3A_209, %mul3A_439] : memref<64x131072xf32, #tpu.memory_space<hbm>> -> memref<1x512xf32, #tpu.memory_space<hbm>>
      %dma_start3A_445 = tpu.memref_squeeze %dma_start3A_444 : memref<1x512xf32, #tpu.memory_space<hbm>> -> memref<512xf32, #tpu.memory_space<hbm>>
      %dma_start3A_446 = tpu.memref_slice %arg5[%add3A_209, %mul3A_439] : memref<64x131072xf32, #tpu.memory_space<hbm>> -> memref<1x512xf32, #tpu.memory_space<hbm>>
      %dma_start3A_447 = tpu.memref_squeeze %dma_start3A_446 : memref<1x512xf32, #tpu.memory_space<hbm>> -> memref<512xf32, #tpu.memory_space<hbm>>
      %dma_start3A_448 = arith.constant 0 : i32
      %dma_start3A_449 = tpu.memref_slice %arg8[%dma_start3A_440, %dma_start3A_448] : memref<4x512xf32, #tpu.memory_space<vmem>> -> memref<1x512xf32, #tpu.memory_space<vmem>>
      %dma_start3A_450 = tpu.memref_squeeze %dma_start3A_449 : memref<1x512xf32, #tpu.memory_space<vmem>> -> memref<512xf32, #tpu.memory_space<vmem>>
      tpu.enqueue_dma source(%dma_start3A_450 : memref<512xf32, #tpu.memory_space<vmem>>) target(%dma_start3A_447 : memref<512xf32, #tpu.memory_space<hbm>>) target_semaphore(%arg13 : memref<!tpu.dma_semaphore, #tpu.memory_space<semaphore_mem>>)
      %add3A_451 = arith.constant 4 : i32
      %add3A_452 = arith.addi %add3A_422, %add3A_451 : i32
      %lt3A = arith.constant 256 : i32
      %lt3A_453 = arith.cmpi slt, %add3A_452, %lt3A : i32
      %convert_element_type3A_454 = arith.extui %lt3A_453 : i1 to i32
      %cond3A_455 = arith.constant 0 : i32
      %cond3A_456 = arith.cmpi ne, %convert_element_type3A_454, %cond3A_455 : i32
      scf.if %cond3A_456 {
        %add3A_586 = arith.constant 4 : i32
        %add3A_587 = arith.addi %add3A_422, %add3A_586 : i32
        %mul3A_588 = arith.constant 512 : i32
        %mul3A_589 = arith.muli %add3A_587, %mul3A_588 : i32
        %dma_start3A_590 = arith.constant 0 : i32
        %dma_start3A_591 = arith.constant 0 : i32
        %dma_start3A_592 = tpu.memref_slice %arg7[%dma_start3A_590, %dma_start3A_591] : memref<4x512xi32, #tpu.memory_space<vmem>> -> memref<1x512xi32, #tpu.memory_space<vmem>>
        %dma_start3A_593 = tpu.memref_squeeze %dma_start3A_592 : memref<1x512xi32, #tpu.memory_space<vmem>> -> memref<512xi32, #tpu.memory_space<vmem>>
        %dma_start3A_594 = tpu.memref_slice %arg2[%mul3A_589] : memref<131072xi32, #tpu.memory_space<hbm>> -> memref<512xi32, #tpu.memory_space<hbm>>
        %dma_start3A_595 = arith.constant 0 : i32
        %dma_start3A_596 = tpu.memref_slice %arg7[%dma_start3A_590, %dma_start3A_595] : memref<4x512xi32, #tpu.memory_space<vmem>> -> memref<1x512xi32, #tpu.memory_space<vmem>>
        %dma_start3A_597 = tpu.memref_squeeze %dma_start3A_596 : memref<1x512xi32, #tpu.memory_space<vmem>> -> memref<512xi32, #tpu.memory_space<vmem>>
        %dma_start3A_598 = tpu.memref_slice %arg2[%mul3A_589] : memref<131072xi32, #tpu.memory_space<hbm>> -> memref<512xi32, #tpu.memory_space<hbm>>
        tpu.enqueue_dma source(%dma_start3A_598 : memref<512xi32, #tpu.memory_space<hbm>>) target(%dma_start3A_597 : memref<512xi32, #tpu.memory_space<vmem>>) target_semaphore(%arg9 : memref<!tpu.dma_semaphore, #tpu.memory_space<semaphore_mem>>)
      } else {
      }
      %mul3A_457 = arith.constant 4 : i32
      %mul3A_458 = arith.muli %scan3A_418, %mul3A_457 : i32
      %add3A_459 = arith.constant 1 : i32
      %add3A_460 = arith.addi %mul3A_458, %add3A_459 : i32
      %dma_wait3A_461 = arith.constant 1 : i32
      %dma_wait3A_462 = arith.constant 0 : i32
      %dma_wait3A_463 = tpu.memref_slice %arg7[%dma_wait3A_461, %dma_wait3A_462] : memref<4x512xi32, #tpu.memory_space<vmem>> -> memref<1x512xi32, #tpu.memory_space<vmem>>
      %dma_wait3A_464 = tpu.memref_squeeze %dma_wait3A_463 : memref<1x512xi32, #tpu.memory_space<vmem>> -> memref<512xi32, #tpu.memory_space<vmem>>
      %dma_wait3A_465 = arith.constant 0 : i32
      %dma_wait3A_466 = tpu.memref_slice %arg2[%dma_wait3A_465] : memref<131072xi32, #tpu.memory_space<hbm>> -> memref<512xi32, #tpu.memory_space<hbm>>
      %dma_wait3A_467 = arith.constant 0 : i32
      %dma_wait3A_468 = tpu.memref_slice %arg7[%dma_wait3A_461, %dma_wait3A_467] : memref<4x512xi32, #tpu.memory_space<vmem>> -> memref<1x512xi32, #tpu.memory_space<vmem>>
      %dma_wait3A_469 = tpu.memref_squeeze %dma_wait3A_468 : memref<1x512xi32, #tpu.memory_space<vmem>> -> memref<512xi32, #tpu.memory_space<vmem>>
      %dma_wait3A_470 = arith.constant 0 : i32
      %dma_wait3A_471 = tpu.memref_slice %arg2[%dma_wait3A_470] : memref<131072xi32, #tpu.memory_space<hbm>> -> memref<512xi32, #tpu.memory_space<hbm>>
      tpu.wait_dma2 semaphore(%arg10 : memref<!tpu.dma_semaphore, #tpu.memory_space<semaphore_mem>>) src(%dma_wait3A_471 : memref<512xi32, #tpu.memory_space<hbm>>) dst(%dma_wait3A_469 : memref<512xi32, #tpu.memory_space<vmem>>)
      %ge3A_472 = arith.constant 4 : i32
      %ge3A_473 = arith.cmpi sge, %add3A_460, %ge3A_472 : i32
      %convert_element_type3A_474 = arith.extui %ge3A_473 : i1 to i32
      %cond3A_475 = arith.constant 0 : i32
      %cond3A_476 = arith.cmpi ne, %convert_element_type3A_474, %cond3A_475 : i32
      scf.if %cond3A_476 {
        %dma_wait3A_586 = arith.constant 1 : i32
        %dma_wait3A_587 = arith.constant 0 : i32
        %dma_wait3A_588 = arith.constant 0 : i32
        %dma_wait3A_589 = tpu.memref_slice %arg8[%dma_wait3A_586, %dma_wait3A_588] : memref<4x512xf32, #tpu.memory_space<vmem>> -> memref<1x512xf32, #tpu.memory_space<vmem>>
        %dma_wait3A_590 = tpu.memref_squeeze %dma_wait3A_589 : memref<1x512xf32, #tpu.memory_space<vmem>> -> memref<512xf32, #tpu.memory_space<vmem>>
        %dma_wait3A_591 = arith.constant 0 : i32
        %dma_wait3A_592 = tpu.memref_slice %arg5[%dma_wait3A_587, %dma_wait3A_591] : memref<64x131072xf32, #tpu.memory_space<hbm>> -> memref<1x512xf32, #tpu.memory_space<hbm>>
        %dma_wait3A_593 = tpu.memref_squeeze %dma_wait3A_592 : memref<1x512xf32, #tpu.memory_space<hbm>> -> memref<512xf32, #tpu.memory_space<hbm>>
        %dma_wait3A_594 = arith.constant 0 : i32
        %dma_wait3A_595 = tpu.memref_slice %arg5[%dma_wait3A_587, %dma_wait3A_594] : memref<64x131072xf32, #tpu.memory_space<hbm>> -> memref<1x512xf32, #tpu.memory_space<hbm>>
        %dma_wait3A_596 = tpu.memref_squeeze %dma_wait3A_595 : memref<1x512xf32, #tpu.memory_space<hbm>> -> memref<512xf32, #tpu.memory_space<hbm>>
        %dma_wait3A_597 = arith.constant 0 : i32
        %dma_wait3A_598 = tpu.memref_slice %arg8[%dma_wait3A_586, %dma_wait3A_597] : memref<4x512xf32, #tpu.memory_space<vmem>> -> memref<1x512xf32, #tpu.memory_space<vmem>>
        %dma_wait3A_599 = tpu.memref_squeeze %dma_wait3A_598 : memref<1x512xf32, #tpu.memory_space<vmem>> -> memref<512xf32, #tpu.memory_space<vmem>>
        tpu.wait_dma2 semaphore(%arg14 : memref<!tpu.dma_semaphore, #tpu.memory_space<semaphore_mem>>) src(%dma_wait3A_599 : memref<512xf32, #tpu.memory_space<vmem>>) dst(%dma_wait3A_596 : memref<512xf32, #tpu.memory_space<hbm>>)
      } else {
      }
      %parallel_loop3A_477 = arith.constant 0 : i32
      %parallel_loop3A_478 = arith.constant 512 : i32
      %parallel_loop3A_479 = arith.constant 16 : i32
      scf.for %parallel_loop3A_586 = %parallel_loop3A_477 to %parallel_loop3A_478 step %parallel_loop3A_479  : i32 {
        %parallel_loop3A_587 = arith.constant 1 : i32
        %parallel_loop3A_588 = arith.index_cast %parallel_loop3A_587 : i32 to index
        %parallel_loop3A_589 = arith.index_cast %parallel_loop3A_586 : i32 to index
        %parallel_loop3A_590 = tpu.vector_load %arg7[%parallel_loop3A_588, %parallel_loop3A_589] {strides = array<i32>} : memref<4x512xi32, #tpu.memory_space<vmem>>, vector<16xi32>,
        %parallel_loop3A_591 = tpu.vector_load_idx %arg6[%parallel_loop3A_590] : memref<125056xf32, #tpu.memory_space<vmem>>[vector<16xi32>], vector<16xf32>,
        %parallel_loop3A_592 = arith.constant 1 : i32
        %parallel_loop3A_593 = arith.index_cast %parallel_loop3A_592 : i32 to index
        %parallel_loop3A_594 = arith.index_cast %parallel_loop3A_586 : i32 to index
        %parallel_loop3A_595 = tpu.vector_load %arg8[%parallel_loop3A_593, %parallel_loop3A_594] {strides = array<i32>} : memref<4x512xf32, #tpu.memory_space<vmem>>, vector<16xf32>,
        tpu.vector_store %arg8[%parallel_loop3A_593, %parallel_loop3A_594], %parallel_loop3A_591 {strides = array<i32>} : memref<4x512xf32, #tpu.memory_space<vmem>>, vector<16xf32>,
      } {sc.loop_unroll_factor = 16 : i64, sc.parallel_access}
      %mul3A_480 = arith.constant 512 : i32
      %mul3A_481 = arith.muli %add3A_460, %mul3A_480 : i32
      %dma_start3A_482 = arith.constant 1 : i32
      %dma_start3A_483 = arith.constant 0 : i32
      %dma_start3A_484 = tpu.memref_slice %arg8[%dma_start3A_482, %dma_start3A_483] : memref<4x512xf32, #tpu.memory_space<vmem>> -> memref<1x512xf32, #tpu.memory_space<vmem>>
      %dma_start3A_485 = tpu.memref_squeeze %dma_start3A_484 : memref<1x512xf32, #tpu.memory_space<vmem>> -> memref<512xf32, #tpu.memory_space<vmem>>
      %dma_start3A_486 = tpu.memref_slice %arg5[%add3A_209, %mul3A_481] : memref<64x131072xf32, #tpu.memory_space<hbm>> -> memref<1x512xf32, #tpu.memory_space<hbm>>
      %dma_start3A_487 = tpu.memref_squeeze %dma_start3A_486 : memref<1x512xf32, #tpu.memory_space<hbm>> -> memref<512xf32, #tpu.memory_space<hbm>>
      %dma_start3A_488 = tpu.memref_slice %arg5[%add3A_209, %mul3A_481] : memref<64x131072xf32, #tpu.memory_space<hbm>> -> memref<1x512xf32, #tpu.memory_space<hbm>>
      %dma_start3A_489 = tpu.memref_squeeze %dma_start3A_488 : memref<1x512xf32, #tpu.memory_space<hbm>> -> memref<512xf32, #tpu.memory_space<hbm>>
      %dma_start3A_490 = arith.constant 0 : i32
      %dma_start3A_491 = tpu.memref_slice %arg8[%dma_start3A_482, %dma_start3A_490] : memref<4x512xf32, #tpu.memory_space<vmem>> -> memref<1x512xf32, #tpu.memory_space<vmem>>
      %dma_start3A_492 = tpu.memref_squeeze %dma_start3A_491 : memref<1x512xf32, #tpu.memory_space<vmem>> -> memref<512xf32, #tpu.memory_space<vmem>>
      tpu.enqueue_dma source(%dma_start3A_492 : memref<512xf32, #tpu.memory_space<vmem>>) target(%dma_start3A_489 : memref<512xf32, #tpu.memory_space<hbm>>) target_semaphore(%arg14 : memref<!tpu.dma_semaphore, #tpu.memory_space<semaphore_mem>>)
      %add3A_493 = arith.constant 4 : i32
      %add3A_494 = arith.addi %add3A_460, %add3A_493 : i32
      %lt3A_495 = arith.constant 256 : i32
      %lt3A_496 = arith.cmpi slt, %add3A_494, %lt3A_495 : i32
      %convert_element_type3A_497 = arith.extui %lt3A_496 : i1 to i32
      %cond3A_498 = arith.constant 0 : i32
      %cond3A_499 = arith.cmpi ne, %convert_element_type3A_497, %cond3A_498 : i32
      scf.if %cond3A_499 {
        %add3A_586 = arith.constant 4 : i32
        %add3A_587 = arith.addi %add3A_460, %add3A_586 : i32
        %mul3A_588 = arith.constant 512 : i32
        %mul3A_589 = arith.muli %add3A_587, %mul3A_588 : i32
        %dma_start3A_590 = arith.constant 1 : i32
        %dma_start3A_591 = arith.constant 0 : i32
        %dma_start3A_592 = tpu.memref_slice %arg7[%dma_start3A_590, %dma_start3A_591] : memref<4x512xi32, #tpu.memory_space<vmem>> -> memref<1x512xi32, #tpu.memory_space<vmem>>
        %dma_start3A_593 = tpu.memref_squeeze %dma_start3A_592 : memref<1x512xi32, #tpu.memory_space<vmem>> -> memref<512xi32, #tpu.memory_space<vmem>>
        %dma_start3A_594 = tpu.memref_slice %arg2[%mul3A_589] : memref<131072xi32, #tpu.memory_space<hbm>> -> memref<512xi32, #tpu.memory_space<hbm>>
        %dma_start3A_595 = arith.constant 0 : i32
        %dma_start3A_596 = tpu.memref_slice %arg7[%dma_start3A_590, %dma_start3A_595] : memref<4x512xi32, #tpu.memory_space<vmem>> -> memref<1x512xi32, #tpu.memory_space<vmem>>
        %dma_start3A_597 = tpu.memref_squeeze %dma_start3A_596 : memref<1x512xi32, #tpu.memory_space<vmem>> -> memref<512xi32, #tpu.memory_space<vmem>>
        %dma_start3A_598 = tpu.memref_slice %arg2[%mul3A_589] : memref<131072xi32, #tpu.memory_space<hbm>> -> memref<512xi32, #tpu.memory_space<hbm>>
        tpu.enqueue_dma source(%dma_start3A_598 : memref<512xi32, #tpu.memory_space<hbm>>) target(%dma_start3A_597 : memref<512xi32, #tpu.memory_space<vmem>>) target_semaphore(%arg10 : memref<!tpu.dma_semaphore, #tpu.memory_space<semaphore_mem>>)
      } else {
      }
      %mul3A_500 = arith.constant 4 : i32
      %mul3A_501 = arith.muli %scan3A_418, %mul3A_500 : i32
      %add3A_502 = arith.constant 2 : i32
      %add3A_503 = arith.addi %mul3A_501, %add3A_502 : i32
      %dma_wait3A_504 = arith.constant 2 : i32
      %dma_wait3A_505 = arith.constant 0 : i32
      %dma_wait3A_506 = tpu.memref_slice %arg7[%dma_wait3A_504, %dma_wait3A_505] : memref<4x512xi32, #tpu.memory_space<vmem>> -> memref<1x512xi32, #tpu.memory_space<vmem>>
      %dma_wait3A_507 = tpu.memref_squeeze %dma_wait3A_506 : memref<1x512xi32, #tpu.memory_space<vmem>> -> memref<512xi32, #tpu.memory_space<vmem>>
      %dma_wait3A_508 = arith.constant 0 : i32
      %dma_wait3A_509 = tpu.memref_slice %arg2[%dma_wait3A_508] : memref<131072xi32, #tpu.memory_space<hbm>> -> memref<512xi32, #tpu.memory_space<hbm>>
      %dma_wait3A_510 = arith.constant 0 : i32
      %dma_wait3A_511 = tpu.memref_slice %arg7[%dma_wait3A_504, %dma_wait3A_510] : memref<4x512xi32, #tpu.memory_space<vmem>> -> memref<1x512xi32, #tpu.memory_space<vmem>>
      %dma_wait3A_512 = tpu.memref_squeeze %dma_wait3A_511 : memref<1x512xi32, #tpu.memory_space<vmem>> -> memref<512xi32, #tpu.memory_space<vmem>>
      %dma_wait3A_513 = arith.constant 0 : i32
      %dma_wait3A_514 = tpu.memref_slice %arg2[%dma_wait3A_513] : memref<131072xi32, #tpu.memory_space<hbm>> -> memref<512xi32, #tpu.memory_space<hbm>>
      tpu.wait_dma2 semaphore(%arg11 : memref<!tpu.dma_semaphore, #tpu.memory_space<semaphore_mem>>) src(%dma_wait3A_514 : memref<512xi32, #tpu.memory_space<hbm>>) dst(%dma_wait3A_512 : memref<512xi32, #tpu.memory_space<vmem>>)
      %ge3A_515 = arith.constant 4 : i32
      %ge3A_516 = arith.cmpi sge, %add3A_503, %ge3A_515 : i32
      %convert_element_type3A_517 = arith.extui %ge3A_516 : i1 to i32
      %cond3A_518 = arith.constant 0 : i32
      %cond3A_519 = arith.cmpi ne, %convert_element_type3A_517, %cond3A_518 : i32
      scf.if %cond3A_519 {
        %dma_wait3A_586 = arith.constant 2 : i32
        %dma_wait3A_587 = arith.constant 0 : i32
        %dma_wait3A_588 = arith.constant 0 : i32
        %dma_wait3A_589 = tpu.memref_slice %arg8[%dma_wait3A_586, %dma_wait3A_588] : memref<4x512xf32, #tpu.memory_space<vmem>> -> memref<1x512xf32, #tpu.memory_space<vmem>>
        %dma_wait3A_590 = tpu.memref_squeeze %dma_wait3A_589 : memref<1x512xf32, #tpu.memory_space<vmem>> -> memref<512xf32, #tpu.memory_space<vmem>>
        %dma_wait3A_591 = arith.constant 0 : i32
        %dma_wait3A_592 = tpu.memref_slice %arg5[%dma_wait3A_587, %dma_wait3A_591] : memref<64x131072xf32, #tpu.memory_space<hbm>> -> memref<1x512xf32, #tpu.memory_space<hbm>>
        %dma_wait3A_593 = tpu.memref_squeeze %dma_wait3A_592 : memref<1x512xf32, #tpu.memory_space<hbm>> -> memref<512xf32, #tpu.memory_space<hbm>>
        %dma_wait3A_594 = arith.constant 0 : i32
        %dma_wait3A_595 = tpu.memref_slice %arg5[%dma_wait3A_587, %dma_wait3A_594] : memref<64x131072xf32, #tpu.memory_space<hbm>> -> memref<1x512xf32, #tpu.memory_space<hbm>>
        %dma_wait3A_596 = tpu.memref_squeeze %dma_wait3A_595 : memref<1x512xf32, #tpu.memory_space<hbm>> -> memref<512xf32, #tpu.memory_space<hbm>>
        %dma_wait3A_597 = arith.constant 0 : i32
        %dma_wait3A_598 = tpu.memref_slice %arg8[%dma_wait3A_586, %dma_wait3A_597] : memref<4x512xf32, #tpu.memory_space<vmem>> -> memref<1x512xf32, #tpu.memory_space<vmem>>
        %dma_wait3A_599 = tpu.memref_squeeze %dma_wait3A_598 : memref<1x512xf32, #tpu.memory_space<vmem>> -> memref<512xf32, #tpu.memory_space<vmem>>
        tpu.wait_dma2 semaphore(%arg15 : memref<!tpu.dma_semaphore, #tpu.memory_space<semaphore_mem>>) src(%dma_wait3A_599 : memref<512xf32, #tpu.memory_space<vmem>>) dst(%dma_wait3A_596 : memref<512xf32, #tpu.memory_space<hbm>>)
      } else {
      }
      %parallel_loop3A_520 = arith.constant 0 : i32
      %parallel_loop3A_521 = arith.constant 512 : i32
      %parallel_loop3A_522 = arith.constant 16 : i32
      scf.for %parallel_loop3A_586 = %parallel_loop3A_520 to %parallel_loop3A_521 step %parallel_loop3A_522  : i32 {
        %parallel_loop3A_587 = arith.constant 2 : i32
        %parallel_loop3A_588 = arith.index_cast %parallel_loop3A_587 : i32 to index
        %parallel_loop3A_589 = arith.index_cast %parallel_loop3A_586 : i32 to index
        %parallel_loop3A_590 = tpu.vector_load %arg7[%parallel_loop3A_588, %parallel_loop3A_589] {strides = array<i32>} : memref<4x512xi32, #tpu.memory_space<vmem>>, vector<16xi32>,
        %parallel_loop3A_591 = tpu.vector_load_idx %arg6[%parallel_loop3A_590] : memref<125056xf32, #tpu.memory_space<vmem>>[vector<16xi32>], vector<16xf32>,
        %parallel_loop3A_592 = arith.constant 2 : i32
        %parallel_loop3A_593 = arith.index_cast %parallel_loop3A_592 : i32 to index
        %parallel_loop3A_594 = arith.index_cast %parallel_loop3A_586 : i32 to index
        %parallel_loop3A_595 = tpu.vector_load %arg8[%parallel_loop3A_593, %parallel_loop3A_594] {strides = array<i32>} : memref<4x512xf32, #tpu.memory_space<vmem>>, vector<16xf32>,
        tpu.vector_store %arg8[%parallel_loop3A_593, %parallel_loop3A_594], %parallel_loop3A_591 {strides = array<i32>} : memref<4x512xf32, #tpu.memory_space<vmem>>, vector<16xf32>,
      } {sc.loop_unroll_factor = 16 : i64, sc.parallel_access}
      %mul3A_523 = arith.constant 512 : i32
      %mul3A_524 = arith.muli %add3A_503, %mul3A_523 : i32
      %dma_start3A_525 = arith.constant 2 : i32
      %dma_start3A_526 = arith.constant 0 : i32
      %dma_start3A_527 = tpu.memref_slice %arg8[%dma_start3A_525, %dma_start3A_526] : memref<4x512xf32, #tpu.memory_space<vmem>> -> memref<1x512xf32, #tpu.memory_space<vmem>>
      %dma_start3A_528 = tpu.memref_squeeze %dma_start3A_527 : memref<1x512xf32, #tpu.memory_space<vmem>> -> memref<512xf32, #tpu.memory_space<vmem>>
      %dma_start3A_529 = tpu.memref_slice %arg5[%add3A_209, %mul3A_524] : memref<64x131072xf32, #tpu.memory_space<hbm>> -> memref<1x512xf32, #tpu.memory_space<hbm>>
      %dma_start3A_530 = tpu.memref_squeeze %dma_start3A_529 : memref<1x512xf32, #tpu.memory_space<hbm>> -> memref<512xf32, #tpu.memory_space<hbm>>
      %dma_start3A_531 = tpu.memref_slice %arg5[%add3A_209, %mul3A_524] : memref<64x131072xf32, #tpu.memory_space<hbm>> -> memref<1x512xf32, #tpu.memory_space<hbm>>
      %dma_start3A_532 = tpu.memref_squeeze %dma_start3A_531 : memref<1x512xf32, #tpu.memory_space<hbm>> -> memref<512xf32, #tpu.memory_space<hbm>>
      %dma_start3A_533 = arith.constant 0 : i32
      %dma_start3A_534 = tpu.memref_slice %arg8[%dma_start3A_525, %dma_start3A_533] : memref<4x512xf32, #tpu.memory_space<vmem>> -> memref<1x512xf32, #tpu.memory_space<vmem>>
      %dma_start3A_535 = tpu.memref_squeeze %dma_start3A_534 : memref<1x512xf32, #tpu.memory_space<vmem>> -> memref<512xf32, #tpu.memory_space<vmem>>
      tpu.enqueue_dma source(%dma_start3A_535 : memref<512xf32, #tpu.memory_space<vmem>>) target(%dma_start3A_532 : memref<512xf32, #tpu.memory_space<hbm>>) target_semaphore(%arg15 : memref<!tpu.dma_semaphore, #tpu.memory_space<semaphore_mem>>)
      %add3A_536 = arith.constant 4 : i32
      %add3A_537 = arith.addi %add3A_503, %add3A_536 : i32
      %lt3A_538 = arith.constant 256 : i32
      %lt3A_539 = arith.cmpi slt, %add3A_537, %lt3A_538 : i32
      %convert_element_type3A_540 = arith.extui %lt3A_539 : i1 to i32
      %cond3A_541 = arith.constant 0 : i32
      %cond3A_542 = arith.cmpi ne, %convert_element_type3A_540, %cond3A_541 : i32
      scf.if %cond3A_542 {
        %add3A_586 = arith.constant 4 : i32
        %add3A_587 = arith.addi %add3A_503, %add3A_586 : i32
        %mul3A_588 = arith.constant 512 : i32
        %mul3A_589 = arith.muli %add3A_587, %mul3A_588 : i32
        %dma_start3A_590 = arith.constant 2 : i32
        %dma_start3A_591 = arith.constant 0 : i32
        %dma_start3A_592 = tpu.memref_slice %arg7[%dma_start3A_590, %dma_start3A_591] : memref<4x512xi32, #tpu.memory_space<vmem>> -> memref<1x512xi32, #tpu.memory_space<vmem>>
        %dma_start3A_593 = tpu.memref_squeeze %dma_start3A_592 : memref<1x512xi32, #tpu.memory_space<vmem>> -> memref<512xi32, #tpu.memory_space<vmem>>
        %dma_start3A_594 = tpu.memref_slice %arg2[%mul3A_589] : memref<131072xi32, #tpu.memory_space<hbm>> -> memref<512xi32, #tpu.memory_space<hbm>>
        %dma_start3A_595 = arith.constant 0 : i32
        %dma_start3A_596 = tpu.memref_slice %arg7[%dma_start3A_590, %dma_start3A_595] : memref<4x512xi32, #tpu.memory_space<vmem>> -> memref<1x512xi32, #tpu.memory_space<vmem>>
        %dma_start3A_597 = tpu.memref_squeeze %dma_start3A_596 : memref<1x512xi32, #tpu.memory_space<vmem>> -> memref<512xi32, #tpu.memory_space<vmem>>
        %dma_start3A_598 = tpu.memref_slice %arg2[%mul3A_589] : memref<131072xi32, #tpu.memory_space<hbm>> -> memref<512xi32, #tpu.memory_space<hbm>>
        tpu.enqueue_dma source(%dma_start3A_598 : memref<512xi32, #tpu.memory_space<hbm>>) target(%dma_start3A_597 : memref<512xi32, #tpu.memory_space<vmem>>) target_semaphore(%arg11 : memref<!tpu.dma_semaphore, #tpu.memory_space<semaphore_mem>>)
      } else {
      }
      %mul3A_543 = arith.constant 4 : i32
      %mul3A_544 = arith.muli %scan3A_418, %mul3A_543 : i32
      %add3A_545 = arith.constant 3 : i32
      %add3A_546 = arith.addi %mul3A_544, %add3A_545 : i32
      %dma_wait3A_547 = arith.constant 3 : i32
      %dma_wait3A_548 = arith.constant 0 : i32
      %dma_wait3A_549 = tpu.memref_slice %arg7[%dma_wait3A_547, %dma_wait3A_548] : memref<4x512xi32, #tpu.memory_space<vmem>> -> memref<1x512xi32, #tpu.memory_space<vmem>>
      %dma_wait3A_550 = tpu.memref_squeeze %dma_wait3A_549 : memref<1x512xi32, #tpu.memory_space<vmem>> -> memref<512xi32, #tpu.memory_space<vmem>>
      %dma_wait3A_551 = arith.constant 0 : i32
      %dma_wait3A_552 = tpu.memref_slice %arg2[%dma_wait3A_551] : memref<131072xi32, #tpu.memory_space<hbm>> -> memref<512xi32, #tpu.memory_space<hbm>>
      %dma_wait3A_553 = arith.constant 0 : i32
      %dma_wait3A_554 = tpu.memref_slice %arg7[%dma_wait3A_547, %dma_wait3A_553] : memref<4x512xi32, #tpu.memory_space<vmem>> -> memref<1x512xi32, #tpu.memory_space<vmem>>
      %dma_wait3A_555 = tpu.memref_squeeze %dma_wait3A_554 : memref<1x512xi32, #tpu.memory_space<vmem>> -> memref<512xi32, #tpu.memory_space<vmem>>
      %dma_wait3A_556 = arith.constant 0 : i32
      %dma_wait3A_557 = tpu.memref_slice %arg2[%dma_wait3A_556] : memref<131072xi32, #tpu.memory_space<hbm>> -> memref<512xi32, #tpu.memory_space<hbm>>
      tpu.wait_dma2 semaphore(%arg12 : memref<!tpu.dma_semaphore, #tpu.memory_space<semaphore_mem>>) src(%dma_wait3A_557 : memref<512xi32, #tpu.memory_space<hbm>>) dst(%dma_wait3A_555 : memref<512xi32, #tpu.memory_space<vmem>>)
      %ge3A_558 = arith.constant 4 : i32
      %ge3A_559 = arith.cmpi sge, %add3A_546, %ge3A_558 : i32
      %convert_element_type3A_560 = arith.extui %ge3A_559 : i1 to i32
      %cond3A_561 = arith.constant 0 : i32
      %cond3A_562 = arith.cmpi ne, %convert_element_type3A_560, %cond3A_561 : i32
      scf.if %cond3A_562 {
        %dma_wait3A_586 = arith.constant 3 : i32
        %dma_wait3A_587 = arith.constant 0 : i32
        %dma_wait3A_588 = arith.constant 0 : i32
        %dma_wait3A_589 = tpu.memref_slice %arg8[%dma_wait3A_586, %dma_wait3A_588] : memref<4x512xf32, #tpu.memory_space<vmem>> -> memref<1x512xf32, #tpu.memory_space<vmem>>
        %dma_wait3A_590 = tpu.memref_squeeze %dma_wait3A_589 : memref<1x512xf32, #tpu.memory_space<vmem>> -> memref<512xf32, #tpu.memory_space<vmem>>
        %dma_wait3A_591 = arith.constant 0 : i32
        %dma_wait3A_592 = tpu.memref_slice %arg5[%dma_wait3A_587, %dma_wait3A_591] : memref<64x131072xf32, #tpu.memory_space<hbm>> -> memref<1x512xf32, #tpu.memory_space<hbm>>
        %dma_wait3A_593 = tpu.memref_squeeze %dma_wait3A_592 : memref<1x512xf32, #tpu.memory_space<hbm>> -> memref<512xf32, #tpu.memory_space<hbm>>
        %dma_wait3A_594 = arith.constant 0 : i32
        %dma_wait3A_595 = tpu.memref_slice %arg5[%dma_wait3A_587, %dma_wait3A_594] : memref<64x131072xf32, #tpu.memory_space<hbm>> -> memref<1x512xf32, #tpu.memory_space<hbm>>
        %dma_wait3A_596 = tpu.memref_squeeze %dma_wait3A_595 : memref<1x512xf32, #tpu.memory_space<hbm>> -> memref<512xf32, #tpu.memory_space<hbm>>
        %dma_wait3A_597 = arith.constant 0 : i32
        %dma_wait3A_598 = tpu.memref_slice %arg8[%dma_wait3A_586, %dma_wait3A_597] : memref<4x512xf32, #tpu.memory_space<vmem>> -> memref<1x512xf32, #tpu.memory_space<vmem>>
        %dma_wait3A_599 = tpu.memref_squeeze %dma_wait3A_598 : memref<1x512xf32, #tpu.memory_space<vmem>> -> memref<512xf32, #tpu.memory_space<vmem>>
        tpu.wait_dma2 semaphore(%arg16 : memref<!tpu.dma_semaphore, #tpu.memory_space<semaphore_mem>>) src(%dma_wait3A_599 : memref<512xf32, #tpu.memory_space<vmem>>) dst(%dma_wait3A_596 : memref<512xf32, #tpu.memory_space<hbm>>)
      } else {
      }
      %parallel_loop3A_563 = arith.constant 0 : i32
      %parallel_loop3A_564 = arith.constant 512 : i32
      %parallel_loop3A_565 = arith.constant 16 : i32
      scf.for %parallel_loop3A_586 = %parallel_loop3A_563 to %parallel_loop3A_564 step %parallel_loop3A_565  : i32 {
        %parallel_loop3A_587 = arith.constant 3 : i32
        %parallel_loop3A_588 = arith.index_cast %parallel_loop3A_587 : i32 to index
        %parallel_loop3A_589 = arith.index_cast %parallel_loop3A_586 : i32 to index
        %parallel_loop3A_590 = tpu.vector_load %arg7[%parallel_loop3A_588, %parallel_loop3A_589] {strides = array<i32>} : memref<4x512xi32, #tpu.memory_space<vmem>>, vector<16xi32>,
        %parallel_loop3A_591 = tpu.vector_load_idx %arg6[%parallel_loop3A_590] : memref<125056xf32, #tpu.memory_space<vmem>>[vector<16xi32>], vector<16xf32>,
        %parallel_loop3A_592 = arith.constant 3 : i32
        %parallel_loop3A_593 = arith.index_cast %parallel_loop3A_592 : i32 to index
        %parallel_loop3A_594 = arith.index_cast %parallel_loop3A_586 : i32 to index
        %parallel_loop3A_595 = tpu.vector_load %arg8[%parallel_loop3A_593, %parallel_loop3A_594] {strides = array<i32>} : memref<4x512xf32, #tpu.memory_space<vmem>>, vector<16xf32>,
        tpu.vector_store %arg8[%parallel_loop3A_593, %parallel_loop3A_594], %parallel_loop3A_591 {strides = array<i32>} : memref<4x512xf32, #tpu.memory_space<vmem>>, vector<16xf32>,
      } {sc.loop_unroll_factor = 16 : i64, sc.parallel_access}
      %mul3A_566 = arith.constant 512 : i32
      %mul3A_567 = arith.muli %add3A_546, %mul3A_566 : i32
      %dma_start3A_568 = arith.constant 3 : i32
      %dma_start3A_569 = arith.constant 0 : i32
      %dma_start3A_570 = tpu.memref_slice %arg8[%dma_start3A_568, %dma_start3A_569] : memref<4x512xf32, #tpu.memory_space<vmem>> -> memref<1x512xf32, #tpu.memory_space<vmem>>
      %dma_start3A_571 = tpu.memref_squeeze %dma_start3A_570 : memref<1x512xf32, #tpu.memory_space<vmem>> -> memref<512xf32, #tpu.memory_space<vmem>>
      %dma_start3A_572 = tpu.memref_slice %arg5[%add3A_209, %mul3A_567] : memref<64x131072xf32, #tpu.memory_space<hbm>> -> memref<1x512xf32, #tpu.memory_space<hbm>>
      %dma_start3A_573 = tpu.memref_squeeze %dma_start3A_572 : memref<1x512xf32, #tpu.memory_space<hbm>> -> memref<512xf32, #tpu.memory_space<hbm>>
      %dma_start3A_574 = tpu.memref_slice %arg5[%add3A_209, %mul3A_567] : memref<64x131072xf32, #tpu.memory_space<hbm>> -> memref<1x512xf32, #tpu.memory_space<hbm>>
      %dma_start3A_575 = tpu.memref_squeeze %dma_start3A_574 : memref<1x512xf32, #tpu.memory_space<hbm>> -> memref<512xf32, #tpu.memory_space<hbm>>
      %dma_start3A_576 = arith.constant 0 : i32
      %dma_start3A_577 = tpu.memref_slice %arg8[%dma_start3A_568, %dma_start3A_576] : memref<4x512xf32, #tpu.memory_space<vmem>> -> memref<1x512xf32, #tpu.memory_space<vmem>>
      %dma_start3A_578 = tpu.memref_squeeze %dma_start3A_577 : memref<1x512xf32, #tpu.memory_space<vmem>> -> memref<512xf32, #tpu.memory_space<vmem>>
      tpu.enqueue_dma source(%dma_start3A_578 : memref<512xf32, #tpu.memory_space<vmem>>) target(%dma_start3A_575 : memref<512xf32, #tpu.memory_space<hbm>>) target_semaphore(%arg16 : memref<!tpu.dma_semaphore, #tpu.memory_space<semaphore_mem>>)
      %add3A_579 = arith.constant 4 : i32
      %add3A_580 = arith.addi %add3A_546, %add3A_579 : i32
      %lt3A_581 = arith.constant 256 : i32
      %lt3A_582 = arith.cmpi slt, %add3A_580, %lt3A_581 : i32
      %convert_element_type3A_583 = arith.extui %lt3A_582 : i1 to i32
      %cond3A_584 = arith.constant 0 : i32
      %cond3A_585 = arith.cmpi ne, %convert_element_type3A_583, %cond3A_584 : i32
      scf.if %cond3A_585 {
        %add3A_586 = arith.constant 4 : i32
        %add3A_587 = arith.addi %add3A_546, %add3A_586 : i32
        %mul3A_588 = arith.constant 512 : i32
        %mul3A_589 = arith.muli %add3A_587, %mul3A_588 : i32
        %dma_start3A_590 = arith.constant 3 : i32
        %dma_start3A_591 = arith.constant 0 : i32
        %dma_start3A_592 = tpu.memref_slice %arg7[%dma_start3A_590, %dma_start3A_591] : memref<4x512xi32, #tpu.memory_space<vmem>> -> memref<1x512xi32, #tpu.memory_space<vmem>>
        %dma_start3A_593 = tpu.memref_squeeze %dma_start3A_592 : memref<1x512xi32, #tpu.memory_space<vmem>> -> memref<512xi32, #tpu.memory_space<vmem>>
        %dma_start3A_594 = tpu.memref_slice %arg2[%mul3A_589] : memref<131072xi32, #tpu.memory_space<hbm>> -> memref<512xi32, #tpu.memory_space<hbm>>
        %dma_start3A_595 = arith.constant 0 : i32
        %dma_start3A_596 = tpu.memref_slice %arg7[%dma_start3A_590, %dma_start3A_595] : memref<4x512xi32, #tpu.memory_space<vmem>> -> memref<1x512xi32, #tpu.memory_space<vmem>>
        %dma_start3A_597 = tpu.memref_squeeze %dma_start3A_596 : memref<1x512xi32, #tpu.memory_space<vmem>> -> memref<512xi32, #tpu.memory_space<vmem>>
        %dma_start3A_598 = tpu.memref_slice %arg2[%mul3A_589] : memref<131072xi32, #tpu.memory_space<hbm>> -> memref<512xi32, #tpu.memory_space<hbm>>
        tpu.enqueue_dma source(%dma_start3A_598 : memref<512xi32, #tpu.memory_space<hbm>>) target(%dma_start3A_597 : memref<512xi32, #tpu.memory_space<vmem>>) target_semaphore(%arg12 : memref<!tpu.dma_semaphore, #tpu.memory_space<semaphore_mem>>)
      } else {
      }
    }
    %scan3A_361 = arith.constant 64 : i32
    %dma_wait3A_362 = arith.constant 0 : i32
    %dma_wait3A_363 = arith.constant 0 : i32
    %dma_wait3A_364 = arith.constant 0 : i32
    %dma_wait3A_365 = tpu.memref_slice %arg8[%dma_wait3A_362, %dma_wait3A_364] : memref<4x512xf32, #tpu.memory_space<vmem>> -> memref<1x512xf32, #tpu.memory_space<vmem>>
    %dma_wait3A_366 = tpu.memref_squeeze %dma_wait3A_365 : memref<1x512xf32, #tpu.memory_space<vmem>> -> memref<512xf32, #tpu.memory_space<vmem>>
    %dma_wait3A_367 = arith.constant 0 : i32
    %dma_wait3A_368 = tpu.memref_slice %arg5[%dma_wait3A_363, %dma_wait3A_367] : memref<64x131072xf32, #tpu.memory_space<hbm>> -> memref<1x512xf32, #tpu.memory_space<hbm>>
    %dma_wait3A_369 = tpu.memref_squeeze %dma_wait3A_368 : memref<1x512xf32, #tpu.memory_space<hbm>> -> memref<512xf32, #tpu.memory_space<hbm>>
    %dma_wait3A_370 = arith.constant 0 : i32
    %dma_wait3A_371 = tpu.memref_slice %arg5[%dma_wait3A_363, %dma_wait3A_370] : memref<64x131072xf32, #tpu.memory_space<hbm>> -> memref<1x512xf32, #tpu.memory_space<hbm>>
    %dma_wait3A_372 = tpu.memref_squeeze %dma_wait3A_371 : memref<1x512xf32, #tpu.memory_space<hbm>> -> memref<512xf32, #tpu.memory_space<hbm>>
    %dma_wait3A_373 = arith.constant 0 : i32
    %dma_wait3A_374 = tpu.memref_slice %arg8[%dma_wait3A_362, %dma_wait3A_373] : memref<4x512xf32, #tpu.memory_space<vmem>> -> memref<1x512xf32, #tpu.memory_space<vmem>>
    %dma_wait3A_375 = tpu.memref_squeeze %dma_wait3A_374 : memref<1x512xf32, #tpu.memory_space<vmem>> -> memref<512xf32, #tpu.memory_space<vmem>>
    tpu.wait_dma2 semaphore(%arg13 : memref<!tpu.dma_semaphore, #tpu.memory_space<semaphore_mem>>) src(%dma_wait3A_375 : memref<512xf32, #tpu.memory_space<vmem>>) dst(%dma_wait3A_372 : memref<512xf32, #tpu.memory_space<hbm>>)
    %dma_wait3A_376 = arith.constant 1 : i32
    %dma_wait3A_377 = arith.constant 0 : i32
    %dma_wait3A_378 = arith.constant 0 : i32
    %dma_wait3A_379 = tpu.memref_slice %arg8[%dma_wait3A_376, %dma_wait3A_378] : memref<4x512xf32, #tpu.memory_space<vmem>> -> memref<1x512xf32, #tpu.memory_space<vmem>>
    %dma_wait3A_380 = tpu.memref_squeeze %dma_wait3A_379 : memref<1x512xf32, #tpu.memory_space<vmem>> -> memref<512xf32, #tpu.memory_space<vmem>>
    %dma_wait3A_381 = arith.constant 0 : i32
    %dma_wait3A_382 = tpu.memref_slice %arg5[%dma_wait3A_377, %dma_wait3A_381] : memref<64x131072xf32, #tpu.memory_space<hbm>> -> memref<1x512xf32, #tpu.memory_space<hbm>>
    %dma_wait3A_383 = tpu.memref_squeeze %dma_wait3A_382 : memref<1x512xf32, #tpu.memory_space<hbm>> -> memref<512xf32, #tpu.memory_space<hbm>>
    %dma_wait3A_384 = arith.constant 0 : i32
    %dma_wait3A_385 = tpu.memref_slice %arg5[%dma_wait3A_377, %dma_wait3A_384] : memref<64x131072xf32, #tpu.memory_space<hbm>> -> memref<1x512xf32, #tpu.memory_space<hbm>>
    %dma_wait3A_386 = tpu.memref_squeeze %dma_wait3A_385 : memref<1x512xf32, #tpu.memory_space<hbm>> -> memref<512xf32, #tpu.memory_space<hbm>>
    %dma_wait3A_387 = arith.constant 0 : i32
    %dma_wait3A_388 = tpu.memref_slice %arg8[%dma_wait3A_376, %dma_wait3A_387] : memref<4x512xf32, #tpu.memory_space<vmem>> -> memref<1x512xf32, #tpu.memory_space<vmem>>
    %dma_wait3A_389 = tpu.memref_squeeze %dma_wait3A_388 : memref<1x512xf32, #tpu.memory_space<vmem>> -> memref<512xf32, #tpu.memory_space<vmem>>
    tpu.wait_dma2 semaphore(%arg14 : memref<!tpu.dma_semaphore, #tpu.memory_space<semaphore_mem>>) src(%dma_wait3A_389 : memref<512xf32, #tpu.memory_space<vmem>>) dst(%dma_wait3A_386 : memref<512xf32, #tpu.memory_space<hbm>>)
    %dma_wait3A_390 = arith.constant 2 : i32
    %dma_wait3A_391 = arith.constant 0 : i32
    %dma_wait3A_392 = arith.constant 0 : i32
    %dma_wait3A_393 = tpu.memref_slice %arg8[%dma_wait3A_390, %dma_wait3A_392] : memref<4x512xf32, #tpu.memory_space<vmem>> -> memref<1x512xf32, #tpu.memory_space<vmem>>
    %dma_wait3A_394 = tpu.memref_squeeze %dma_wait3A_393 : memref<1x512xf32, #tpu.memory_space<vmem>> -> memref<512xf32, #tpu.memory_space<vmem>>
    %dma_wait3A_395 = arith.constant 0 : i32
    %dma_wait3A_396 = tpu.memref_slice %arg5[%dma_wait3A_391, %dma_wait3A_395] : memref<64x131072xf32, #tpu.memory_space<hbm>> -> memref<1x512xf32, #tpu.memory_space<hbm>>
    %dma_wait3A_397 = tpu.memref_squeeze %dma_wait3A_396 : memref<1x512xf32, #tpu.memory_space<hbm>> -> memref<512xf32, #tpu.memory_space<hbm>>
    %dma_wait3A_398 = arith.constant 0 : i32
    %dma_wait3A_399 = tpu.memref_slice %arg5[%dma_wait3A_391, %dma_wait3A_398] : memref<64x131072xf32, #tpu.memory_space<hbm>> -> memref<1x512xf32, #tpu.memory_space<hbm>>
    %dma_wait3A_400 = tpu.memref_squeeze %dma_wait3A_399 : memref<1x512xf32, #tpu.memory_space<hbm>> -> memref<512xf32, #tpu.memory_space<hbm>>
    %dma_wait3A_401 = arith.constant 0 : i32
    %dma_wait3A_402 = tpu.memref_slice %arg8[%dma_wait3A_390, %dma_wait3A_401] : memref<4x512xf32, #tpu.memory_space<vmem>> -> memref<1x512xf32, #tpu.memory_space<vmem>>
    %dma_wait3A_403 = tpu.memref_squeeze %dma_wait3A_402 : memref<1x512xf32, #tpu.memory_space<vmem>> -> memref<512xf32, #tpu.memory_space<vmem>>
    tpu.wait_dma2 semaphore(%arg15 : memref<!tpu.dma_semaphore, #tpu.memory_space<semaphore_mem>>) src(%dma_wait3A_403 : memref<512xf32, #tpu.memory_space<vmem>>) dst(%dma_wait3A_400 : memref<512xf32, #tpu.memory_space<hbm>>)
    %dma_wait3A_404 = arith.constant 3 : i32
    %dma_wait3A_405 = arith.constant 0 : i32
    %dma_wait3A_406 = arith.constant 0 : i32
    %dma_wait3A_407 = tpu.memref_slice %arg8[%dma_wait3A_404, %dma_wait3A_406] : memref<4x512xf32, #tpu.memory_space<vmem>> -> memref<1x512xf32, #tpu.memory_space<vmem>>
    %dma_wait3A_408 = tpu.memref_squeeze %dma_wait3A_407 : memref<1x512xf32, #tpu.memory_space<vmem>> -> memref<512xf32, #tpu.memory_space<vmem>>
    %dma_wait3A_409 = arith.constant 0 : i32
    %dma_wait3A_410 = tpu.memref_slice %arg5[%dma_wait3A_405, %dma_wait3A_409] : memref<64x131072xf32, #tpu.memory_space<hbm>> -> memref<1x512xf32, #tpu.memory_space<hbm>>
    %dma_wait3A_411 = tpu.memref_squeeze %dma_wait3A_410 : memref<1x512xf32, #tpu.memory_space<hbm>> -> memref<512xf32, #tpu.memory_space<hbm>>
    %dma_wait3A_412 = arith.constant 0 : i32
    %dma_wait3A_413 = tpu.memref_slice %arg5[%dma_wait3A_405, %dma_wait3A_412] : memref<64x131072xf32, #tpu.memory_space<hbm>> -> memref<1x512xf32, #tpu.memory_space<hbm>>
    %dma_wait3A_414 = tpu.memref_squeeze %dma_wait3A_413 : memref<1x512xf32, #tpu.memory_space<hbm>> -> memref<512xf32, #tpu.memory_space<hbm>>
    %dma_wait3A_415 = arith.constant 0 : i32
    %dma_wait3A_416 = tpu.memref_slice %arg8[%dma_wait3A_404, %dma_wait3A_415] : memref<4x512xf32, #tpu.memory_space<vmem>> -> memref<1x512xf32, #tpu.memory_space<vmem>>
    %dma_wait3A_417 = tpu.memref_squeeze %dma_wait3A_416 : memref<1x512xf32, #tpu.memory_space<vmem>> -> memref<512xf32, #tpu.memory_space<vmem>>
    tpu.wait_dma2 semaphore(%arg16 : memref<!tpu.dma_semaphore, #tpu.memory_space<semaphore_mem>>) src(%dma_wait3A_417 : memref<512xf32, #tpu.memory_space<vmem>>) dst(%dma_wait3A_414 : memref<512xf32, #tpu.memory_space<hbm>>)
    return
  }
}

module attributes {stable_mosaic.version = 14 : i64} {
  func.func @_minmax_body(%arg0: i32, %arg1: memref<8x4096xf32, #tpu.memory_space<vmem>>, %arg2: memref<8x128xf32, #tpu.memory_space<vmem>>, %arg3: memref<8x128xf32, #tpu.memory_space<vmem>>) attributes {dimension_semantics = [#tpu.dimension_semantics<arbitrary>], iteration_bounds = array<i64: 32>, scalar_prefetch = 0 : i64, scratch_operands = 0 : i64, tpu.core_type = #tpu.core_type<tc>, window_params = [{transform_indices = @transform_0, window_bounds = array<i64: 8, 4096>}, {pipeline_mode = #tpu.pipeline_mode<synchronous>, transform_indices = @transform_1, window_bounds = array<i64: 8, 128>}, {pipeline_mode = #tpu.pipeline_mode<synchronous>, transform_indices = @transform_2, window_bounds = array<i64: 8, 128>}]} {
    %eq3A = arith.constant 0 : i32
    %eq3A_0 = arith.cmpi eq, %arg0, %eq3A : i32
    %convert_element_type3A = arith.extui %eq3A_0 : i1 to i32
    %cond3A = arith.constant 0 : i32
    %cond3A_1 = arith.cmpi ne, %convert_element_type3A, %cond3A : i32
    scf.if %cond3A_1 {
      %broadcast_in_dim3A_24 = arith.constant 0x7F800000 : f32
      %broadcast_in_dim3A_25 = vector.broadcast %broadcast_in_dim3A_24 : f32 to vector<8x128xf32>
      %swap3A_26 = arith.constant 0 : index
      %swap3A_27 = arith.constant 0 : index
      %swap3A_28 = vector.load %arg2[%swap3A_26, %swap3A_27] : memref<8x128xf32, #tpu.memory_space<vmem>>, vector<8x128xf32>
      tpu.vector_store %arg2[%swap3A_26, %swap3A_27], %broadcast_in_dim3A_25 {strides = array<i32>} : memref<8x128xf32, #tpu.memory_space<vmem>>, vector<8x128xf32>,
      %broadcast_in_dim3A_29 = arith.constant 0xFF800000 : f32
      %broadcast_in_dim3A_30 = vector.broadcast %broadcast_in_dim3A_29 : f32 to vector<8x128xf32>
      %swap3A_31 = arith.constant 0 : index
      %swap3A_32 = arith.constant 0 : index
      %swap3A_33 = vector.load %arg3[%swap3A_31, %swap3A_32] : memref<8x128xf32, #tpu.memory_space<vmem>>, vector<8x128xf32>
      tpu.vector_store %arg3[%swap3A_31, %swap3A_32], %broadcast_in_dim3A_30 {strides = array<i32>} : memref<8x128xf32, #tpu.memory_space<vmem>>, vector<8x128xf32>,
    } else {
    }
    %get3A = arith.constant 0 : index
    %get3A_2 = arith.constant 0 : index
    %get3A_3 = vector.load %arg1[%get3A, %get3A_2] : memref<8x4096xf32, #tpu.memory_space<vmem>>, vector<8x4096xf32>
    %mul3A = arith.constant 5.000000e+01 : f32
    %mul3A_4 = vector.broadcast %mul3A : f32 to vector<8x4096xf32>
    %mul3A_5 = arith.mulf %get3A_3, %mul3A_4 : vector<8x4096xf32>
    %reduce_min3A = arith.constant dense<0x7F800000> : vector<8xf32>
    %reduce_min3A_6 = vector.multi_reduction <minimumf>, %mul3A_5, %reduce_min3A [1] : vector<8x4096xf32> to vector<8xf32>
    %broadcast_in_dim3A = vector.shape_cast %reduce_min3A_6 : vector<8xf32> to vector<8x1xf32>
    %reduce_max3A = arith.constant dense<0xFF800000> : vector<8xf32>
    %reduce_max3A_7 = vector.multi_reduction <maximumf>, %mul3A_5, %reduce_max3A [1] : vector<8x4096xf32> to vector<8xf32>
    %broadcast_in_dim3A_8 = vector.shape_cast %reduce_max3A_7 : vector<8xf32> to vector<8x1xf32>
    %get3A_9 = arith.constant 0 : index
    %get3A_10 = arith.constant 0 : index
    %get3A_11 = vector.load %arg2[%get3A_9, %get3A_10] : memref<8x128xf32, #tpu.memory_space<vmem>>, vector<8x128xf32>
    %broadcast_in_dim3A_12 = vector.shape_cast %broadcast_in_dim3A : vector<8x1xf32> to vector<8x1xf32>
    %broadcast_in_dim3A_13 = vector.broadcast %broadcast_in_dim3A_12 : vector<8x1xf32> to vector<8x128xf32>
    %min3A = arith.minimumf %get3A_11, %broadcast_in_dim3A_13 : vector<8x128xf32>
    %swap3A = arith.constant 0 : index
    %swap3A_14 = arith.constant 0 : index
    %swap3A_15 = vector.load %arg2[%swap3A, %swap3A_14] : memref<8x128xf32, #tpu.memory_space<vmem>>, vector<8x128xf32>
    tpu.vector_store %arg2[%swap3A, %swap3A_14], %min3A {strides = array<i32>} : memref<8x128xf32, #tpu.memory_space<vmem>>, vector<8x128xf32>,
    %get3A_16 = arith.constant 0 : index
    %get3A_17 = arith.constant 0 : index
    %get3A_18 = vector.load %arg3[%get3A_16, %get3A_17] : memref<8x128xf32, #tpu.memory_space<vmem>>, vector<8x128xf32>
    %broadcast_in_dim3A_19 = vector.shape_cast %broadcast_in_dim3A_8 : vector<8x1xf32> to vector<8x1xf32>
    %broadcast_in_dim3A_20 = vector.broadcast %broadcast_in_dim3A_19 : vector<8x1xf32> to vector<8x128xf32>
    %max3A = arith.maximumf %get3A_18, %broadcast_in_dim3A_20 : vector<8x128xf32>
    %swap3A_21 = arith.constant 0 : index
    %swap3A_22 = arith.constant 0 : index
    %swap3A_23 = vector.load %arg3[%swap3A_21, %swap3A_22] : memref<8x128xf32, #tpu.memory_space<vmem>>, vector<8x128xf32>
    tpu.vector_store %arg3[%swap3A_21, %swap3A_22], %max3A {strides = array<i32>} : memref<8x128xf32, #tpu.memory_space<vmem>>, vector<8x128xf32>,
    return
  }
  func.func @transform_0(%arg0: i32) -> (i32, i32) {
    %c0_i32 = arith.constant 0 : i32
    %c0_i32_0 = arith.constant 0 : i32
    return %c0_i32, %arg0 : i32, i32
  }
  func.func @transform_1(%arg0: i32) -> (i32, i32) {
    %c0_i32 = arith.constant 0 : i32
    %c0_i32_0 = arith.constant 0 : i32
    %c0_i32_1 = arith.constant 0 : i32
    return %c0_i32, %c0_i32_0 : i32, i32
  }
  func.func @transform_2(%arg0: i32) -> (i32, i32) {
    %c0_i32 = arith.constant 0 : i32
    %c0_i32_0 = arith.constant 0 : i32
    %c0_i32_1 = arith.constant 0 : i32
    return %c0_i32, %c0_i32_0 : i32, i32
  }
}

module attributes {stable_mosaic.version = 14 : i64} {
  func.func @_enc_body(%arg0: i32, %arg1: memref<8x2048xf32, #tpu.memory_space<vmem>>, %arg2: memref<32x2048xf32, #tpu.memory_space<vmem>>, %arg3: memref<8x128xf32, #tpu.memory_space<vmem>>, %arg4: memref<8x128xf32, #tpu.memory_space<vmem>>, %arg5: memref<64x32xf32, #tpu.memory_space<vmem>>, %arg6: memref<64x8xf32, #tpu.memory_space<vmem>>, %arg7: memref<64x128xf32, #tpu.memory_space<vmem>>, %arg8: memref<1x1x2048xi32, #tpu.memory_space<vmem>>, %arg9: memref<64x2048xf32, #tpu.memory_space<vmem>>) attributes {dimension_semantics = [#tpu.dimension_semantics<arbitrary>], iteration_bounds = array<i64: 64>, scalar_prefetch = 0 : i64, scratch_operands = 0 : i64, tpu.core_type = #tpu.core_type<tc>, window_params = [{transform_indices = @transform_0, window_bounds = array<i64: 8, 2048>}, {transform_indices = @transform_1, window_bounds = array<i64: 32, 2048>}, {pipeline_mode = #tpu.pipeline_mode<synchronous>, transform_indices = @transform_2, window_bounds = array<i64: 8, 128>}, {pipeline_mode = #tpu.pipeline_mode<synchronous>, transform_indices = @transform_3, window_bounds = array<i64: 8, 128>}, {pipeline_mode = #tpu.pipeline_mode<synchronous>, transform_indices = @transform_4, window_bounds = array<i64: 64, 32>}, {pipeline_mode = #tpu.pipeline_mode<synchronous>, transform_indices = @transform_5, window_bounds = array<i64: 64, 8>}, {pipeline_mode = #tpu.pipeline_mode<synchronous>, transform_indices = @transform_6, window_bounds = array<i64: 64, 128>}, {transform_indices = @transform_7, window_bounds = array<i64: 1, 1, 2048>}, {transform_indices = @transform_8, window_bounds = array<i64: 64, 2048>}]} {
    %get3A = arith.constant 0 : index
    %get3A_0 = arith.constant 0 : index
    %get3A_1 = vector.load %arg1[%get3A, %get3A_0] : memref<8x2048xf32, #tpu.memory_space<vmem>>, vector<3x2048xf32>
    %mul3A = arith.constant 5.000000e+01 : f32
    %mul3A_2 = vector.broadcast %mul3A : f32 to vector<3x2048xf32>
    %mul3A_3 = arith.mulf %get3A_1, %mul3A_2 : vector<3x2048xf32>
    %get3A_4 = arith.constant 0 : index
    %get3A_5 = arith.constant 0 : index
    %get3A_6 = vector.load %arg3[%get3A_4, %get3A_5] : memref<8x128xf32, #tpu.memory_space<vmem>>, vector<3x1xf32>
    %get3A_7 = arith.constant 0 : index
    %get3A_8 = arith.constant 0 : index
    %get3A_9 = vector.load %arg4[%get3A_7, %get3A_8] : memref<8x128xf32, #tpu.memory_space<vmem>>, vector<3x1xf32>
    %sub3A = vector.broadcast %get3A_6 : vector<3x1xf32> to vector<3x2048xf32>
    %sub3A_10 = arith.subf %mul3A_3, %sub3A : vector<3x2048xf32>
    %floor3A = math.floor %sub3A_10 : vector<3x2048xf32>
    %sub3A_11 = arith.subf %get3A_9, %get3A_6 : vector<3x1xf32>
    %floor3A_12 = math.floor %sub3A_11 : vector<3x1xf32>
    %add3A = arith.constant 1.000000e+00 : f32
    %add3A_13 = vector.broadcast %add3A : f32 to vector<3x1xf32>
    %add3A_14 = arith.addf %floor3A_12, %add3A_13 : vector<3x1xf32>
    %slice3A = vector.extract_strided_slice %add3A_14 {offsets = [2, 0], sizes = [1, 1], strides = [1, 1]} : vector<3x1xf32> to vector<1x1xf32>
    %slice3A_15 = vector.extract_strided_slice %add3A_14 {offsets = [1, 0], sizes = [1, 1], strides = [1, 1]} : vector<3x1xf32> to vector<1x1xf32>
    %mul3A_16 = arith.mulf %slice3A_15, %slice3A : vector<1x1xf32>
    %slice3A_17 = vector.extract_strided_slice %floor3A {offsets = [0, 0], sizes = [1, 2048], strides = [1, 1]} : vector<3x2048xf32> to vector<1x2048xf32>
    %mul3A_18 = vector.broadcast %mul3A_16 : vector<1x1xf32> to vector<1x2048xf32>
    %mul3A_19 = arith.mulf %slice3A_17, %mul3A_18 : vector<1x2048xf32>
    %slice3A_20 = vector.extract_strided_slice %floor3A {offsets = [1, 0], sizes = [1, 2048], strides = [1, 1]} : vector<3x2048xf32> to vector<1x2048xf32>
    %mul3A_21 = vector.broadcast %slice3A : vector<1x1xf32> to vector<1x2048xf32>
    %mul3A_22 = arith.mulf %slice3A_20, %mul3A_21 : vector<1x2048xf32>
    %add3A_23 = arith.addf %mul3A_19, %mul3A_22 : vector<1x2048xf32>
    %slice3A_24 = vector.extract_strided_slice %floor3A {offsets = [2, 0], sizes = [1, 2048], strides = [1, 1]} : vector<3x2048xf32> to vector<1x2048xf32>
    %add3A_25 = arith.addf %add3A_23, %slice3A_24 : vector<1x2048xf32>
    %convert_element_type3A = arith.fptosi %add3A_25 : vector<1x2048xf32> to vector<1x2048xi32>
    %reshape3A = vector.shape_cast %convert_element_type3A : vector<1x2048xi32> to vector<1x1x2048xi32>
    %swap3A = arith.constant 0 : index
    %swap3A_26 = arith.constant 0 : index
    %swap3A_27 = arith.constant 0 : index
    %swap3A_28 = vector.load %arg8[%swap3A, %swap3A_26, %swap3A_27] : memref<1x1x2048xi32, #tpu.memory_space<vmem>>, vector<1x1x2048xi32>
    tpu.vector_store %arg8[%swap3A, %swap3A_26, %swap3A_27], %reshape3A {strides = array<i32>} : memref<1x1x2048xi32, #tpu.memory_space<vmem>>, vector<1x1x2048xi32>,
    %add3A_29 = vector.broadcast %get3A_6 : vector<3x1xf32> to vector<3x2048xf32>
    %add3A_30 = arith.addf %floor3A, %add3A_29 : vector<3x2048xf32>
    %mul3A_31 = arith.constant 2.000000e-02 : f32
    %mul3A_32 = vector.broadcast %mul3A_31 : f32 to vector<3x2048xf32>
    %mul3A_33 = arith.mulf %add3A_30, %mul3A_32 : vector<3x2048xf32>
    %sub3A_34 = arith.subf %get3A_1, %mul3A_33 : vector<3x2048xf32>
    %get3A_35 = arith.constant 0 : index
    %get3A_36 = arith.constant 0 : index
    %get3A_37 = vector.load %arg5[%get3A_35, %get3A_36] : memref<64x32xf32, #tpu.memory_space<vmem>>, vector<64x32xf32>
    %get3A_38 = arith.constant 0 : index
    %get3A_39 = arith.constant 0 : index
    %get3A_40 = vector.load %arg2[%get3A_38, %get3A_39] : memref<32x2048xf32, #tpu.memory_space<vmem>>, vector<32x2048xf32>
    %dot_general3A = arith.constant dense<0.000000e+00> : vector<64x2048xf32>
    %dot_general3A_41 = tpu.matmul %get3A_37, %get3A_40, %dot_general3A {dimension_numbers = #tpu.dot_dimension_numbers<[1], [0], [0], [1], [0, 0, 1, 1], [], []>, transpose_lhs_hint = false} : vector<64x32xf32>, vector<32x2048xf32>, vector<64x2048xf32> -> vector<64x2048xf32>
    %get3A_42 = arith.constant 0 : index
    %get3A_43 = arith.constant 0 : index
    %get3A_44 = vector.load %arg6[%get3A_42, %get3A_43] : memref<64x8xf32, #tpu.memory_space<vmem>>, vector<64x1xf32>
    %slice3A_45 = vector.extract_strided_slice %sub3A_34 {offsets = [0, 0], sizes = [1, 2048], strides = [1, 1]} : vector<3x2048xf32> to vector<1x2048xf32>
    %mul3A_46 = vector.broadcast %get3A_44 : vector<64x1xf32> to vector<64x2048xf32>
    %mul3A_47 = vector.broadcast %slice3A_45 : vector<1x2048xf32> to vector<64x2048xf32>
    %mul3A_48 = arith.mulf %mul3A_46, %mul3A_47 : vector<64x2048xf32>
    %add3A_49 = arith.addf %dot_general3A_41, %mul3A_48 : vector<64x2048xf32>
    %get3A_50 = arith.constant 0 : index
    %get3A_51 = arith.constant 1 : index
    %get3A_52 = vector.load %arg6[%get3A_50, %get3A_51] : memref<64x8xf32, #tpu.memory_space<vmem>>, vector<64x1xf32>
    %slice3A_53 = vector.extract_strided_slice %sub3A_34 {offsets = [1, 0], sizes = [1, 2048], strides = [1, 1]} : vector<3x2048xf32> to vector<1x2048xf32>
    %mul3A_54 = vector.broadcast %get3A_52 : vector<64x1xf32> to vector<64x2048xf32>
    %mul3A_55 = vector.broadcast %slice3A_53 : vector<1x2048xf32> to vector<64x2048xf32>
    %mul3A_56 = arith.mulf %mul3A_54, %mul3A_55 : vector<64x2048xf32>
    %add3A_57 = arith.addf %add3A_49, %mul3A_56 : vector<64x2048xf32>
    %get3A_58 = arith.constant 0 : index
    %get3A_59 = arith.constant 2 : index
    %get3A_60 = vector.load %arg6[%get3A_58, %get3A_59] : memref<64x8xf32, #tpu.memory_space<vmem>>, vector<64x1xf32>
    %slice3A_61 = vector.extract_strided_slice %sub3A_34 {offsets = [2, 0], sizes = [1, 2048], strides = [1, 1]} : vector<3x2048xf32> to vector<1x2048xf32>
    %mul3A_62 = vector.broadcast %get3A_60 : vector<64x1xf32> to vector<64x2048xf32>
    %mul3A_63 = vector.broadcast %slice3A_61 : vector<1x2048xf32> to vector<64x2048xf32>
    %mul3A_64 = arith.mulf %mul3A_62, %mul3A_63 : vector<64x2048xf32>
    %add3A_65 = arith.addf %add3A_57, %mul3A_64 : vector<64x2048xf32>
    %get3A_66 = arith.constant 0 : index
    %get3A_67 = arith.constant 0 : index
    %get3A_68 = vector.load %arg7[%get3A_66, %get3A_67] : memref<64x128xf32, #tpu.memory_space<vmem>>, vector<64x1xf32>
    %add3A_69 = vector.broadcast %get3A_68 : vector<64x1xf32> to vector<64x2048xf32>
    %add3A_70 = arith.addf %add3A_65, %add3A_69 : vector<64x2048xf32>
    %max3A = arith.constant 0.000000e+00 : f32
    %max3A_71 = vector.broadcast %max3A : f32 to vector<64x2048xf32>
    %max3A_72 = arith.maximumf %add3A_70, %max3A_71 : vector<64x2048xf32>
    %swap3A_73 = arith.constant 0 : index
    %swap3A_74 = arith.constant 0 : index
    %swap3A_75 = vector.load %arg9[%swap3A_73, %swap3A_74] : memref<64x2048xf32, #tpu.memory_space<vmem>>, vector<64x2048xf32>
    tpu.vector_store %arg9[%swap3A_73, %swap3A_74], %max3A_72 {strides = array<i32>} : memref<64x2048xf32, #tpu.memory_space<vmem>>, vector<64x2048xf32>,
    return
  }
  func.func @transform_0(%arg0: i32) -> (i32, i32) {
    %c0_i32 = arith.constant 0 : i32
    %c0_i32_0 = arith.constant 0 : i32
    return %c0_i32, %arg0 : i32, i32
  }
  func.func @transform_1(%arg0: i32) -> (i32, i32) {
    %c0_i32 = arith.constant 0 : i32
    %c0_i32_0 = arith.constant 0 : i32
    return %c0_i32, %arg0 : i32, i32
  }
  func.func @transform_2(%arg0: i32) -> (i32, i32) {
    %c0_i32 = arith.constant 0 : i32
    %c0_i32_0 = arith.constant 0 : i32
    %c0_i32_1 = arith.constant 0 : i32
    return %c0_i32, %c0_i32_0 : i32, i32
  }
  func.func @transform_3(%arg0: i32) -> (i32, i32) {
    %c0_i32 = arith.constant 0 : i32
    %c0_i32_0 = arith.constant 0 : i32
    %c0_i32_1 = arith.constant 0 : i32
    return %c0_i32, %c0_i32_0 : i32, i32
  }
  func.func @transform_4(%arg0: i32) -> (i32, i32) {
    %c0_i32 = arith.constant 0 : i32
    %c0_i32_0 = arith.constant 0 : i32
    %c0_i32_1 = arith.constant 0 : i32
    return %c0_i32, %c0_i32_0 : i32, i32
  }
  func.func @transform_5(%arg0: i32) -> (i32, i32) {
    %c0_i32 = arith.constant 0 : i32
    %c0_i32_0 = arith.constant 0 : i32
    %c0_i32_1 = arith.constant 0 : i32
    return %c0_i32, %c0_i32_0 : i32, i32
  }
  func.func @transform_6(%arg0: i32) -> (i32, i32) {
    %c0_i32 = arith.constant 0 : i32
    %c0_i32_0 = arith.constant 0 : i32
    %c0_i32_1 = arith.constant 0 : i32
    return %c0_i32, %c0_i32_0 : i32, i32
  }
  func.func @transform_7(%arg0: i32) -> (i32, i32, i32) {
    %c0_i32 = arith.constant 0 : i32
    %c0_i32_0 = arith.constant 0 : i32
    %c0_i32_1 = arith.constant 0 : i32
    return %arg0, %c0_i32, %c0_i32_0 : i32, i32, i32
  }
  func.func @transform_8(%arg0: i32) -> (i32, i32) {
    %c0_i32 = arith.constant 0 : i32
    %c0_i32_0 = arith.constant 0 : i32
    return %c0_i32, %arg0 : i32, i32
  }
}

module attributes {stable_mosaic.version = 14 : i64} {
  func.func @_mlp_body(%arg0: i32, %arg1: memref<64x2048xf32, #tpu.memory_space<vmem>>, %arg2: memref<64x64xf32, #tpu.memory_space<vmem>>, %arg3: memref<64x128xf32, #tpu.memory_space<vmem>>, %arg4: memref<64x64xf32, #tpu.memory_space<vmem>>, %arg5: memref<64x128xf32, #tpu.memory_space<vmem>>, %arg6: memref<33x64xf32, #tpu.memory_space<vmem>>, %arg7: memref<33x128xf32, #tpu.memory_space<vmem>>, %arg8: memref<33x2048xf32, #tpu.memory_space<vmem>>) attributes {dimension_semantics = [#tpu.dimension_semantics<arbitrary>], iteration_bounds = array<i64: 64>, scalar_prefetch = 0 : i64, scratch_operands = 0 : i64, tpu.core_type = #tpu.core_type<tc>, window_params = [{transform_indices = @transform_0, window_bounds = array<i64: 64, 2048>}, {pipeline_mode = #tpu.pipeline_mode<synchronous>, transform_indices = @transform_1, window_bounds = array<i64: 64, 64>}, {pipeline_mode = #tpu.pipeline_mode<synchronous>, transform_indices = @transform_2, window_bounds = array<i64: 64, 128>}, {pipeline_mode = #tpu.pipeline_mode<synchronous>, transform_indices = @transform_3, window_bounds = array<i64: 64, 64>}, {pipeline_mode = #tpu.pipeline_mode<synchronous>, transform_indices = @transform_4, window_bounds = array<i64: 64, 128>}, {pipeline_mode = #tpu.pipeline_mode<synchronous>, transform_indices = @transform_5, window_bounds = array<i64: 33, 64>}, {pipeline_mode = #tpu.pipeline_mode<synchronous>, transform_indices = @transform_6, window_bounds = array<i64: 33, 128>}, {transform_indices = @transform_7, window_bounds = array<i64: 33, 2048>}]} {
    %get3A = arith.constant 0 : index
    %get3A_0 = arith.constant 0 : index
    %get3A_1 = vector.load %arg1[%get3A, %get3A_0] : memref<64x2048xf32, #tpu.memory_space<vmem>>, vector<64x2048xf32>
    %get3A_2 = arith.constant 0 : index
    %get3A_3 = arith.constant 0 : index
    %get3A_4 = vector.load %arg2[%get3A_2, %get3A_3] : memref<64x64xf32, #tpu.memory_space<vmem>>, vector<64x64xf32>
    %dot_general3A = arith.constant dense<0.000000e+00> : vector<64x2048xf32>
    %dot_general3A_5 = tpu.matmul %get3A_4, %get3A_1, %dot_general3A {dimension_numbers = #tpu.dot_dimension_numbers<[1], [0], [0], [1], [0, 0, 1, 1], [], []>, transpose_lhs_hint = false} : vector<64x64xf32>, vector<64x2048xf32>, vector<64x2048xf32> -> vector<64x2048xf32>
    %get3A_6 = arith.constant 0 : index
    %get3A_7 = arith.constant 0 : index
    %get3A_8 = vector.load %arg3[%get3A_6, %get3A_7] : memref<64x128xf32, #tpu.memory_space<vmem>>, vector<64x1xf32>
    %add3A = vector.broadcast %get3A_8 : vector<64x1xf32> to vector<64x2048xf32>
    %add3A_9 = arith.addf %dot_general3A_5, %add3A : vector<64x2048xf32>
    %max3A = arith.constant 0.000000e+00 : f32
    %max3A_10 = vector.broadcast %max3A : f32 to vector<64x2048xf32>
    %max3A_11 = arith.maximumf %add3A_9, %max3A_10 : vector<64x2048xf32>
    %get3A_12 = arith.constant 0 : index
    %get3A_13 = arith.constant 0 : index
    %get3A_14 = vector.load %arg4[%get3A_12, %get3A_13] : memref<64x64xf32, #tpu.memory_space<vmem>>, vector<64x64xf32>
    %dot_general3A_15 = arith.constant dense<0.000000e+00> : vector<64x2048xf32>
    %dot_general3A_16 = tpu.matmul %get3A_14, %max3A_11, %dot_general3A_15 {dimension_numbers = #tpu.dot_dimension_numbers<[1], [0], [0], [1], [0, 0, 1, 1], [], []>, transpose_lhs_hint = false} : vector<64x64xf32>, vector<64x2048xf32>, vector<64x2048xf32> -> vector<64x2048xf32>
    %get3A_17 = arith.constant 0 : index
    %get3A_18 = arith.constant 0 : index
    %get3A_19 = vector.load %arg5[%get3A_17, %get3A_18] : memref<64x128xf32, #tpu.memory_space<vmem>>, vector<64x1xf32>
    %add3A_20 = vector.broadcast %get3A_19 : vector<64x1xf32> to vector<64x2048xf32>
    %add3A_21 = arith.addf %dot_general3A_16, %add3A_20 : vector<64x2048xf32>
    %max3A_22 = arith.constant 0.000000e+00 : f32
    %max3A_23 = vector.broadcast %max3A_22 : f32 to vector<64x2048xf32>
    %max3A_24 = arith.maximumf %add3A_21, %max3A_23 : vector<64x2048xf32>
    %get3A_25 = arith.constant 0 : index
    %get3A_26 = arith.constant 0 : index
    %get3A_27 = vector.load %arg6[%get3A_25, %get3A_26] : memref<33x64xf32, #tpu.memory_space<vmem>>, vector<33x64xf32>
    %dot_general3A_28 = arith.constant dense<0.000000e+00> : vector<33x2048xf32>
    %dot_general3A_29 = tpu.matmul %get3A_27, %max3A_24, %dot_general3A_28 {dimension_numbers = #tpu.dot_dimension_numbers<[1], [0], [0], [1], [0, 0, 1, 1], [], []>, transpose_lhs_hint = false} : vector<33x64xf32>, vector<64x2048xf32>, vector<33x2048xf32> -> vector<33x2048xf32>
    %get3A_30 = arith.constant 0 : index
    %get3A_31 = arith.constant 0 : index
    %get3A_32 = vector.load %arg7[%get3A_30, %get3A_31] : memref<33x128xf32, #tpu.memory_space<vmem>>, vector<33x1xf32>
    %add3A_33 = vector.broadcast %get3A_32 : vector<33x1xf32> to vector<33x2048xf32>
    %add3A_34 = arith.addf %dot_general3A_29, %add3A_33 : vector<33x2048xf32>
    %slice3A = vector.extract_strided_slice %add3A_34 {offsets = [32, 0], sizes = [1, 2048], strides = [1, 1]} : vector<33x2048xf32> to vector<1x2048xf32>
    %neg3A = arith.constant 0.000000e+00 : f32
    %neg3A_35 = vector.broadcast %neg3A : f32 to vector<1x2048xf32>
    %neg3A_36 = arith.subf %neg3A_35, %slice3A : vector<1x2048xf32>
    %exp3A = math.exp %neg3A_36 : vector<1x2048xf32>
    %add3A_37 = arith.constant 1.000000e+00 : f32
    %add3A_38 = vector.broadcast %add3A_37 : f32 to vector<1x2048xf32>
    %add3A_39 = arith.addf %add3A_38, %exp3A : vector<1x2048xf32>
    %div3A = arith.constant 1.000000e+00 : f32
    %div3A_40 = vector.broadcast %div3A : f32 to vector<1x2048xf32>
    %div3A_41 = arith.divf %div3A_40, %add3A_39 : vector<1x2048xf32>
    %swap3A = arith.constant 0 : index
    %swap3A_42 = arith.constant 0 : index
    %swap3A_43 = vector.load %arg8[%swap3A, %swap3A_42] : memref<33x2048xf32, #tpu.memory_space<vmem>>, vector<33x2048xf32>
    tpu.vector_store %arg8[%swap3A, %swap3A_42], %add3A_34 {strides = array<i32>} : memref<33x2048xf32, #tpu.memory_space<vmem>>, vector<33x2048xf32>,
    %swap3A_44 = arith.constant 32 : index
    %swap3A_45 = arith.constant 0 : index
    %swap3A_46 = vector.load %arg8[%swap3A_44, %swap3A_45] : memref<33x2048xf32, #tpu.memory_space<vmem>>, vector<1x2048xf32>
    tpu.vector_store %arg8[%swap3A_44, %swap3A_45], %div3A_41 {strides = array<i32>} : memref<33x2048xf32, #tpu.memory_space<vmem>>, vector<1x2048xf32>,
    return
  }
  func.func @transform_0(%arg0: i32) -> (i32, i32) {
    %c0_i32 = arith.constant 0 : i32
    %c0_i32_0 = arith.constant 0 : i32
    return %c0_i32, %arg0 : i32, i32
  }
  func.func @transform_1(%arg0: i32) -> (i32, i32) {
    %c0_i32 = arith.constant 0 : i32
    %c0_i32_0 = arith.constant 0 : i32
    %c0_i32_1 = arith.constant 0 : i32
    return %c0_i32, %c0_i32_0 : i32, i32
  }
  func.func @transform_2(%arg0: i32) -> (i32, i32) {
    %c0_i32 = arith.constant 0 : i32
    %c0_i32_0 = arith.constant 0 : i32
    %c0_i32_1 = arith.constant 0 : i32
    return %c0_i32, %c0_i32_0 : i32, i32
  }
  func.func @transform_3(%arg0: i32) -> (i32, i32) {
    %c0_i32 = arith.constant 0 : i32
    %c0_i32_0 = arith.constant 0 : i32
    %c0_i32_1 = arith.constant 0 : i32
    return %c0_i32, %c0_i32_0 : i32, i32
  }
  func.func @transform_4(%arg0: i32) -> (i32, i32) {
    %c0_i32 = arith.constant 0 : i32
    %c0_i32_0 = arith.constant 0 : i32
    %c0_i32_1 = arith.constant 0 : i32
    return %c0_i32, %c0_i32_0 : i32, i32
  }
  func.func @transform_5(%arg0: i32) -> (i32, i32) {
    %c0_i32 = arith.constant 0 : i32
    %c0_i32_0 = arith.constant 0 : i32
    %c0_i32_1 = arith.constant 0 : i32
    return %c0_i32, %c0_i32_0 : i32, i32
  }
  func.func @transform_6(%arg0: i32) -> (i32, i32) {
    %c0_i32 = arith.constant 0 : i32
    %c0_i32_0 = arith.constant 0 : i32
    %c0_i32_1 = arith.constant 0 : i32
    return %c0_i32, %c0_i32_0 : i32, i32
  }
  func.func @transform_7(%arg0: i32) -> (i32, i32) {
    %c0_i32 = arith.constant 0 : i32
    %c0_i32_0 = arith.constant 0 : i32
    return %c0_i32, %arg0 : i32, i32
  }
}

</mosaic_0001>

<sc_bundles>
// kernel: kernel.6.cloned.1.call-start
scs
__scs_entry_jumppad:
0x0: {  	(pc) =	sbr.rel $0x88, $3  }
0x1: {  	(tag) =	ssettag $0x0;
	lr =	simm.s32 $0x1  }
0x2: {  	[smem:$0x3F97] =	sst lr;
	_ =	strace $0xD0000000  }
0x3: {  	_ = 	snop  }
0x4: {  	_ = 	snop  }
0x5: {  	_ = 	snop  }
0x6: {  	_ = 	snop  }
0x7: {  	_ = 	snop  }
__scs_overlays_trampoline_lowered:
0x8: {  	[smem:$0x3FA6] =	sst s0  }
0x9: {  	[smem:$0x3FA7] =	sst s1  }
0xa: {  	[smem:$0x3FA8] =	sst s2  }
0xb: {  	[smem:$0x3FA9] =	sst s3  }
0xc: {  	[smem:$0x3FAA] =	sst s4  }
0xd: {  	[smem:$0x3FAB] =	sst s5  }
0xe: {  	[smem:$0x3FAC] =	sst s6  }
0xf: {  	[smem:$0x3FAD] =	sst s7  }
0x10: {  	[smem:$0x3FAE] =	sst s8  }
0x11: {  	[smem:$0x3FAF] =	sst s9;
	s0 =	simm.s32 @!p0 $0x0  }
0x12: {  	s1 =	sld [smem:$0x3F95];
	s0 =	simm.s32 @p0 $0x1  }
0x13: {  	[smem:$0x3FB0] =	sst s0;
	s0 =	simm.s32 @!p1 $0x0  }
0x14: {  	s2 =	sld [smem:$0x3F94];
	s0 =	simm.s32 @p1 $0x1  }
0x15: {  	[smem:$0x3FB1] =	sst s0;
	s0 =	simm.s32 @!p2 $0x0  }
0x16: {  	s3 =	sld [smem:$0x3FDB];
	s0 =	simm.s32 @p2 $0x1  }
0x17: {  	s4 =	simm.s32 $0x1BF5;
	[smem:$0x3FB3] =	sst s0  }
0x18: {  	s0 =	sld [smem:$0x3F96];
	_ =	swait.ge [sflag:s4], $0x0  }
0x19: {  	s7 =	sld [smem:$0x3F97]  }
0x1a: {  	s8 =	sadd.s32 $0xFFFFE003, lr  }
0x1b: {  	s9 =	sadd.s32 $0xFFFFFEF7, lr;
	s5 =	simm.s32 $0xFFFFFFFF;
	p2 =	slt.u32 s8, $0xFFFFF086  }
0x1c: {  	p1 =	slt.u32 s9, $0xF7A;
	s5 =	simm.s32 @!p2 $0x0  }
0x1d: {  	s5 =	simm.s32 @p1 $0x1;
	p0 =	seq.s32 s7, s2  }
0x1e: {  	s7 =	smul.u32 @!p0 $0xF7A, s2;
	p2 =	seq.s32 @!p0 s5, $0x0  }
0x1f: {  	s9 =	smul.u32 $0xF7A, s1;
	s8 =	simm.s32 @!p0 $0x1BF5;
	p2 =	por !p2, p0  }
0x20: {  	[sflag:s8] =	ssyncset.s32 @!p0 $0xFFFFF086;
	s6 =	sadd.s32 @!p0 s3, s7;
	s7 =	simm.s32 @!p0 $0x108  }
0x21: {  	s3 =	sadd.s32 s3, s9;
	s6 =	sadd.s32 @!p0 $0x88, s6;
	s7 =	simm.s32 @p2 $0x1082  }
0x22: {  	[simem:s7], [sflag:s8] =	dma.local @!p0 [hbm:s6], $0xF7A  }
0x23: {  	s9 =	sor.u32 $0xD0000000, s2;
	s6 =	simm.s32 $0x108;
	_ =	swait.ge @!p0 [sflag:s8], $0x0  }
0x24: {  	s3 =	sadd.s32 $0x88, s3;
	s6 =	simm.s32 @!p1 $0x1082;
	[sflag:s4] =	ssyncset.s32 $0xFFFFF086  }
0x25: {  	[simem:s6], [sflag:s4] =	dma.local [hbm:s3], $0xF7A  }
0x26: {  	[smem:$0x3F97] =	sst s1;
	(tag) =	ssettag s2;
	_ =	strace s9  }
0x27: {  	s1 =	sld [smem:$0x3FA7]  }
0x28: {  	s2 =	sld [smem:$0x3FA8]  }
0x29: {  	s4 =	sld [smem:$0x3FAA]  }
0x2a: {  	p0 =	seq.s32 s5, $0x0;
	s5 =	sld [smem:$0x3FAB]  }
0x2b: {  	s6 =	sld [smem:$0x3FAC]  }
0x2c: {  	s7 =	sld [smem:$0x3FAD]  }
0x2d: {  	s3 =	simm.s32 $0x108;
	s8 =	sld [smem:$0x3FAE]  }
0x2e: {  	s3 =	simm.s32 @!p0 $0x1082;
	s9 =	sld [smem:$0x3FAF]  }
0x2f: {  	lr =	sadd.s32 s0, s3;
	s0 =	sld [smem:$0x3FA6]  }
0x30: {  	s3 =	sld [smem:$0x3FA9]  }
0x31: {  	[smem:$0x3FB2] =	sst s10  }
0x32: {  	s10 =	sld [smem:$0x3FB0];
	_ =	sdelay $0x3  }
0x33: {  	p0 =	seq.s32 s10, $0x1;
	s10 =	sld [smem:$0x3FB2];
	_ =	sdelay $0x3  }
0x34: {  	[smem:$0x3FB2] =	sst s10  }
0x35: {  	s10 =	sld [smem:$0x3FB1];
	_ =	sdelay $0x3  }
0x36: {  	p1 =	seq.s32 s10, $0x1;
	s10 =	sld [smem:$0x3FB2];
	_ =	sdelay $0x3  }
0x37: {  	[smem:$0x3FB2] =	sst s10  }
0x38: {  	s10 =	sld [smem:$0x3FB3]  }
0x39: {  	_ = 	snop;
	(pc) =	sbr.ind lr, $3  }
0x3a: {  	_ = 	snop  }
0x3b: {  	_ = 	snop  }
0x3c: {  	p2 =	seq.s32 s10, $0x1;
	s10 =	sld [smem:$0x3FB2]  }
0x3d: {  	_ =	shalt  }
0x3e: {  	_ =	shalt  }
0x3f: {  	_ =	shalt  }
0x40: {  	_ =	shalt  }
0x41: {  	_ =	shalt  }
0x42: {  	_ =	shalt  }
0x43: {  	_ =	shalt  }
0x44: {  	_ =	shalt  }
0x45: {  	_ =	shalt  }
0x46: {  	_ =	shalt  }
0x47: {  	_ =	shalt  }
0x48: {  	_ =	shalt  }
0x49: {  	_ =	shalt  }
0x4a: {  	_ =	shalt  }
0x4b: {  	_ =	shalt  }
0x4c: {  	_ =	shalt  }
0x4d: {  	_ =	shalt  }
0x4e: {  	_ =	shalt  }
0x4f: {  	_ =	shalt  }
0x50: {  	_ =	shalt  }
0x51: {  	_ =	shalt  }
0x52: {  	_ =	shalt  }
0x53: {  	_ =	shalt  }
0x54: {  	_ =	shalt  }
0x55: {  	_ =	shalt  }
0x56: {  	_ =	shalt  }
0x57: {  	_ =	shalt  }
0x58: {  	_ =	shalt  }
0x59: {  	_ =	shalt  }
0x5a: {  	_ =	shalt  }
0x5b: {  	_ =	shalt  }
0x5c: {  	_ =	shalt  }
0x5d: {  	_ =	shalt  }
0x5e: {  	_ =	shalt  }
0x5f: {  	_ =	shalt  }
0x60: {  	_ =	shalt  }
0x61: {  	_ =	shalt  }
0x62: {  	_ =	shalt  }
0x63: {  	_ =	shalt  }
0x64: {  	_ =	shalt  }
0x65: {  	_ =	shalt  }
0x66: {  	_ =	shalt  }
0x67: {  	_ =	shalt  }
0x68: {  	_ =	shalt  }
0x69: {  	_ =	shalt  }
0x6a: {  	_ =	shalt  }
0x6b: {  	_ =	shalt  }
0x6c: {  	_ =	shalt  }
0x6d: {  	_ =	shalt  }
0x6e: {  	_ =	shalt  }
0x6f: {  	_ =	shalt  }
0x70: {  	_ =	shalt  }
0x71: {  	_ =	shalt  }
0x72: {  	_ =	shalt  }
0x73: {  	_ =	shalt  }
0x74: {  	_ =	shalt  }
0x75: {  	_ =	shalt  }
0x76: {  	_ =	shalt  }
0x77: {  	_ =	shalt  }
0x78: {  	_ =	shalt  }
0x79: {  	_ =	shalt  }
0x7a: {  	_ =	shalt  }
0x7b: {  	_ =	shalt  }
0x7c: {  	_ =	shalt  }
0x7d: {  	_ =	shalt  }
0x7e: {  	_ =	shalt  }
0x7f: {  	_ =	shalt  }
0x80: {  	_ =	shalt  }
0x81: {  	_ =	shalt  }
0x82: {  	_ =	shalt  }
0x83: {  	_ =	shalt  }
0x84: {  	_ =	shalt  }
0x85: {  	_ =	shalt  }
0x86: {  	_ =	shalt  }
0x87: {  	_ =	shalt  }
.Lfunc_end0:
.L_simem_size_0:
called_computation_lowered:
.L_overlay_start_0:
0x88: {  	s2 =	sld [smem:$0x3FD9]  }
0x89: {  	s3 =	sld [smem:$0x3FFE];
	_ =	sdelay $0x1  }
0x8a: {  	s1 =	srdreg.scid  }
0x8b: {  	s0 =	sand.u32 $0x1, s1  }
0x8c: {  	s17 =	sshll.u32 s0, $0xA;
	s2 =	sadd.s32 s3, s2  }
0x8d: {  	s2 =	sadd.s32 s2, s17  }
0x8e: {  	[smem:$0x3FBE] =	sst s2  }
0x8f: {  	_ = 	snop  }
0x90: {  	s2 =	sld [smem:$0x3FD0];
	(tm) =	ssettm $0x1  }
0x91: {  	s18 =	sld [smem:$0x3FFB];
	_ =	sdelay $0x3  }
0x92: {  	_ =	strace s18  }
0x93: {  	s3 =	sld [smem:$0x3FFC];
	_ =	sdelay $0x3  }
0x94: {  	_ =	strace s3  }
0x95: {  	s3 =	sld [smem:$0x3FFD];
	_ =	sdelay $0x3  }
0x96: {  	_ =	strace s3  }
0x97: {  	_ =	strace $0x8FFFFFFF  }
0x98: {  	s19 =	sld [smem:$0x3FDB];
	_ =	sdelay $0x1  }
0x99: {  	s4 =	simm.s32 $_scs_section_size  }
0x9a: {  	s5 =	simm.s32 $_size__tile_overlayer_lowered;
	s6 =	simm.s32 $_tile_overlayer_lowered  }
0x9b: {  	s22 =	simm.s32 $0x1BFF;
	s21 =	sshll.u32 s6, $0x1;
	s3 =	sadd.s32 s4, s19  }
0x9c: {  	s7 =	simm.s32 $0x0;
	s20 =	sshll.u32 s5, $0x1;
	s5 =	sadd.s32 s21, s3  }
0x9d: {  	[timem:s7], [sflag:s22] =	dma.local [hbm:s5], s20  }
0x9e: {  	_ =	swait.ge [sflag:s22], s20  }
0x9f: {  	s4 =	ssub.s32 $0x0, s20;
	[sflag:s22] =	ssyncset.done $0x0  }
0xa0: {  	[sflag:s22] =	ssyncadd.s32 s4;
	_ =	sdelay $0x1  }
0xa1: {  	s23 =	simm.s32 $0x1B8B  }
0xa2: {  	_ =	swait.ge [sflag:s23], $0x1  }
0xa3: {  	[sflag:s23] =	ssyncset.done $0x0  }
0xa4: {  	s25 =	simm.s32 $0x1B8E;
	s24 =	sld [smem:$0x3FFE];
	[sflag:s23] =	ssyncadd.s32 $0xFFFFFFFF  }
0xa5: {  	s26 =	simm.s32 $execute0_lowered;
	[smem:$0x3FD2] =	sst s25  }
0xa6: {  	s5 =	sshll.u32 s26, $0x1;
	_ =	strace $0x80000046;
	[dreg:$0x1] =	wrdreg $0xFFFFFFFF  }
0xa7: {  	s28 =	simm.s32 $_size_execute0_lowered;
	s3 =	sadd.s32 s3, s5;
	[dreg:$0x0] =	wrdreg $0x0  }
0xa8: {  	s5 =	sshll.u32 s28, $0x1;
	[dreg:$0x2] =	wrdreg s3  }
0xa9: {  	[dreg:$0x3] =	wrdreg s5  }
0xaa: {  	[dreg:$0x4] =	wrdreg $0xC0  }
0xab: {  	_ =	task [dreg:s7], $0x5FFFF  }
0xac: {  	[dreg:$0x1] =	wrdreg $0xFFFFFFFF  }
0xad: {  	[dreg:$0x0] =	wrdreg $0x60  }
0xae: {  	[dreg:$0x2] =	wrdreg s2  }
0xaf: {  	[dreg:$0x3] =	wrdreg s24  }
0xb0: {  	[dreg:$0x4] =	wrdreg $0x9  }
0xb1: {  	_ =	task.clear_ibuf [dreg:s7], $0x5FFFF;
	_ =	strace $0x90000046  }
0xb2: {  	s29 =	simm.s32 $0x9;
	_ =	strace $0x80000048  }
0xb3: {  	_ =	swait.ge [sflag:s29], $0x1  }
0xb4: {  	[sflag:s29] =	ssyncadd.s32 $0xFFFFFFFF  }
0xb5: {  	_ =	strace $0x90000048  }
0xb6: {  	_ =	sfence  }
0xb7: {  	s30 =	sld [smem:$0x0];
	_ =	sdelay $0x2  }
0xb8: {  	s31 =	sshll.u32 s1, $0xD;
	s1 =	sshrl.u32 s1, $0x2  }
0xb9: {  	s3 =	sand.u32 $0x4000, s31;
	s1 =	sadd.s32 s1, s30  }
0xba: {  	s0 =	sor.u32 s3, s0;
	s1 =	sshll.u32 s1, $0x11  }
0xbb: {  	s0 =	sor.u32 s1, s0  }
0xbc: {  	s0 =	sadd.s32 $0x8F2B, s0  }
0xbd: {  	[sflag:s0] =	ssyncadd.remote.s32 $0x1  }
0xbe: {  	_ =	sfence.sel $0xFFFF  }
0xbf: {  	[dreg:$0x0] =	wrdreg $0xFFFFFFFF;
	(pc) =	sbr.abs _section_cstart, $3  }
0xc0: {  	[dreg:$0x1] =	wrdreg $0xFFFFFFFF  }
0xc1: {  	_ =	task.clear_ibuf [dreg:s7], $0x2FFFF;
	_ =	strace $0x9FFFFFFF  }
0xc2: {  	(tm) =	ssettm $0x7FFFFFFF  }
0xc3: {  	_ =	shalt  }
tec
execute0_lowered:
.L_overlay_start_1:
0x0: {  	(tag) =	ssettag $0x1  }
0x1: {  	s2 =	rddreg [dreg:$0x0]  }
0x2: {  	s0 =	rddreg [dreg:$0x1];
	s1 =	srdreg.scid  }
0x3: {  	s5 =	stileid.u32;
	s3 =	simm.s32 $0x0;
	s28 =	simm.s32 $0x1F400  }
0x4: {  	s8 =	simm.s32 $0x1F600;
	s9 =	simm.s32 $0x1F800;
	s29 =	simm.s32 $0x4  }
0x5: {  	s1 =	sand.u32 $0x1, s1;
	[smem:$0x7FF] =	sst s3;
	s10 =	sadd.s32 $0x102000, s0  }
0x6: {  	s13 =	sadd.s32 $0x40, s2;
	_ =	strace $0x80000047;
	[dreg:$0x3] =	wrdreg s10  }
0x7: {  	s4 =	sshll.u32 s5, $0x8;
	s15 =	sadd.s32 $0x80, s2;
	[dreg:$0x5] =	wrdreg s13  }
0x8: {  	s5 =	sshll.u32 s5, $0x12;
	s17 =	sadd.s32 $0xC0, s2;
	[dreg:$0x7] =	wrdreg s15  }
0x9: {  	s7 =	sadd.s32 $0x105E00, s0;
	s19 =	sadd.s32 $0x100, s2;
	[dreg:$0x9] =	wrdreg s17  }
0xa: {  	s20 =	sadd.s32 $0x140, s2;
	s21 =	sadd.s32 $0x180, s2;
	[dreg:$0xb] =	wrdreg s19  }
0xb: {  	s26 =	sadd.s32 $0x10, s2;
	s30 =	sadd.s32 $0x20, s2;
	[dreg:$0xc] =	wrdreg s20  }
0xc: {  	s31 =	sadd.s32 $0x30, s2;
	s6 =	sshll.u32 s1, $0x7;
	[dreg:$0xd] =	wrdreg s21  }
0xd: {  	s4 =	sand.u32 $0x300, s4;
	s5 =	sand.u32 $0x300000, s5;
	[dreg:$0x13] =	wrdreg s26  }
0xe: {  	s1 =	ssub.s32 $0x2, s1;
	s19 =	sadd.s32 $0x1C0, s2;
	[dreg:$0x14] =	wrdreg s30  }
0xf: {  	[dreg:$0x15] =	wrdreg s31;
	s20 =	simm.s32 $0x1F000;
	s21 =	simm.s32 $0x1F200  }
0x10: {  	s15 =	simm.s32 $0x5;
	s6 =	sor.u32 s6, s4;
	s12 =	sshrl.u32 s1, $0x1  }
0x11: {  	s4 =	sadd.s32 $0x2000, s0;
	s5 =	sor.u32 s5, s6;
	s0 =	ssub.s32 s1, s12  }
0x12: {  	s17 =	simm.s32 $0x2;
	s11 =	sshrl.u32 s5, $0x3;
	s0 =	smax.u32 s0, $0x1  }
0x13: {  	s10 =	simm.s32 $0x8;
	s6 =	sadd.s32 s4, s11;
	[dreg:$0x12] =	wrdreg s0  }
0x14: {  	s12 =	simm.s32 $0x1EC00;
	s14 =	sadd.s32 $0x200, s6;
	[dreg:$0x4] =	wrdreg s6  }
0x15: {  	s0 =	simm.s32 $0x1F780;
	s16 =	sadd.s32 $0x400, s6;
	[dreg:$0x6] =	wrdreg s14  }
0x16: {  	s11 =	simm.s32 $0x1;
	s18 =	sadd.s32 $0x600, s6;
	[dreg:$0x8] =	wrdreg s16  }
0x17: {  	s23 =	sadd.s32 $0x80200, s6;
	s24 =	sadd.s32 $0x80400, s6;
	[dreg:$0xa] =	wrdreg s18  }
.Ltmp0:
0x18: {  	s25 =	sadd.s32 $0x80600, s6;
	[dreg:$0xf] =	wrdreg s23;
	(pc) =	sbr.rel .LBB2_1-.Ltmp0, $4  }
0x19: {  	s6 =	simm.s32 $0x7;
	s16 =	sor.u32 $0x400000, s5;
	[dreg:$0x10] =	wrdreg s24  }
0x1a: {  	[dreg:$0x11] =	wrdreg s25;
	s14 =	simm.s32 $0x1EE00;
	s22 =	sshrl.u32 s16, $0x3  }
0x1b: {  	s18 =	simm.s32 $0x6;
	s24 =	simm.s32 $0x3;
	s1 =	sadd.s32 s4, s22  }
0x1c: {  	v0 =	vimm.s32 $0x0;
	s22 =	simm.s32 $0x0;
	[dreg:$0xe] =	wrdreg s1;
	s1 =	simm.s32 $0x1EA00  }
.LBB2_85:
0x1d: {  	_ =	swait.ge [sflag:s15], $0x200  }
0x1e: {  	[sflag:s15] =	ssyncset.done $0x0  }
0x1f: {  	[sflag:s15] =	ssyncadd.s32 $0xFFFFFE00  }
0x20: {  	_ =	swait.ge [sflag:s18], $0x200  }
0x21: {  	[sflag:s18] =	ssyncset.done $0x0  }
0x22: {  	[sflag:s18] =	ssyncadd.s32 $0xFFFFFE00  }
0x23: {  	_ =	swait.ge [sflag:s6], $0x200  }
0x24: {  	[sflag:s6] =	ssyncset.done $0x0  }
0x25: {  	[sflag:s6] =	ssyncadd.s32 $0xFFFFFE00  }
0x26: {  	_ =	swait.ge [sflag:s10], $0x200  }
0x27: {  	s22 =	rddreg [dreg:$0x16]  }
0x28: {  	s13 =	rddreg [dreg:$0x12];
	s22 =	sadd.s32 $0x1, s22  }
0x29: {  	p0 =	sne.s32 s22, s13  }
.Ltmp1:
0x2a: {  	_ = 	snop;
	(pc) =	sbr.rel @!p0 .LBB2_86-.Ltmp1, $3  }
0x2b: {  	_ =	sdelay $0x1  }
0x2c: {  	[sflag:s10] =	ssyncset.done $0x0  }
0x2d: {  	[sflag:s10] =	ssyncadd.s32 $0xFFFFFE00  }
.LBB2_1:
0x2e: {  	[dreg:$0x16] =	wrdreg s22  }
0x2f: {  	s13 =	rddreg [dreg:$0x3];
	s25 =	simm.s32 $0x9  }
0x30: {  	[tilespmem:s3], [sflag:$0x9] =	stream.linear.gather [hbm4b:s13+s3], $0x1E880, $0x38;
	[tilespmem:$0x1F880] =	vst v63  }
0x31: {  	_ =	swait.ge [sflag:s25], $0x1E880  }
0x32: {  	[sflag:s25] =	ssyncset.done $0x0  }
0x33: {  	s26 =	simm.s32 $0x1E880;
	[sflag:s25] =	ssyncadd.s32 $0xFFFE1780  }
0x34: {  	[tilespmem:s26], [sflag:$0x1] =	stream.linear.gather [hbm4b:s2+s3], $0x80, $0x38;
	[tilespmem:$0x1F880] =	vst v63  }
0x35: {  	s31 =	simm.s32 $0x1EA80;
	s30 =	rddreg [dreg:$0x13]  }
0x36: {  	[tilespmem:s31], [sflag:$0x1] =	stream.linear.gather [hbm4b:s30+s3], $0x80, $0x38;
	[tilespmem:$0x1F880] =	vst v63  }
0x37: {  	s23 =	simm.s32 $0x1EC80;
	s22 =	rddreg [dreg:$0x14]  }
0x38: {  	[tilespmem:s23], [sflag:$0x1] =	stream.linear.gather [hbm4b:s22+s3], $0x80, $0x38;
	[tilespmem:$0x1F880] =	vst v63  }
0x39: {  	s25 =	rddreg [dreg:$0x15];
	s26 =	simm.s32 $0x1EE80  }
0x3a: {  	[tilespmem:s26], [sflag:$0x1] =	stream.linear.gather [hbm4b:s25+s3], $0x80, $0x38;
	[tilespmem:$0x1F880] =	vst v63  }
0x3b: {  	s13 =	rddreg [dreg:$0x4];
	s30 =	simm.s32 $0x1F080  }
0x3c: {  	[tilespmem:s30], [sflag:$0x5] =	stream.linear.gather [hbm4b:s13+s3], $0x80, $0x38;
	[tilespmem:$0x1F880] =	vst v63  }
0x3d: {  	s31 =	sadd.s32 $0x80, s13;
	s23 =	simm.s32 $0x1F280  }
0x3e: {  	[tilespmem:s23], [sflag:$0x5] =	stream.linear.gather [hbm4b:s31+s3], $0x80, $0x38;
	[tilespmem:$0x1F880] =	vst v63  }
0x3f: {  	s25 =	sadd.s32 $0x100, s13;
	s26 =	simm.s32 $0x1F480  }
0x40: {  	[tilespmem:s26], [sflag:$0x5] =	stream.linear.gather [hbm4b:s25+s3], $0x80, $0x38;
	[tilespmem:$0x1F880] =	vst v63  }
0x41: {  	s30 =	sadd.s32 $0x180, s13;
	s31 =	simm.s32 $0x1F680  }
0x42: {  	[tilespmem:s31], [sflag:$0x5] =	stream.linear.gather [hbm4b:s30+s3], $0x80, $0x38;
	[tilespmem:$0x1F880] =	vst v63  }
0x43: {  	s13 =	rddreg [dreg:$0x5];
	s23 =	simm.s32 $0x1E900  }
0x44: {  	[tilespmem:s23], [sflag:$0x2] =	stream.linear.gather [hbm4b:s13+s3], $0x80, $0x38;
	[tilespmem:$0x1F880] =	vst v63  }
0x45: {  	s25 =	sadd.s32 $0x10, s13;
	s26 =	simm.s32 $0x1EB00  }
0x46: {  	[tilespmem:s26], [sflag:$0x2] =	stream.linear.gather [hbm4b:s25+s3], $0x80, $0x38;
	[tilespmem:$0x1F880] =	vst v63  }
0x47: {  	s30 =	sadd.s32 $0x20, s13;
	s31 =	simm.s32 $0x1ED00  }
0x48: {  	[tilespmem:s31], [sflag:$0x2] =	stream.linear.gather [hbm4b:s30+s3], $0x80, $0x38;
	[tilespmem:$0x1F880] =	vst v63  }
0x49: {  	[dreg:$0x17] =	wrdreg s25;
	s23 =	sadd.s32 $0x30, s13;
	s25 =	simm.s32 $0x1EF00  }
0x4a: {  	[tilespmem:s25], [sflag:$0x2] =	stream.linear.gather [hbm4b:s23+s3], $0x80, $0x38;
	[tilespmem:$0x1F880] =	vst v63  }
0x4b: {  	s13 =	rddreg [dreg:$0x6];
	s26 =	simm.s32 $0x1F100  }
0x4c: {  	[tilespmem:s26], [sflag:$0x6] =	stream.linear.gather [hbm4b:s13+s3], $0x80, $0x38;
	[tilespmem:$0x1F880] =	vst v63  }
0x4d: {  	[dreg:$0x18] =	wrdreg s30;
	s30 =	sadd.s32 $0x80, s13;
	s31 =	simm.s32 $0x1F300  }
0x4e: {  	[tilespmem:s31], [sflag:$0x6] =	stream.linear.gather [hbm4b:s30+s3], $0x80, $0x38;
	[tilespmem:$0x1F880] =	vst v63  }
0x4f: {  	s25 =	sadd.s32 $0x100, s13;
	s26 =	simm.s32 $0x1F500  }
0x50: {  	[tilespmem:s26], [sflag:$0x6] =	stream.linear.gather [hbm4b:s25+s3], $0x80, $0x38;
	[tilespmem:$0x1F880] =	vst v63  }
0x51: {  	[dreg:$0x19] =	wrdreg s23;
	s30 =	sadd.s32 $0x180, s13;
	s31 =	simm.s32 $0x1F700  }
0x52: {  	[tilespmem:s31], [sflag:$0x6] =	stream.linear.gather [hbm4b:s30+s3], $0x80, $0x38;
	[tilespmem:$0x1F880] =	vst v63  }
0x53: {  	s23 =	simm.s32 $0x1E980;
	s13 =	rddreg [dreg:$0x7]  }
0x54: {  	[tilespmem:s23], [sflag:$0x3] =	stream.linear.gather [hbm4b:s13+s3], $0x80, $0x38;
	[tilespmem:$0x1F880] =	vst v63  }
0x55: {  	s25 =	sadd.s32 $0x10, s13;
	s26 =	simm.s32 $0x1EB80  }
0x56: {  	[tilespmem:s26], [sflag:$0x3] =	stream.linear.gather [hbm4b:s25+s3], $0x80, $0x38;
	[tilespmem:$0x1F880] =	vst v63  }
0x57: {  	s30 =	sadd.s32 $0x20, s13;
	s31 =	simm.s32 $0x1ED80  }
0x58: {  	[tilespmem:s31], [sflag:$0x3] =	stream.linear.gather [hbm4b:s30+s3], $0x80, $0x38;
	[tilespmem:$0x1F880] =	vst v63  }
0x59: {  	[dreg:$0x1a] =	wrdreg s25;
	s23 =	sadd.s32 $0x30, s13;
	s25 =	simm.s32 $0x1EF80  }
0x5a: {  	[tilespmem:s25], [sflag:$0x3] =	stream.linear.gather [hbm4b:s23+s3], $0x80, $0x38;
	[tilespmem:$0x1F880] =	vst v63  }
0x5b: {  	s13 =	rddreg [dreg:$0x8];
	s26 =	simm.s32 $0x1F180  }
0x5c: {  	[tilespmem:s26], [sflag:$0x7] =	stream.linear.gather [hbm4b:s13+s3], $0x80, $0x38;
	[tilespmem:$0x1F880] =	vst v63  }
0x5d: {  	[dreg:$0x1b] =	wrdreg s30;
	s30 =	sadd.s32 $0x80, s13;
	s31 =	simm.s32 $0x1F380  }
0x5e: {  	[tilespmem:s31], [sflag:$0x7] =	stream.linear.gather [hbm4b:s30+s3], $0x80, $0x38;
	[tilespmem:$0x1F880] =	vst v63  }
0x5f: {  	[dreg:$0x1c] =	wrdreg s23;
	s23 =	sadd.s32 $0x100, s13;
	s25 =	simm.s32 $0x1F580  }
0x60: {  	[tilespmem:s25], [sflag:$0x7] =	stream.linear.gather [hbm4b:s23+s3], $0x80, $0x38;
	[tilespmem:$0x1F880] =	vst v63  }
0x61: {  	s26 =	sadd.s32 $0x180, s13  }
0x62: {  	[tilespmem:s0], [sflag:$0x7] =	stream.linear.gather [hbm4b:s26+s3], $0x80, $0x38;
	[tilespmem:$0x1F880] =	vst v63  }
0x63: {  	s30 =	rddreg [dreg:$0x9]  }
0x64: {  	[tilespmem:s1], [sflag:$0x4] =	stream.linear.gather [hbm4b:s30+s3], $0x80, $0x38;
	[tilespmem:$0x1F880] =	vst v63  }
0x65: {  	s31 =	sadd.s32 $0x10, s30  }
0x66: {  	[tilespmem:s12], [sflag:$0x4] =	stream.linear.gather [hbm4b:s31+s3], $0x80, $0x38;
	[tilespmem:$0x1F880] =	vst v63  }
0x67: {  	s23 =	sadd.s32 $0x20, s30  }
0x68: {  	[tilespmem:s14], [sflag:$0x4] =	stream.linear.gather [hbm4b:s23+s3], $0x80, $0x38;
	[tilespmem:$0x1F880] =	vst v63  }
0x69: {  	s13 =	sadd.s32 $0x30, s30  }
0x6a: {  	[tilespmem:s20], [sflag:$0x4] =	stream.linear.gather [hbm4b:s13+s3], $0x80, $0x38;
	[tilespmem:$0x1F880] =	vst v63  }
0x6b: {  	s25 =	rddreg [dreg:$0xa]  }
0x6c: {  	[tilespmem:s21], [sflag:$0x8] =	stream.linear.gather [hbm4b:s25+s3], $0x80, $0x38;
	[tilespmem:$0x1F880] =	vst v63  }
0x6d: {  	[dreg:$0x1d] =	wrdreg s31;
	s26 =	sadd.s32 $0x80, s25  }
0x6e: {  	[tilespmem:s28], [sflag:$0x8] =	stream.linear.gather [hbm4b:s26+s3], $0x80, $0x38;
	[tilespmem:$0x1F880] =	vst v63  }
0x6f: {  	[dreg:$0x1f] =	wrdreg s13;
	s30 =	sadd.s32 $0x100, s25  }
0x70: {  	[tilespmem:s8], [sflag:$0x8] =	stream.linear.gather [hbm4b:s30+s3], $0x80, $0x38;
	[tilespmem:$0x1F880] =	vst v63  }
0x71: {  	s22 =	simm.s32 $0x0;
	[dreg:$0x1e] =	wrdreg s23;
	s31 =	sadd.s32 $0x180, s25  }
0x72: {  	[tilespmem:s9], [sflag:$0x8] =	stream.linear.gather [hbm4b:s31+s3], $0x80, $0x38;
	[tilespmem:$0x1F880] =	vst v63  }
.LBB2_2:
0x73: {  	_ =	swait.ge [sflag:s11], $0x200  }
0x74: {  	[sflag:s11] =	ssyncset.done $0x0  }
0x75: {  	[sflag:s11] =	ssyncadd.s32 $0xFFFFFE00  }
0x76: {  	_ =	swait.ge [sflag:s15], $0x200  }
0x77: {  	s23 =	simm.s32 $0x0;
	p0 =	por $0x1, $0x1;
	[sflag:s15] =	ssyncset.done $0x0  }
0x78: {  	p1 =	por $0x1, $0x1;
	s25 =	simm.s32 $0x0;
	[sflag:s15] =	ssyncadd.s32 $0xFFFFFE00  }
.LBB2_3:
0x79: {  	v1 =	vld [tilespmem:s25+$0x1E880]  }
0x7a: {  	v2 =	vld [tilespmem:s25+$0x1E890]  }
0x7b: {  	v3 =	vld [tilespmem:s25+$0x1E8A0]  }
0x7c: {  	v4 =	vld [tilespmem:s25+$0x1F080]  }
0x7d: {  	v6 =	vld [tilespmem:s25+$0x1E8B0]  }
0x7e: {  	v7 =	vld [tilespmem:s25+$0x1F090]  }
0x7f: {  	v9 =	vld [tilespmem:s25+$0x1E8C0]  }
0x80: {  	v10 =	vld [tilespmem:s25+$0x1F0A0]  }
0x81: {  	v12 =	vld [tilespmem:s25+$0x1E8D0]  }
0x82: {  	v13 =	vld [tilespmem:s25+$0x1F0B0]  }
0x83: {  	v15 =	vld [tilespmem:s25+$0x1E8E0]  }
0x84: {  	v16 =	vld [tilespmem:s25+$0x1F0C0]  }
0x85: {  	v18 =	vld [tilespmem:s25+$0x1E8F0]  }
0x86: {  	v19 =	vld [tilespmem:s25+$0x1F0D0]  }
0x87: {  	v21 =	vld [tilespmem:s25+$0x1EA80]  }
0x88: {  	v22 =	vld [tilespmem:s25+$0x1F0E0]  }
0x89: {  	v24 =	vld [tilespmem:s25+$0x1EA90]  }
0x8a: {  	v25 =	vld [tilespmem:s25+$0x1F0F0]  }
0x8b: {  	v27 =	vld [tilespmem:s25+$0x1EAA0]  }
0x8c: {  	v28 =	vld [tilespmem:s25+$0x1F280]  }
0x8d: {  	v30 =	vld [tilespmem:s25+$0x1F290]  }
0x8e: {  	v31 =	vld [tilespmem:s25+$0x1EAB0]  }
0x8f: {  	v33 =	vld [tilespmem:s25+$0x1F2A0]  }
0x90: {  	v34 =	vld [tilespmem:s25+$0x1EAC0]  }
0x91: {  	v36 =	vld [tilespmem:s25+$0x1EAD0]  }
0x92: {  	v37 =	vld [tilespmem:s25+$0x1F2B0]  }
0x93: {  	v38 =	vld [tilespmem:s25+$0x1EAE0]  }
0x94: {  	v40 =	vld [tilespmem:s25+$0x1EAF0]  }
0x95: {  	v41 =	vld [tilespmem:s25+$0x1F2C0]  }
0x96: {  	v60 =	vld [tilespmem:s25+$0x1F2D0]  }
0x97: {  	v62 =	vld [tilespmem:s25+$0x1F2F0]  }
0x98: {  	v5 =	vld.idx.msk [tilespmem:v1+s23+$0x0], $0xffff  }
0x99: {  	v8 =	vld.idx.msk [tilespmem:v2+s23+$0x0], $0xffff  }
0x9a: {  	v11 =	vld.idx.msk [tilespmem:v3+s23+$0x0], $0xffff  }
0x9b: {  	v14 =	vld.idx.msk [tilespmem:v6+s23+$0x0], $0xffff  }
0x9c: {  	v17 =	vld.idx.msk [tilespmem:v9+s23+$0x0], $0xffff  }
0x9d: {  	v20 =	vld.idx.msk [tilespmem:v12+s23+$0x0], $0xffff  }
0x9e: {  	v23 =	vld.idx.msk [tilespmem:v15+s23+$0x0], $0xffff;
	vm0 =	vlt.f32 v5, v4  }
0x9f: {  	v26 =	vld.idx.msk [tilespmem:v18+s23+$0x0], $0xffff;
	vm1 =	vlt.f32 v8, v7  }
0xa0: {  	v29 =	vld.idx.msk [tilespmem:v21+s23+$0x0], $0xffff;
	vm2 =	vlt.f32 v11, v10  }
0xa1: {  	v32 =	vld.idx.msk [tilespmem:v24+s23+$0x0], $0xffff;
	vm3 =	vlt.f32 v14, v13  }
0xa2: {  	v35 =	vld.idx.msk [tilespmem:v27+s23+$0x0], $0xffff;
	vm4 =	vlt.f32 v17, v16  }
0xa3: {  	v39 =	vld.idx.msk [tilespmem:v31+s23+$0x0], $0xffff;
	v4 =	vmax.f32 v5, v4;
	vm5 =	vlt.f32 v20, v19  }
0xa4: {  	v42 =	vld.idx.msk [tilespmem:v34+s23+$0x0], $0xffff;
	vm14 =	vlt.f32 v23, v22;
	[tilespmem:v1+s23+$0x0] =	vst.idx.msk vm0, v4;
	v1 =	vmax.f32 v8, v7  }
0xa5: {  	v61 =	vld.idx.msk [tilespmem:v36+s23+$0x0], $0xffff;
	vm15 =	vlt.f32 v26, v25;
	[tilespmem:v2+s23+$0x0] =	vst.idx.msk vm1, v1;
	v1 =	vmax.f32 v11, v10  }
0xa6: {  	vm8 =	vlt.f32 v29, v28;
	v2 =	vld [tilespmem:s25+$0x1F2E0];
	[tilespmem:v3+s23+$0x0] =	vst.idx.msk vm2, v1;
	v1 =	vmax.f32 v14, v13  }
0xa7: {  	vm9 =	vlt.f32 v32, v30;
	v3 =	vld.idx.msk [tilespmem:v38+s23+$0x0], $0xffff;
	[tilespmem:v6+s23+$0x0] =	vst.idx.msk vm3, v1;
	v1 =	vmax.f32 v17, v16  }
0xa8: {  	v63 =	vld.idx.msk [tilespmem:v40+s23+$0x0], $0xffff;
	vm10 =	vlt.f32 v35, v33;
	[tilespmem:v9+s23+$0x0] =	vst.idx.msk vm4, v1;
	v1 =	vmax.f32 v20, v19  }
0xa9: {  	vm11 =	vlt.f32 v39, v37;
	[tilespmem:v12+s23+$0x0] =	vst.idx.msk vm5, v1;
	v1 =	vmax.f32 v23, v22  }
0xaa: {  	vm12 =	vlt.f32 v42, v41;
	[tilespmem:v15+s23+$0x0] =	vst.idx.msk vm14, v1;
	v1 =	vmax.f32 v26, v25  }
0xab: {  	vm13 =	vlt.f32 v61, v60;
	[tilespmem:v18+s23+$0x0] =	vst.idx.msk vm15, v1;
	v1 =	vmax.f32 v29, v28  }
0xac: {  	vm14 =	vlt.f32 v3, v2;
	[tilespmem:v21+s23+$0x0] =	vst.idx.msk vm8, v1;
	v1 =	vmax.f32 v32, v30  }
0xad: {  	vm15 =	vlt.f32 v63, v62;
	[tilespmem:v24+s23+$0x0] =	vst.idx.msk vm9, v1;
	v1 =	vmax.f32 v35, v33  }
0xae: {  	p2 =	por p1, p1;
	[tilespmem:v27+s23+$0x0] =	vst.idx.msk vm10, v1;
	v1 =	vmax.f32 v39, v37  }
.Ltmp2:
0xaf: {  	[tilespmem:v31+s23+$0x0] =	vst.idx.msk vm11, v1;
	v1 =	vmax.f32 v42, v41;
	(pc) =	sbr.rel @p2 .LBB2_3-.Ltmp2, $4  }
0xb0: {  	[tilespmem:v34+s23+$0x0] =	vst.idx.msk vm12, v1;
	v1 =	vmax.f32 v61, v60  }
0xb1: {  	[tilespmem:v36+s23+$0x0] =	vst.idx.msk vm13, v1;
	v1 =	vmax.f32 v3, v2  }
0xb2: {  	[tilespmem:v38+s23+$0x0] =	vst.idx.msk vm14, v1;
	v1 =	vmax.f32 v63, v62  }
0xb3: {  	p1 =	por $0x0, $0x0;
	s25 =	simm.s32 $0x400;
	[tilespmem:v40+s23+$0x0] =	vst.idx.msk vm15, v1;
	v1 =	vimm.s32 $0x0  }
.Ltmp3:
0xb4: {  	_ = 	snop;
	(pc) =	sbr.rel .LBB2_4-.Ltmp3, $1  }
0xb5: {  	_ =	sdelay $0x3  }
.LBB2_5:
0xb6: {  	s23 =	simm.s32 @!p0 $0x0  }
0xb7: {  	v1 =	vpsel !p0, $0x0, v1;
	s23 =	simm.s32 @p0 $0x400;
	p0 =	por !p0, !p0  }
.LBB2_4:
0xb8: {  	v2 =	vld [tilespmem:s23+$0x1E880]  }
0xb9: {  	v3 =	vld [tilespmem:s23+$0x1E890]  }
0xba: {  	v4 =	vld [tilespmem:s23+$0x1E8A0]  }
0xbb: {  	v5 =	vld [tilespmem:s23+$0x1F080]  }
0xbc: {  	v7 =	vld [tilespmem:s23+$0x1E8B0]  }
0xbd: {  	v8 =	vld [tilespmem:s23+$0x1F090]  }
0xbe: {  	v10 =	vld [tilespmem:s23+$0x1E8C0]  }
0xbf: {  	v11 =	vld [tilespmem:s23+$0x1F0A0]  }
0xc0: {  	v13 =	vld [tilespmem:s23+$0x1E8D0]  }
0xc1: {  	v14 =	vld [tilespmem:s23+$0x1F0B0]  }
0xc2: {  	v16 =	vld [tilespmem:s23+$0x1E8E0]  }
0xc3: {  	v17 =	vld [tilespmem:s23+$0x1F0C0]  }
0xc4: {  	v19 =	vld [tilespmem:s23+$0x1E8F0]  }
0xc5: {  	v20 =	vld [tilespmem:s23+$0x1F0D0]  }
0xc6: {  	v22 =	vld [tilespmem:s23+$0x1EA80]  }
0xc7: {  	v23 =	vld [tilespmem:s23+$0x1F0E0]  }
0xc8: {  	v25 =	vld [tilespmem:s23+$0x1EA90]  }
0xc9: {  	v26 =	vld [tilespmem:s23+$0x1F0F0]  }
0xca: {  	v28 =	vld [tilespmem:s23+$0x1EAA0]  }
0xcb: {  	v29 =	vld [tilespmem:s23+$0x1F280]  }
0xcc: {  	v31 =	vld [tilespmem:s23+$0x1F290]  }
0xcd: {  	v32 =	vld [tilespmem:s23+$0x1EAB0]  }
0xce: {  	v34 =	vld [tilespmem:s23+$0x1F2A0]  }
0xcf: {  	v35 =	vld [tilespmem:s23+$0x1EAC0]  }
0xd0: {  	v37 =	vld [tilespmem:s23+$0x1EAD0]  }
0xd1: {  	v38 =	vld [tilespmem:s23+$0x1F2B0]  }
0xd2: {  	v39 =	vld [tilespmem:s23+$0x1EAE0]  }
0xd3: {  	v41 =	vld [tilespmem:s23+$0x1EAF0]  }
0xd4: {  	v42 =	vld [tilespmem:s23+$0x1F2C0]  }
0xd5: {  	v44 =	vld [tilespmem:s23+$0x1F2D0]  }
0xd6: {  	v46 =	vld [tilespmem:s23+$0x1F2E0]  }
0xd7: {  	v48 =	vld [tilespmem:s23+$0x1F2F0]  }
0xd8: {  	v6 =	vld.idx.msk [tilespmem:v2+s3+$0x0], $0xffff  }
0xd9: {  	v9 =	vld.idx.msk [tilespmem:v3+s3+$0x0], $0xffff  }
0xda: {  	v12 =	vld.idx.msk [tilespmem:v4+s3+$0x0], $0xffff  }
0xdb: {  	v15 =	vld.idx.msk [tilespmem:v7+s3+$0x0], $0xffff  }
0xdc: {  	v18 =	vld.idx.msk [tilespmem:v10+s3+$0x0], $0xffff  }
0xdd: {  	v21 =	vld.idx.msk [tilespmem:v13+s3+$0x0], $0xffff  }
0xde: {  	v24 =	vld.idx.msk [tilespmem:v16+s3+$0x0], $0xffff;
	vm1 =	vlt.f32 v6, v5;
	vm0 =	vlt.f32 v9, v8  }
0xdf: {  	v27 =	vld.idx.msk [tilespmem:v19+s3+$0x0], $0xffff;
	vm2 =	vlt.f32 v12, v11;
	vm3 =	vmor vm1, vm0  }
0xe0: {  	v30 =	vld.idx.msk [tilespmem:v22+s3+$0x0], $0xffff;
	vm4 =	vmor vm3, vm2;
	vm3 =	vlt.f32 v15, v14  }
0xe1: {  	v33 =	vld.idx.msk [tilespmem:v25+s3+$0x0], $0xffff;
	vm5 =	vmor vm4, vm3;
	vm4 =	vlt.f32 v18, v17  }
0xe2: {  	v36 =	vld.idx.msk [tilespmem:v28+s3+$0x0], $0xffff;
	vm6 =	vmor vm5, vm4;
	vm5 =	vlt.f32 v21, v20  }
0xe3: {  	v62 =	vld.idx.msk [tilespmem:v32+s3+$0x0], $0xffff;
	vm7 =	vmor vm6, vm5;
	vm6 =	vlt.f32 v24, v23  }
0xe4: {  	v43 =	vld.idx.msk [tilespmem:v35+s3+$0x0], $0xffff;
	vm8 =	vmor vm7, vm6;
	vm7 =	vlt.f32 v27, v26  }
0xe5: {  	v45 =	vld.idx.msk [tilespmem:v37+s3+$0x0], $0xffff;
	vm9 =	vmor vm8, vm7;
	vm8 =	vlt.f32 v30, v29  }
0xe6: {  	v47 =	vld.idx.msk [tilespmem:v39+s3+$0x0], $0xffff;
	vm10 =	vlt.f32 v33, v31;
	vm9 =	vmor vm9, vm8  }
0xe7: {  	v49 =	vld.idx.msk [tilespmem:v41+s3+$0x0], $0xffff;
	vm12 =	vlt.f32 v36, v34;
	vm9 =	vmor vm9, vm10  }
0xe8: {  	vm14 =	vlt.f32 v62, v38;
	vm9 =	vmor vm9, vm12  }
0xe9: {  	vm15 =	vlt.f32 v43, v42;
	vm9 =	vmor vm9, vm14  }
0xea: {  	vm13 =	vlt.f32 v45, v44;
	vm9 =	vmor vm9, vm15  }
0xeb: {  	v40 =	vimm.s32 $0x0;
	vm11 =	vlt.f32 v47, v46;
	vm9 =	vmor vm9, vm13  }
0xec: {  	v40 =	vsel vm0, $0xFFFFFFFF, v40;
	vm0 =	vmor vm9, vm11;
	vm9 =	vlt.f32 v49, v48  }
0xed: {  	vm0 =	vmor vm0, vm9  }
0xee: {  	v50 =	vsel vm0, $0x1, v0  }
0xef: {  	v1 =	vor.u32 v50, v1  }
0xf0: {  	v50 =	vxor.u32 @!p0 $0x80000000, v1  }
0xf1: {  	(xrf0) =	vmax.scan.msk.u32 @!p0 $0xffff, v50;
	_ =	sdelay $0x2  }
0xf2: {  	[tilespmem:$0x1FFF0] =	vst v40  }
0xf3: {  	v63 =	vld [tilespmem:$0x1FFF0];
	_ =	sdelay $0x1  }
0xf4: {  	v50, _, _ =	vpop @!p0 (xrf0)  }
0xf5: {  	(v2sf) =	vpush @!p0 v50, $0xF;
	_ =	sdelay $0x1  }
0xf6: {  	vm0 =	vnez.u8 v63;
	_ =	sdelay $0x3  }
0xf7: {  	v5 =	vmax.f32 v6, v5  }
0xf8: {  	[tilespmem:v2+s3+$0x0] =	vst.idx.msk vm1, v5;
	v2 =	vmax.f32 v9, v8  }
0xf9: {  	[tilespmem:v3+s3+$0x0] =	vst.idx.msk vm0, v2;
	v2 =	vmax.f32 v12, v11  }
0xfa: {  	[tilespmem:v4+s3+$0x0] =	vst.idx.msk vm2, v2;
	v2 =	vmax.f32 v15, v14  }
0xfb: {  	[tilespmem:v7+s3+$0x0] =	vst.idx.msk vm3, v2;
	v2 =	vmax.f32 v18, v17  }
0xfc: {  	[tilespmem:v10+s3+$0x0] =	vst.idx.msk vm4, v2;
	v2 =	vmax.f32 v21, v20  }
0xfd: {  	[tilespmem:v13+s3+$0x0] =	vst.idx.msk vm5, v2;
	v2 =	vmax.f32 v24, v23  }
0xfe: {  	[tilespmem:v16+s3+$0x0] =	vst.idx.msk vm6, v2;
	v2 =	vmax.f32 v27, v26  }
0xff: {  	[tilespmem:v19+s3+$0x0] =	vst.idx.msk vm7, v2;
	v2 =	vmax.f32 v30, v29  }
0x100: {  	[tilespmem:v22+s3+$0x0] =	vst.idx.msk vm8, v2;
	v2 =	vmax.f32 v33, v31;
	s23 =	spop @!p0 (v2sf)  }
0x101: {  	[tilespmem:v25+s3+$0x0] =	vst.idx.msk vm10, v2;
	v2 =	vmax.f32 v36, v34;
	p1 =	sgt.u32 @!p0 s23, $0x80000000  }
0x102: {  	[tilespmem:v28+s3+$0x0] =	vst.idx.msk vm12, v2;
	v2 =	vmax.f32 v62, v38;
	p1 =	por p0, p1  }
.Ltmp4:
0x103: {  	[tilespmem:v32+s3+$0x0] =	vst.idx.msk vm14, v2;
	v2 =	vmax.f32 v43, v42;
	(pc) =	sbr.rel @p1 .LBB2_5-.Ltmp4, $4  }
0x104: {  	[tilespmem:v35+s3+$0x0] =	vst.idx.msk vm15, v2;
	v2 =	vmax.f32 v45, v44  }
0x105: {  	[tilespmem:v37+s3+$0x0] =	vst.idx.msk vm13, v2;
	v2 =	vmax.f32 v47, v46  }
0x106: {  	[tilespmem:v39+s3+$0x0] =	vst.idx.msk vm11, v2;
	v2 =	vmax.f32 v49, v48  }
0x107: {  	[tilespmem:v41+s3+$0x0] =	vst.idx.msk vm9, v2  }
0x108: {  	s23 =	sshll.u32 s22, $0x2;
	p0 =	seq.s32 s22, $0x3F  }
0x109: {  	s25 =	sadd.s32 @!p0 $0x4, s23  }
0x10a: {  	s26 =	sshll.u32 @!p0 s25, $0x6  }
0x10b: {  	s13 =	simm.s32 @!p0 $0x0;
	s30 =	simm.s32 @!p0 $0x1E880;
	s26 =	sadd.s32 @!p0 s2, s26  }
0x10c: {  	[tilespmem:s30], [sflag:$0x1] =	stream.linear.gather @!p0 [hbm4b:s26+s13], $0x80, $0x38;
	[tilespmem:$0x1F880] =	vst v63  }
0x10d: {  	s31 =	simm.s32 @!p0 $0x1EA80;
	s25 =	sshll.u32 @!p0 s25, $0xC;
	s30 =	sadd.s32 @!p0 $0x10, s26  }
0x10e: {  	[tilespmem:s31], [sflag:$0x1] =	stream.linear.gather @!p0 [hbm4b:s30+s13], $0x80, $0x38;
	[tilespmem:$0x1F880] =	vst v63  }
0x10f: {  	s25 =	sadd.s32 @!p0 s5, s25;
	s30 =	sadd.s32 @!p0 $0x20, s26;
	s31 =	simm.s32 @!p0 $0x1EC80  }
0x110: {  	[tilespmem:s31], [sflag:$0x1] =	stream.linear.gather @!p0 [hbm4b:s30+s13], $0x80, $0x38;
	[tilespmem:$0x1F880] =	vst v63  }
0x111: {  	s25 =	sshrl.u32 @!p0 s25, $0x3;
	s26 =	sadd.s32 @!p0 $0x30, s26;
	s30 =	simm.s32 @!p0 $0x1EE80  }
0x112: {  	[tilespmem:s30], [sflag:$0x1] =	stream.linear.gather @!p0 [hbm4b:s26+s13], $0x80, $0x38;
	[tilespmem:$0x1F880] =	vst v63  }
0x113: {  	s25 =	sadd.s32 @!p0 s4, s25;
	s26 =	simm.s32 @!p0 $0x1F080  }
0x114: {  	[tilespmem:s26], [sflag:$0x5] =	stream.linear.gather @!p0 [hbm4b:s25+s13], $0x80, $0x38;
	[tilespmem:$0x1F880] =	vst v63  }
0x115: {  	s30 =	simm.s32 @!p0 $0x1F280;
	s26 =	sadd.s32 @!p0 $0x80, s25  }
0x116: {  	[tilespmem:s30], [sflag:$0x5] =	stream.linear.gather @!p0 [hbm4b:s26+s13], $0x80, $0x38;
	[tilespmem:$0x1F880] =	vst v63  }
0x117: {  	s26 =	sadd.s32 @!p0 $0x100, s25;
	s30 =	simm.s32 @!p0 $0x1F480  }
0x118: {  	[tilespmem:s30], [sflag:$0x5] =	stream.linear.gather @!p0 [hbm4b:s26+s13], $0x80, $0x38;
	[tilespmem:$0x1F880] =	vst v63  }
0x119: {  	s25 =	sadd.s32 @!p0 $0x180, s25;
	s26 =	simm.s32 @!p0 $0x1F680  }
0x11a: {  	[tilespmem:s26], [sflag:$0x5] =	stream.linear.gather @!p0 [hbm4b:s25+s13], $0x80, $0x38;
	[tilespmem:$0x1F880] =	vst v63  }
0x11b: {  	_ =	swait.ge [sflag:s17], $0x200  }
0x11c: {  	[sflag:s17] =	ssyncset.done $0x0  }
0x11d: {  	[sflag:s17] =	ssyncadd.s32 $0xFFFFFE00  }
0x11e: {  	_ =	swait.ge [sflag:s18], $0x200  }
0x11f: {  	p1 =	por $0x1, $0x1;
	p2 =	por $0x1, $0x1;
	[sflag:s18] =	ssyncset.done $0x0  }
0x120: {  	s25 =	simm.s32 $0x0;
	s26 =	simm.s32 $0x0;
	[sflag:s18] =	ssyncadd.s32 $0xFFFFFE00  }
.LBB2_7:
0x121: {  	v1 =	vld [tilespmem:s26+$0x1E900]  }
0x122: {  	v2 =	vld [tilespmem:s26+$0x1E910]  }
0x123: {  	v3 =	vld [tilespmem:s26+$0x1E920]  }
0x124: {  	v4 =	vld [tilespmem:s26+$0x1F100]  }
0x125: {  	v6 =	vld [tilespmem:s26+$0x1E930]  }
0x126: {  	v7 =	vld [tilespmem:s26+$0x1F110]  }
0x127: {  	v9 =	vld [tilespmem:s26+$0x1E940]  }
0x128: {  	v10 =	vld [tilespmem:s26+$0x1F120]  }
0x129: {  	v12 =	vld [tilespmem:s26+$0x1E950]  }
0x12a: {  	v13 =	vld [tilespmem:s26+$0x1F130]  }
0x12b: {  	v15 =	vld [tilespmem:s26+$0x1E960]  }
0x12c: {  	v16 =	vld [tilespmem:s26+$0x1F140]  }
0x12d: {  	v18 =	vld [tilespmem:s26+$0x1E970]  }
0x12e: {  	v19 =	vld [tilespmem:s26+$0x1F150]  }
0x12f: {  	v21 =	vld [tilespmem:s26+$0x1EB00]  }
0x130: {  	v22 =	vld [tilespmem:s26+$0x1F160]  }
0x131: {  	v24 =	vld [tilespmem:s26+$0x1EB10]  }
0x132: {  	v25 =	vld [tilespmem:s26+$0x1F170]  }
0x133: {  	v27 =	vld [tilespmem:s26+$0x1EB20]  }
0x134: {  	v28 =	vld [tilespmem:s26+$0x1F300]  }
0x135: {  	v30 =	vld [tilespmem:s26+$0x1F310]  }
0x136: {  	v31 =	vld [tilespmem:s26+$0x1EB30]  }
0x137: {  	v33 =	vld [tilespmem:s26+$0x1F320]  }
0x138: {  	v34 =	vld [tilespmem:s26+$0x1EB40]  }
0x139: {  	v36 =	vld [tilespmem:s26+$0x1EB50]  }
0x13a: {  	v37 =	vld [tilespmem:s26+$0x1F330]  }
0x13b: {  	v38 =	vld [tilespmem:s26+$0x1EB60]  }
0x13c: {  	v40 =	vld [tilespmem:s26+$0x1EB70]  }
0x13d: {  	v41 =	vld [tilespmem:s26+$0x1F340]  }
0x13e: {  	v60 =	vld [tilespmem:s26+$0x1F350]  }
0x13f: {  	v62 =	vld [tilespmem:s26+$0x1F370]  }
0x140: {  	v5 =	vld.idx.msk [tilespmem:v1+s25+$0x0], $0xffff  }
0x141: {  	v8 =	vld.idx.msk [tilespmem:v2+s25+$0x0], $0xffff  }
0x142: {  	v11 =	vld.idx.msk [tilespmem:v3+s25+$0x0], $0xffff  }
0x143: {  	v14 =	vld.idx.msk [tilespmem:v6+s25+$0x0], $0xffff  }
0x144: {  	v17 =	vld.idx.msk [tilespmem:v9+s25+$0x0], $0xffff  }
0x145: {  	v20 =	vld.idx.msk [tilespmem:v12+s25+$0x0], $0xffff  }
0x146: {  	v23 =	vld.idx.msk [tilespmem:v15+s25+$0x0], $0xffff;
	vm0 =	vlt.f32 v5, v4  }
0x147: {  	v26 =	vld.idx.msk [tilespmem:v18+s25+$0x0], $0xffff;
	vm1 =	vlt.f32 v8, v7  }
0x148: {  	v29 =	vld.idx.msk [tilespmem:v21+s25+$0x0], $0xffff;
	vm2 =	vlt.f32 v11, v10  }
0x149: {  	v32 =	vld.idx.msk [tilespmem:v24+s25+$0x0], $0xffff;
	vm3 =	vlt.f32 v14, v13  }
0x14a: {  	v35 =	vld.idx.msk [tilespmem:v27+s25+$0x0], $0xffff;
	vm4 =	vlt.f32 v17, v16  }
0x14b: {  	v39 =	vld.idx.msk [tilespmem:v31+s25+$0x0], $0xffff;
	v4 =	vmax.f32 v5, v4;
	vm5 =	vlt.f32 v20, v19  }
0x14c: {  	v42 =	vld.idx.msk [tilespmem:v34+s25+$0x0], $0xffff;
	vm14 =	vlt.f32 v23, v22;
	[tilespmem:v1+s25+$0x0] =	vst.idx.msk vm0, v4;
	v1 =	vmax.f32 v8, v7  }
0x14d: {  	v61 =	vld.idx.msk [tilespmem:v36+s25+$0x0], $0xffff;
	vm15 =	vlt.f32 v26, v25;
	[tilespmem:v2+s25+$0x0] =	vst.idx.msk vm1, v1;
	v1 =	vmax.f32 v11, v10  }
0x14e: {  	vm8 =	vlt.f32 v29, v28;
	v2 =	vld [tilespmem:s26+$0x1F360];
	[tilespmem:v3+s25+$0x0] =	vst.idx.msk vm2, v1;
	v1 =	vmax.f32 v14, v13  }
0x14f: {  	vm9 =	vlt.f32 v32, v30;
	v3 =	vld.idx.msk [tilespmem:v38+s25+$0x0], $0xffff;
	[tilespmem:v6+s25+$0x0] =	vst.idx.msk vm3, v1;
	v1 =	vmax.f32 v17, v16  }
0x150: {  	v63 =	vld.idx.msk [tilespmem:v40+s25+$0x0], $0xffff;
	vm10 =	vlt.f32 v35, v33;
	[tilespmem:v9+s25+$0x0] =	vst.idx.msk vm4, v1;
	v1 =	vmax.f32 v20, v19  }
0x151: {  	vm11 =	vlt.f32 v39, v37;
	[tilespmem:v12+s25+$0x0] =	vst.idx.msk vm5, v1;
	v1 =	vmax.f32 v23, v22  }
0x152: {  	vm12 =	vlt.f32 v42, v41;
	[tilespmem:v15+s25+$0x0] =	vst.idx.msk vm14, v1;
	v1 =	vmax.f32 v26, v25  }
0x153: {  	vm13 =	vlt.f32 v61, v60;
	[tilespmem:v18+s25+$0x0] =	vst.idx.msk vm15, v1;
	v1 =	vmax.f32 v29, v28  }
0x154: {  	vm14 =	vlt.f32 v3, v2;
	[tilespmem:v21+s25+$0x0] =	vst.idx.msk vm8, v1;
	v1 =	vmax.f32 v32, v30  }
0x155: {  	vm15 =	vlt.f32 v63, v62;
	[tilespmem:v24+s25+$0x0] =	vst.idx.msk vm9, v1;
	v1 =	vmax.f32 v35, v33  }
0x156: {  	p3 =	por p2, p2;
	[tilespmem:v27+s25+$0x0] =	vst.idx.msk vm10, v1;
	v1 =	vmax.f32 v39, v37  }
.Ltmp5:
0x157: {  	[tilespmem:v31+s25+$0x0] =	vst.idx.msk vm11, v1;
	v1 =	vmax.f32 v42, v41;
	(pc) =	sbr.rel @p3 .LBB2_7-.Ltmp5, $4  }
0x158: {  	[tilespmem:v34+s25+$0x0] =	vst.idx.msk vm12, v1;
	v1 =	vmax.f32 v61, v60  }
0x159: {  	[tilespmem:v36+s25+$0x0] =	vst.idx.msk vm13, v1;
	v1 =	vmax.f32 v3, v2  }
0x15a: {  	[tilespmem:v38+s25+$0x0] =	vst.idx.msk vm14, v1;
	v1 =	vmax.f32 v63, v62  }
0x15b: {  	p2 =	por $0x0, $0x0;
	s26 =	simm.s32 $0x400;
	[tilespmem:v40+s25+$0x0] =	vst.idx.msk vm15, v1;
	v1 =	vimm.s32 $0x0  }
.Ltmp6:
0x15c: {  	_ = 	snop;
	(pc) =	sbr.rel .LBB2_8-.Ltmp6, $1  }
0x15d: {  	_ =	sdelay $0x3  }
.LBB2_9:
0x15e: {  	s25 =	simm.s32 @!p1 $0x0  }
0x15f: {  	v1 =	vpsel !p1, $0x0, v1;
	s25 =	simm.s32 @p1 $0x400;
	p1 =	por !p1, !p1  }
.LBB2_8:
0x160: {  	v2 =	vld [tilespmem:s25+$0x1E900]  }
0x161: {  	v3 =	vld [tilespmem:s25+$0x1E910]  }
0x162: {  	v4 =	vld [tilespmem:s25+$0x1E920]  }
0x163: {  	v5 =	vld [tilespmem:s25+$0x1F100]  }
0x164: {  	v7 =	vld [tilespmem:s25+$0x1E930]  }
0x165: {  	v8 =	vld [tilespmem:s25+$0x1F110]  }
0x166: {  	v10 =	vld [tilespmem:s25+$0x1E940]  }
0x167: {  	v11 =	vld [tilespmem:s25+$0x1F120]  }
0x168: {  	v13 =	vld [tilespmem:s25+$0x1E950]  }
0x169: {  	v14 =	vld [tilespmem:s25+$0x1F130]  }
0x16a: {  	v16 =	vld [tilespmem:s25+$0x1E960]  }
0x16b: {  	v17 =	vld [tilespmem:s25+$0x1F140]  }
0x16c: {  	v19 =	vld [tilespmem:s25+$0x1E970]  }
0x16d: {  	v20 =	vld [tilespmem:s25+$0x1F150]  }
0x16e: {  	v22 =	vld [tilespmem:s25+$0x1EB00]  }
0x16f: {  	v23 =	vld [tilespmem:s25+$0x1F160]  }
0x170: {  	v25 =	vld [tilespmem:s25+$0x1EB10]  }
0x171: {  	v26 =	vld [tilespmem:s25+$0x1F170]  }
0x172: {  	v28 =	vld [tilespmem:s25+$0x1EB20]  }
0x173: {  	v29 =	vld [tilespmem:s25+$0x1F300]  }
0x174: {  	v31 =	vld [tilespmem:s25+$0x1F310]  }
0x175: {  	v32 =	vld [tilespmem:s25+$0x1EB30]  }
0x176: {  	v34 =	vld [tilespmem:s25+$0x1F320]  }
0x177: {  	v35 =	vld [tilespmem:s25+$0x1EB40]  }
0x178: {  	v37 =	vld [tilespmem:s25+$0x1EB50]  }
0x179: {  	v38 =	vld [tilespmem:s25+$0x1F330]  }
0x17a: {  	v39 =	vld [tilespmem:s25+$0x1EB60]  }
0x17b: {  	v41 =	vld [tilespmem:s25+$0x1EB70]  }
0x17c: {  	v42 =	vld [tilespmem:s25+$0x1F340]  }
0x17d: {  	v44 =	vld [tilespmem:s25+$0x1F350]  }
0x17e: {  	v46 =	vld [tilespmem:s25+$0x1F360]  }
0x17f: {  	v48 =	vld [tilespmem:s25+$0x1F370]  }
0x180: {  	v6 =	vld.idx.msk [tilespmem:v2+s3+$0x0], $0xffff  }
0x181: {  	v9 =	vld.idx.msk [tilespmem:v3+s3+$0x0], $0xffff  }
0x182: {  	v12 =	vld.idx.msk [tilespmem:v4+s3+$0x0], $0xffff  }
0x183: {  	v15 =	vld.idx.msk [tilespmem:v7+s3+$0x0], $0xffff  }
0x184: {  	v18 =	vld.idx.msk [tilespmem:v10+s3+$0x0], $0xffff  }
0x185: {  	v21 =	vld.idx.msk [tilespmem:v13+s3+$0x0], $0xffff  }
0x186: {  	v24 =	vld.idx.msk [tilespmem:v16+s3+$0x0], $0xffff;
	vm1 =	vlt.f32 v6, v5;
	vm0 =	vlt.f32 v9, v8  }
0x187: {  	v27 =	vld.idx.msk [tilespmem:v19+s3+$0x0], $0xffff;
	vm2 =	vlt.f32 v12, v11;
	vm3 =	vmor vm1, vm0  }
0x188: {  	v30 =	vld.idx.msk [tilespmem:v22+s3+$0x0], $0xffff;
	vm4 =	vmor vm3, vm2;
	vm3 =	vlt.f32 v15, v14  }
0x189: {  	v33 =	vld.idx.msk [tilespmem:v25+s3+$0x0], $0xffff;
	vm5 =	vmor vm4, vm3;
	vm4 =	vlt.f32 v18, v17  }
0x18a: {  	v36 =	vld.idx.msk [tilespmem:v28+s3+$0x0], $0xffff;
	vm6 =	vmor vm5, vm4;
	vm5 =	vlt.f32 v21, v20  }
0x18b: {  	v62 =	vld.idx.msk [tilespmem:v32+s3+$0x0], $0xffff;
	vm7 =	vmor vm6, vm5;
	vm6 =	vlt.f32 v24, v23  }
0x18c: {  	v43 =	vld.idx.msk [tilespmem:v35+s3+$0x0], $0xffff;
	vm8 =	vmor vm7, vm6;
	vm7 =	vlt.f32 v27, v26  }
0x18d: {  	v45 =	vld.idx.msk [tilespmem:v37+s3+$0x0], $0xffff;
	vm9 =	vmor vm8, vm7;
	vm8 =	vlt.f32 v30, v29  }
0x18e: {  	v47 =	vld.idx.msk [tilespmem:v39+s3+$0x0], $0xffff;
	vm10 =	vlt.f32 v33, v31;
	vm9 =	vmor vm9, vm8  }
0x18f: {  	v49 =	vld.idx.msk [tilespmem:v41+s3+$0x0], $0xffff;
	vm12 =	vlt.f32 v36, v34;
	vm9 =	vmor vm9, vm10  }
0x190: {  	vm14 =	vlt.f32 v62, v38;
	vm9 =	vmor vm9, vm12  }
0x191: {  	vm15 =	vlt.f32 v43, v42;
	vm9 =	vmor vm9, vm14  }
0x192: {  	vm13 =	vlt.f32 v45, v44;
	vm9 =	vmor vm9, vm15  }
0x193: {  	v40 =	vimm.s32 $0x0;
	vm11 =	vlt.f32 v47, v46;
	vm9 =	vmor vm9, vm13  }
0x194: {  	v40 =	vsel vm0, $0xFFFFFFFF, v40;
	vm0 =	vmor vm9, vm11;
	vm9 =	vlt.f32 v49, v48  }
0x195: {  	vm0 =	vmor vm0, vm9  }
0x196: {  	v50 =	vsel vm0, $0x1, v0  }
0x197: {  	v1 =	vor.u32 v50, v1  }
0x198: {  	v50 =	vxor.u32 @!p1 $0x80000000, v1  }
0x199: {  	(xrf0) =	vmax.scan.msk.u32 @!p1 $0xffff, v50;
	_ =	sdelay $0x2  }
0x19a: {  	[tilespmem:$0x1FFE0] =	vst v40  }
0x19b: {  	v63 =	vld [tilespmem:$0x1FFE0];
	_ =	sdelay $0x1  }
0x19c: {  	v50, _, _ =	vpop @!p1 (xrf0)  }
0x19d: {  	(v2sf) =	vpush @!p1 v50, $0xF;
	_ =	sdelay $0x1  }
0x19e: {  	vm0 =	vnez.u8 v63;
	_ =	sdelay $0x3  }
0x19f: {  	v5 =	vmax.f32 v6, v5  }
0x1a0: {  	[tilespmem:v2+s3+$0x0] =	vst.idx.msk vm1, v5;
	v2 =	vmax.f32 v9, v8  }
0x1a1: {  	[tilespmem:v3+s3+$0x0] =	vst.idx.msk vm0, v2;
	v2 =	vmax.f32 v12, v11  }
0x1a2: {  	[tilespmem:v4+s3+$0x0] =	vst.idx.msk vm2, v2;
	v2 =	vmax.f32 v15, v14  }
0x1a3: {  	[tilespmem:v7+s3+$0x0] =	vst.idx.msk vm3, v2;
	v2 =	vmax.f32 v18, v17  }
0x1a4: {  	[tilespmem:v10+s3+$0x0] =	vst.idx.msk vm4, v2;
	v2 =	vmax.f32 v21, v20  }
0x1a5: {  	[tilespmem:v13+s3+$0x0] =	vst.idx.msk vm5, v2;
	v2 =	vmax.f32 v24, v23  }
0x1a6: {  	[tilespmem:v16+s3+$0x0] =	vst.idx.msk vm6, v2;
	v2 =	vmax.f32 v27, v26  }
0x1a7: {  	[tilespmem:v19+s3+$0x0] =	vst.idx.msk vm7, v2;
	v2 =	vmax.f32 v30, v29  }
0x1a8: {  	[tilespmem:v22+s3+$0x0] =	vst.idx.msk vm8, v2;
	v2 =	vmax.f32 v33, v31;
	s13 =	spop @!p1 (v2sf)  }
0x1a9: {  	[tilespmem:v25+s3+$0x0] =	vst.idx.msk vm10, v2;
	v2 =	vmax.f32 v36, v34;
	p2 =	sgt.u32 @!p1 s13, $0x80000000  }
0x1aa: {  	[tilespmem:v28+s3+$0x0] =	vst.idx.msk vm12, v2;
	v2 =	vmax.f32 v62, v38;
	p2 =	por p1, p2  }
.Ltmp7:
0x1ab: {  	[tilespmem:v32+s3+$0x0] =	vst.idx.msk vm14, v2;
	v2 =	vmax.f32 v43, v42;
	(pc) =	sbr.rel @p2 .LBB2_9-.Ltmp7, $4  }
0x1ac: {  	[tilespmem:v35+s3+$0x0] =	vst.idx.msk vm15, v2;
	v2 =	vmax.f32 v45, v44  }
0x1ad: {  	[tilespmem:v37+s3+$0x0] =	vst.idx.msk vm13, v2;
	v2 =	vmax.f32 v47, v46  }
0x1ae: {  	[tilespmem:v39+s3+$0x0] =	vst.idx.msk vm11, v2;
	v2 =	vmax.f32 v49, v48  }
0x1af: {  	[tilespmem:v41+s3+$0x0] =	vst.idx.msk vm9, v2  }
0x1b0: {  	s13 =	sadd.s32 @!p0 $0x5, s23  }
0x1b1: {  	s25 =	sshll.u32 @!p0 s13, $0x6  }
0x1b2: {  	s26 =	simm.s32 @!p0 $0x0;
	s30 =	simm.s32 @!p0 $0x1E900;
	s25 =	sadd.s32 @!p0 s2, s25  }
0x1b3: {  	[tilespmem:s30], [sflag:$0x2] =	stream.linear.gather @!p0 [hbm4b:s25+s26], $0x80, $0x38;
	[tilespmem:$0x1F880] =	vst v63  }
0x1b4: {  	s31 =	simm.s32 @!p0 $0x1EB00;
	s13 =	sshll.u32 @!p0 s13, $0xC;
	s30 =	sadd.s32 @!p0 $0x10, s25  }
0x1b5: {  	[tilespmem:s31], [sflag:$0x2] =	stream.linear.gather @!p0 [hbm4b:s30+s26], $0x80, $0x38;
	[tilespmem:$0x1F880] =	vst v63  }
0x1b6: {  	s13 =	sadd.s32 @!p0 s5, s13;
	s30 =	sadd.s32 @!p0 $0x20, s25;
	s31 =	simm.s32 @!p0 $0x1ED00  }
0x1b7: {  	[tilespmem:s31], [sflag:$0x2] =	stream.linear.gather @!p0 [hbm4b:s30+s26], $0x80, $0x38;
	[tilespmem:$0x1F880] =	vst v63  }
0x1b8: {  	s13 =	sshrl.u32 @!p0 s13, $0x3;
	s25 =	sadd.s32 @!p0 $0x30, s25;
	s30 =	simm.s32 @!p0 $0x1EF00  }
0x1b9: {  	[tilespmem:s30], [sflag:$0x2] =	stream.linear.gather @!p0 [hbm4b:s25+s26], $0x80, $0x38;
	[tilespmem:$0x1F880] =	vst v63  }
0x1ba: {  	s13 =	sadd.s32 @!p0 s4, s13;
	s25 =	simm.s32 @!p0 $0x1F100  }
0x1bb: {  	[tilespmem:s25], [sflag:$0x6] =	stream.linear.gather @!p0 [hbm4b:s13+s26], $0x80, $0x38;
	[tilespmem:$0x1F880] =	vst v63  }
0x1bc: {  	s30 =	simm.s32 @!p0 $0x1F300;
	s25 =	sadd.s32 @!p0 $0x80, s13  }
0x1bd: {  	[tilespmem:s30], [sflag:$0x6] =	stream.linear.gather @!p0 [hbm4b:s25+s26], $0x80, $0x38;
	[tilespmem:$0x1F880] =	vst v63  }
0x1be: {  	s25 =	sadd.s32 @!p0 $0x100, s13;
	s30 =	simm.s32 @!p0 $0x1F500  }
0x1bf: {  	[tilespmem:s30], [sflag:$0x6] =	stream.linear.gather @!p0 [hbm4b:s25+s26], $0x80, $0x38;
	[tilespmem:$0x1F880] =	vst v63  }
0x1c0: {  	s13 =	sadd.s32 @!p0 $0x180, s13;
	s25 =	simm.s32 @!p0 $0x1F700  }
0x1c1: {  	[tilespmem:s25], [sflag:$0x6] =	stream.linear.gather @!p0 [hbm4b:s13+s26], $0x80, $0x38;
	[tilespmem:$0x1F880] =	vst v63  }
0x1c2: {  	_ =	swait.ge [sflag:s24], $0x200  }
0x1c3: {  	[sflag:s24] =	ssyncset.done $0x0  }
0x1c4: {  	[sflag:s24] =	ssyncadd.s32 $0xFFFFFE00  }
0x1c5: {  	_ =	swait.ge [sflag:s6], $0x200  }
0x1c6: {  	p1 =	por $0x1, $0x1;
	p2 =	por $0x1, $0x1;
	[sflag:s6] =	ssyncset.done $0x0  }
0x1c7: {  	s25 =	simm.s32 $0x0;
	s26 =	simm.s32 $0x0;
	[sflag:s6] =	ssyncadd.s32 $0xFFFFFE00  }
.LBB2_11:
0x1c8: {  	v1 =	vld [tilespmem:s26+$0x1E980]  }
0x1c9: {  	v2 =	vld [tilespmem:s26+$0x1E990]  }
0x1ca: {  	v3 =	vld [tilespmem:s26+$0x1E9A0]  }
0x1cb: {  	v4 =	vld [tilespmem:s26+$0x1F180]  }
0x1cc: {  	v6 =	vld [tilespmem:s26+$0x1E9B0]  }
0x1cd: {  	v7 =	vld [tilespmem:s26+$0x1F190]  }
0x1ce: {  	v9 =	vld [tilespmem:s26+$0x1E9C0]  }
0x1cf: {  	v10 =	vld [tilespmem:s26+$0x1F1A0]  }
0x1d0: {  	v12 =	vld [tilespmem:s26+$0x1E9D0]  }
0x1d1: {  	v13 =	vld [tilespmem:s26+$0x1F1B0]  }
0x1d2: {  	v15 =	vld [tilespmem:s26+$0x1E9E0]  }
0x1d3: {  	v16 =	vld [tilespmem:s26+$0x1F1C0]  }
0x1d4: {  	v18 =	vld [tilespmem:s26+$0x1E9F0]  }
0x1d5: {  	v19 =	vld [tilespmem:s26+$0x1F1D0]  }
0x1d6: {  	v21 =	vld [tilespmem:s26+$0x1EB80]  }
0x1d7: {  	v22 =	vld [tilespmem:s26+$0x1F1E0]  }
0x1d8: {  	v24 =	vld [tilespmem:s26+$0x1EB90]  }
0x1d9: {  	v25 =	vld [tilespmem:s26+$0x1F1F0]  }
0x1da: {  	v27 =	vld [tilespmem:s26+$0x1EBA0]  }
0x1db: {  	v28 =	vld [tilespmem:s26+$0x1F380]  }
0x1dc: {  	v30 =	vld [tilespmem:s26+$0x1F390]  }
0x1dd: {  	v31 =	vld [tilespmem:s26+$0x1EBB0]  }
0x1de: {  	v33 =	vld [tilespmem:s26+$0x1F3A0]  }
0x1df: {  	v34 =	vld [tilespmem:s26+$0x1EBC0]  }
0x1e0: {  	v36 =	vld [tilespmem:s26+$0x1EBD0]  }
0x1e1: {  	v37 =	vld [tilespmem:s26+$0x1F3B0]  }
0x1e2: {  	v38 =	vld [tilespmem:s26+$0x1EBE0]  }
0x1e3: {  	v40 =	vld [tilespmem:s26+$0x1EBF0]  }
0x1e4: {  	v41 =	vld [tilespmem:s26+$0x1F3C0]  }
0x1e5: {  	v60 =	vld [tilespmem:s26+$0x1F3D0]  }
0x1e6: {  	v62 =	vld [tilespmem:s26+$0x1F3F0]  }
0x1e7: {  	v5 =	vld.idx.msk [tilespmem:v1+s25+$0x0], $0xffff  }
0x1e8: {  	v8 =	vld.idx.msk [tilespmem:v2+s25+$0x0], $0xffff  }
0x1e9: {  	v11 =	vld.idx.msk [tilespmem:v3+s25+$0x0], $0xffff  }
0x1ea: {  	v14 =	vld.idx.msk [tilespmem:v6+s25+$0x0], $0xffff  }
0x1eb: {  	v17 =	vld.idx.msk [tilespmem:v9+s25+$0x0], $0xffff  }
0x1ec: {  	v20 =	vld.idx.msk [tilespmem:v12+s25+$0x0], $0xffff  }
0x1ed: {  	v23 =	vld.idx.msk [tilespmem:v15+s25+$0x0], $0xffff;
	vm0 =	vlt.f32 v5, v4  }
0x1ee: {  	v26 =	vld.idx.msk [tilespmem:v18+s25+$0x0], $0xffff;
	vm1 =	vlt.f32 v8, v7  }
0x1ef: {  	v29 =	vld.idx.msk [tilespmem:v21+s25+$0x0], $0xffff;
	vm2 =	vlt.f32 v11, v10  }
0x1f0: {  	v32 =	vld.idx.msk [tilespmem:v24+s25+$0x0], $0xffff;
	vm3 =	vlt.f32 v14, v13  }
0x1f1: {  	v35 =	vld.idx.msk [tilespmem:v27+s25+$0x0], $0xffff;
	vm4 =	vlt.f32 v17, v16  }
0x1f2: {  	v39 =	vld.idx.msk [tilespmem:v31+s25+$0x0], $0xffff;
	v4 =	vmax.f32 v5, v4;
	vm5 =	vlt.f32 v20, v19  }
0x1f3: {  	v42 =	vld.idx.msk [tilespmem:v34+s25+$0x0], $0xffff;
	vm14 =	vlt.f32 v23, v22;
	[tilespmem:v1+s25+$0x0] =	vst.idx.msk vm0, v4;
	v1 =	vmax.f32 v8, v7  }
0x1f4: {  	v61 =	vld.idx.msk [tilespmem:v36+s25+$0x0], $0xffff;
	vm15 =	vlt.f32 v26, v25;
	[tilespmem:v2+s25+$0x0] =	vst.idx.msk vm1, v1;
	v1 =	vmax.f32 v11, v10  }
0x1f5: {  	vm8 =	vlt.f32 v29, v28;
	v2 =	vld [tilespmem:s26+$0x1F3E0];
	[tilespmem:v3+s25+$0x0] =	vst.idx.msk vm2, v1;
	v1 =	vmax.f32 v14, v13  }
0x1f6: {  	vm9 =	vlt.f32 v32, v30;
	v3 =	vld.idx.msk [tilespmem:v38+s25+$0x0], $0xffff;
	[tilespmem:v6+s25+$0x0] =	vst.idx.msk vm3, v1;
	v1 =	vmax.f32 v17, v16  }
0x1f7: {  	v63 =	vld.idx.msk [tilespmem:v40+s25+$0x0], $0xffff;
	vm10 =	vlt.f32 v35, v33;
	[tilespmem:v9+s25+$0x0] =	vst.idx.msk vm4, v1;
	v1 =	vmax.f32 v20, v19  }
0x1f8: {  	vm11 =	vlt.f32 v39, v37;
	[tilespmem:v12+s25+$0x0] =	vst.idx.msk vm5, v1;
	v1 =	vmax.f32 v23, v22  }
0x1f9: {  	vm12 =	vlt.f32 v42, v41;
	[tilespmem:v15+s25+$0x0] =	vst.idx.msk vm14, v1;
	v1 =	vmax.f32 v26, v25  }
0x1fa: {  	vm13 =	vlt.f32 v61, v60;
	[tilespmem:v18+s25+$0x0] =	vst.idx.msk vm15, v1;
	v1 =	vmax.f32 v29, v28  }
0x1fb: {  	vm14 =	vlt.f32 v3, v2;
	[tilespmem:v21+s25+$0x0] =	vst.idx.msk vm8, v1;
	v1 =	vmax.f32 v32, v30  }
0x1fc: {  	vm15 =	vlt.f32 v63, v62;
	[tilespmem:v24+s25+$0x0] =	vst.idx.msk vm9, v1;
	v1 =	vmax.f32 v35, v33  }
0x1fd: {  	p3 =	por p2, p2;
	[tilespmem:v27+s25+$0x0] =	vst.idx.msk vm10, v1;
	v1 =	vmax.f32 v39, v37  }
.Ltmp8:
0x1fe: {  	[tilespmem:v31+s25+$0x0] =	vst.idx.msk vm11, v1;
	v1 =	vmax.f32 v42, v41;
	(pc) =	sbr.rel @p3 .LBB2_11-.Ltmp8, $4  }
0x1ff: {  	[tilespmem:v34+s25+$0x0] =	vst.idx.msk vm12, v1;
	v1 =	vmax.f32 v61, v60  }
0x200: {  	[tilespmem:v36+s25+$0x0] =	vst.idx.msk vm13, v1;
	v1 =	vmax.f32 v3, v2  }
0x201: {  	[tilespmem:v38+s25+$0x0] =	vst.idx.msk vm14, v1;
	v1 =	vmax.f32 v63, v62  }
0x202: {  	p2 =	por $0x0, $0x0;
	s26 =	simm.s32 $0x400;
	[tilespmem:v40+s25+$0x0] =	vst.idx.msk vm15, v1;
	v1 =	vimm.s32 $0x0  }
.Ltmp9:
0x203: {  	_ = 	snop;
	(pc) =	sbr.rel .LBB2_12-.Ltmp9, $1  }
0x204: {  	_ =	sdelay $0x3  }
.LBB2_13:
0x205: {  	s25 =	simm.s32 @!p1 $0x0  }
0x206: {  	v1 =	vpsel !p1, $0x0, v1;
	s25 =	simm.s32 @p1 $0x400;
	p1 =	por !p1, !p1  }
.LBB2_12:
0x207: {  	v2 =	vld [tilespmem:s25+$0x1E980]  }
0x208: {  	v3 =	vld [tilespmem:s25+$0x1E990]  }
0x209: {  	v4 =	vld [tilespmem:s25+$0x1E9A0]  }
0x20a: {  	v5 =	vld [tilespmem:s25+$0x1F180]  }
0x20b: {  	v7 =	vld [tilespmem:s25+$0x1E9B0]  }
0x20c: {  	v8 =	vld [tilespmem:s25+$0x1F190]  }
0x20d: {  	v10 =	vld [tilespmem:s25+$0x1E9C0]  }
0x20e: {  	v11 =	vld [tilespmem:s25+$0x1F1A0]  }
0x20f: {  	v13 =	vld [tilespmem:s25+$0x1E9D0]  }
0x210: {  	v14 =	vld [tilespmem:s25+$0x1F1B0]  }
0x211: {  	v16 =	vld [tilespmem:s25+$0x1E9E0]  }
0x212: {  	v17 =	vld [tilespmem:s25+$0x1F1C0]  }
0x213: {  	v19 =	vld [tilespmem:s25+$0x1E9F0]  }
0x214: {  	v20 =	vld [tilespmem:s25+$0x1F1D0]  }
0x215: {  	v22 =	vld [tilespmem:s25+$0x1EB80]  }
0x216: {  	v23 =	vld [tilespmem:s25+$0x1F1E0]  }
0x217: {  	v25 =	vld [tilespmem:s25+$0x1EB90]  }
0x218: {  	v26 =	vld [tilespmem:s25+$0x1F1F0]  }
0x219: {  	v28 =	vld [tilespmem:s25+$0x1EBA0]  }
0x21a: {  	v29 =	vld [tilespmem:s25+$0x1F380]  }
0x21b: {  	v31 =	vld [tilespmem:s25+$0x1F390]  }
0x21c: {  	v32 =	vld [tilespmem:s25+$0x1EBB0]  }
0x21d: {  	v34 =	vld [tilespmem:s25+$0x1F3A0]  }
0x21e: {  	v35 =	vld [tilespmem:s25+$0x1EBC0]  }
0x21f: {  	v37 =	vld [tilespmem:s25+$0x1EBD0]  }
0x220: {  	v38 =	vld [tilespmem:s25+$0x1F3B0]  }
0x221: {  	v39 =	vld [tilespmem:s25+$0x1EBE0]  }
0x222: {  	v41 =	vld [tilespmem:s25+$0x1EBF0]  }
0x223: {  	v42 =	vld [tilespmem:s25+$0x1F3C0]  }
0x224: {  	v44 =	vld [tilespmem:s25+$0x1F3D0]  }
0x225: {  	v46 =	vld [tilespmem:s25+$0x1F3E0]  }
0x226: {  	v48 =	vld [tilespmem:s25+$0x1F3F0]  }
0x227: {  	v6 =	vld.idx.msk [tilespmem:v2+s3+$0x0], $0xffff  }
0x228: {  	v9 =	vld.idx.msk [tilespmem:v3+s3+$0x0], $0xffff  }
0x229: {  	v12 =	vld.idx.msk [tilespmem:v4+s3+$0x0], $0xffff  }
0x22a: {  	v15 =	vld.idx.msk [tilespmem:v7+s3+$0x0], $0xffff  }
0x22b: {  	v18 =	vld.idx.msk [tilespmem:v10+s3+$0x0], $0xffff  }
0x22c: {  	v21 =	vld.idx.msk [tilespmem:v13+s3+$0x0], $0xffff  }
0x22d: {  	v24 =	vld.idx.msk [tilespmem:v16+s3+$0x0], $0xffff;
	vm1 =	vlt.f32 v6, v5;
	vm0 =	vlt.f32 v9, v8  }
0x22e: {  	v27 =	vld.idx.msk [tilespmem:v19+s3+$0x0], $0xffff;
	vm2 =	vlt.f32 v12, v11;
	vm3 =	vmor vm1, vm0  }
0x22f: {  	v30 =	vld.idx.msk [tilespmem:v22+s3+$0x0], $0xffff;
	vm4 =	vmor vm3, vm2;
	vm3 =	vlt.f32 v15, v14  }
0x230: {  	v33 =	vld.idx.msk [tilespmem:v25+s3+$0x0], $0xffff;
	vm5 =	vmor vm4, vm3;
	vm4 =	vlt.f32 v18, v17  }
0x231: {  	v36 =	vld.idx.msk [tilespmem:v28+s3+$0x0], $0xffff;
	vm6 =	vmor vm5, vm4;
	vm5 =	vlt.f32 v21, v20  }
0x232: {  	v62 =	vld.idx.msk [tilespmem:v32+s3+$0x0], $0xffff;
	vm7 =	vmor vm6, vm5;
	vm6 =	vlt.f32 v24, v23  }
0x233: {  	v43 =	vld.idx.msk [tilespmem:v35+s3+$0x0], $0xffff;
	vm8 =	vmor vm7, vm6;
	vm7 =	vlt.f32 v27, v26  }
0x234: {  	v45 =	vld.idx.msk [tilespmem:v37+s3+$0x0], $0xffff;
	vm9 =	vmor vm8, vm7;
	vm8 =	vlt.f32 v30, v29  }
0x235: {  	v47 =	vld.idx.msk [tilespmem:v39+s3+$0x0], $0xffff;
	vm10 =	vlt.f32 v33, v31;
	vm9 =	vmor vm9, vm8  }
0x236: {  	v49 =	vld.idx.msk [tilespmem:v41+s3+$0x0], $0xffff;
	vm12 =	vlt.f32 v36, v34;
	vm9 =	vmor vm9, vm10  }
0x237: {  	vm14 =	vlt.f32 v62, v38;
	vm9 =	vmor vm9, vm12  }
0x238: {  	vm15 =	vlt.f32 v43, v42;
	vm9 =	vmor vm9, vm14  }
0x239: {  	vm13 =	vlt.f32 v45, v44;
	vm9 =	vmor vm9, vm15  }
0x23a: {  	v40 =	vimm.s32 $0x0;
	vm11 =	vlt.f32 v47, v46;
	vm9 =	vmor vm9, vm13  }
0x23b: {  	v40 =	vsel vm0, $0xFFFFFFFF, v40;
	vm0 =	vmor vm9, vm11;
	vm9 =	vlt.f32 v49, v48  }
0x23c: {  	vm0 =	vmor vm0, vm9  }
0x23d: {  	v50 =	vsel vm0, $0x1, v0  }
0x23e: {  	v1 =	vor.u32 v50, v1  }
0x23f: {  	v50 =	vxor.u32 @!p1 $0x80000000, v1  }
0x240: {  	(xrf0) =	vmax.scan.msk.u32 @!p1 $0xffff, v50;
	_ =	sdelay $0x2  }
0x241: {  	[tilespmem:$0x1FFD0] =	vst v40  }
0x242: {  	v63 =	vld [tilespmem:$0x1FFD0];
	_ =	sdelay $0x1  }
0x243: {  	v50, _, _ =	vpop @!p1 (xrf0)  }
0x244: {  	(v2sf) =	vpush @!p1 v50, $0xF;
	_ =	sdelay $0x1  }
0x245: {  	vm0 =	vnez.u8 v63;
	_ =	sdelay $0x3  }
0x246: {  	v5 =	vmax.f32 v6, v5  }
0x247: {  	[tilespmem:v2+s3+$0x0] =	vst.idx.msk vm1, v5;
	v2 =	vmax.f32 v9, v8  }
0x248: {  	[tilespmem:v3+s3+$0x0] =	vst.idx.msk vm0, v2;
	v2 =	vmax.f32 v12, v11  }
0x249: {  	[tilespmem:v4+s3+$0x0] =	vst.idx.msk vm2, v2;
	v2 =	vmax.f32 v15, v14  }
0x24a: {  	[tilespmem:v7+s3+$0x0] =	vst.idx.msk vm3, v2;
	v2 =	vmax.f32 v18, v17  }
0x24b: {  	[tilespmem:v10+s3+$0x0] =	vst.idx.msk vm4, v2;
	v2 =	vmax.f32 v21, v20  }
0x24c: {  	[tilespmem:v13+s3+$0x0] =	vst.idx.msk vm5, v2;
	v2 =	vmax.f32 v24, v23  }
0x24d: {  	[tilespmem:v16+s3+$0x0] =	vst.idx.msk vm6, v2;
	v2 =	vmax.f32 v27, v26  }
0x24e: {  	[tilespmem:v19+s3+$0x0] =	vst.idx.msk vm7, v2;
	v2 =	vmax.f32 v30, v29  }
0x24f: {  	[tilespmem:v22+s3+$0x0] =	vst.idx.msk vm8, v2;
	v2 =	vmax.f32 v33, v31;
	s13 =	spop @!p1 (v2sf)  }
0x250: {  	[tilespmem:v25+s3+$0x0] =	vst.idx.msk vm10, v2;
	v2 =	vmax.f32 v36, v34;
	p2 =	sgt.u32 @!p1 s13, $0x80000000  }
0x251: {  	[tilespmem:v28+s3+$0x0] =	vst.idx.msk vm12, v2;
	v2 =	vmax.f32 v62, v38;
	p2 =	por p1, p2  }
.Ltmp10:
0x252: {  	[tilespmem:v32+s3+$0x0] =	vst.idx.msk vm14, v2;
	v2 =	vmax.f32 v43, v42;
	(pc) =	sbr.rel @p2 .LBB2_13-.Ltmp10, $4  }
0x253: {  	[tilespmem:v35+s3+$0x0] =	vst.idx.msk vm15, v2;
	v2 =	vmax.f32 v45, v44  }
0x254: {  	[tilespmem:v37+s3+$0x0] =	vst.idx.msk vm13, v2;
	v2 =	vmax.f32 v47, v46  }
0x255: {  	[tilespmem:v39+s3+$0x0] =	vst.idx.msk vm11, v2;
	v2 =	vmax.f32 v49, v48  }
0x256: {  	[tilespmem:v41+s3+$0x0] =	vst.idx.msk vm9, v2  }
0x257: {  	s13 =	sadd.s32 @!p0 $0x6, s23  }
0x258: {  	s25 =	sshll.u32 @!p0 s13, $0x6  }
0x259: {  	s26 =	simm.s32 @!p0 $0x0;
	s30 =	simm.s32 @!p0 $0x1E980;
	s25 =	sadd.s32 @!p0 s2, s25  }
0x25a: {  	[tilespmem:s30], [sflag:$0x3] =	stream.linear.gather @!p0 [hbm4b:s25+s26], $0x80, $0x38;
	[tilespmem:$0x1F880] =	vst v63  }
0x25b: {  	s31 =	simm.s32 @!p0 $0x1EB80;
	s13 =	sshll.u32 @!p0 s13, $0xC;
	s30 =	sadd.s32 @!p0 $0x10, s25  }
0x25c: {  	[tilespmem:s31], [sflag:$0x3] =	stream.linear.gather @!p0 [hbm4b:s30+s26], $0x80, $0x38;
	[tilespmem:$0x1F880] =	vst v63  }
0x25d: {  	s13 =	sadd.s32 @!p0 s5, s13;
	s30 =	sadd.s32 @!p0 $0x20, s25;
	s31 =	simm.s32 @!p0 $0x1ED80  }
0x25e: {  	[tilespmem:s31], [sflag:$0x3] =	stream.linear.gather @!p0 [hbm4b:s30+s26], $0x80, $0x38;
	[tilespmem:$0x1F880] =	vst v63  }
0x25f: {  	s13 =	sshrl.u32 @!p0 s13, $0x3;
	s25 =	sadd.s32 @!p0 $0x30, s25;
	s30 =	simm.s32 @!p0 $0x1EF80  }
0x260: {  	[tilespmem:s30], [sflag:$0x3] =	stream.linear.gather @!p0 [hbm4b:s25+s26], $0x80, $0x38;
	[tilespmem:$0x1F880] =	vst v63  }
0x261: {  	s13 =	sadd.s32 @!p0 s4, s13;
	s25 =	simm.s32 @!p0 $0x1F180  }
0x262: {  	[tilespmem:s25], [sflag:$0x7] =	stream.linear.gather @!p0 [hbm4b:s13+s26], $0x80, $0x38;
	[tilespmem:$0x1F880] =	vst v63  }
0x263: {  	s30 =	simm.s32 @!p0 $0x1F380;
	s25 =	sadd.s32 @!p0 $0x80, s13  }
0x264: {  	[tilespmem:s30], [sflag:$0x7] =	stream.linear.gather @!p0 [hbm4b:s25+s26], $0x80, $0x38;
	[tilespmem:$0x1F880] =	vst v63  }
0x265: {  	s25 =	sadd.s32 @!p0 $0x100, s13;
	s30 =	simm.s32 @!p0 $0x1F580  }
0x266: {  	[tilespmem:s30], [sflag:$0x7] =	stream.linear.gather @!p0 [hbm4b:s25+s26], $0x80, $0x38;
	[tilespmem:$0x1F880] =	vst v63  }
0x267: {  	s13 =	sadd.s32 @!p0 $0x180, s13;
	s25 =	simm.s32 @!p0 $0x1F780  }
0x268: {  	[tilespmem:s25], [sflag:$0x7] =	stream.linear.gather @!p0 [hbm4b:s13+s26], $0x80, $0x38;
	[tilespmem:$0x1F880] =	vst v63  }
0x269: {  	_ =	swait.ge [sflag:s29], $0x200  }
0x26a: {  	[sflag:s29] =	ssyncset.done $0x0  }
0x26b: {  	[sflag:s29] =	ssyncadd.s32 $0xFFFFFE00  }
0x26c: {  	_ =	swait.ge [sflag:s10], $0x200  }
0x26d: {  	p1 =	por $0x1, $0x1;
	p2 =	por $0x1, $0x1;
	[sflag:s10] =	ssyncset.done $0x0  }
0x26e: {  	s25 =	simm.s32 $0x0;
	s26 =	simm.s32 $0x0;
	[sflag:s10] =	ssyncadd.s32 $0xFFFFFE00  }
.LBB2_15:
0x26f: {  	v1 =	vld [tilespmem:s26+$0x1EA00]  }
0x270: {  	v2 =	vld [tilespmem:s26+$0x1EA10]  }
0x271: {  	v3 =	vld [tilespmem:s26+$0x1EA20]  }
0x272: {  	v4 =	vld [tilespmem:s26+$0x1F200]  }
0x273: {  	v6 =	vld [tilespmem:s26+$0x1EA30]  }
0x274: {  	v7 =	vld [tilespmem:s26+$0x1F210]  }
0x275: {  	v9 =	vld [tilespmem:s26+$0x1EA40]  }
0x276: {  	v10 =	vld [tilespmem:s26+$0x1F220]  }
0x277: {  	v12 =	vld [tilespmem:s26+$0x1EA50]  }
0x278: {  	v13 =	vld [tilespmem:s26+$0x1F230]  }
0x279: {  	v15 =	vld [tilespmem:s26+$0x1EA60]  }
0x27a: {  	v16 =	vld [tilespmem:s26+$0x1F240]  }
0x27b: {  	v18 =	vld [tilespmem:s26+$0x1EA70]  }
0x27c: {  	v19 =	vld [tilespmem:s26+$0x1F250]  }
0x27d: {  	v21 =	vld [tilespmem:s26+$0x1EC00]  }
0x27e: {  	v22 =	vld [tilespmem:s26+$0x1F260]  }
0x27f: {  	v24 =	vld [tilespmem:s26+$0x1EC10]  }
0x280: {  	v25 =	vld [tilespmem:s26+$0x1F270]  }
0x281: {  	v27 =	vld [tilespmem:s26+$0x1EC20]  }
0x282: {  	v28 =	vld [tilespmem:s26+$0x1F400]  }
0x283: {  	v30 =	vld [tilespmem:s26+$0x1F410]  }
0x284: {  	v31 =	vld [tilespmem:s26+$0x1EC30]  }
0x285: {  	v33 =	vld [tilespmem:s26+$0x1F420]  }
0x286: {  	v34 =	vld [tilespmem:s26+$0x1EC40]  }
0x287: {  	v36 =	vld [tilespmem:s26+$0x1EC50]  }
0x288: {  	v37 =	vld [tilespmem:s26+$0x1F430]  }
0x289: {  	v38 =	vld [tilespmem:s26+$0x1EC60]  }
0x28a: {  	v40 =	vld [tilespmem:s26+$0x1EC70]  }
0x28b: {  	v41 =	vld [tilespmem:s26+$0x1F440]  }
0x28c: {  	v60 =	vld [tilespmem:s26+$0x1F450]  }
0x28d: {  	v62 =	vld [tilespmem:s26+$0x1F470]  }
0x28e: {  	v5 =	vld.idx.msk [tilespmem:v1+s25+$0x0], $0xffff  }
0x28f: {  	v8 =	vld.idx.msk [tilespmem:v2+s25+$0x0], $0xffff  }
0x290: {  	v11 =	vld.idx.msk [tilespmem:v3+s25+$0x0], $0xffff  }
0x291: {  	v14 =	vld.idx.msk [tilespmem:v6+s25+$0x0], $0xffff  }
0x292: {  	v17 =	vld.idx.msk [tilespmem:v9+s25+$0x0], $0xffff  }
0x293: {  	v20 =	vld.idx.msk [tilespmem:v12+s25+$0x0], $0xffff  }
0x294: {  	v23 =	vld.idx.msk [tilespmem:v15+s25+$0x0], $0xffff;
	vm0 =	vlt.f32 v5, v4  }
0x295: {  	v26 =	vld.idx.msk [tilespmem:v18+s25+$0x0], $0xffff;
	vm1 =	vlt.f32 v8, v7  }
0x296: {  	v29 =	vld.idx.msk [tilespmem:v21+s25+$0x0], $0xffff;
	vm2 =	vlt.f32 v11, v10  }
0x297: {  	v32 =	vld.idx.msk [tilespmem:v24+s25+$0x0], $0xffff;
	vm3 =	vlt.f32 v14, v13  }
0x298: {  	v35 =	vld.idx.msk [tilespmem:v27+s25+$0x0], $0xffff;
	vm4 =	vlt.f32 v17, v16  }
0x299: {  	v39 =	vld.idx.msk [tilespmem:v31+s25+$0x0], $0xffff;
	v4 =	vmax.f32 v5, v4;
	vm5 =	vlt.f32 v20, v19  }
0x29a: {  	v42 =	vld.idx.msk [tilespmem:v34+s25+$0x0], $0xffff;
	vm14 =	vlt.f32 v23, v22;
	[tilespmem:v1+s25+$0x0] =	vst.idx.msk vm0, v4;
	v1 =	vmax.f32 v8, v7  }
0x29b: {  	v61 =	vld.idx.msk [tilespmem:v36+s25+$0x0], $0xffff;
	vm15 =	vlt.f32 v26, v25;
	[tilespmem:v2+s25+$0x0] =	vst.idx.msk vm1, v1;
	v1 =	vmax.f32 v11, v10  }
0x29c: {  	vm8 =	vlt.f32 v29, v28;
	v2 =	vld [tilespmem:s26+$0x1F460];
	[tilespmem:v3+s25+$0x0] =	vst.idx.msk vm2, v1;
	v1 =	vmax.f32 v14, v13  }
0x29d: {  	vm9 =	vlt.f32 v32, v30;
	v3 =	vld.idx.msk [tilespmem:v38+s25+$0x0], $0xffff;
	[tilespmem:v6+s25+$0x0] =	vst.idx.msk vm3, v1;
	v1 =	vmax.f32 v17, v16  }
0x29e: {  	v63 =	vld.idx.msk [tilespmem:v40+s25+$0x0], $0xffff;
	vm10 =	vlt.f32 v35, v33;
	[tilespmem:v9+s25+$0x0] =	vst.idx.msk vm4, v1;
	v1 =	vmax.f32 v20, v19  }
0x29f: {  	vm11 =	vlt.f32 v39, v37;
	[tilespmem:v12+s25+$0x0] =	vst.idx.msk vm5, v1;
	v1 =	vmax.f32 v23, v22  }
0x2a0: {  	vm12 =	vlt.f32 v42, v41;
	[tilespmem:v15+s25+$0x0] =	vst.idx.msk vm14, v1;
	v1 =	vmax.f32 v26, v25  }
0x2a1: {  	vm13 =	vlt.f32 v61, v60;
	[tilespmem:v18+s25+$0x0] =	vst.idx.msk vm15, v1;
	v1 =	vmax.f32 v29, v28  }
0x2a2: {  	vm14 =	vlt.f32 v3, v2;
	[tilespmem:v21+s25+$0x0] =	vst.idx.msk vm8, v1;
	v1 =	vmax.f32 v32, v30  }
0x2a3: {  	vm15 =	vlt.f32 v63, v62;
	[tilespmem:v24+s25+$0x0] =	vst.idx.msk vm9, v1;
	v1 =	vmax.f32 v35, v33  }
0x2a4: {  	p3 =	por p2, p2;
	[tilespmem:v27+s25+$0x0] =	vst.idx.msk vm10, v1;
	v1 =	vmax.f32 v39, v37  }
.Ltmp11:
0x2a5: {  	[tilespmem:v31+s25+$0x0] =	vst.idx.msk vm11, v1;
	v1 =	vmax.f32 v42, v41;
	(pc) =	sbr.rel @p3 .LBB2_15-.Ltmp11, $4  }
0x2a6: {  	[tilespmem:v34+s25+$0x0] =	vst.idx.msk vm12, v1;
	v1 =	vmax.f32 v61, v60  }
0x2a7: {  	[tilespmem:v36+s25+$0x0] =	vst.idx.msk vm13, v1;
	v1 =	vmax.f32 v3, v2  }
0x2a8: {  	[tilespmem:v38+s25+$0x0] =	vst.idx.msk vm14, v1;
	v1 =	vmax.f32 v63, v62  }
0x2a9: {  	p2 =	por $0x0, $0x0;
	s26 =	simm.s32 $0x400;
	[tilespmem:v40+s25+$0x0] =	vst.idx.msk vm15, v1;
	v1 =	vimm.s32 $0x0  }
.Ltmp12:
0x2aa: {  	_ = 	snop;
	(pc) =	sbr.rel .LBB2_16-.Ltmp12, $1  }
0x2ab: {  	_ =	sdelay $0x3  }
.LBB2_17:
0x2ac: {  	s25 =	simm.s32 @!p1 $0x0  }
0x2ad: {  	v1 =	vpsel !p1, $0x0, v1;
	s25 =	simm.s32 @p1 $0x400;
	p1 =	por !p1, !p1  }
.LBB2_16:
0x2ae: {  	v2 =	vld [tilespmem:s25+$0x1EA00]  }
0x2af: {  	v3 =	vld [tilespmem:s25+$0x1EA10]  }
0x2b0: {  	v4 =	vld [tilespmem:s25+$0x1EA20]  }
0x2b1: {  	v5 =	vld [tilespmem:s25+$0x1F200]  }
0x2b2: {  	v7 =	vld [tilespmem:s25+$0x1EA30]  }
0x2b3: {  	v8 =	vld [tilespmem:s25+$0x1F210]  }
0x2b4: {  	v10 =	vld [tilespmem:s25+$0x1EA40]  }
0x2b5: {  	v11 =	vld [tilespmem:s25+$0x1F220]  }
0x2b6: {  	v13 =	vld [tilespmem:s25+$0x1EA50]  }
0x2b7: {  	v14 =	vld [tilespmem:s25+$0x1F230]  }
0x2b8: {  	v16 =	vld [tilespmem:s25+$0x1EA60]  }
0x2b9: {  	v17 =	vld [tilespmem:s25+$0x1F240]  }
0x2ba: {  	v19 =	vld [tilespmem:s25+$0x1EA70]  }
0x2bb: {  	v20 =	vld [tilespmem:s25+$0x1F250]  }
0x2bc: {  	v22 =	vld [tilespmem:s25+$0x1EC00]  }
0x2bd: {  	v23 =	vld [tilespmem:s25+$0x1F260]  }
0x2be: {  	v25 =	vld [tilespmem:s25+$0x1EC10]  }
0x2bf: {  	v26 =	vld [tilespmem:s25+$0x1F270]  }
0x2c0: {  	v28 =	vld [tilespmem:s25+$0x1EC20]  }
0x2c1: {  	v29 =	vld [tilespmem:s25+$0x1F400]  }
0x2c2: {  	v31 =	vld [tilespmem:s25+$0x1F410]  }
0x2c3: {  	v32 =	vld [tilespmem:s25+$0x1EC30]  }
0x2c4: {  	v34 =	vld [tilespmem:s25+$0x1F420]  }
0x2c5: {  	v35 =	vld [tilespmem:s25+$0x1EC40]  }
0x2c6: {  	v37 =	vld [tilespmem:s25+$0x1EC50]  }
0x2c7: {  	v38 =	vld [tilespmem:s25+$0x1F430]  }
0x2c8: {  	v39 =	vld [tilespmem:s25+$0x1EC60]  }
0x2c9: {  	v41 =	vld [tilespmem:s25+$0x1EC70]  }
0x2ca: {  	v42 =	vld [tilespmem:s25+$0x1F440]  }
0x2cb: {  	v44 =	vld [tilespmem:s25+$0x1F450]  }
0x2cc: {  	v46 =	vld [tilespmem:s25+$0x1F460]  }
0x2cd: {  	v48 =	vld [tilespmem:s25+$0x1F470]  }
0x2ce: {  	v6 =	vld.idx.msk [tilespmem:v2+s3+$0x0], $0xffff  }
0x2cf: {  	v9 =	vld.idx.msk [tilespmem:v3+s3+$0x0], $0xffff  }
0x2d0: {  	v12 =	vld.idx.msk [tilespmem:v4+s3+$0x0], $0xffff  }
0x2d1: {  	v15 =	vld.idx.msk [tilespmem:v7+s3+$0x0], $0xffff  }
0x2d2: {  	v18 =	vld.idx.msk [tilespmem:v10+s3+$0x0], $0xffff  }
0x2d3: {  	v21 =	vld.idx.msk [tilespmem:v13+s3+$0x0], $0xffff  }
0x2d4: {  	v24 =	vld.idx.msk [tilespmem:v16+s3+$0x0], $0xffff;
	vm1 =	vlt.f32 v6, v5;
	vm0 =	vlt.f32 v9, v8  }
0x2d5: {  	v27 =	vld.idx.msk [tilespmem:v19+s3+$0x0], $0xffff;
	vm2 =	vlt.f32 v12, v11;
	vm3 =	vmor vm1, vm0  }
0x2d6: {  	v30 =	vld.idx.msk [tilespmem:v22+s3+$0x0], $0xffff;
	vm4 =	vmor vm3, vm2;
	vm3 =	vlt.f32 v15, v14  }
0x2d7: {  	v33 =	vld.idx.msk [tilespmem:v25+s3+$0x0], $0xffff;
	vm5 =	vmor vm4, vm3;
	vm4 =	vlt.f32 v18, v17  }
0x2d8: {  	v36 =	vld.idx.msk [tilespmem:v28+s3+$0x0], $0xffff;
	vm6 =	vmor vm5, vm4;
	vm5 =	vlt.f32 v21, v20  }
0x2d9: {  	v62 =	vld.idx.msk [tilespmem:v32+s3+$0x0], $0xffff;
	vm7 =	vmor vm6, vm5;
	vm6 =	vlt.f32 v24, v23  }
0x2da: {  	v43 =	vld.idx.msk [tilespmem:v35+s3+$0x0], $0xffff;
	vm8 =	vmor vm7, vm6;
	vm7 =	vlt.f32 v27, v26  }
0x2db: {  	v45 =	vld.idx.msk [tilespmem:v37+s3+$0x0], $0xffff;
	vm9 =	vmor vm8, vm7;
	vm8 =	vlt.f32 v30, v29  }
0x2dc: {  	v47 =	vld.idx.msk [tilespmem:v39+s3+$0x0], $0xffff;
	vm10 =	vlt.f32 v33, v31;
	vm9 =	vmor vm9, vm8  }
0x2dd: {  	v49 =	vld.idx.msk [tilespmem:v41+s3+$0x0], $0xffff;
	vm12 =	vlt.f32 v36, v34;
	vm9 =	vmor vm9, vm10  }
0x2de: {  	vm14 =	vlt.f32 v62, v38;
	vm9 =	vmor vm9, vm12  }
0x2df: {  	vm15 =	vlt.f32 v43, v42;
	vm9 =	vmor vm9, vm14  }
0x2e0: {  	vm13 =	vlt.f32 v45, v44;
	vm9 =	vmor vm9, vm15  }
0x2e1: {  	v40 =	vimm.s32 $0x0;
	vm11 =	vlt.f32 v47, v46;
	vm9 =	vmor vm9, vm13  }
0x2e2: {  	v40 =	vsel vm0, $0xFFFFFFFF, v40;
	vm0 =	vmor vm9, vm11;
	vm9 =	vlt.f32 v49, v48  }
0x2e3: {  	vm0 =	vmor vm0, vm9  }
0x2e4: {  	v50 =	vsel vm0, $0x1, v0  }
0x2e5: {  	v1 =	vor.u32 v50, v1  }
0x2e6: {  	v50 =	vxor.u32 @!p1 $0x80000000, v1  }
0x2e7: {  	(xrf0) =	vmax.scan.msk.u32 @!p1 $0xffff, v50;
	_ =	sdelay $0x2  }
0x2e8: {  	[tilespmem:$0x1FFC0] =	vst v40  }
0x2e9: {  	v63 =	vld [tilespmem:$0x1FFC0];
	_ =	sdelay $0x1  }
0x2ea: {  	v50, _, _ =	vpop @!p1 (xrf0)  }
0x2eb: {  	(v2sf) =	vpush @!p1 v50, $0xF;
	_ =	sdelay $0x1  }
0x2ec: {  	vm0 =	vnez.u8 v63;
	_ =	sdelay $0x3  }
0x2ed: {  	v5 =	vmax.f32 v6, v5  }
0x2ee: {  	[tilespmem:v2+s3+$0x0] =	vst.idx.msk vm1, v5;
	v2 =	vmax.f32 v9, v8  }
0x2ef: {  	[tilespmem:v3+s3+$0x0] =	vst.idx.msk vm0, v2;
	v2 =	vmax.f32 v12, v11  }
0x2f0: {  	[tilespmem:v4+s3+$0x0] =	vst.idx.msk vm2, v2;
	v2 =	vmax.f32 v15, v14  }
0x2f1: {  	[tilespmem:v7+s3+$0x0] =	vst.idx.msk vm3, v2;
	v2 =	vmax.f32 v18, v17  }
0x2f2: {  	[tilespmem:v10+s3+$0x0] =	vst.idx.msk vm4, v2;
	v2 =	vmax.f32 v21, v20  }
0x2f3: {  	[tilespmem:v13+s3+$0x0] =	vst.idx.msk vm5, v2;
	v2 =	vmax.f32 v24, v23  }
0x2f4: {  	[tilespmem:v16+s3+$0x0] =	vst.idx.msk vm6, v2;
	v2 =	vmax.f32 v27, v26  }
0x2f5: {  	[tilespmem:v19+s3+$0x0] =	vst.idx.msk vm7, v2;
	v2 =	vmax.f32 v30, v29  }
0x2f6: {  	[tilespmem:v22+s3+$0x0] =	vst.idx.msk vm8, v2;
	v2 =	vmax.f32 v33, v31;
	s13 =	spop @!p1 (v2sf)  }
0x2f7: {  	[tilespmem:v25+s3+$0x0] =	vst.idx.msk vm10, v2;
	v2 =	vmax.f32 v36, v34;
	p2 =	sgt.u32 @!p1 s13, $0x80000000  }
0x2f8: {  	[tilespmem:v28+s3+$0x0] =	vst.idx.msk vm12, v2;
	v2 =	vmax.f32 v62, v38;
	p2 =	por p1, p2  }
.Ltmp13:
0x2f9: {  	[tilespmem:v32+s3+$0x0] =	vst.idx.msk vm14, v2;
	v2 =	vmax.f32 v43, v42;
	(pc) =	sbr.rel @p2 .LBB2_17-.Ltmp13, $4  }
0x2fa: {  	[tilespmem:v35+s3+$0x0] =	vst.idx.msk vm15, v2;
	v2 =	vmax.f32 v45, v44  }
0x2fb: {  	[tilespmem:v37+s3+$0x0] =	vst.idx.msk vm13, v2;
	v2 =	vmax.f32 v47, v46  }
0x2fc: {  	[tilespmem:v39+s3+$0x0] =	vst.idx.msk vm11, v2;
	v2 =	vmax.f32 v49, v48  }
0x2fd: {  	[tilespmem:v41+s3+$0x0] =	vst.idx.msk vm9, v2  }
.Ltmp14:
0x2fe: {  	(pc) =	sbr.rel @p0 .LBB2_20-.Ltmp14, $1  }
0x2ff: {  	_ =	sdelay $0x3  }
0x300: {  	s13 =	sadd.s32 $0x7, s23  }
0x301: {  	s23 =	sshll.u32 s13, $0x6  }
0x302: {  	s23 =	sadd.s32 s2, s23  }
0x303: {  	[tilespmem:s1], [sflag:$0x4] =	stream.linear.gather [hbm4b:s23+s3], $0x80, $0x38;
	[tilespmem:$0x1F880] =	vst v63  }
0x304: {  	s13 =	sshll.u32 s13, $0xC;
	s25 =	sadd.s32 $0x10, s23  }
0x305: {  	[tilespmem:s12], [sflag:$0x4] =	stream.linear.gather [hbm4b:s25+s3], $0x80, $0x38;
	[tilespmem:$0x1F880] =	vst v63  }
0x306: {  	s13 =	sadd.s32 s5, s13;
	s26 =	sadd.s32 $0x20, s23  }
0x307: {  	[tilespmem:s14], [sflag:$0x4] =	stream.linear.gather [hbm4b:s26+s3], $0x80, $0x38;
	[tilespmem:$0x1F880] =	vst v63  }
0x308: {  	s23 =	sadd.s32 $0x30, s23;
	s13 =	sshrl.u32 s13, $0x3  }
0x309: {  	[tilespmem:s20], [sflag:$0x4] =	stream.linear.gather [hbm4b:s23+s3], $0x80, $0x38;
	[tilespmem:$0x1F880] =	vst v63  }
0x30a: {  	s13 =	sadd.s32 s4, s13  }
0x30b: {  	[tilespmem:s21], [sflag:$0x8] =	stream.linear.gather [hbm4b:s13+s3], $0x80, $0x38;
	[tilespmem:$0x1F880] =	vst v63  }
0x30c: {  	s30 =	sadd.s32 $0x80, s13  }
0x30d: {  	[tilespmem:s28], [sflag:$0x8] =	stream.linear.gather [hbm4b:s30+s3], $0x80, $0x38;
	[tilespmem:$0x1F880] =	vst v63  }
.Ltmp15:
0x30e: {  	_ = 	snop;
	(pc) =	sbr.rel .LBB2_2-.Ltmp15, $4  }
0x30f: {  	s31 =	sadd.s32 $0x100, s13  }
0x310: {  	[tilespmem:s8], [sflag:$0x8] =	stream.linear.gather [hbm4b:s31+s3], $0x80, $0x38;
	[tilespmem:$0x1F880] =	vst v63  }
0x311: {  	s22 =	sadd.s32 $0x1, s22;
	s13 =	sadd.s32 $0x180, s13  }
0x312: {  	[tilespmem:s9], [sflag:$0x8] =	stream.linear.gather [hbm4b:s13+s3], $0x80, $0x38;
	[tilespmem:$0x1F880] =	vst v63  }
.LBB2_20:
0x313: {  	s22 =	simm.s32 $0x0;
	s13 =	simm.s32 $0x1E880  }
0x314: {  	[tilespmem:s13], [sflag:$0x1] =	stream.linear.gather [hbm4b:s2+s22], $0x80, $0x38;
	[tilespmem:$0x1F880] =	vst v63  }
0x315: {  	s31 =	rddreg [dreg:$0x13];
	s23 =	simm.s32 $0x1EA80  }
0x316: {  	[tilespmem:s23], [sflag:$0x1] =	stream.linear.gather [hbm4b:s31+s22], $0x80, $0x38;
	[tilespmem:$0x1F880] =	vst v63  }
0x317: {  	s25 =	rddreg [dreg:$0x14];
	s26 =	simm.s32 $0x1EC80  }
0x318: {  	[tilespmem:s26], [sflag:$0x1] =	stream.linear.gather [hbm4b:s25+s22], $0x80, $0x38;
	[tilespmem:$0x1F880] =	vst v63  }
0x319: {  	s30 =	rddreg [dreg:$0x15];
	s31 =	simm.s32 $0x1EE80  }
0x31a: {  	[tilespmem:s31], [sflag:$0x1] =	stream.linear.gather [hbm4b:s30+s22], $0x80, $0x38;
	[tilespmem:$0x1F880] =	vst v63  }
0x31b: {  	s25 =	rddreg [dreg:$0x5];
	s26 =	simm.s32 $0x1E900  }
0x31c: {  	[tilespmem:s26], [sflag:$0x2] =	stream.linear.gather [hbm4b:s25+s22], $0x80, $0x38;
	[tilespmem:$0x1F880] =	vst v63  }
0x31d: {  	s30 =	simm.s32 $0x1EB00;
	s31 =	rddreg [dreg:$0x17]  }
0x31e: {  	[tilespmem:s30], [sflag:$0x2] =	stream.linear.gather [hbm4b:s31+s22], $0x80, $0x38;
	[tilespmem:$0x1F880] =	vst v63  }
0x31f: {  	s25 =	simm.s32 $0x1ED00;
	s26 =	rddreg [dreg:$0x18]  }
0x320: {  	[tilespmem:s25], [sflag:$0x2] =	stream.linear.gather [hbm4b:s26+s22], $0x80, $0x38;
	[tilespmem:$0x1F880] =	vst v63  }
0x321: {  	s30 =	simm.s32 $0x1EF00;
	s31 =	rddreg [dreg:$0x19]  }
0x322: {  	[tilespmem:s30], [sflag:$0x2] =	stream.linear.gather [hbm4b:s31+s22], $0x80, $0x38;
	[tilespmem:$0x1F880] =	vst v63  }
0x323: {  	s25 =	rddreg [dreg:$0x7];
	s26 =	simm.s32 $0x1E980  }
0x324: {  	[tilespmem:s26], [sflag:$0x3] =	stream.linear.gather [hbm4b:s25+s22], $0x80, $0x38;
	[tilespmem:$0x1F880] =	vst v63  }
0x325: {  	s30 =	simm.s32 $0x1EB80;
	s31 =	rddreg [dreg:$0x1a]  }
0x326: {  	[tilespmem:s30], [sflag:$0x3] =	stream.linear.gather [hbm4b:s31+s22], $0x80, $0x38;
	[tilespmem:$0x1F880] =	vst v63  }
0x327: {  	s25 =	simm.s32 $0x1ED80;
	s26 =	rddreg [dreg:$0x1b]  }
0x328: {  	[tilespmem:s25], [sflag:$0x3] =	stream.linear.gather [hbm4b:s26+s22], $0x80, $0x38;
	[tilespmem:$0x1F880] =	vst v63  }
0x329: {  	s30 =	simm.s32 $0x1EF80;
	s31 =	rddreg [dreg:$0x1c]  }
0x32a: {  	[tilespmem:s30], [sflag:$0x3] =	stream.linear.gather [hbm4b:s31+s22], $0x80, $0x38;
	[tilespmem:$0x1F880] =	vst v63  }
0x32b: {  	s25 =	rddreg [dreg:$0x9]  }
0x32c: {  	[tilespmem:s1], [sflag:$0x4] =	stream.linear.gather [hbm4b:s25+s22], $0x80, $0x38;
	[tilespmem:$0x1F880] =	vst v63  }
0x32d: {  	s26 =	rddreg [dreg:$0x1d]  }
0x32e: {  	[tilespmem:s12], [sflag:$0x4] =	stream.linear.gather [hbm4b:s26+s22], $0x80, $0x38;
	[tilespmem:$0x1F880] =	vst v63  }
0x32f: {  	s30 =	rddreg [dreg:$0x1e]  }
0x330: {  	[tilespmem:s14], [sflag:$0x4] =	stream.linear.gather [hbm4b:s30+s22], $0x80, $0x38;
	[tilespmem:$0x1F880] =	vst v63  }
0x331: {  	s31 =	rddreg [dreg:$0x1f]  }
0x332: {  	[tilespmem:s20], [sflag:$0x4] =	stream.linear.gather [hbm4b:s31+s22], $0x80, $0x38;
	[tilespmem:$0x1F880] =	vst v63  }
.LBB2_21:
0x333: {  	_ =	swait.ge [sflag:s11], $0x200  }
0x334: {  	p0 =	seq.s32 s22, $0x0;
	[sflag:s11] =	ssyncset.done $0x0  }
0x335: {  	s13 =	simm.s32 @!p0 $0x5;
	[sflag:s11] =	ssyncadd.s32 $0xFFFFFE00  }
0x336: {  	_ =	swait.ge @!p0 [sflag:s13], $0x200  }
0x337: {  	s23 =	sshll.u32 s22, $0x8;
	[sflag:s13] =	ssyncset.done @!p0 $0x0  }
0x338: {  	p1 =	por $0x1, $0x1;
	s25 =	simm.s32 $0x0;
	[sflag:s13] =	ssyncadd.s32 @!p0 $0xFFFFFE00  }
.LBB2_22:
0x339: {  	v1 =	vld [tilespmem:s25+$0x1E880]  }
0x33a: {  	v2 =	vld [tilespmem:s25+$0x1E890]  }
0x33b: {  	v3 =	vld [tilespmem:s25+$0x1E8A0]  }
0x33c: {  	v4 =	vld [tilespmem:s25+$0x1E8B0]  }
0x33d: {  	v5 =	vld [tilespmem:s25+$0x1E8C0]  }
0x33e: {  	v6 =	vld [tilespmem:s25+$0x1E8D0]  }
0x33f: {  	v7 =	vld [tilespmem:s25+$0x1E8E0]  }
0x340: {  	v8 =	vld [tilespmem:s25+$0x1E8F0]  }
0x341: {  	v9 =	vld [tilespmem:s25+$0x1EA80]  }
0x342: {  	v10 =	vld [tilespmem:s25+$0x1EA90]  }
0x343: {  	v11 =	vld [tilespmem:s25+$0x1EAA0]  }
0x344: {  	v12 =	vld [tilespmem:s25+$0x1EAB0]  }
0x345: {  	v13 =	vld [tilespmem:s25+$0x1EAC0]  }
0x346: {  	v1 =	vld.idx.msk [tilespmem:v1+s3+$0x0], $0xffff  }
0x347: {  	v2 =	vld.idx.msk [tilespmem:v2+s3+$0x0], $0xffff  }
0x348: {  	v3 =	vld.idx.msk [tilespmem:v3+s3+$0x0], $0xffff  }
0x349: {  	v4 =	vld.idx.msk [tilespmem:v4+s3+$0x0], $0xffff  }
0x34a: {  	v5 =	vld.idx.msk [tilespmem:v5+s3+$0x0], $0xffff  }
0x34b: {  	v6 =	vld.idx.msk [tilespmem:v6+s3+$0x0], $0xffff  }
0x34c: {  	v7 =	vld.idx.msk [tilespmem:v7+s3+$0x0], $0xffff  }
0x34d: {  	v8 =	vld.idx.msk [tilespmem:v8+s3+$0x0], $0xffff  }
0x34e: {  	[tilespmem:s25+$0x1F080] =	vst v1;
	v1 =	vld [tilespmem:s25+$0x1EAD0]  }
0x34f: {  	[tilespmem:s25+$0x1F090] =	vst v2;
	v2 =	vld [tilespmem:s25+$0x1EAE0]  }
0x350: {  	[tilespmem:s25+$0x1F0A0] =	vst v3;
	v3 =	vld [tilespmem:s25+$0x1EAF0]  }
0x351: {  	v59 =	vld.idx.msk [tilespmem:v9+s3+$0x0], $0xffff;
	[tilespmem:s25+$0x1F0B0] =	vst v4  }
0x352: {  	v60 =	vld.idx.msk [tilespmem:v10+s3+$0x0], $0xffff;
	[tilespmem:s25+$0x1F0C0] =	vst v5  }
0x353: {  	v61 =	vld.idx.msk [tilespmem:v11+s3+$0x0], $0xffff;
	[tilespmem:s25+$0x1F0D0] =	vst v6  }
0x354: {  	v62 =	vld.idx.msk [tilespmem:v12+s3+$0x0], $0xffff;
	[tilespmem:s25+$0x1F0E0] =	vst v7  }
0x355: {  	v63 =	vld.idx.msk [tilespmem:v13+s3+$0x0], $0xffff;
	[tilespmem:s25+$0x1F0F0] =	vst v8  }
0x356: {  	[tilespmem:s25+$0x1F280] =	vst v59;
	v1 =	vld.idx.msk [tilespmem:v1+s3+$0x0], $0xffff  }
0x357: {  	[tilespmem:s25+$0x1F290] =	vst v60;
	v2 =	vld.idx.msk [tilespmem:v2+s3+$0x0], $0xffff  }
0x358: {  	p2 =	por p1, p1;
	[tilespmem:s25+$0x1F2A0] =	vst v61;
	v3 =	vld.idx.msk [tilespmem:v3+s3+$0x0], $0xffff  }
.Ltmp16:
0x359: {  	[tilespmem:s25+$0x1F2B0] =	vst v62;
	(pc) =	sbr.rel @p2 .LBB2_22-.Ltmp16, $4  }
0x35a: {  	[tilespmem:s25+$0x1F2C0] =	vst v63  }
0x35b: {  	[tilespmem:s25+$0x1F2D0] =	vst v1  }
0x35c: {  	[tilespmem:s25+$0x1F2E0] =	vst v2  }
0x35d: {  	p1 =	por $0x0, $0x0;
	[tilespmem:s25+$0x1F2F0] =	vst v3;
	s25 =	simm.s32 $0x400  }
0x35e: {  	s13 =	sshll.u32 s22, $0xE  }
0x35f: {  	s13 =	sor.u32 s13, s5  }
0x360: {  	s25 =	sshrl.u32 s13, $0x3  }
0x361: {  	s26 =	simm.s32 $0x1F080;
	s13 =	sadd.s32 s7, s25  }
0x362: {  	[hbm4b:s13+s3] =	stream.linear.scatter [tilespmem:s26], [sflag:$0x5], $0x80, $0x38;
	[tilespmem:$0x1F880] =	vst v63  }
0x363: {  	s30 =	simm.s32 $0x1F280;
	p1 =	sne.s32 s22, $0x3F;
	s31 =	sadd.s32 $0x80, s13  }
0x364: {  	[hbm4b:s31+s3] =	stream.linear.scatter [tilespmem:s30], [sflag:$0x5], $0x80, $0x38;
	[tilespmem:$0x1F880] =	vst v63  }
.Ltmp17:
0x365: {  	_ = 	snop;
	(pc) =	sbr.rel @p1 .LBB2_25-.Ltmp17, $4  }
0x366: {  	s26 =	sadd.s32 $0x100, s13;
	s31 =	simm.s32 $0x1F480  }
0x367: {  	[hbm4b:s26+s3] =	stream.linear.scatter [tilespmem:s31], [sflag:$0x5], $0x80, $0x38;
	[tilespmem:$0x1F880] =	vst v63  }
0x368: {  	s13 =	sadd.s32 $0x180, s13;
	s31 =	simm.s32 $0x1F680  }
0x369: {  	[hbm4b:s13+s3] =	stream.linear.scatter [tilespmem:s31], [sflag:$0x5], $0x80, $0x38;
	[tilespmem:$0x1F880] =	vst v63  }
.Ltmp18:
0x36a: {  	(pc) =	sbr.rel .LBB2_26-.Ltmp18, $4  }
0x36b: {  	_ = 	snop  }
0x36c: {  	_ =	swait.ge [sflag:s17], $0x200  }
0x36d: {  	[sflag:s17] =	ssyncset.done $0x0  }
0x36e: {  	[sflag:s17] =	ssyncadd.s32 $0xFFFFFE00  }
.LBB2_25:
0x36f: {  	s13 =	rddreg [dreg:$0xb]  }
0x370: {  	s26 =	simm.s32 $0x1E880;
	s13 =	sadd.s32 s23, s13  }
0x371: {  	[tilespmem:s26], [sflag:$0x1] =	stream.linear.gather [hbm4b:s13+s3], $0x80, $0x38;
	[tilespmem:$0x1F880] =	vst v63  }
0x372: {  	s30 =	simm.s32 $0x1EA80;
	s31 =	sadd.s32 $0x10, s13  }
0x373: {  	[tilespmem:s30], [sflag:$0x1] =	stream.linear.gather [hbm4b:s31+s3], $0x80, $0x38;
	[tilespmem:$0x1F880] =	vst v63  }
0x374: {  	s26 =	sadd.s32 $0x20, s13;
	s31 =	simm.s32 $0x1EC80  }
0x375: {  	[tilespmem:s31], [sflag:$0x1] =	stream.linear.gather [hbm4b:s26+s3], $0x80, $0x38;
	[tilespmem:$0x1F880] =	vst v63  }
.Ltmp19:
0x376: {  	s13 =	sadd.s32 $0x30, s13;
	s31 =	simm.s32 $0x1EE80;
	(pc) =	sbr.rel @p0 .LBB2_27-.Ltmp19, $4  }
0x377: {  	[tilespmem:s31], [sflag:$0x1] =	stream.linear.gather [hbm4b:s13+s3], $0x80, $0x38;
	[tilespmem:$0x1F880] =	vst v63  }
0x378: {  	_ =	swait.ge [sflag:s17], $0x200  }
0x379: {  	[sflag:s17] =	ssyncset.done $0x0  }
0x37a: {  	[sflag:s17] =	ssyncadd.s32 $0xFFFFFE00  }
.LBB2_26:
0x37b: {  	_ =	swait.ge [sflag:s18], $0x200  }
0x37c: {  	[sflag:s18] =	ssyncset.done $0x0  }
0x37d: {  	[sflag:s18] =	ssyncadd.s32 $0xFFFFFE00  }
.LBB2_27:
0x37e: {  	s26 =	simm.s32 $0x0;
	p2 =	por $0x1, $0x1  }
.LBB2_28:
0x37f: {  	v1 =	vld [tilespmem:s26+$0x1E900]  }
0x380: {  	v2 =	vld [tilespmem:s26+$0x1E910]  }
0x381: {  	v3 =	vld [tilespmem:s26+$0x1E920]  }
0x382: {  	v4 =	vld [tilespmem:s26+$0x1E930]  }
0x383: {  	v5 =	vld [tilespmem:s26+$0x1E940]  }
0x384: {  	v6 =	vld [tilespmem:s26+$0x1E950]  }
0x385: {  	v7 =	vld [tilespmem:s26+$0x1E960]  }
0x386: {  	v8 =	vld [tilespmem:s26+$0x1E970]  }
0x387: {  	v9 =	vld [tilespmem:s26+$0x1EB00]  }
0x388: {  	v10 =	vld [tilespmem:s26+$0x1EB10]  }
0x389: {  	v11 =	vld [tilespmem:s26+$0x1EB20]  }
0x38a: {  	v12 =	vld [tilespmem:s26+$0x1EB30]  }
0x38b: {  	v13 =	vld [tilespmem:s26+$0x1EB40]  }
0x38c: {  	v1 =	vld.idx.msk [tilespmem:v1+s3+$0x0], $0xffff  }
0x38d: {  	v2 =	vld.idx.msk [tilespmem:v2+s3+$0x0], $0xffff  }
0x38e: {  	v3 =	vld.idx.msk [tilespmem:v3+s3+$0x0], $0xffff  }
0x38f: {  	v4 =	vld.idx.msk [tilespmem:v4+s3+$0x0], $0xffff  }
0x390: {  	v5 =	vld.idx.msk [tilespmem:v5+s3+$0x0], $0xffff  }
0x391: {  	v6 =	vld.idx.msk [tilespmem:v6+s3+$0x0], $0xffff  }
0x392: {  	v7 =	vld.idx.msk [tilespmem:v7+s3+$0x0], $0xffff  }
0x393: {  	v8 =	vld.idx.msk [tilespmem:v8+s3+$0x0], $0xffff  }
0x394: {  	[tilespmem:s26+$0x1F100] =	vst v1;
	v1 =	vld [tilespmem:s26+$0x1EB50]  }
0x395: {  	[tilespmem:s26+$0x1F110] =	vst v2;
	v2 =	vld [tilespmem:s26+$0x1EB60]  }
0x396: {  	[tilespmem:s26+$0x1F120] =	vst v3;
	v3 =	vld [tilespmem:s26+$0x1EB70]  }
0x397: {  	v59 =	vld.idx.msk [tilespmem:v9+s3+$0x0], $0xffff;
	[tilespmem:s26+$0x1F130] =	vst v4  }
0x398: {  	v60 =	vld.idx.msk [tilespmem:v10+s3+$0x0], $0xffff;
	[tilespmem:s26+$0x1F140] =	vst v5  }
0x399: {  	v61 =	vld.idx.msk [tilespmem:v11+s3+$0x0], $0xffff;
	[tilespmem:s26+$0x1F150] =	vst v6  }
0x39a: {  	v62 =	vld.idx.msk [tilespmem:v12+s3+$0x0], $0xffff;
	[tilespmem:s26+$0x1F160] =	vst v7  }
0x39b: {  	v63 =	vld.idx.msk [tilespmem:v13+s3+$0x0], $0xffff;
	[tilespmem:s26+$0x1F170] =	vst v8  }
0x39c: {  	[tilespmem:s26+$0x1F300] =	vst v59;
	v1 =	vld.idx.msk [tilespmem:v1+s3+$0x0], $0xffff  }
0x39d: {  	[tilespmem:s26+$0x1F310] =	vst v60;
	v2 =	vld.idx.msk [tilespmem:v2+s3+$0x0], $0xffff  }
0x39e: {  	p3 =	por p2, p2;
	[tilespmem:s26+$0x1F320] =	vst v61;
	v3 =	vld.idx.msk [tilespmem:v3+s3+$0x0], $0xffff  }
.Ltmp20:
0x39f: {  	[tilespmem:s26+$0x1F330] =	vst v62;
	(pc) =	sbr.rel @p3 .LBB2_28-.Ltmp20, $4  }
0x3a0: {  	[tilespmem:s26+$0x1F340] =	vst v63  }
0x3a1: {  	[tilespmem:s26+$0x1F350] =	vst v1  }
0x3a2: {  	[tilespmem:s26+$0x1F360] =	vst v2  }
0x3a3: {  	p2 =	por $0x0, $0x0;
	[tilespmem:s26+$0x1F370] =	vst v3;
	s26 =	simm.s32 $0x400  }
0x3a4: {  	s13 =	sor.u32 $0x200, s25  }
0x3a5: {  	s26 =	simm.s32 $0x1F100;
	s13 =	sadd.s32 s7, s13  }
0x3a6: {  	[hbm4b:s13+s3] =	stream.linear.scatter [tilespmem:s26], [sflag:$0x6], $0x80, $0x38;
	[tilespmem:$0x1F880] =	vst v63  }
0x3a7: {  	s30 =	simm.s32 $0x1F300;
	s31 =	sadd.s32 $0x80, s13  }
0x3a8: {  	[hbm4b:s31+s3] =	stream.linear.scatter [tilespmem:s30], [sflag:$0x6], $0x80, $0x38;
	[tilespmem:$0x1F880] =	vst v63  }
.Ltmp21:
0x3a9: {  	_ = 	snop;
	(pc) =	sbr.rel @p1 .LBB2_31-.Ltmp21, $4  }
0x3aa: {  	s26 =	sadd.s32 $0x100, s13;
	s31 =	simm.s32 $0x1F500  }
0x3ab: {  	[hbm4b:s26+s3] =	stream.linear.scatter [tilespmem:s31], [sflag:$0x6], $0x80, $0x38;
	[tilespmem:$0x1F880] =	vst v63  }
0x3ac: {  	s13 =	sadd.s32 $0x180, s13;
	s31 =	simm.s32 $0x1F700  }
0x3ad: {  	[hbm4b:s13+s3] =	stream.linear.scatter [tilespmem:s31], [sflag:$0x6], $0x80, $0x38;
	[tilespmem:$0x1F880] =	vst v63  }
.Ltmp22:
0x3ae: {  	(pc) =	sbr.rel .LBB2_32-.Ltmp22, $4  }
0x3af: {  	_ = 	snop  }
0x3b0: {  	_ =	swait.ge [sflag:s24], $0x200  }
0x3b1: {  	[sflag:s24] =	ssyncset.done $0x0  }
0x3b2: {  	[sflag:s24] =	ssyncadd.s32 $0xFFFFFE00  }
.LBB2_31:
0x3b3: {  	s13 =	rddreg [dreg:$0xc]  }
0x3b4: {  	s26 =	simm.s32 $0x1E900;
	s13 =	sadd.s32 s23, s13  }
0x3b5: {  	[tilespmem:s26], [sflag:$0x2] =	stream.linear.gather [hbm4b:s13+s3], $0x80, $0x38;
	[tilespmem:$0x1F880] =	vst v63  }
0x3b6: {  	s30 =	simm.s32 $0x1EB00;
	s31 =	sadd.s32 $0x10, s13  }
0x3b7: {  	[tilespmem:s30], [sflag:$0x2] =	stream.linear.gather [hbm4b:s31+s3], $0x80, $0x38;
	[tilespmem:$0x1F880] =	vst v63  }
0x3b8: {  	s26 =	sadd.s32 $0x20, s13;
	s31 =	simm.s32 $0x1ED00  }
0x3b9: {  	[tilespmem:s31], [sflag:$0x2] =	stream.linear.gather [hbm4b:s26+s3], $0x80, $0x38;
	[tilespmem:$0x1F880] =	vst v63  }
.Ltmp23:
0x3ba: {  	s13 =	sadd.s32 $0x30, s13;
	s31 =	simm.s32 $0x1EF00;
	(pc) =	sbr.rel @p0 .LBB2_33-.Ltmp23, $4  }
0x3bb: {  	[tilespmem:s31], [sflag:$0x2] =	stream.linear.gather [hbm4b:s13+s3], $0x80, $0x38;
	[tilespmem:$0x1F880] =	vst v63  }
0x3bc: {  	_ =	swait.ge [sflag:s24], $0x200  }
0x3bd: {  	[sflag:s24] =	ssyncset.done $0x0  }
0x3be: {  	[sflag:s24] =	ssyncadd.s32 $0xFFFFFE00  }
.LBB2_32:
0x3bf: {  	_ =	swait.ge [sflag:s6], $0x200  }
0x3c0: {  	[sflag:s6] =	ssyncset.done $0x0  }
0x3c1: {  	[sflag:s6] =	ssyncadd.s32 $0xFFFFFE00  }
.LBB2_33:
0x3c2: {  	s26 =	simm.s32 $0x0;
	p2 =	por $0x1, $0x1  }
.LBB2_34:
0x3c3: {  	v1 =	vld [tilespmem:s26+$0x1E980]  }
0x3c4: {  	v2 =	vld [tilespmem:s26+$0x1E990]  }
0x3c5: {  	v3 =	vld [tilespmem:s26+$0x1E9A0]  }
0x3c6: {  	v4 =	vld [tilespmem:s26+$0x1E9B0]  }
0x3c7: {  	v5 =	vld [tilespmem:s26+$0x1E9C0]  }
0x3c8: {  	v6 =	vld [tilespmem:s26+$0x1E9D0]  }
0x3c9: {  	v7 =	vld [tilespmem:s26+$0x1E9E0]  }
0x3ca: {  	v8 =	vld [tilespmem:s26+$0x1E9F0]  }
0x3cb: {  	v9 =	vld [tilespmem:s26+$0x1EB80]  }
0x3cc: {  	v10 =	vld [tilespmem:s26+$0x1EB90]  }
0x3cd: {  	v11 =	vld [tilespmem:s26+$0x1EBA0]  }
0x3ce: {  	v12 =	vld [tilespmem:s26+$0x1EBB0]  }
0x3cf: {  	v13 =	vld [tilespmem:s26+$0x1EBC0]  }
0x3d0: {  	v1 =	vld.idx.msk [tilespmem:v1+s3+$0x0], $0xffff  }
0x3d1: {  	v2 =	vld.idx.msk [tilespmem:v2+s3+$0x0], $0xffff  }
0x3d2: {  	v3 =	vld.idx.msk [tilespmem:v3+s3+$0x0], $0xffff  }
0x3d3: {  	v4 =	vld.idx.msk [tilespmem:v4+s3+$0x0], $0xffff  }
0x3d4: {  	v5 =	vld.idx.msk [tilespmem:v5+s3+$0x0], $0xffff  }
0x3d5: {  	v6 =	vld.idx.msk [tilespmem:v6+s3+$0x0], $0xffff  }
0x3d6: {  	v7 =	vld.idx.msk [tilespmem:v7+s3+$0x0], $0xffff  }
0x3d7: {  	v8 =	vld.idx.msk [tilespmem:v8+s3+$0x0], $0xffff  }
0x3d8: {  	[tilespmem:s26+$0x1F180] =	vst v1;
	v1 =	vld [tilespmem:s26+$0x1EBD0]  }
0x3d9: {  	[tilespmem:s26+$0x1F190] =	vst v2;
	v2 =	vld [tilespmem:s26+$0x1EBE0]  }
0x3da: {  	[tilespmem:s26+$0x1F1A0] =	vst v3;
	v3 =	vld [tilespmem:s26+$0x1EBF0]  }
0x3db: {  	v59 =	vld.idx.msk [tilespmem:v9+s3+$0x0], $0xffff;
	[tilespmem:s26+$0x1F1B0] =	vst v4  }
0x3dc: {  	v60 =	vld.idx.msk [tilespmem:v10+s3+$0x0], $0xffff;
	[tilespmem:s26+$0x1F1C0] =	vst v5  }
0x3dd: {  	v61 =	vld.idx.msk [tilespmem:v11+s3+$0x0], $0xffff;
	[tilespmem:s26+$0x1F1D0] =	vst v6  }
0x3de: {  	v62 =	vld.idx.msk [tilespmem:v12+s3+$0x0], $0xffff;
	[tilespmem:s26+$0x1F1E0] =	vst v7  }
0x3df: {  	v63 =	vld.idx.msk [tilespmem:v13+s3+$0x0], $0xffff;
	[tilespmem:s26+$0x1F1F0] =	vst v8  }
0x3e0: {  	[tilespmem:s26+$0x1F380] =	vst v59;
	v1 =	vld.idx.msk [tilespmem:v1+s3+$0x0], $0xffff  }
0x3e1: {  	[tilespmem:s26+$0x1F390] =	vst v60;
	v2 =	vld.idx.msk [tilespmem:v2+s3+$0x0], $0xffff  }
0x3e2: {  	p3 =	por p2, p2;
	[tilespmem:s26+$0x1F3A0] =	vst v61;
	v3 =	vld.idx.msk [tilespmem:v3+s3+$0x0], $0xffff  }
.Ltmp24:
0x3e3: {  	[tilespmem:s26+$0x1F3B0] =	vst v62;
	(pc) =	sbr.rel @p3 .LBB2_34-.Ltmp24, $4  }
0x3e4: {  	[tilespmem:s26+$0x1F3C0] =	vst v63  }
0x3e5: {  	[tilespmem:s26+$0x1F3D0] =	vst v1  }
0x3e6: {  	[tilespmem:s26+$0x1F3E0] =	vst v2  }
0x3e7: {  	p2 =	por $0x0, $0x0;
	[tilespmem:s26+$0x1F3F0] =	vst v3;
	s26 =	simm.s32 $0x400  }
0x3e8: {  	s13 =	sor.u32 $0x400, s25  }
0x3e9: {  	s26 =	simm.s32 $0x1F180;
	s13 =	sadd.s32 s7, s13  }
0x3ea: {  	[hbm4b:s13+s3] =	stream.linear.scatter [tilespmem:s26], [sflag:$0x7], $0x80, $0x38;
	[tilespmem:$0x1F880] =	vst v63  }
0x3eb: {  	s30 =	simm.s32 $0x1F380;
	s31 =	sadd.s32 $0x80, s13  }
0x3ec: {  	[hbm4b:s31+s3] =	stream.linear.scatter [tilespmem:s30], [sflag:$0x7], $0x80, $0x38;
	[tilespmem:$0x1F880] =	vst v63  }
.Ltmp25:
0x3ed: {  	_ = 	snop;
	(pc) =	sbr.rel @p1 .LBB2_37-.Ltmp25, $4  }
0x3ee: {  	s26 =	sadd.s32 $0x100, s13;
	s31 =	simm.s32 $0x1F580  }
0x3ef: {  	[hbm4b:s26+s3] =	stream.linear.scatter [tilespmem:s31], [sflag:$0x7], $0x80, $0x38;
	[tilespmem:$0x1F880] =	vst v63  }
0x3f0: {  	s13 =	sadd.s32 $0x180, s13  }
0x3f1: {  	[hbm4b:s13+s3] =	stream.linear.scatter [tilespmem:s0], [sflag:$0x7], $0x80, $0x38;
	[tilespmem:$0x1F880] =	vst v63  }
.Ltmp26:
0x3f2: {  	(pc) =	sbr.rel .LBB2_38-.Ltmp26, $4  }
0x3f3: {  	_ = 	snop  }
0x3f4: {  	_ =	swait.ge [sflag:s29], $0x200  }
0x3f5: {  	[sflag:s29] =	ssyncset.done $0x0  }
0x3f6: {  	[sflag:s29] =	ssyncadd.s32 $0xFFFFFE00  }
.LBB2_37:
0x3f7: {  	s13 =	rddreg [dreg:$0xd]  }
0x3f8: {  	s26 =	simm.s32 $0x1E980;
	s13 =	sadd.s32 s23, s13  }
0x3f9: {  	[tilespmem:s26], [sflag:$0x3] =	stream.linear.gather [hbm4b:s13+s3], $0x80, $0x38;
	[tilespmem:$0x1F880] =	vst v63  }
0x3fa: {  	s30 =	simm.s32 $0x1EB80;
	s31 =	sadd.s32 $0x10, s13  }
0x3fb: {  	[tilespmem:s30], [sflag:$0x3] =	stream.linear.gather [hbm4b:s31+s3], $0x80, $0x38;
	[tilespmem:$0x1F880] =	vst v63  }
0x3fc: {  	s26 =	sadd.s32 $0x20, s13;
	s31 =	simm.s32 $0x1ED80  }
0x3fd: {  	[tilespmem:s31], [sflag:$0x3] =	stream.linear.gather [hbm4b:s26+s3], $0x80, $0x38;
	[tilespmem:$0x1F880] =	vst v63  }
.Ltmp27:
0x3fe: {  	s13 =	sadd.s32 $0x30, s13;
	s31 =	simm.s32 $0x1EF80;
	(pc) =	sbr.rel @p0 .LBB2_39-.Ltmp27, $4  }
0x3ff: {  	[tilespmem:s31], [sflag:$0x3] =	stream.linear.gather [hbm4b:s13+s3], $0x80, $0x38;
	[tilespmem:$0x1F880] =	vst v63  }
0x400: {  	_ =	swait.ge [sflag:s29], $0x200  }
0x401: {  	[sflag:s29] =	ssyncset.done $0x0  }
0x402: {  	[sflag:s29] =	ssyncadd.s32 $0xFFFFFE00  }
.LBB2_38:
0x403: {  	_ =	swait.ge [sflag:s10], $0x200  }
0x404: {  	[sflag:s10] =	ssyncset.done $0x0  }
0x405: {  	[sflag:s10] =	ssyncadd.s32 $0xFFFFFE00  }
.LBB2_39:
0x406: {  	s26 =	simm.s32 $0x0;
	p0 =	por $0x1, $0x1  }
.LBB2_40:
0x407: {  	v1 =	vld [tilespmem:s26+$0x1EA00]  }
0x408: {  	v2 =	vld [tilespmem:s26+$0x1EA10]  }
0x409: {  	v3 =	vld [tilespmem:s26+$0x1EA20]  }
0x40a: {  	v4 =	vld [tilespmem:s26+$0x1EA30]  }
0x40b: {  	v5 =	vld [tilespmem:s26+$0x1EA40]  }
0x40c: {  	v6 =	vld [tilespmem:s26+$0x1EA50]  }
0x40d: {  	v7 =	vld [tilespmem:s26+$0x1EA60]  }
0x40e: {  	v8 =	vld [tilespmem:s26+$0x1EA70]  }
0x40f: {  	v9 =	vld [tilespmem:s26+$0x1EC00]  }
0x410: {  	v10 =	vld [tilespmem:s26+$0x1EC10]  }
0x411: {  	v11 =	vld [tilespmem:s26+$0x1EC20]  }
0x412: {  	v12 =	vld [tilespmem:s26+$0x1EC30]  }
0x413: {  	v13 =	vld [tilespmem:s26+$0x1EC40]  }
0x414: {  	v1 =	vld.idx.msk [tilespmem:v1+s3+$0x0], $0xffff  }
0x415: {  	v2 =	vld.idx.msk [tilespmem:v2+s3+$0x0], $0xffff  }
0x416: {  	v3 =	vld.idx.msk [tilespmem:v3+s3+$0x0], $0xffff  }
0x417: {  	v4 =	vld.idx.msk [tilespmem:v4+s3+$0x0], $0xffff  }
0x418: {  	v5 =	vld.idx.msk [tilespmem:v5+s3+$0x0], $0xffff  }
0x419: {  	v6 =	vld.idx.msk [tilespmem:v6+s3+$0x0], $0xffff  }
0x41a: {  	v7 =	vld.idx.msk [tilespmem:v7+s3+$0x0], $0xffff  }
0x41b: {  	v8 =	vld.idx.msk [tilespmem:v8+s3+$0x0], $0xffff  }
0x41c: {  	[tilespmem:s26+$0x1F200] =	vst v1;
	v1 =	vld [tilespmem:s26+$0x1EC50]  }
0x41d: {  	[tilespmem:s26+$0x1F210] =	vst v2;
	v2 =	vld [tilespmem:s26+$0x1EC60]  }
0x41e: {  	[tilespmem:s26+$0x1F220] =	vst v3;
	v3 =	vld [tilespmem:s26+$0x1EC70]  }
0x41f: {  	v59 =	vld.idx.msk [tilespmem:v9+s3+$0x0], $0xffff;
	[tilespmem:s26+$0x1F230] =	vst v4  }
0x420: {  	v60 =	vld.idx.msk [tilespmem:v10+s3+$0x0], $0xffff;
	[tilespmem:s26+$0x1F240] =	vst v5  }
0x421: {  	v61 =	vld.idx.msk [tilespmem:v11+s3+$0x0], $0xffff;
	[tilespmem:s26+$0x1F250] =	vst v6  }
0x422: {  	v62 =	vld.idx.msk [tilespmem:v12+s3+$0x0], $0xffff;
	[tilespmem:s26+$0x1F260] =	vst v7  }
0x423: {  	v63 =	vld.idx.msk [tilespmem:v13+s3+$0x0], $0xffff;
	[tilespmem:s26+$0x1F270] =	vst v8  }
0x424: {  	[tilespmem:s26+$0x1F400] =	vst v59;
	v1 =	vld.idx.msk [tilespmem:v1+s3+$0x0], $0xffff  }
0x425: {  	[tilespmem:s26+$0x1F410] =	vst v60;
	v2 =	vld.idx.msk [tilespmem:v2+s3+$0x0], $0xffff  }
0x426: {  	p1 =	por p0, p0;
	[tilespmem:s26+$0x1F420] =	vst v61;
	v3 =	vld.idx.msk [tilespmem:v3+s3+$0x0], $0xffff  }
.Ltmp28:
0x427: {  	[tilespmem:s26+$0x1F430] =	vst v62;
	(pc) =	sbr.rel @p1 .LBB2_40-.Ltmp28, $4  }
0x428: {  	[tilespmem:s26+$0x1F440] =	vst v63  }
0x429: {  	[tilespmem:s26+$0x1F450] =	vst v1  }
0x42a: {  	[tilespmem:s26+$0x1F460] =	vst v2  }
0x42b: {  	p0 =	por $0x0, $0x0;
	[tilespmem:s26+$0x1F470] =	vst v3;
	s26 =	simm.s32 $0x400  }
0x42c: {  	s13 =	sor.u32 $0x600, s25  }
0x42d: {  	s13 =	sadd.s32 s7, s13  }
0x42e: {  	[hbm4b:s13+s3] =	stream.linear.scatter [tilespmem:s21], [sflag:$0x8], $0x80, $0x38;
	[tilespmem:$0x1F880] =	vst v63  }
0x42f: {  	p0 =	seq.s32 s22, $0x3F;
	s30 =	sadd.s32 $0x80, s13  }
0x430: {  	[hbm4b:s30+s3] =	stream.linear.scatter [tilespmem:s28], [sflag:$0x8], $0x80, $0x38;
	[tilespmem:$0x1F880] =	vst v63  }
.Ltmp29:
0x431: {  	_ = 	snop;
	(pc) =	sbr.rel @p0 .LBB2_43-.Ltmp29, $4  }
0x432: {  	s31 =	sadd.s32 $0x100, s13  }
0x433: {  	[hbm4b:s31+s3] =	stream.linear.scatter [tilespmem:s8], [sflag:$0x8], $0x80, $0x38;
	[tilespmem:$0x1F880] =	vst v63  }
0x434: {  	s13 =	sadd.s32 $0x180, s13  }
0x435: {  	[hbm4b:s13+s3] =	stream.linear.scatter [tilespmem:s9], [sflag:$0x8], $0x80, $0x38;
	[tilespmem:$0x1F880] =	vst v63  }
0x436: {  	s13 =	sadd.s32 s23, s19  }
0x437: {  	[tilespmem:s1], [sflag:$0x4] =	stream.linear.gather [hbm4b:s13+s3], $0x80, $0x38;
	[tilespmem:$0x1F880] =	vst v63  }
0x438: {  	s23 =	sadd.s32 $0x10, s13  }
0x439: {  	[tilespmem:s12], [sflag:$0x4] =	stream.linear.gather [hbm4b:s23+s3], $0x80, $0x38;
	[tilespmem:$0x1F880] =	vst v63  }
.Ltmp30:
0x43a: {  	_ = 	snop;
	(pc) =	sbr.rel .LBB2_21-.Ltmp30, $4  }
0x43b: {  	s31 =	sadd.s32 $0x20, s13  }
0x43c: {  	[tilespmem:s14], [sflag:$0x4] =	stream.linear.gather [hbm4b:s31+s3], $0x80, $0x38;
	[tilespmem:$0x1F880] =	vst v63  }
0x43d: {  	s22 =	sadd.s32 $0x1, s22;
	s13 =	sadd.s32 $0x30, s13  }
0x43e: {  	[tilespmem:s20], [sflag:$0x4] =	stream.linear.gather [hbm4b:s13+s3], $0x80, $0x38;
	[tilespmem:$0x1F880] =	vst v63  }
.LBB2_43:
0x43f: {  	_ =	swait.ge [sflag:s15], $0x200  }
0x440: {  	[sflag:s15] =	ssyncset.done $0x0  }
0x441: {  	[sflag:s15] =	ssyncadd.s32 $0xFFFFFE00  }
0x442: {  	_ =	swait.ge [sflag:s18], $0x200  }
0x443: {  	[sflag:s18] =	ssyncset.done $0x0  }
0x444: {  	[sflag:s18] =	ssyncadd.s32 $0xFFFFFE00  }
0x445: {  	_ =	swait.ge [sflag:s6], $0x200  }
0x446: {  	[sflag:s6] =	ssyncset.done $0x0  }
0x447: {  	[sflag:s6] =	ssyncadd.s32 $0xFFFFFE00  }
0x448: {  	_ =	swait.ge [sflag:s10], $0x200  }
0x449: {  	s22 =	simm.s32 $0x0;
	[sflag:s10] =	ssyncset.done $0x0  }
0x44a: {  	s26 =	simm.s32 $0x9;
	s13 =	rddreg [dreg:$0x3];
	[sflag:s10] =	ssyncadd.s32 $0xFFFFFE00  }
0x44b: {  	[tilespmem:s22], [sflag:$0x9] =	stream.linear.gather [hbm4b:s13+s22], $0x1E880, $0x38;
	[tilespmem:$0x1F880] =	vst v63  }
0x44c: {  	_ =	swait.ge [sflag:s26], $0x1E880  }
0x44d: {  	[sflag:s26] =	ssyncset.done $0x0  }
0x44e: {  	s30 =	simm.s32 $0x1E880;
	[sflag:s26] =	ssyncadd.s32 $0xFFFE1780  }
0x44f: {  	[tilespmem:s30], [sflag:$0x1] =	stream.linear.gather [hbm4b:s2+s22], $0x80, $0x38;
	[tilespmem:$0x1F880] =	vst v63  }
0x450: {  	s23 =	simm.s32 $0x1EA80;
	s31 =	rddreg [dreg:$0x13]  }
0x451: {  	[tilespmem:s23], [sflag:$0x1] =	stream.linear.gather [hbm4b:s31+s22], $0x80, $0x38;
	[tilespmem:$0x1F880] =	vst v63  }
0x452: {  	s25 =	rddreg [dreg:$0x14];
	s26 =	simm.s32 $0x1EC80  }
0x453: {  	[tilespmem:s26], [sflag:$0x1] =	stream.linear.gather [hbm4b:s25+s22], $0x80, $0x38;
	[tilespmem:$0x1F880] =	vst v63  }
0x454: {  	s30 =	rddreg [dreg:$0x15];
	s31 =	simm.s32 $0x1EE80  }
0x455: {  	[tilespmem:s31], [sflag:$0x1] =	stream.linear.gather [hbm4b:s30+s22], $0x80, $0x38;
	[tilespmem:$0x1F880] =	vst v63  }
0x456: {  	s23 =	rddreg [dreg:$0xe];
	s25 =	simm.s32 $0x1F080  }
0x457: {  	[tilespmem:s25], [sflag:$0x5] =	stream.linear.gather [hbm4b:s23+s22], $0x80, $0x38;
	[tilespmem:$0x1F880] =	vst v63  }
0x458: {  	s26 =	sadd.s32 $0x80, s23;
	s25 =	simm.s32 $0x1F280  }
0x459: {  	[tilespmem:s25], [sflag:$0x5] =	stream.linear.gather [hbm4b:s26+s22], $0x80, $0x38;
	[tilespmem:$0x1F880] =	vst v63  }
0x45a: {  	s30 =	sadd.s32 $0x100, s23;
	s31 =	simm.s32 $0x1F480  }
0x45b: {  	[tilespmem:s31], [sflag:$0x5] =	stream.linear.gather [hbm4b:s30+s22], $0x80, $0x38;
	[tilespmem:$0x1F880] =	vst v63  }
0x45c: {  	s25 =	sadd.s32 $0x180, s23;
	s26 =	simm.s32 $0x1F680  }
0x45d: {  	[tilespmem:s26], [sflag:$0x5] =	stream.linear.gather [hbm4b:s25+s22], $0x80, $0x38;
	[tilespmem:$0x1F880] =	vst v63  }
0x45e: {  	s30 =	rddreg [dreg:$0x5];
	s31 =	simm.s32 $0x1E900  }
0x45f: {  	[tilespmem:s31], [sflag:$0x2] =	stream.linear.gather [hbm4b:s30+s22], $0x80, $0x38;
	[tilespmem:$0x1F880] =	vst v63  }
0x460: {  	s25 =	simm.s32 $0x1EB00;
	s26 =	rddreg [dreg:$0x17]  }
0x461: {  	[tilespmem:s25], [sflag:$0x2] =	stream.linear.gather [hbm4b:s26+s22], $0x80, $0x38;
	[tilespmem:$0x1F880] =	vst v63  }
0x462: {  	s30 =	simm.s32 $0x1ED00;
	s31 =	rddreg [dreg:$0x18]  }
0x463: {  	[tilespmem:s30], [sflag:$0x2] =	stream.linear.gather [hbm4b:s31+s22], $0x80, $0x38;
	[tilespmem:$0x1F880] =	vst v63  }
0x464: {  	s23 =	simm.s32 $0x1EF00;
	s25 =	rddreg [dreg:$0x19]  }
0x465: {  	[tilespmem:s23], [sflag:$0x2] =	stream.linear.gather [hbm4b:s25+s22], $0x80, $0x38;
	[tilespmem:$0x1F880] =	vst v63  }
0x466: {  	s26 =	simm.s32 $0x1F100;
	s23 =	rddreg [dreg:$0xf]  }
0x467: {  	[tilespmem:s26], [sflag:$0x6] =	stream.linear.gather [hbm4b:s23+s22], $0x80, $0x38;
	[tilespmem:$0x1F880] =	vst v63  }
0x468: {  	s31 =	simm.s32 $0x1F300;
	s30 =	sadd.s32 $0x80, s23  }
0x469: {  	[tilespmem:s31], [sflag:$0x6] =	stream.linear.gather [hbm4b:s30+s22], $0x80, $0x38;
	[tilespmem:$0x1F880] =	vst v63  }
0x46a: {  	s25 =	sadd.s32 $0x100, s23;
	s26 =	simm.s32 $0x1F500  }
0x46b: {  	[tilespmem:s26], [sflag:$0x6] =	stream.linear.gather [hbm4b:s25+s22], $0x80, $0x38;
	[tilespmem:$0x1F880] =	vst v63  }
0x46c: {  	s30 =	sadd.s32 $0x180, s23;
	s31 =	simm.s32 $0x1F700  }
0x46d: {  	[tilespmem:s31], [sflag:$0x6] =	stream.linear.gather [hbm4b:s30+s22], $0x80, $0x38;
	[tilespmem:$0x1F880] =	vst v63  }
0x46e: {  	s25 =	rddreg [dreg:$0x7];
	s26 =	simm.s32 $0x1E980  }
0x46f: {  	[tilespmem:s26], [sflag:$0x3] =	stream.linear.gather [hbm4b:s25+s22], $0x80, $0x38;
	[tilespmem:$0x1F880] =	vst v63  }
0x470: {  	s30 =	simm.s32 $0x1EB80;
	s31 =	rddreg [dreg:$0x1a]  }
0x471: {  	[tilespmem:s30], [sflag:$0x3] =	stream.linear.gather [hbm4b:s31+s22], $0x80, $0x38;
	[tilespmem:$0x1F880] =	vst v63  }
0x472: {  	s23 =	simm.s32 $0x1ED80;
	s25 =	rddreg [dreg:$0x1b]  }
0x473: {  	[tilespmem:s23], [sflag:$0x3] =	stream.linear.gather [hbm4b:s25+s22], $0x80, $0x38;
	[tilespmem:$0x1F880] =	vst v63  }
0x474: {  	s26 =	simm.s32 $0x1EF80;
	s30 =	rddreg [dreg:$0x1c]  }
0x475: {  	[tilespmem:s26], [sflag:$0x3] =	stream.linear.gather [hbm4b:s30+s22], $0x80, $0x38;
	[tilespmem:$0x1F880] =	vst v63  }
0x476: {  	s31 =	simm.s32 $0x1F180;
	s23 =	rddreg [dreg:$0x10]  }
0x477: {  	[tilespmem:s31], [sflag:$0x7] =	stream.linear.gather [hbm4b:s23+s22], $0x80, $0x38;
	[tilespmem:$0x1F880] =	vst v63  }
0x478: {  	s25 =	sadd.s32 $0x80, s23;
	s26 =	simm.s32 $0x1F380  }
0x479: {  	[tilespmem:s26], [sflag:$0x7] =	stream.linear.gather [hbm4b:s25+s22], $0x80, $0x38;
	[tilespmem:$0x1F880] =	vst v63  }
0x47a: {  	s30 =	sadd.s32 $0x100, s23;
	s31 =	simm.s32 $0x1F580  }
0x47b: {  	[tilespmem:s31], [sflag:$0x7] =	stream.linear.gather [hbm4b:s30+s22], $0x80, $0x38;
	[tilespmem:$0x1F880] =	vst v63  }
0x47c: {  	s25 =	sadd.s32 $0x180, s23  }
0x47d: {  	[tilespmem:s0], [sflag:$0x7] =	stream.linear.gather [hbm4b:s25+s22], $0x80, $0x38;
	[tilespmem:$0x1F880] =	vst v63  }
0x47e: {  	s26 =	rddreg [dreg:$0x9]  }
0x47f: {  	[tilespmem:s1], [sflag:$0x4] =	stream.linear.gather [hbm4b:s26+s22], $0x80, $0x38;
	[tilespmem:$0x1F880] =	vst v63  }
0x480: {  	s30 =	rddreg [dreg:$0x1d]  }
0x481: {  	[tilespmem:s12], [sflag:$0x4] =	stream.linear.gather [hbm4b:s30+s22], $0x80, $0x38;
	[tilespmem:$0x1F880] =	vst v63  }
0x482: {  	s31 =	rddreg [dreg:$0x1e]  }
0x483: {  	[tilespmem:s14], [sflag:$0x4] =	stream.linear.gather [hbm4b:s31+s22], $0x80, $0x38;
	[tilespmem:$0x1F880] =	vst v63  }
0x484: {  	s23 =	rddreg [dreg:$0x1f]  }
0x485: {  	[tilespmem:s20], [sflag:$0x4] =	stream.linear.gather [hbm4b:s23+s22], $0x80, $0x38;
	[tilespmem:$0x1F880] =	vst v63  }
0x486: {  	s25 =	rddreg [dreg:$0x11]  }
0x487: {  	[tilespmem:s21], [sflag:$0x8] =	stream.linear.gather [hbm4b:s25+s22], $0x80, $0x38;
	[tilespmem:$0x1F880] =	vst v63  }
0x488: {  	s26 =	sadd.s32 $0x80, s25  }
0x489: {  	[tilespmem:s28], [sflag:$0x8] =	stream.linear.gather [hbm4b:s26+s22], $0x80, $0x38;
	[tilespmem:$0x1F880] =	vst v63  }
0x48a: {  	s30 =	sadd.s32 $0x100, s25  }
0x48b: {  	[tilespmem:s8], [sflag:$0x8] =	stream.linear.gather [hbm4b:s30+s22], $0x80, $0x38;
	[tilespmem:$0x1F880] =	vst v63  }
0x48c: {  	s31 =	sadd.s32 $0x180, s25  }
0x48d: {  	[tilespmem:s9], [sflag:$0x8] =	stream.linear.gather [hbm4b:s31+s22], $0x80, $0x38;
	[tilespmem:$0x1F880] =	vst v63  }
.LBB2_44:
0x48e: {  	_ =	swait.ge [sflag:s11], $0x200  }
0x48f: {  	[sflag:s11] =	ssyncset.done $0x0  }
0x490: {  	[sflag:s11] =	ssyncadd.s32 $0xFFFFFE00  }
0x491: {  	_ =	swait.ge [sflag:s15], $0x200  }
0x492: {  	p0 =	por $0x1, $0x1;
	[sflag:s15] =	ssyncset.done $0x0  }
0x493: {  	p1 =	por $0x1, $0x1;
	s25 =	simm.s32 $0x0;
	[sflag:s15] =	ssyncadd.s32 $0xFFFFFE00  }
.LBB2_45:
0x494: {  	v1 =	vld [tilespmem:s25+$0x1E880]  }
0x495: {  	v2 =	vld [tilespmem:s25+$0x1E890]  }
0x496: {  	v3 =	vld [tilespmem:s25+$0x1E8A0]  }
0x497: {  	v4 =	vld [tilespmem:s25+$0x1F080]  }
0x498: {  	v6 =	vld [tilespmem:s25+$0x1E8B0]  }
0x499: {  	v7 =	vld [tilespmem:s25+$0x1F090]  }
0x49a: {  	v9 =	vld [tilespmem:s25+$0x1E8C0]  }
0x49b: {  	v10 =	vld [tilespmem:s25+$0x1F0A0]  }
0x49c: {  	v12 =	vld [tilespmem:s25+$0x1E8D0]  }
0x49d: {  	v13 =	vld [tilespmem:s25+$0x1F0B0]  }
0x49e: {  	v15 =	vld [tilespmem:s25+$0x1E8E0]  }
0x49f: {  	v16 =	vld [tilespmem:s25+$0x1F0C0]  }
0x4a0: {  	v18 =	vld [tilespmem:s25+$0x1E8F0]  }
0x4a1: {  	v19 =	vld [tilespmem:s25+$0x1F0D0]  }
0x4a2: {  	v21 =	vld [tilespmem:s25+$0x1EA80]  }
0x4a3: {  	v22 =	vld [tilespmem:s25+$0x1F0E0]  }
0x4a4: {  	v24 =	vld [tilespmem:s25+$0x1EA90]  }
0x4a5: {  	v25 =	vld [tilespmem:s25+$0x1F0F0]  }
0x4a6: {  	v27 =	vld [tilespmem:s25+$0x1EAA0]  }
0x4a7: {  	v28 =	vld [tilespmem:s25+$0x1F280]  }
0x4a8: {  	v30 =	vld [tilespmem:s25+$0x1F290]  }
0x4a9: {  	v31 =	vld [tilespmem:s25+$0x1EAB0]  }
0x4aa: {  	v33 =	vld [tilespmem:s25+$0x1F2A0]  }
0x4ab: {  	v34 =	vld [tilespmem:s25+$0x1EAC0]  }
0x4ac: {  	v36 =	vld [tilespmem:s25+$0x1EAD0]  }
0x4ad: {  	v37 =	vld [tilespmem:s25+$0x1F2B0]  }
0x4ae: {  	v38 =	vld [tilespmem:s25+$0x1EAE0]  }
0x4af: {  	v40 =	vld [tilespmem:s25+$0x1EAF0]  }
0x4b0: {  	v41 =	vld [tilespmem:s25+$0x1F2C0]  }
0x4b1: {  	v60 =	vld [tilespmem:s25+$0x1F2D0]  }
0x4b2: {  	s23 =	simm.s32 $0x0;
	v62 =	vld [tilespmem:s25+$0x1F2F0]  }
0x4b3: {  	v5 =	vld.idx.msk [tilespmem:v1+s23+$0x0], $0xffff  }
0x4b4: {  	v8 =	vld.idx.msk [tilespmem:v2+s23+$0x0], $0xffff  }
0x4b5: {  	v11 =	vld.idx.msk [tilespmem:v3+s23+$0x0], $0xffff  }
0x4b6: {  	v14 =	vld.idx.msk [tilespmem:v6+s23+$0x0], $0xffff  }
0x4b7: {  	v17 =	vld.idx.msk [tilespmem:v9+s23+$0x0], $0xffff  }
0x4b8: {  	v20 =	vld.idx.msk [tilespmem:v12+s23+$0x0], $0xffff  }
0x4b9: {  	v23 =	vld.idx.msk [tilespmem:v15+s23+$0x0], $0xffff;
	vm0 =	vlt.f32 v5, v4  }
0x4ba: {  	v26 =	vld.idx.msk [tilespmem:v18+s23+$0x0], $0xffff;
	vm1 =	vlt.f32 v8, v7  }
0x4bb: {  	v29 =	vld.idx.msk [tilespmem:v21+s23+$0x0], $0xffff;
	vm2 =	vlt.f32 v11, v10  }
0x4bc: {  	v32 =	vld.idx.msk [tilespmem:v24+s23+$0x0], $0xffff;
	vm3 =	vlt.f32 v14, v13  }
0x4bd: {  	v35 =	vld.idx.msk [tilespmem:v27+s23+$0x0], $0xffff;
	vm4 =	vlt.f32 v17, v16  }
0x4be: {  	v39 =	vld.idx.msk [tilespmem:v31+s23+$0x0], $0xffff;
	v4 =	vmax.f32 v5, v4;
	vm5 =	vlt.f32 v20, v19  }
0x4bf: {  	v42 =	vld.idx.msk [tilespmem:v34+s23+$0x0], $0xffff;
	vm14 =	vlt.f32 v23, v22;
	[tilespmem:v1+s23+$0x0] =	vst.idx.msk vm0, v4;
	v1 =	vmax.f32 v8, v7  }
0x4c0: {  	v61 =	vld.idx.msk [tilespmem:v36+s23+$0x0], $0xffff;
	vm15 =	vlt.f32 v26, v25;
	[tilespmem:v2+s23+$0x0] =	vst.idx.msk vm1, v1;
	v1 =	vmax.f32 v11, v10  }
0x4c1: {  	vm8 =	vlt.f32 v29, v28;
	v2 =	vld [tilespmem:s25+$0x1F2E0];
	[tilespmem:v3+s23+$0x0] =	vst.idx.msk vm2, v1;
	v1 =	vmax.f32 v14, v13  }
0x4c2: {  	vm9 =	vlt.f32 v32, v30;
	v3 =	vld.idx.msk [tilespmem:v38+s23+$0x0], $0xffff;
	[tilespmem:v6+s23+$0x0] =	vst.idx.msk vm3, v1;
	v1 =	vmax.f32 v17, v16  }
0x4c3: {  	v63 =	vld.idx.msk [tilespmem:v40+s23+$0x0], $0xffff;
	vm10 =	vlt.f32 v35, v33;
	[tilespmem:v9+s23+$0x0] =	vst.idx.msk vm4, v1;
	v1 =	vmax.f32 v20, v19  }
0x4c4: {  	vm11 =	vlt.f32 v39, v37;
	[tilespmem:v12+s23+$0x0] =	vst.idx.msk vm5, v1;
	v1 =	vmax.f32 v23, v22  }
0x4c5: {  	vm12 =	vlt.f32 v42, v41;
	[tilespmem:v15+s23+$0x0] =	vst.idx.msk vm14, v1;
	v1 =	vmax.f32 v26, v25  }
0x4c6: {  	vm13 =	vlt.f32 v61, v60;
	[tilespmem:v18+s23+$0x0] =	vst.idx.msk vm15, v1;
	v1 =	vmax.f32 v29, v28  }
0x4c7: {  	vm14 =	vlt.f32 v3, v2;
	[tilespmem:v21+s23+$0x0] =	vst.idx.msk vm8, v1;
	v1 =	vmax.f32 v32, v30  }
0x4c8: {  	vm15 =	vlt.f32 v63, v62;
	[tilespmem:v24+s23+$0x0] =	vst.idx.msk vm9, v1;
	v1 =	vmax.f32 v35, v33  }
0x4c9: {  	p2 =	por p1, p1;
	[tilespmem:v27+s23+$0x0] =	vst.idx.msk vm10, v1;
	v1 =	vmax.f32 v39, v37  }
.Ltmp31:
0x4ca: {  	[tilespmem:v31+s23+$0x0] =	vst.idx.msk vm11, v1;
	v1 =	vmax.f32 v42, v41;
	(pc) =	sbr.rel @p2 .LBB2_45-.Ltmp31, $4  }
0x4cb: {  	[tilespmem:v34+s23+$0x0] =	vst.idx.msk vm12, v1;
	v1 =	vmax.f32 v61, v60  }
0x4cc: {  	[tilespmem:v36+s23+$0x0] =	vst.idx.msk vm13, v1;
	v1 =	vmax.f32 v3, v2  }
0x4cd: {  	[tilespmem:v38+s23+$0x0] =	vst.idx.msk vm14, v1;
	v1 =	vmax.f32 v63, v62  }
0x4ce: {  	p1 =	por $0x0, $0x0;
	s25 =	simm.s32 $0x400;
	[tilespmem:v40+s23+$0x0] =	vst.idx.msk vm15, v1;
	v1 =	vimm.s32 $0x0  }
.Ltmp32:
0x4cf: {  	_ = 	snop;
	(pc) =	sbr.rel .LBB2_46-.Ltmp32, $1  }
0x4d0: {  	_ =	sdelay $0x3  }
.LBB2_47:
0x4d1: {  	s23 =	simm.s32 @!p0 $0x0  }
0x4d2: {  	v1 =	vpsel !p0, $0x0, v1;
	s23 =	simm.s32 @p0 $0x400;
	p0 =	por !p0, !p0  }
.LBB2_46:
0x4d3: {  	v2 =	vld [tilespmem:s23+$0x1E880]  }
0x4d4: {  	v3 =	vld [tilespmem:s23+$0x1E890]  }
0x4d5: {  	v4 =	vld [tilespmem:s23+$0x1E8A0]  }
0x4d6: {  	v5 =	vld [tilespmem:s23+$0x1F080]  }
0x4d7: {  	v7 =	vld [tilespmem:s23+$0x1E8B0]  }
0x4d8: {  	v8 =	vld [tilespmem:s23+$0x1F090]  }
0x4d9: {  	v10 =	vld [tilespmem:s23+$0x1E8C0]  }
0x4da: {  	v11 =	vld [tilespmem:s23+$0x1F0A0]  }
0x4db: {  	v13 =	vld [tilespmem:s23+$0x1E8D0]  }
0x4dc: {  	v14 =	vld [tilespmem:s23+$0x1F0B0]  }
0x4dd: {  	v16 =	vld [tilespmem:s23+$0x1E8E0]  }
0x4de: {  	v17 =	vld [tilespmem:s23+$0x1F0C0]  }
0x4df: {  	v19 =	vld [tilespmem:s23+$0x1E8F0]  }
0x4e0: {  	v20 =	vld [tilespmem:s23+$0x1F0D0]  }
0x4e1: {  	v22 =	vld [tilespmem:s23+$0x1EA80]  }
0x4e2: {  	v23 =	vld [tilespmem:s23+$0x1F0E0]  }
0x4e3: {  	v25 =	vld [tilespmem:s23+$0x1EA90]  }
0x4e4: {  	v26 =	vld [tilespmem:s23+$0x1F0F0]  }
0x4e5: {  	v28 =	vld [tilespmem:s23+$0x1EAA0]  }
0x4e6: {  	v29 =	vld [tilespmem:s23+$0x1F280]  }
0x4e7: {  	v31 =	vld [tilespmem:s23+$0x1F290]  }
0x4e8: {  	v32 =	vld [tilespmem:s23+$0x1EAB0]  }
0x4e9: {  	v34 =	vld [tilespmem:s23+$0x1F2A0]  }
0x4ea: {  	v35 =	vld [tilespmem:s23+$0x1EAC0]  }
0x4eb: {  	v37 =	vld [tilespmem:s23+$0x1EAD0]  }
0x4ec: {  	v38 =	vld [tilespmem:s23+$0x1F2B0]  }
0x4ed: {  	v39 =	vld [tilespmem:s23+$0x1EAE0]  }
0x4ee: {  	v41 =	vld [tilespmem:s23+$0x1EAF0]  }
0x4ef: {  	v42 =	vld [tilespmem:s23+$0x1F2C0]  }
0x4f0: {  	v44 =	vld [tilespmem:s23+$0x1F2D0]  }
0x4f1: {  	v46 =	vld [tilespmem:s23+$0x1F2E0]  }
0x4f2: {  	v48 =	vld [tilespmem:s23+$0x1F2F0]  }
0x4f3: {  	v6 =	vld.idx.msk [tilespmem:v2+s3+$0x0], $0xffff  }
0x4f4: {  	v9 =	vld.idx.msk [tilespmem:v3+s3+$0x0], $0xffff  }
0x4f5: {  	v12 =	vld.idx.msk [tilespmem:v4+s3+$0x0], $0xffff  }
0x4f6: {  	v15 =	vld.idx.msk [tilespmem:v7+s3+$0x0], $0xffff  }
0x4f7: {  	v18 =	vld.idx.msk [tilespmem:v10+s3+$0x0], $0xffff  }
0x4f8: {  	v21 =	vld.idx.msk [tilespmem:v13+s3+$0x0], $0xffff  }
0x4f9: {  	v24 =	vld.idx.msk [tilespmem:v16+s3+$0x0], $0xffff;
	vm1 =	vlt.f32 v6, v5;
	vm0 =	vlt.f32 v9, v8  }
0x4fa: {  	v27 =	vld.idx.msk [tilespmem:v19+s3+$0x0], $0xffff;
	vm2 =	vlt.f32 v12, v11;
	vm3 =	vmor vm1, vm0  }
0x4fb: {  	v30 =	vld.idx.msk [tilespmem:v22+s3+$0x0], $0xffff;
	vm4 =	vmor vm3, vm2;
	vm3 =	vlt.f32 v15, v14  }
0x4fc: {  	v33 =	vld.idx.msk [tilespmem:v25+s3+$0x0], $0xffff;
	vm5 =	vmor vm4, vm3;
	vm4 =	vlt.f32 v18, v17  }
0x4fd: {  	v36 =	vld.idx.msk [tilespmem:v28+s3+$0x0], $0xffff;
	vm6 =	vmor vm5, vm4;
	vm5 =	vlt.f32 v21, v20  }
0x4fe: {  	v62 =	vld.idx.msk [tilespmem:v32+s3+$0x0], $0xffff;
	vm7 =	vmor vm6, vm5;
	vm6 =	vlt.f32 v24, v23  }
0x4ff: {  	v43 =	vld.idx.msk [tilespmem:v35+s3+$0x0], $0xffff;
	vm8 =	vmor vm7, vm6;
	vm7 =	vlt.f32 v27, v26  }
0x500: {  	v45 =	vld.idx.msk [tilespmem:v37+s3+$0x0], $0xffff;
	vm9 =	vmor vm8, vm7;
	vm8 =	vlt.f32 v30, v29  }
0x501: {  	v47 =	vld.idx.msk [tilespmem:v39+s3+$0x0], $0xffff;
	vm10 =	vlt.f32 v33, v31;
	vm9 =	vmor vm9, vm8  }
0x502: {  	v49 =	vld.idx.msk [tilespmem:v41+s3+$0x0], $0xffff;
	vm12 =	vlt.f32 v36, v34;
	vm9 =	vmor vm9, vm10  }
0x503: {  	vm14 =	vlt.f32 v62, v38;
	vm9 =	vmor vm9, vm12  }
0x504: {  	vm15 =	vlt.f32 v43, v42;
	vm9 =	vmor vm9, vm14  }
0x505: {  	vm13 =	vlt.f32 v45, v44;
	vm9 =	vmor vm9, vm15  }
0x506: {  	v40 =	vimm.s32 $0x0;
	vm11 =	vlt.f32 v47, v46;
	vm9 =	vmor vm9, vm13  }
0x507: {  	v40 =	vsel vm0, $0xFFFFFFFF, v40;
	vm0 =	vmor vm9, vm11;
	vm9 =	vlt.f32 v49, v48  }
0x508: {  	vm0 =	vmor vm0, vm9  }
0x509: {  	v50 =	vsel vm0, $0x1, v0  }
0x50a: {  	v1 =	vor.u32 v50, v1  }
0x50b: {  	v50 =	vxor.u32 @!p0 $0x80000000, v1  }
0x50c: {  	(xrf0) =	vmax.scan.msk.u32 @!p0 $0xffff, v50;
	_ =	sdelay $0x2  }
0x50d: {  	[tilespmem:$0x1FFB0] =	vst v40  }
0x50e: {  	v63 =	vld [tilespmem:$0x1FFB0];
	_ =	sdelay $0x1  }
0x50f: {  	v50, _, _ =	vpop @!p0 (xrf0)  }
0x510: {  	(v2sf) =	vpush @!p0 v50, $0xF;
	_ =	sdelay $0x1  }
0x511: {  	vm0 =	vnez.u8 v63;
	_ =	sdelay $0x3  }
0x512: {  	v5 =	vmax.f32 v6, v5  }
0x513: {  	[tilespmem:v2+s3+$0x0] =	vst.idx.msk vm1, v5;
	v2 =	vmax.f32 v9, v8  }
0x514: {  	[tilespmem:v3+s3+$0x0] =	vst.idx.msk vm0, v2;
	v2 =	vmax.f32 v12, v11  }
0x515: {  	[tilespmem:v4+s3+$0x0] =	vst.idx.msk vm2, v2;
	v2 =	vmax.f32 v15, v14  }
0x516: {  	[tilespmem:v7+s3+$0x0] =	vst.idx.msk vm3, v2;
	v2 =	vmax.f32 v18, v17  }
0x517: {  	[tilespmem:v10+s3+$0x0] =	vst.idx.msk vm4, v2;
	v2 =	vmax.f32 v21, v20  }
0x518: {  	[tilespmem:v13+s3+$0x0] =	vst.idx.msk vm5, v2;
	v2 =	vmax.f32 v24, v23  }
0x519: {  	[tilespmem:v16+s3+$0x0] =	vst.idx.msk vm6, v2;
	v2 =	vmax.f32 v27, v26  }
0x51a: {  	[tilespmem:v19+s3+$0x0] =	vst.idx.msk vm7, v2;
	v2 =	vmax.f32 v30, v29  }
0x51b: {  	[tilespmem:v22+s3+$0x0] =	vst.idx.msk vm8, v2;
	v2 =	vmax.f32 v33, v31;
	s13 =	spop @!p0 (v2sf)  }
0x51c: {  	[tilespmem:v25+s3+$0x0] =	vst.idx.msk vm10, v2;
	v2 =	vmax.f32 v36, v34;
	p1 =	sgt.u32 @!p0 s13, $0x80000000  }
0x51d: {  	[tilespmem:v28+s3+$0x0] =	vst.idx.msk vm12, v2;
	v2 =	vmax.f32 v62, v38;
	p1 =	por p0, p1  }
.Ltmp33:
0x51e: {  	[tilespmem:v32+s3+$0x0] =	vst.idx.msk vm14, v2;
	v2 =	vmax.f32 v43, v42;
	(pc) =	sbr.rel @p1 .LBB2_47-.Ltmp33, $4  }
0x51f: {  	[tilespmem:v35+s3+$0x0] =	vst.idx.msk vm15, v2;
	v2 =	vmax.f32 v45, v44  }
0x520: {  	[tilespmem:v37+s3+$0x0] =	vst.idx.msk vm13, v2;
	v2 =	vmax.f32 v47, v46  }
0x521: {  	[tilespmem:v39+s3+$0x0] =	vst.idx.msk vm11, v2;
	v2 =	vmax.f32 v49, v48  }
0x522: {  	[tilespmem:v41+s3+$0x0] =	vst.idx.msk vm9, v2  }
0x523: {  	s23 =	sshll.u32 s22, $0x2;
	p0 =	seq.s32 s22, $0x3F  }
0x524: {  	s13 =	sadd.s32 @!p0 $0x4, s23  }
0x525: {  	s25 =	sshll.u32 @!p0 s13, $0x6  }
0x526: {  	s26 =	simm.s32 @!p0 $0x0;
	s30 =	simm.s32 @!p0 $0x1E880;
	s25 =	sadd.s32 @!p0 s2, s25  }
0x527: {  	[tilespmem:s30], [sflag:$0x1] =	stream.linear.gather @!p0 [hbm4b:s25+s26], $0x80, $0x38;
	[tilespmem:$0x1F880] =	vst v63  }
0x528: {  	s31 =	simm.s32 @!p0 $0x1EA80;
	s13 =	sshll.u32 @!p0 s13, $0xC;
	s30 =	sadd.s32 @!p0 $0x10, s25  }
0x529: {  	[tilespmem:s31], [sflag:$0x1] =	stream.linear.gather @!p0 [hbm4b:s30+s26], $0x80, $0x38;
	[tilespmem:$0x1F880] =	vst v63  }
0x52a: {  	s13 =	sadd.s32 @!p0 s16, s13;
	s30 =	sadd.s32 @!p0 $0x20, s25;
	s31 =	simm.s32 @!p0 $0x1EC80  }
0x52b: {  	[tilespmem:s31], [sflag:$0x1] =	stream.linear.gather @!p0 [hbm4b:s30+s26], $0x80, $0x38;
	[tilespmem:$0x1F880] =	vst v63  }
0x52c: {  	s13 =	sshrl.u32 @!p0 s13, $0x3;
	s25 =	sadd.s32 @!p0 $0x30, s25;
	s30 =	simm.s32 @!p0 $0x1EE80  }
0x52d: {  	[tilespmem:s30], [sflag:$0x1] =	stream.linear.gather @!p0 [hbm4b:s25+s26], $0x80, $0x38;
	[tilespmem:$0x1F880] =	vst v63  }
0x52e: {  	s13 =	sadd.s32 @!p0 s4, s13;
	s25 =	simm.s32 @!p0 $0x1F080  }
0x52f: {  	[tilespmem:s25], [sflag:$0x5] =	stream.linear.gather @!p0 [hbm4b:s13+s26], $0x80, $0x38;
	[tilespmem:$0x1F880] =	vst v63  }
0x530: {  	s30 =	simm.s32 @!p0 $0x1F280;
	s25 =	sadd.s32 @!p0 $0x80, s13  }
0x531: {  	[tilespmem:s30], [sflag:$0x5] =	stream.linear.gather @!p0 [hbm4b:s25+s26], $0x80, $0x38;
	[tilespmem:$0x1F880] =	vst v63  }
0x532: {  	s25 =	sadd.s32 @!p0 $0x100, s13;
	s30 =	simm.s32 @!p0 $0x1F480  }
0x533: {  	[tilespmem:s30], [sflag:$0x5] =	stream.linear.gather @!p0 [hbm4b:s25+s26], $0x80, $0x38;
	[tilespmem:$0x1F880] =	vst v63  }
0x534: {  	s13 =	sadd.s32 @!p0 $0x180, s13;
	s25 =	simm.s32 @!p0 $0x1F680  }
0x535: {  	[tilespmem:s25], [sflag:$0x5] =	stream.linear.gather @!p0 [hbm4b:s13+s26], $0x80, $0x38;
	[tilespmem:$0x1F880] =	vst v63  }
0x536: {  	_ =	swait.ge [sflag:s17], $0x200  }
0x537: {  	[sflag:s17] =	ssyncset.done $0x0  }
0x538: {  	[sflag:s17] =	ssyncadd.s32 $0xFFFFFE00  }
0x539: {  	_ =	swait.ge [sflag:s18], $0x200  }
0x53a: {  	p1 =	por $0x1, $0x1;
	p2 =	por $0x1, $0x1;
	[sflag:s18] =	ssyncset.done $0x0  }
0x53b: {  	s25 =	simm.s32 $0x0;
	s26 =	simm.s32 $0x0;
	[sflag:s18] =	ssyncadd.s32 $0xFFFFFE00  }
.LBB2_49:
0x53c: {  	v1 =	vld [tilespmem:s26+$0x1E900]  }
0x53d: {  	v2 =	vld [tilespmem:s26+$0x1E910]  }
0x53e: {  	v3 =	vld [tilespmem:s26+$0x1E920]  }
0x53f: {  	v4 =	vld [tilespmem:s26+$0x1F100]  }
0x540: {  	v6 =	vld [tilespmem:s26+$0x1E930]  }
0x541: {  	v7 =	vld [tilespmem:s26+$0x1F110]  }
0x542: {  	v9 =	vld [tilespmem:s26+$0x1E940]  }
0x543: {  	v10 =	vld [tilespmem:s26+$0x1F120]  }
0x544: {  	v12 =	vld [tilespmem:s26+$0x1E950]  }
0x545: {  	v13 =	vld [tilespmem:s26+$0x1F130]  }
0x546: {  	v15 =	vld [tilespmem:s26+$0x1E960]  }
0x547: {  	v16 =	vld [tilespmem:s26+$0x1F140]  }
0x548: {  	v18 =	vld [tilespmem:s26+$0x1E970]  }
0x549: {  	v19 =	vld [tilespmem:s26+$0x1F150]  }
0x54a: {  	v21 =	vld [tilespmem:s26+$0x1EB00]  }
0x54b: {  	v22 =	vld [tilespmem:s26+$0x1F160]  }
0x54c: {  	v24 =	vld [tilespmem:s26+$0x1EB10]  }
0x54d: {  	v25 =	vld [tilespmem:s26+$0x1F170]  }
0x54e: {  	v27 =	vld [tilespmem:s26+$0x1EB20]  }
0x54f: {  	v28 =	vld [tilespmem:s26+$0x1F300]  }
0x550: {  	v30 =	vld [tilespmem:s26+$0x1F310]  }
0x551: {  	v31 =	vld [tilespmem:s26+$0x1EB30]  }
0x552: {  	v33 =	vld [tilespmem:s26+$0x1F320]  }
0x553: {  	v34 =	vld [tilespmem:s26+$0x1EB40]  }
0x554: {  	v36 =	vld [tilespmem:s26+$0x1EB50]  }
0x555: {  	v37 =	vld [tilespmem:s26+$0x1F330]  }
0x556: {  	v38 =	vld [tilespmem:s26+$0x1EB60]  }
0x557: {  	v40 =	vld [tilespmem:s26+$0x1EB70]  }
0x558: {  	v41 =	vld [tilespmem:s26+$0x1F340]  }
0x559: {  	v60 =	vld [tilespmem:s26+$0x1F350]  }
0x55a: {  	v62 =	vld [tilespmem:s26+$0x1F370]  }
0x55b: {  	v5 =	vld.idx.msk [tilespmem:v1+s25+$0x0], $0xffff  }
0x55c: {  	v8 =	vld.idx.msk [tilespmem:v2+s25+$0x0], $0xffff  }
0x55d: {  	v11 =	vld.idx.msk [tilespmem:v3+s25+$0x0], $0xffff  }
0x55e: {  	v14 =	vld.idx.msk [tilespmem:v6+s25+$0x0], $0xffff  }
0x55f: {  	v17 =	vld.idx.msk [tilespmem:v9+s25+$0x0], $0xffff  }
0x560: {  	v20 =	vld.idx.msk [tilespmem:v12+s25+$0x0], $0xffff  }
0x561: {  	v23 =	vld.idx.msk [tilespmem:v15+s25+$0x0], $0xffff;
	vm0 =	vlt.f32 v5, v4  }
0x562: {  	v26 =	vld.idx.msk [tilespmem:v18+s25+$0x0], $0xffff;
	vm1 =	vlt.f32 v8, v7  }
0x563: {  	v29 =	vld.idx.msk [tilespmem:v21+s25+$0x0], $0xffff;
	vm2 =	vlt.f32 v11, v10  }
0x564: {  	v32 =	vld.idx.msk [tilespmem:v24+s25+$0x0], $0xffff;
	vm3 =	vlt.f32 v14, v13  }
0x565: {  	v35 =	vld.idx.msk [tilespmem:v27+s25+$0x0], $0xffff;
	vm4 =	vlt.f32 v17, v16  }
0x566: {  	v39 =	vld.idx.msk [tilespmem:v31+s25+$0x0], $0xffff;
	v4 =	vmax.f32 v5, v4;
	vm5 =	vlt.f32 v20, v19  }
0x567: {  	v42 =	vld.idx.msk [tilespmem:v34+s25+$0x0], $0xffff;
	vm14 =	vlt.f32 v23, v22;
	[tilespmem:v1+s25+$0x0] =	vst.idx.msk vm0, v4;
	v1 =	vmax.f32 v8, v7  }
0x568: {  	v61 =	vld.idx.msk [tilespmem:v36+s25+$0x0], $0xffff;
	vm15 =	vlt.f32 v26, v25;
	[tilespmem:v2+s25+$0x0] =	vst.idx.msk vm1, v1;
	v1 =	vmax.f32 v11, v10  }
0x569: {  	vm8 =	vlt.f32 v29, v28;
	v2 =	vld [tilespmem:s26+$0x1F360];
	[tilespmem:v3+s25+$0x0] =	vst.idx.msk vm2, v1;
	v1 =	vmax.f32 v14, v13  }
0x56a: {  	vm9 =	vlt.f32 v32, v30;
	v3 =	vld.idx.msk [tilespmem:v38+s25+$0x0], $0xffff;
	[tilespmem:v6+s25+$0x0] =	vst.idx.msk vm3, v1;
	v1 =	vmax.f32 v17, v16  }
0x56b: {  	v63 =	vld.idx.msk [tilespmem:v40+s25+$0x0], $0xffff;
	vm10 =	vlt.f32 v35, v33;
	[tilespmem:v9+s25+$0x0] =	vst.idx.msk vm4, v1;
	v1 =	vmax.f32 v20, v19  }
0x56c: {  	vm11 =	vlt.f32 v39, v37;
	[tilespmem:v12+s25+$0x0] =	vst.idx.msk vm5, v1;
	v1 =	vmax.f32 v23, v22  }
0x56d: {  	vm12 =	vlt.f32 v42, v41;
	[tilespmem:v15+s25+$0x0] =	vst.idx.msk vm14, v1;
	v1 =	vmax.f32 v26, v25  }
0x56e: {  	vm13 =	vlt.f32 v61, v60;
	[tilespmem:v18+s25+$0x0] =	vst.idx.msk vm15, v1;
	v1 =	vmax.f32 v29, v28  }
0x56f: {  	vm14 =	vlt.f32 v3, v2;
	[tilespmem:v21+s25+$0x0] =	vst.idx.msk vm8, v1;
	v1 =	vmax.f32 v32, v30  }
0x570: {  	vm15 =	vlt.f32 v63, v62;
	[tilespmem:v24+s25+$0x0] =	vst.idx.msk vm9, v1;
	v1 =	vmax.f32 v35, v33  }
0x571: {  	p3 =	por p2, p2;
	[tilespmem:v27+s25+$0x0] =	vst.idx.msk vm10, v1;
	v1 =	vmax.f32 v39, v37  }
.Ltmp34:
0x572: {  	[tilespmem:v31+s25+$0x0] =	vst.idx.msk vm11, v1;
	v1 =	vmax.f32 v42, v41;
	(pc) =	sbr.rel @p3 .LBB2_49-.Ltmp34, $4  }
0x573: {  	[tilespmem:v34+s25+$0x0] =	vst.idx.msk vm12, v1;
	v1 =	vmax.f32 v61, v60  }
0x574: {  	[tilespmem:v36+s25+$0x0] =	vst.idx.msk vm13, v1;
	v1 =	vmax.f32 v3, v2  }
0x575: {  	[tilespmem:v38+s25+$0x0] =	vst.idx.msk vm14, v1;
	v1 =	vmax.f32 v63, v62  }
0x576: {  	p2 =	por $0x0, $0x0;
	s26 =	simm.s32 $0x400;
	[tilespmem:v40+s25+$0x0] =	vst.idx.msk vm15, v1;
	v1 =	vimm.s32 $0x0  }
.Ltmp35:
0x577: {  	_ = 	snop;
	(pc) =	sbr.rel .LBB2_50-.Ltmp35, $1  }
0x578: {  	_ =	sdelay $0x3  }
.LBB2_51:
0x579: {  	s25 =	simm.s32 @!p1 $0x0  }
0x57a: {  	v1 =	vpsel !p1, $0x0, v1;
	s25 =	simm.s32 @p1 $0x400;
	p1 =	por !p1, !p1  }
.LBB2_50:
0x57b: {  	v2 =	vld [tilespmem:s25+$0x1E900]  }
0x57c: {  	v3 =	vld [tilespmem:s25+$0x1E910]  }
0x57d: {  	v4 =	vld [tilespmem:s25+$0x1E920]  }
0x57e: {  	v5 =	vld [tilespmem:s25+$0x1F100]  }
0x57f: {  	v7 =	vld [tilespmem:s25+$0x1E930]  }
0x580: {  	v8 =	vld [tilespmem:s25+$0x1F110]  }
0x581: {  	v10 =	vld [tilespmem:s25+$0x1E940]  }
0x582: {  	v11 =	vld [tilespmem:s25+$0x1F120]  }
0x583: {  	v13 =	vld [tilespmem:s25+$0x1E950]  }
0x584: {  	v14 =	vld [tilespmem:s25+$0x1F130]  }
0x585: {  	v16 =	vld [tilespmem:s25+$0x1E960]  }
0x586: {  	v17 =	vld [tilespmem:s25+$0x1F140]  }
0x587: {  	v19 =	vld [tilespmem:s25+$0x1E970]  }
0x588: {  	v20 =	vld [tilespmem:s25+$0x1F150]  }
0x589: {  	v22 =	vld [tilespmem:s25+$0x1EB00]  }
0x58a: {  	v23 =	vld [tilespmem:s25+$0x1F160]  }
0x58b: {  	v25 =	vld [tilespmem:s25+$0x1EB10]  }
0x58c: {  	v26 =	vld [tilespmem:s25+$0x1F170]  }
0x58d: {  	v28 =	vld [tilespmem:s25+$0x1EB20]  }
0x58e: {  	v29 =	vld [tilespmem:s25+$0x1F300]  }
0x58f: {  	v31 =	vld [tilespmem:s25+$0x1F310]  }
0x590: {  	v32 =	vld [tilespmem:s25+$0x1EB30]  }
0x591: {  	v34 =	vld [tilespmem:s25+$0x1F320]  }
0x592: {  	v35 =	vld [tilespmem:s25+$0x1EB40]  }
0x593: {  	v37 =	vld [tilespmem:s25+$0x1EB50]  }
0x594: {  	v38 =	vld [tilespmem:s25+$0x1F330]  }
0x595: {  	v39 =	vld [tilespmem:s25+$0x1EB60]  }
0x596: {  	v41 =	vld [tilespmem:s25+$0x1EB70]  }
0x597: {  	v42 =	vld [tilespmem:s25+$0x1F340]  }
0x598: {  	v44 =	vld [tilespmem:s25+$0x1F350]  }
0x599: {  	v46 =	vld [tilespmem:s25+$0x1F360]  }
0x59a: {  	v48 =	vld [tilespmem:s25+$0x1F370]  }
0x59b: {  	v6 =	vld.idx.msk [tilespmem:v2+s3+$0x0], $0xffff  }
0x59c: {  	v9 =	vld.idx.msk [tilespmem:v3+s3+$0x0], $0xffff  }
0x59d: {  	v12 =	vld.idx.msk [tilespmem:v4+s3+$0x0], $0xffff  }
0x59e: {  	v15 =	vld.idx.msk [tilespmem:v7+s3+$0x0], $0xffff  }
0x59f: {  	v18 =	vld.idx.msk [tilespmem:v10+s3+$0x0], $0xffff  }
0x5a0: {  	v21 =	vld.idx.msk [tilespmem:v13+s3+$0x0], $0xffff  }
0x5a1: {  	v24 =	vld.idx.msk [tilespmem:v16+s3+$0x0], $0xffff;
	vm1 =	vlt.f32 v6, v5;
	vm0 =	vlt.f32 v9, v8  }
0x5a2: {  	v27 =	vld.idx.msk [tilespmem:v19+s3+$0x0], $0xffff;
	vm2 =	vlt.f32 v12, v11;
	vm3 =	vmor vm1, vm0  }
0x5a3: {  	v30 =	vld.idx.msk [tilespmem:v22+s3+$0x0], $0xffff;
	vm4 =	vmor vm3, vm2;
	vm3 =	vlt.f32 v15, v14  }
0x5a4: {  	v33 =	vld.idx.msk [tilespmem:v25+s3+$0x0], $0xffff;
	vm5 =	vmor vm4, vm3;
	vm4 =	vlt.f32 v18, v17  }
0x5a5: {  	v36 =	vld.idx.msk [tilespmem:v28+s3+$0x0], $0xffff;
	vm6 =	vmor vm5, vm4;
	vm5 =	vlt.f32 v21, v20  }
0x5a6: {  	v62 =	vld.idx.msk [tilespmem:v32+s3+$0x0], $0xffff;
	vm7 =	vmor vm6, vm5;
	vm6 =	vlt.f32 v24, v23  }
0x5a7: {  	v43 =	vld.idx.msk [tilespmem:v35+s3+$0x0], $0xffff;
	vm8 =	vmor vm7, vm6;
	vm7 =	vlt.f32 v27, v26  }
0x5a8: {  	v45 =	vld.idx.msk [tilespmem:v37+s3+$0x0], $0xffff;
	vm9 =	vmor vm8, vm7;
	vm8 =	vlt.f32 v30, v29  }
0x5a9: {  	v47 =	vld.idx.msk [tilespmem:v39+s3+$0x0], $0xffff;
	vm10 =	vlt.f32 v33, v31;
	vm9 =	vmor vm9, vm8  }
0x5aa: {  	v49 =	vld.idx.msk [tilespmem:v41+s3+$0x0], $0xffff;
	vm12 =	vlt.f32 v36, v34;
	vm9 =	vmor vm9, vm10  }
0x5ab: {  	vm14 =	vlt.f32 v62, v38;
	vm9 =	vmor vm9, vm12  }
0x5ac: {  	vm15 =	vlt.f32 v43, v42;
	vm9 =	vmor vm9, vm14  }
0x5ad: {  	vm13 =	vlt.f32 v45, v44;
	vm9 =	vmor vm9, vm15  }
0x5ae: {  	v40 =	vimm.s32 $0x0;
	vm11 =	vlt.f32 v47, v46;
	vm9 =	vmor vm9, vm13  }
0x5af: {  	v40 =	vsel vm0, $0xFFFFFFFF, v40;
	vm0 =	vmor vm9, vm11;
	vm9 =	vlt.f32 v49, v48  }
0x5b0: {  	vm0 =	vmor vm0, vm9  }
0x5b1: {  	v50 =	vsel vm0, $0x1, v0  }
0x5b2: {  	v1 =	vor.u32 v50, v1  }
0x5b3: {  	v50 =	vxor.u32 @!p1 $0x80000000, v1  }
0x5b4: {  	(xrf0) =	vmax.scan.msk.u32 @!p1 $0xffff, v50;
	_ =	sdelay $0x2  }
0x5b5: {  	[tilespmem:$0x1FFA0] =	vst v40  }
0x5b6: {  	v63 =	vld [tilespmem:$0x1FFA0];
	_ =	sdelay $0x1  }
0x5b7: {  	v50, _, _ =	vpop @!p1 (xrf0)  }
0x5b8: {  	(v2sf) =	vpush @!p1 v50, $0xF;
	_ =	sdelay $0x1  }
0x5b9: {  	vm0 =	vnez.u8 v63;
	_ =	sdelay $0x3  }
0x5ba: {  	v5 =	vmax.f32 v6, v5  }
0x5bb: {  	[tilespmem:v2+s3+$0x0] =	vst.idx.msk vm1, v5;
	v2 =	vmax.f32 v9, v8  }
0x5bc: {  	[tilespmem:v3+s3+$0x0] =	vst.idx.msk vm0, v2;
	v2 =	vmax.f32 v12, v11  }
0x5bd: {  	[tilespmem:v4+s3+$0x0] =	vst.idx.msk vm2, v2;
	v2 =	vmax.f32 v15, v14  }
0x5be: {  	[tilespmem:v7+s3+$0x0] =	vst.idx.msk vm3, v2;
	v2 =	vmax.f32 v18, v17  }
0x5bf: {  	[tilespmem:v10+s3+$0x0] =	vst.idx.msk vm4, v2;
	v2 =	vmax.f32 v21, v20  }
0x5c0: {  	[tilespmem:v13+s3+$0x0] =	vst.idx.msk vm5, v2;
	v2 =	vmax.f32 v24, v23  }
0x5c1: {  	[tilespmem:v16+s3+$0x0] =	vst.idx.msk vm6, v2;
	v2 =	vmax.f32 v27, v26  }
0x5c2: {  	[tilespmem:v19+s3+$0x0] =	vst.idx.msk vm7, v2;
	v2 =	vmax.f32 v30, v29  }
0x5c3: {  	[tilespmem:v22+s3+$0x0] =	vst.idx.msk vm8, v2;
	v2 =	vmax.f32 v33, v31;
	s13 =	spop @!p1 (v2sf)  }
0x5c4: {  	[tilespmem:v25+s3+$0x0] =	vst.idx.msk vm10, v2;
	v2 =	vmax.f32 v36, v34;
	p2 =	sgt.u32 @!p1 s13, $0x80000000  }
0x5c5: {  	[tilespmem:v28+s3+$0x0] =	vst.idx.msk vm12, v2;
	v2 =	vmax.f32 v62, v38;
	p2 =	por p1, p2  }
.Ltmp36:
0x5c6: {  	[tilespmem:v32+s3+$0x0] =	vst.idx.msk vm14, v2;
	v2 =	vmax.f32 v43, v42;
	(pc) =	sbr.rel @p2 .LBB2_51-.Ltmp36, $4  }
0x5c7: {  	[tilespmem:v35+s3+$0x0] =	vst.idx.msk vm15, v2;
	v2 =	vmax.f32 v45, v44  }
0x5c8: {  	[tilespmem:v37+s3+$0x0] =	vst.idx.msk vm13, v2;
	v2 =	vmax.f32 v47, v46  }
0x5c9: {  	[tilespmem:v39+s3+$0x0] =	vst.idx.msk vm11, v2;
	v2 =	vmax.f32 v49, v48  }
0x5ca: {  	[tilespmem:v41+s3+$0x0] =	vst.idx.msk vm9, v2  }
0x5cb: {  	s13 =	sadd.s32 @!p0 $0x5, s23  }
0x5cc: {  	s25 =	sshll.u32 @!p0 s13, $0x6  }
0x5cd: {  	s26 =	simm.s32 @!p0 $0x0;
	s30 =	simm.s32 @!p0 $0x1E900;
	s25 =	sadd.s32 @!p0 s2, s25  }
0x5ce: {  	[tilespmem:s30], [sflag:$0x2] =	stream.linear.gather @!p0 [hbm4b:s25+s26], $0x80, $0x38;
	[tilespmem:$0x1F880] =	vst v63  }
0x5cf: {  	s31 =	simm.s32 @!p0 $0x1EB00;
	s13 =	sshll.u32 @!p0 s13, $0xC;
	s30 =	sadd.s32 @!p0 $0x10, s25  }
0x5d0: {  	[tilespmem:s31], [sflag:$0x2] =	stream.linear.gather @!p0 [hbm4b:s30+s26], $0x80, $0x38;
	[tilespmem:$0x1F880] =	vst v63  }
0x5d1: {  	s13 =	sadd.s32 @!p0 s16, s13;
	s30 =	sadd.s32 @!p0 $0x20, s25;
	s31 =	simm.s32 @!p0 $0x1ED00  }
0x5d2: {  	[tilespmem:s31], [sflag:$0x2] =	stream.linear.gather @!p0 [hbm4b:s30+s26], $0x80, $0x38;
	[tilespmem:$0x1F880] =	vst v63  }
0x5d3: {  	s13 =	sshrl.u32 @!p0 s13, $0x3;
	s25 =	sadd.s32 @!p0 $0x30, s25;
	s30 =	simm.s32 @!p0 $0x1EF00  }
0x5d4: {  	[tilespmem:s30], [sflag:$0x2] =	stream.linear.gather @!p0 [hbm4b:s25+s26], $0x80, $0x38;
	[tilespmem:$0x1F880] =	vst v63  }
0x5d5: {  	s13 =	sadd.s32 @!p0 s4, s13;
	s25 =	simm.s32 @!p0 $0x1F100  }
0x5d6: {  	[tilespmem:s25], [sflag:$0x6] =	stream.linear.gather @!p0 [hbm4b:s13+s26], $0x80, $0x38;
	[tilespmem:$0x1F880] =	vst v63  }
0x5d7: {  	s30 =	simm.s32 @!p0 $0x1F300;
	s25 =	sadd.s32 @!p0 $0x80, s13  }
0x5d8: {  	[tilespmem:s30], [sflag:$0x6] =	stream.linear.gather @!p0 [hbm4b:s25+s26], $0x80, $0x38;
	[tilespmem:$0x1F880] =	vst v63  }
0x5d9: {  	s25 =	sadd.s32 @!p0 $0x100, s13;
	s30 =	simm.s32 @!p0 $0x1F500  }
0x5da: {  	[tilespmem:s30], [sflag:$0x6] =	stream.linear.gather @!p0 [hbm4b:s25+s26], $0x80, $0x38;
	[tilespmem:$0x1F880] =	vst v63  }
0x5db: {  	s13 =	sadd.s32 @!p0 $0x180, s13;
	s25 =	simm.s32 @!p0 $0x1F700  }
0x5dc: {  	[tilespmem:s25], [sflag:$0x6] =	stream.linear.gather @!p0 [hbm4b:s13+s26], $0x80, $0x38;
	[tilespmem:$0x1F880] =	vst v63  }
0x5dd: {  	_ =	swait.ge [sflag:s24], $0x200  }
0x5de: {  	[sflag:s24] =	ssyncset.done $0x0  }
0x5df: {  	[sflag:s24] =	ssyncadd.s32 $0xFFFFFE00  }
0x5e0: {  	_ =	swait.ge [sflag:s6], $0x200  }
0x5e1: {  	p1 =	por $0x1, $0x1;
	p2 =	por $0x1, $0x1;
	[sflag:s6] =	ssyncset.done $0x0  }
0x5e2: {  	s25 =	simm.s32 $0x0;
	s26 =	simm.s32 $0x0;
	[sflag:s6] =	ssyncadd.s32 $0xFFFFFE00  }
.LBB2_53:
0x5e3: {  	v1 =	vld [tilespmem:s26+$0x1E980]  }
0x5e4: {  	v2 =	vld [tilespmem:s26+$0x1E990]  }
0x5e5: {  	v3 =	vld [tilespmem:s26+$0x1E9A0]  }
0x5e6: {  	v4 =	vld [tilespmem:s26+$0x1F180]  }
0x5e7: {  	v6 =	vld [tilespmem:s26+$0x1E9B0]  }
0x5e8: {  	v7 =	vld [tilespmem:s26+$0x1F190]  }
0x5e9: {  	v9 =	vld [tilespmem:s26+$0x1E9C0]  }
0x5ea: {  	v10 =	vld [tilespmem:s26+$0x1F1A0]  }
0x5eb: {  	v12 =	vld [tilespmem:s26+$0x1E9D0]  }
0x5ec: {  	v13 =	vld [tilespmem:s26+$0x1F1B0]  }
0x5ed: {  	v15 =	vld [tilespmem:s26+$0x1E9E0]  }
0x5ee: {  	v16 =	vld [tilespmem:s26+$0x1F1C0]  }
0x5ef: {  	v18 =	vld [tilespmem:s26+$0x1E9F0]  }
0x5f0: {  	v19 =	vld [tilespmem:s26+$0x1F1D0]  }
0x5f1: {  	v21 =	vld [tilespmem:s26+$0x1EB80]  }
0x5f2: {  	v22 =	vld [tilespmem:s26+$0x1F1E0]  }
0x5f3: {  	v24 =	vld [tilespmem:s26+$0x1EB90]  }
0x5f4: {  	v25 =	vld [tilespmem:s26+$0x1F1F0]  }
0x5f5: {  	v27 =	vld [tilespmem:s26+$0x1EBA0]  }
0x5f6: {  	v28 =	vld [tilespmem:s26+$0x1F380]  }
0x5f7: {  	v30 =	vld [tilespmem:s26+$0x1F390]  }
0x5f8: {  	v31 =	vld [tilespmem:s26+$0x1EBB0]  }
0x5f9: {  	v33 =	vld [tilespmem:s26+$0x1F3A0]  }
0x5fa: {  	v34 =	vld [tilespmem:s26+$0x1EBC0]  }
0x5fb: {  	v36 =	vld [tilespmem:s26+$0x1EBD0]  }
0x5fc: {  	v37 =	vld [tilespmem:s26+$0x1F3B0]  }
0x5fd: {  	v38 =	vld [tilespmem:s26+$0x1EBE0]  }
0x5fe: {  	v40 =	vld [tilespmem:s26+$0x1EBF0]  }
0x5ff: {  	v41 =	vld [tilespmem:s26+$0x1F3C0]  }
0x600: {  	v60 =	vld [tilespmem:s26+$0x1F3D0]  }
0x601: {  	v62 =	vld [tilespmem:s26+$0x1F3F0]  }
0x602: {  	v5 =	vld.idx.msk [tilespmem:v1+s25+$0x0], $0xffff  }
0x603: {  	v8 =	vld.idx.msk [tilespmem:v2+s25+$0x0], $0xffff  }
0x604: {  	v11 =	vld.idx.msk [tilespmem:v3+s25+$0x0], $0xffff  }
0x605: {  	v14 =	vld.idx.msk [tilespmem:v6+s25+$0x0], $0xffff  }
0x606: {  	v17 =	vld.idx.msk [tilespmem:v9+s25+$0x0], $0xffff  }
0x607: {  	v20 =	vld.idx.msk [tilespmem:v12+s25+$0x0], $0xffff  }
0x608: {  	v23 =	vld.idx.msk [tilespmem:v15+s25+$0x0], $0xffff;
	vm0 =	vlt.f32 v5, v4  }
0x609: {  	v26 =	vld.idx.msk [tilespmem:v18+s25+$0x0], $0xffff;
	vm1 =	vlt.f32 v8, v7  }
0x60a: {  	v29 =	vld.idx.msk [tilespmem:v21+s25+$0x0], $0xffff;
	vm2 =	vlt.f32 v11, v10  }
0x60b: {  	v32 =	vld.idx.msk [tilespmem:v24+s25+$0x0], $0xffff;
	vm3 =	vlt.f32 v14, v13  }
0x60c: {  	v35 =	vld.idx.msk [tilespmem:v27+s25+$0x0], $0xffff;
	vm4 =	vlt.f32 v17, v16  }
0x60d: {  	v39 =	vld.idx.msk [tilespmem:v31+s25+$0x0], $0xffff;
	v4 =	vmax.f32 v5, v4;
	vm5 =	vlt.f32 v20, v19  }
0x60e: {  	v42 =	vld.idx.msk [tilespmem:v34+s25+$0x0], $0xffff;
	vm14 =	vlt.f32 v23, v22;
	[tilespmem:v1+s25+$0x0] =	vst.idx.msk vm0, v4;
	v1 =	vmax.f32 v8, v7  }
0x60f: {  	v61 =	vld.idx.msk [tilespmem:v36+s25+$0x0], $0xffff;
	vm15 =	vlt.f32 v26, v25;
	[tilespmem:v2+s25+$0x0] =	vst.idx.msk vm1, v1;
	v1 =	vmax.f32 v11, v10  }
0x610: {  	vm8 =	vlt.f32 v29, v28;
	v2 =	vld [tilespmem:s26+$0x1F3E0];
	[tilespmem:v3+s25+$0x0] =	vst.idx.msk vm2, v1;
	v1 =	vmax.f32 v14, v13  }
0x611: {  	vm9 =	vlt.f32 v32, v30;
	v3 =	vld.idx.msk [tilespmem:v38+s25+$0x0], $0xffff;
	[tilespmem:v6+s25+$0x0] =	vst.idx.msk vm3, v1;
	v1 =	vmax.f32 v17, v16  }
0x612: {  	v63 =	vld.idx.msk [tilespmem:v40+s25+$0x0], $0xffff;
	vm10 =	vlt.f32 v35, v33;
	[tilespmem:v9+s25+$0x0] =	vst.idx.msk vm4, v1;
	v1 =	vmax.f32 v20, v19  }
0x613: {  	vm11 =	vlt.f32 v39, v37;
	[tilespmem:v12+s25+$0x0] =	vst.idx.msk vm5, v1;
	v1 =	vmax.f32 v23, v22  }
0x614: {  	vm12 =	vlt.f32 v42, v41;
	[tilespmem:v15+s25+$0x0] =	vst.idx.msk vm14, v1;
	v1 =	vmax.f32 v26, v25  }
0x615: {  	vm13 =	vlt.f32 v61, v60;
	[tilespmem:v18+s25+$0x0] =	vst.idx.msk vm15, v1;
	v1 =	vmax.f32 v29, v28  }
0x616: {  	vm14 =	vlt.f32 v3, v2;
	[tilespmem:v21+s25+$0x0] =	vst.idx.msk vm8, v1;
	v1 =	vmax.f32 v32, v30  }
0x617: {  	vm15 =	vlt.f32 v63, v62;
	[tilespmem:v24+s25+$0x0] =	vst.idx.msk vm9, v1;
	v1 =	vmax.f32 v35, v33  }
0x618: {  	p3 =	por p2, p2;
	[tilespmem:v27+s25+$0x0] =	vst.idx.msk vm10, v1;
	v1 =	vmax.f32 v39, v37  }
.Ltmp37:
0x619: {  	[tilespmem:v31+s25+$0x0] =	vst.idx.msk vm11, v1;
	v1 =	vmax.f32 v42, v41;
	(pc) =	sbr.rel @p3 .LBB2_53-.Ltmp37, $4  }
0x61a: {  	[tilespmem:v34+s25+$0x0] =	vst.idx.msk vm12, v1;
	v1 =	vmax.f32 v61, v60  }
0x61b: {  	[tilespmem:v36+s25+$0x0] =	vst.idx.msk vm13, v1;
	v1 =	vmax.f32 v3, v2  }
0x61c: {  	[tilespmem:v38+s25+$0x0] =	vst.idx.msk vm14, v1;
	v1 =	vmax.f32 v63, v62  }
0x61d: {  	p2 =	por $0x0, $0x0;
	s26 =	simm.s32 $0x400;
	[tilespmem:v40+s25+$0x0] =	vst.idx.msk vm15, v1;
	v1 =	vimm.s32 $0x0  }
.Ltmp38:
0x61e: {  	_ = 	snop;
	(pc) =	sbr.rel .LBB2_54-.Ltmp38, $1  }
0x61f: {  	_ =	sdelay $0x3  }
.LBB2_55:
0x620: {  	s25 =	simm.s32 @!p1 $0x0  }
0x621: {  	v1 =	vpsel !p1, $0x0, v1;
	s25 =	simm.s32 @p1 $0x400;
	p1 =	por !p1, !p1  }
.LBB2_54:
0x622: {  	v2 =	vld [tilespmem:s25+$0x1E980]  }
0x623: {  	v3 =	vld [tilespmem:s25+$0x1E990]  }
0x624: {  	v4 =	vld [tilespmem:s25+$0x1E9A0]  }
0x625: {  	v5 =	vld [tilespmem:s25+$0x1F180]  }
0x626: {  	v7 =	vld [tilespmem:s25+$0x1E9B0]  }
0x627: {  	v8 =	vld [tilespmem:s25+$0x1F190]  }
0x628: {  	v10 =	vld [tilespmem:s25+$0x1E9C0]  }
0x629: {  	v11 =	vld [tilespmem:s25+$0x1F1A0]  }
0x62a: {  	v13 =	vld [tilespmem:s25+$0x1E9D0]  }
0x62b: {  	v14 =	vld [tilespmem:s25+$0x1F1B0]  }
0x62c: {  	v16 =	vld [tilespmem:s25+$0x1E9E0]  }
0x62d: {  	v17 =	vld [tilespmem:s25+$0x1F1C0]  }
0x62e: {  	v19 =	vld [tilespmem:s25+$0x1E9F0]  }
0x62f: {  	v20 =	vld [tilespmem:s25+$0x1F1D0]  }
0x630: {  	v22 =	vld [tilespmem:s25+$0x1EB80]  }
0x631: {  	v23 =	vld [tilespmem:s25+$0x1F1E0]  }
0x632: {  	v25 =	vld [tilespmem:s25+$0x1EB90]  }
0x633: {  	v26 =	vld [tilespmem:s25+$0x1F1F0]  }
0x634: {  	v28 =	vld [tilespmem:s25+$0x1EBA0]  }
0x635: {  	v29 =	vld [tilespmem:s25+$0x1F380]  }
0x636: {  	v31 =	vld [tilespmem:s25+$0x1F390]  }
0x637: {  	v32 =	vld [tilespmem:s25+$0x1EBB0]  }
0x638: {  	v34 =	vld [tilespmem:s25+$0x1F3A0]  }
0x639: {  	v35 =	vld [tilespmem:s25+$0x1EBC0]  }
0x63a: {  	v37 =	vld [tilespmem:s25+$0x1EBD0]  }
0x63b: {  	v38 =	vld [tilespmem:s25+$0x1F3B0]  }
0x63c: {  	v39 =	vld [tilespmem:s25+$0x1EBE0]  }
0x63d: {  	v41 =	vld [tilespmem:s25+$0x1EBF0]  }
0x63e: {  	v42 =	vld [tilespmem:s25+$0x1F3C0]  }
0x63f: {  	v44 =	vld [tilespmem:s25+$0x1F3D0]  }
0x640: {  	v46 =	vld [tilespmem:s25+$0x1F3E0]  }
0x641: {  	v48 =	vld [tilespmem:s25+$0x1F3F0]  }
0x642: {  	v6 =	vld.idx.msk [tilespmem:v2+s3+$0x0], $0xffff  }
0x643: {  	v9 =	vld.idx.msk [tilespmem:v3+s3+$0x0], $0xffff  }
0x644: {  	v12 =	vld.idx.msk [tilespmem:v4+s3+$0x0], $0xffff  }
0x645: {  	v15 =	vld.idx.msk [tilespmem:v7+s3+$0x0], $0xffff  }
0x646: {  	v18 =	vld.idx.msk [tilespmem:v10+s3+$0x0], $0xffff  }
0x647: {  	v21 =	vld.idx.msk [tilespmem:v13+s3+$0x0], $0xffff  }
0x648: {  	v24 =	vld.idx.msk [tilespmem:v16+s3+$0x0], $0xffff;
	vm1 =	vlt.f32 v6, v5;
	vm0 =	vlt.f32 v9, v8  }
0x649: {  	v27 =	vld.idx.msk [tilespmem:v19+s3+$0x0], $0xffff;
	vm2 =	vlt.f32 v12, v11;
	vm3 =	vmor vm1, vm0  }
0x64a: {  	v30 =	vld.idx.msk [tilespmem:v22+s3+$0x0], $0xffff;
	vm4 =	vmor vm3, vm2;
	vm3 =	vlt.f32 v15, v14  }
0x64b: {  	v33 =	vld.idx.msk [tilespmem:v25+s3+$0x0], $0xffff;
	vm5 =	vmor vm4, vm3;
	vm4 =	vlt.f32 v18, v17  }
0x64c: {  	v36 =	vld.idx.msk [tilespmem:v28+s3+$0x0], $0xffff;
	vm6 =	vmor vm5, vm4;
	vm5 =	vlt.f32 v21, v20  }
0x64d: {  	v62 =	vld.idx.msk [tilespmem:v32+s3+$0x0], $0xffff;
	vm7 =	vmor vm6, vm5;
	vm6 =	vlt.f32 v24, v23  }
0x64e: {  	v43 =	vld.idx.msk [tilespmem:v35+s3+$0x0], $0xffff;
	vm8 =	vmor vm7, vm6;
	vm7 =	vlt.f32 v27, v26  }
0x64f: {  	v45 =	vld.idx.msk [tilespmem:v37+s3+$0x0], $0xffff;
	vm9 =	vmor vm8, vm7;
	vm8 =	vlt.f32 v30, v29  }
0x650: {  	v47 =	vld.idx.msk [tilespmem:v39+s3+$0x0], $0xffff;
	vm10 =	vlt.f32 v33, v31;
	vm9 =	vmor vm9, vm8  }
0x651: {  	v49 =	vld.idx.msk [tilespmem:v41+s3+$0x0], $0xffff;
	vm12 =	vlt.f32 v36, v34;
	vm9 =	vmor vm9, vm10  }
0x652: {  	vm14 =	vlt.f32 v62, v38;
	vm9 =	vmor vm9, vm12  }
0x653: {  	vm15 =	vlt.f32 v43, v42;
	vm9 =	vmor vm9, vm14  }
0x654: {  	vm13 =	vlt.f32 v45, v44;
	vm9 =	vmor vm9, vm15  }
0x655: {  	v40 =	vimm.s32 $0x0;
	vm11 =	vlt.f32 v47, v46;
	vm9 =	vmor vm9, vm13  }
0x656: {  	v40 =	vsel vm0, $0xFFFFFFFF, v40;
	vm0 =	vmor vm9, vm11;
	vm9 =	vlt.f32 v49, v48  }
0x657: {  	vm0 =	vmor vm0, vm9  }
0x658: {  	v50 =	vsel vm0, $0x1, v0  }
0x659: {  	v1 =	vor.u32 v50, v1  }
0x65a: {  	v50 =	vxor.u32 @!p1 $0x80000000, v1  }
0x65b: {  	(xrf0) =	vmax.scan.msk.u32 @!p1 $0xffff, v50;
	_ =	sdelay $0x2  }
0x65c: {  	[tilespmem:$0x1FF90] =	vst v40  }
0x65d: {  	v63 =	vld [tilespmem:$0x1FF90];
	_ =	sdelay $0x1  }
0x65e: {  	v50, _, _ =	vpop @!p1 (xrf0)  }
0x65f: {  	(v2sf) =	vpush @!p1 v50, $0xF;
	_ =	sdelay $0x1  }
0x660: {  	vm0 =	vnez.u8 v63;
	_ =	sdelay $0x3  }
0x661: {  	v5 =	vmax.f32 v6, v5  }
0x662: {  	[tilespmem:v2+s3+$0x0] =	vst.idx.msk vm1, v5;
	v2 =	vmax.f32 v9, v8  }
0x663: {  	[tilespmem:v3+s3+$0x0] =	vst.idx.msk vm0, v2;
	v2 =	vmax.f32 v12, v11  }
0x664: {  	[tilespmem:v4+s3+$0x0] =	vst.idx.msk vm2, v2;
	v2 =	vmax.f32 v15, v14  }
0x665: {  	[tilespmem:v7+s3+$0x0] =	vst.idx.msk vm3, v2;
	v2 =	vmax.f32 v18, v17  }
0x666: {  	[tilespmem:v10+s3+$0x0] =	vst.idx.msk vm4, v2;
	v2 =	vmax.f32 v21, v20  }
0x667: {  	[tilespmem:v13+s3+$0x0] =	vst.idx.msk vm5, v2;
	v2 =	vmax.f32 v24, v23  }
0x668: {  	[tilespmem:v16+s3+$0x0] =	vst.idx.msk vm6, v2;
	v2 =	vmax.f32 v27, v26  }
0x669: {  	[tilespmem:v19+s3+$0x0] =	vst.idx.msk vm7, v2;
	v2 =	vmax.f32 v30, v29  }
0x66a: {  	[tilespmem:v22+s3+$0x0] =	vst.idx.msk vm8, v2;
	v2 =	vmax.f32 v33, v31;
	s13 =	spop @!p1 (v2sf)  }
0x66b: {  	[tilespmem:v25+s3+$0x0] =	vst.idx.msk vm10, v2;
	v2 =	vmax.f32 v36, v34;
	p2 =	sgt.u32 @!p1 s13, $0x80000000  }
0x66c: {  	[tilespmem:v28+s3+$0x0] =	vst.idx.msk vm12, v2;
	v2 =	vmax.f32 v62, v38;
	p2 =	por p1, p2  }
.Ltmp39:
0x66d: {  	[tilespmem:v32+s3+$0x0] =	vst.idx.msk vm14, v2;
	v2 =	vmax.f32 v43, v42;
	(pc) =	sbr.rel @p2 .LBB2_55-.Ltmp39, $4  }
0x66e: {  	[tilespmem:v35+s3+$0x0] =	vst.idx.msk vm15, v2;
	v2 =	vmax.f32 v45, v44  }
0x66f: {  	[tilespmem:v37+s3+$0x0] =	vst.idx.msk vm13, v2;
	v2 =	vmax.f32 v47, v46  }
0x670: {  	[tilespmem:v39+s3+$0x0] =	vst.idx.msk vm11, v2;
	v2 =	vmax.f32 v49, v48  }
0x671: {  	[tilespmem:v41+s3+$0x0] =	vst.idx.msk vm9, v2  }
0x672: {  	s13 =	sadd.s32 @!p0 $0x6, s23  }
0x673: {  	s25 =	sshll.u32 @!p0 s13, $0x6  }
0x674: {  	s26 =	simm.s32 @!p0 $0x0;
	s30 =	simm.s32 @!p0 $0x1E980;
	s25 =	sadd.s32 @!p0 s2, s25  }
0x675: {  	[tilespmem:s30], [sflag:$0x3] =	stream.linear.gather @!p0 [hbm4b:s25+s26], $0x80, $0x38;
	[tilespmem:$0x1F880] =	vst v63  }
0x676: {  	s31 =	simm.s32 @!p0 $0x1EB80;
	s13 =	sshll.u32 @!p0 s13, $0xC;
	s30 =	sadd.s32 @!p0 $0x10, s25  }
0x677: {  	[tilespmem:s31], [sflag:$0x3] =	stream.linear.gather @!p0 [hbm4b:s30+s26], $0x80, $0x38;
	[tilespmem:$0x1F880] =	vst v63  }
0x678: {  	s13 =	sadd.s32 @!p0 s16, s13;
	s30 =	sadd.s32 @!p0 $0x20, s25;
	s31 =	simm.s32 @!p0 $0x1ED80  }
0x679: {  	[tilespmem:s31], [sflag:$0x3] =	stream.linear.gather @!p0 [hbm4b:s30+s26], $0x80, $0x38;
	[tilespmem:$0x1F880] =	vst v63  }
0x67a: {  	s13 =	sshrl.u32 @!p0 s13, $0x3;
	s25 =	sadd.s32 @!p0 $0x30, s25;
	s30 =	simm.s32 @!p0 $0x1EF80  }
0x67b: {  	[tilespmem:s30], [sflag:$0x3] =	stream.linear.gather @!p0 [hbm4b:s25+s26], $0x80, $0x38;
	[tilespmem:$0x1F880] =	vst v63  }
0x67c: {  	s13 =	sadd.s32 @!p0 s4, s13;
	s25 =	simm.s32 @!p0 $0x1F180  }
0x67d: {  	[tilespmem:s25], [sflag:$0x7] =	stream.linear.gather @!p0 [hbm4b:s13+s26], $0x80, $0x38;
	[tilespmem:$0x1F880] =	vst v63  }
0x67e: {  	s30 =	simm.s32 @!p0 $0x1F380;
	s25 =	sadd.s32 @!p0 $0x80, s13  }
0x67f: {  	[tilespmem:s30], [sflag:$0x7] =	stream.linear.gather @!p0 [hbm4b:s25+s26], $0x80, $0x38;
	[tilespmem:$0x1F880] =	vst v63  }
0x680: {  	s25 =	sadd.s32 @!p0 $0x100, s13;
	s30 =	simm.s32 @!p0 $0x1F580  }
0x681: {  	[tilespmem:s30], [sflag:$0x7] =	stream.linear.gather @!p0 [hbm4b:s25+s26], $0x80, $0x38;
	[tilespmem:$0x1F880] =	vst v63  }
0x682: {  	s13 =	sadd.s32 @!p0 $0x180, s13;
	s25 =	simm.s32 @!p0 $0x1F780  }
0x683: {  	[tilespmem:s25], [sflag:$0x7] =	stream.linear.gather @!p0 [hbm4b:s13+s26], $0x80, $0x38;
	[tilespmem:$0x1F880] =	vst v63  }
0x684: {  	_ =	swait.ge [sflag:s29], $0x200  }
0x685: {  	[sflag:s29] =	ssyncset.done $0x0  }
0x686: {  	[sflag:s29] =	ssyncadd.s32 $0xFFFFFE00  }
0x687: {  	_ =	swait.ge [sflag:s10], $0x200  }
0x688: {  	p1 =	por $0x1, $0x1;
	p2 =	por $0x1, $0x1;
	[sflag:s10] =	ssyncset.done $0x0  }
0x689: {  	s25 =	simm.s32 $0x0;
	s26 =	simm.s32 $0x0;
	[sflag:s10] =	ssyncadd.s32 $0xFFFFFE00  }
.LBB2_57:
0x68a: {  	v1 =	vld [tilespmem:s26+$0x1EA00]  }
0x68b: {  	v2 =	vld [tilespmem:s26+$0x1EA10]  }
0x68c: {  	v3 =	vld [tilespmem:s26+$0x1EA20]  }
0x68d: {  	v4 =	vld [tilespmem:s26+$0x1F200]  }
0x68e: {  	v6 =	vld [tilespmem:s26+$0x1EA30]  }
0x68f: {  	v7 =	vld [tilespmem:s26+$0x1F210]  }
0x690: {  	v9 =	vld [tilespmem:s26+$0x1EA40]  }
0x691: {  	v10 =	vld [tilespmem:s26+$0x1F220]  }
0x692: {  	v12 =	vld [tilespmem:s26+$0x1EA50]  }
0x693: {  	v13 =	vld [tilespmem:s26+$0x1F230]  }
0x694: {  	v15 =	vld [tilespmem:s26+$0x1EA60]  }
0x695: {  	v16 =	vld [tilespmem:s26+$0x1F240]  }
0x696: {  	v18 =	vld [tilespmem:s26+$0x1EA70]  }
0x697: {  	v19 =	vld [tilespmem:s26+$0x1F250]  }
0x698: {  	v21 =	vld [tilespmem:s26+$0x1EC00]  }
0x699: {  	v22 =	vld [tilespmem:s26+$0x1F260]  }
0x69a: {  	v24 =	vld [tilespmem:s26+$0x1EC10]  }
0x69b: {  	v25 =	vld [tilespmem:s26+$0x1F270]  }
0x69c: {  	v27 =	vld [tilespmem:s26+$0x1EC20]  }
0x69d: {  	v28 =	vld [tilespmem:s26+$0x1F400]  }
0x69e: {  	v30 =	vld [tilespmem:s26+$0x1F410]  }
0x69f: {  	v31 =	vld [tilespmem:s26+$0x1EC30]  }
0x6a0: {  	v33 =	vld [tilespmem:s26+$0x1F420]  }
0x6a1: {  	v34 =	vld [tilespmem:s26+$0x1EC40]  }
0x6a2: {  	v36 =	vld [tilespmem:s26+$0x1EC50]  }
0x6a3: {  	v37 =	vld [tilespmem:s26+$0x1F430]  }
0x6a4: {  	v38 =	vld [tilespmem:s26+$0x1EC60]  }
0x6a5: {  	v40 =	vld [tilespmem:s26+$0x1EC70]  }
0x6a6: {  	v41 =	vld [tilespmem:s26+$0x1F440]  }
0x6a7: {  	v60 =	vld [tilespmem:s26+$0x1F450]  }
0x6a8: {  	v62 =	vld [tilespmem:s26+$0x1F470]  }
0x6a9: {  	v5 =	vld.idx.msk [tilespmem:v1+s25+$0x0], $0xffff  }
0x6aa: {  	v8 =	vld.idx.msk [tilespmem:v2+s25+$0x0], $0xffff  }
0x6ab: {  	v11 =	vld.idx.msk [tilespmem:v3+s25+$0x0], $0xffff  }
0x6ac: {  	v14 =	vld.idx.msk [tilespmem:v6+s25+$0x0], $0xffff  }
0x6ad: {  	v17 =	vld.idx.msk [tilespmem:v9+s25+$0x0], $0xffff  }
0x6ae: {  	v20 =	vld.idx.msk [tilespmem:v12+s25+$0x0], $0xffff  }
0x6af: {  	v23 =	vld.idx.msk [tilespmem:v15+s25+$0x0], $0xffff;
	vm0 =	vlt.f32 v5, v4  }
0x6b0: {  	v26 =	vld.idx.msk [tilespmem:v18+s25+$0x0], $0xffff;
	vm1 =	vlt.f32 v8, v7  }
0x6b1: {  	v29 =	vld.idx.msk [tilespmem:v21+s25+$0x0], $0xffff;
	vm2 =	vlt.f32 v11, v10  }
0x6b2: {  	v32 =	vld.idx.msk [tilespmem:v24+s25+$0x0], $0xffff;
	vm3 =	vlt.f32 v14, v13  }
0x6b3: {  	v35 =	vld.idx.msk [tilespmem:v27+s25+$0x0], $0xffff;
	vm4 =	vlt.f32 v17, v16  }
0x6b4: {  	v39 =	vld.idx.msk [tilespmem:v31+s25+$0x0], $0xffff;
	v4 =	vmax.f32 v5, v4;
	vm5 =	vlt.f32 v20, v19  }
0x6b5: {  	v42 =	vld.idx.msk [tilespmem:v34+s25+$0x0], $0xffff;
	vm14 =	vlt.f32 v23, v22;
	[tilespmem:v1+s25+$0x0] =	vst.idx.msk vm0, v4;
	v1 =	vmax.f32 v8, v7  }
0x6b6: {  	v61 =	vld.idx.msk [tilespmem:v36+s25+$0x0], $0xffff;
	vm15 =	vlt.f32 v26, v25;
	[tilespmem:v2+s25+$0x0] =	vst.idx.msk vm1, v1;
	v1 =	vmax.f32 v11, v10  }
0x6b7: {  	vm8 =	vlt.f32 v29, v28;
	v2 =	vld [tilespmem:s26+$0x1F460];
	[tilespmem:v3+s25+$0x0] =	vst.idx.msk vm2, v1;
	v1 =	vmax.f32 v14, v13  }
0x6b8: {  	vm9 =	vlt.f32 v32, v30;
	v3 =	vld.idx.msk [tilespmem:v38+s25+$0x0], $0xffff;
	[tilespmem:v6+s25+$0x0] =	vst.idx.msk vm3, v1;
	v1 =	vmax.f32 v17, v16  }
0x6b9: {  	v63 =	vld.idx.msk [tilespmem:v40+s25+$0x0], $0xffff;
	vm10 =	vlt.f32 v35, v33;
	[tilespmem:v9+s25+$0x0] =	vst.idx.msk vm4, v1;
	v1 =	vmax.f32 v20, v19  }
0x6ba: {  	vm11 =	vlt.f32 v39, v37;
	[tilespmem:v12+s25+$0x0] =	vst.idx.msk vm5, v1;
	v1 =	vmax.f32 v23, v22  }
0x6bb: {  	vm12 =	vlt.f32 v42, v41;
	[tilespmem:v15+s25+$0x0] =	vst.idx.msk vm14, v1;
	v1 =	vmax.f32 v26, v25  }
0x6bc: {  	vm13 =	vlt.f32 v61, v60;
	[tilespmem:v18+s25+$0x0] =	vst.idx.msk vm15, v1;
	v1 =	vmax.f32 v29, v28  }
0x6bd: {  	vm14 =	vlt.f32 v3, v2;
	[tilespmem:v21+s25+$0x0] =	vst.idx.msk vm8, v1;
	v1 =	vmax.f32 v32, v30  }
0x6be: {  	vm15 =	vlt.f32 v63, v62;
	[tilespmem:v24+s25+$0x0] =	vst.idx.msk vm9, v1;
	v1 =	vmax.f32 v35, v33  }
0x6bf: {  	p3 =	por p2, p2;
	[tilespmem:v27+s25+$0x0] =	vst.idx.msk vm10, v1;
	v1 =	vmax.f32 v39, v37  }
.Ltmp40:
0x6c0: {  	[tilespmem:v31+s25+$0x0] =	vst.idx.msk vm11, v1;
	v1 =	vmax.f32 v42, v41;
	(pc) =	sbr.rel @p3 .LBB2_57-.Ltmp40, $4  }
0x6c1: {  	[tilespmem:v34+s25+$0x0] =	vst.idx.msk vm12, v1;
	v1 =	vmax.f32 v61, v60  }
0x6c2: {  	[tilespmem:v36+s25+$0x0] =	vst.idx.msk vm13, v1;
	v1 =	vmax.f32 v3, v2  }
0x6c3: {  	[tilespmem:v38+s25+$0x0] =	vst.idx.msk vm14, v1;
	v1 =	vmax.f32 v63, v62  }
0x6c4: {  	p2 =	por $0x0, $0x0;
	s26 =	simm.s32 $0x400;
	[tilespmem:v40+s25+$0x0] =	vst.idx.msk vm15, v1;
	v1 =	vimm.s32 $0x0  }
.Ltmp41:
0x6c5: {  	_ = 	snop;
	(pc) =	sbr.rel .LBB2_58-.Ltmp41, $1  }
0x6c6: {  	_ =	sdelay $0x3  }
.LBB2_59:
0x6c7: {  	s25 =	simm.s32 @!p1 $0x0  }
0x6c8: {  	v1 =	vpsel !p1, $0x0, v1;
	s25 =	simm.s32 @p1 $0x400;
	p1 =	por !p1, !p1  }
.LBB2_58:
0x6c9: {  	v2 =	vld [tilespmem:s25+$0x1EA00]  }
0x6ca: {  	v3 =	vld [tilespmem:s25+$0x1EA10]  }
0x6cb: {  	v4 =	vld [tilespmem:s25+$0x1EA20]  }
0x6cc: {  	v5 =	vld [tilespmem:s25+$0x1F200]  }
0x6cd: {  	v7 =	vld [tilespmem:s25+$0x1EA30]  }
0x6ce: {  	v8 =	vld [tilespmem:s25+$0x1F210]  }
0x6cf: {  	v10 =	vld [tilespmem:s25+$0x1EA40]  }
0x6d0: {  	v11 =	vld [tilespmem:s25+$0x1F220]  }
0x6d1: {  	v13 =	vld [tilespmem:s25+$0x1EA50]  }
0x6d2: {  	v14 =	vld [tilespmem:s25+$0x1F230]  }
0x6d3: {  	v16 =	vld [tilespmem:s25+$0x1EA60]  }
0x6d4: {  	v17 =	vld [tilespmem:s25+$0x1F240]  }
0x6d5: {  	v19 =	vld [tilespmem:s25+$0x1EA70]  }
0x6d6: {  	v20 =	vld [tilespmem:s25+$0x1F250]  }
0x6d7: {  	v22 =	vld [tilespmem:s25+$0x1EC00]  }
0x6d8: {  	v23 =	vld [tilespmem:s25+$0x1F260]  }
0x6d9: {  	v25 =	vld [tilespmem:s25+$0x1EC10]  }
0x6da: {  	v26 =	vld [tilespmem:s25+$0x1F270]  }
0x6db: {  	v28 =	vld [tilespmem:s25+$0x1EC20]  }
0x6dc: {  	v29 =	vld [tilespmem:s25+$0x1F400]  }
0x6dd: {  	v31 =	vld [tilespmem:s25+$0x1F410]  }
0x6de: {  	v32 =	vld [tilespmem:s25+$0x1EC30]  }
0x6df: {  	v34 =	vld [tilespmem:s25+$0x1F420]  }
0x6e0: {  	v35 =	vld [tilespmem:s25+$0x1EC40]  }
0x6e1: {  	v37 =	vld [tilespmem:s25+$0x1EC50]  }
0x6e2: {  	v38 =	vld [tilespmem:s25+$0x1F430]  }
0x6e3: {  	v39 =	vld [tilespmem:s25+$0x1EC60]  }
0x6e4: {  	v41 =	vld [tilespmem:s25+$0x1EC70]  }
0x6e5: {  	v42 =	vld [tilespmem:s25+$0x1F440]  }
0x6e6: {  	v44 =	vld [tilespmem:s25+$0x1F450]  }
0x6e7: {  	v46 =	vld [tilespmem:s25+$0x1F460]  }
0x6e8: {  	v48 =	vld [tilespmem:s25+$0x1F470]  }
0x6e9: {  	v6 =	vld.idx.msk [tilespmem:v2+s3+$0x0], $0xffff  }
0x6ea: {  	v9 =	vld.idx.msk [tilespmem:v3+s3+$0x0], $0xffff  }
0x6eb: {  	v12 =	vld.idx.msk [tilespmem:v4+s3+$0x0], $0xffff  }
0x6ec: {  	v15 =	vld.idx.msk [tilespmem:v7+s3+$0x0], $0xffff  }
0x6ed: {  	v18 =	vld.idx.msk [tilespmem:v10+s3+$0x0], $0xffff  }
0x6ee: {  	v21 =	vld.idx.msk [tilespmem:v13+s3+$0x0], $0xffff  }
0x6ef: {  	v24 =	vld.idx.msk [tilespmem:v16+s3+$0x0], $0xffff;
	vm1 =	vlt.f32 v6, v5;
	vm0 =	vlt.f32 v9, v8  }
0x6f0: {  	v27 =	vld.idx.msk [tilespmem:v19+s3+$0x0], $0xffff;
	vm2 =	vlt.f32 v12, v11;
	vm3 =	vmor vm1, vm0  }
0x6f1: {  	v30 =	vld.idx.msk [tilespmem:v22+s3+$0x0], $0xffff;
	vm4 =	vmor vm3, vm2;
	vm3 =	vlt.f32 v15, v14  }
0x6f2: {  	v33 =	vld.idx.msk [tilespmem:v25+s3+$0x0], $0xffff;
	vm5 =	vmor vm4, vm3;
	vm4 =	vlt.f32 v18, v17  }
0x6f3: {  	v36 =	vld.idx.msk [tilespmem:v28+s3+$0x0], $0xffff;
	vm6 =	vmor vm5, vm4;
	vm5 =	vlt.f32 v21, v20  }
0x6f4: {  	v62 =	vld.idx.msk [tilespmem:v32+s3+$0x0], $0xffff;
	vm7 =	vmor vm6, vm5;
	vm6 =	vlt.f32 v24, v23  }
0x6f5: {  	v43 =	vld.idx.msk [tilespmem:v35+s3+$0x0], $0xffff;
	vm8 =	vmor vm7, vm6;
	vm7 =	vlt.f32 v27, v26  }
0x6f6: {  	v45 =	vld.idx.msk [tilespmem:v37+s3+$0x0], $0xffff;
	vm9 =	vmor vm8, vm7;
	vm8 =	vlt.f32 v30, v29  }
0x6f7: {  	v47 =	vld.idx.msk [tilespmem:v39+s3+$0x0], $0xffff;
	vm10 =	vlt.f32 v33, v31;
	vm9 =	vmor vm9, vm8  }
0x6f8: {  	v49 =	vld.idx.msk [tilespmem:v41+s3+$0x0], $0xffff;
	vm12 =	vlt.f32 v36, v34;
	vm9 =	vmor vm9, vm10  }
0x6f9: {  	vm14 =	vlt.f32 v62, v38;
	vm9 =	vmor vm9, vm12  }
0x6fa: {  	vm15 =	vlt.f32 v43, v42;
	vm9 =	vmor vm9, vm14  }
0x6fb: {  	vm13 =	vlt.f32 v45, v44;
	vm9 =	vmor vm9, vm15  }
0x6fc: {  	v40 =	vimm.s32 $0x0;
	vm11 =	vlt.f32 v47, v46;
	vm9 =	vmor vm9, vm13  }
0x6fd: {  	v40 =	vsel vm0, $0xFFFFFFFF, v40;
	vm0 =	vmor vm9, vm11;
	vm9 =	vlt.f32 v49, v48  }
0x6fe: {  	vm0 =	vmor vm0, vm9  }
0x6ff: {  	v50 =	vsel vm0, $0x1, v0  }
0x700: {  	v1 =	vor.u32 v50, v1  }
0x701: {  	v50 =	vxor.u32 @!p1 $0x80000000, v1  }
0x702: {  	(xrf0) =	vmax.scan.msk.u32 @!p1 $0xffff, v50;
	_ =	sdelay $0x2  }
0x703: {  	[tilespmem:$0x1FF80] =	vst v40  }
0x704: {  	v63 =	vld [tilespmem:$0x1FF80];
	_ =	sdelay $0x1  }
0x705: {  	v50, _, _ =	vpop @!p1 (xrf0)  }
0x706: {  	(v2sf) =	vpush @!p1 v50, $0xF;
	_ =	sdelay $0x1  }
0x707: {  	vm0 =	vnez.u8 v63;
	_ =	sdelay $0x3  }
0x708: {  	v5 =	vmax.f32 v6, v5  }
0x709: {  	[tilespmem:v2+s3+$0x0] =	vst.idx.msk vm1, v5;
	v2 =	vmax.f32 v9, v8  }
0x70a: {  	[tilespmem:v3+s3+$0x0] =	vst.idx.msk vm0, v2;
	v2 =	vmax.f32 v12, v11  }
0x70b: {  	[tilespmem:v4+s3+$0x0] =	vst.idx.msk vm2, v2;
	v2 =	vmax.f32 v15, v14  }
0x70c: {  	[tilespmem:v7+s3+$0x0] =	vst.idx.msk vm3, v2;
	v2 =	vmax.f32 v18, v17  }
0x70d: {  	[tilespmem:v10+s3+$0x0] =	vst.idx.msk vm4, v2;
	v2 =	vmax.f32 v21, v20  }
0x70e: {  	[tilespmem:v13+s3+$0x0] =	vst.idx.msk vm5, v2;
	v2 =	vmax.f32 v24, v23  }
0x70f: {  	[tilespmem:v16+s3+$0x0] =	vst.idx.msk vm6, v2;
	v2 =	vmax.f32 v27, v26  }
0x710: {  	[tilespmem:v19+s3+$0x0] =	vst.idx.msk vm7, v2;
	v2 =	vmax.f32 v30, v29  }
0x711: {  	[tilespmem:v22+s3+$0x0] =	vst.idx.msk vm8, v2;
	v2 =	vmax.f32 v33, v31;
	s13 =	spop @!p1 (v2sf)  }
0x712: {  	[tilespmem:v25+s3+$0x0] =	vst.idx.msk vm10, v2;
	v2 =	vmax.f32 v36, v34;
	p2 =	sgt.u32 @!p1 s13, $0x80000000  }
0x713: {  	[tilespmem:v28+s3+$0x0] =	vst.idx.msk vm12, v2;
	v2 =	vmax.f32 v62, v38;
	p2 =	por p1, p2  }
.Ltmp42:
0x714: {  	[tilespmem:v32+s3+$0x0] =	vst.idx.msk vm14, v2;
	v2 =	vmax.f32 v43, v42;
	(pc) =	sbr.rel @p2 .LBB2_59-.Ltmp42, $4  }
0x715: {  	[tilespmem:v35+s3+$0x0] =	vst.idx.msk vm15, v2;
	v2 =	vmax.f32 v45, v44  }
0x716: {  	[tilespmem:v37+s3+$0x0] =	vst.idx.msk vm13, v2;
	v2 =	vmax.f32 v47, v46  }
0x717: {  	[tilespmem:v39+s3+$0x0] =	vst.idx.msk vm11, v2;
	v2 =	vmax.f32 v49, v48  }
0x718: {  	[tilespmem:v41+s3+$0x0] =	vst.idx.msk vm9, v2  }
.Ltmp43:
0x719: {  	(pc) =	sbr.rel @p0 .LBB2_62-.Ltmp43, $1  }
0x71a: {  	_ =	sdelay $0x3  }
0x71b: {  	s13 =	sadd.s32 $0x7, s23  }
0x71c: {  	s23 =	sshll.u32 s13, $0x6  }
0x71d: {  	s23 =	sadd.s32 s2, s23  }
0x71e: {  	[tilespmem:s1], [sflag:$0x4] =	stream.linear.gather [hbm4b:s23+s3], $0x80, $0x38;
	[tilespmem:$0x1F880] =	vst v63  }
0x71f: {  	s13 =	sshll.u32 s13, $0xC;
	s25 =	sadd.s32 $0x10, s23  }
0x720: {  	[tilespmem:s12], [sflag:$0x4] =	stream.linear.gather [hbm4b:s25+s3], $0x80, $0x38;
	[tilespmem:$0x1F880] =	vst v63  }
0x721: {  	s13 =	sadd.s32 s16, s13;
	s26 =	sadd.s32 $0x20, s23  }
0x722: {  	[tilespmem:s14], [sflag:$0x4] =	stream.linear.gather [hbm4b:s26+s3], $0x80, $0x38;
	[tilespmem:$0x1F880] =	vst v63  }
0x723: {  	s23 =	sadd.s32 $0x30, s23;
	s13 =	sshrl.u32 s13, $0x3  }
0x724: {  	[tilespmem:s20], [sflag:$0x4] =	stream.linear.gather [hbm4b:s23+s3], $0x80, $0x38;
	[tilespmem:$0x1F880] =	vst v63  }
0x725: {  	s13 =	sadd.s32 s4, s13  }
0x726: {  	[tilespmem:s21], [sflag:$0x8] =	stream.linear.gather [hbm4b:s13+s3], $0x80, $0x38;
	[tilespmem:$0x1F880] =	vst v63  }
0x727: {  	s30 =	sadd.s32 $0x80, s13  }
0x728: {  	[tilespmem:s28], [sflag:$0x8] =	stream.linear.gather [hbm4b:s30+s3], $0x80, $0x38;
	[tilespmem:$0x1F880] =	vst v63  }
.Ltmp44:
0x729: {  	_ = 	snop;
	(pc) =	sbr.rel .LBB2_44-.Ltmp44, $4  }
0x72a: {  	s31 =	sadd.s32 $0x100, s13  }
0x72b: {  	[tilespmem:s8], [sflag:$0x8] =	stream.linear.gather [hbm4b:s31+s3], $0x80, $0x38;
	[tilespmem:$0x1F880] =	vst v63  }
0x72c: {  	s22 =	sadd.s32 $0x1, s22;
	s13 =	sadd.s32 $0x180, s13  }
0x72d: {  	[tilespmem:s9], [sflag:$0x8] =	stream.linear.gather [hbm4b:s13+s3], $0x80, $0x38;
	[tilespmem:$0x1F880] =	vst v63  }
.LBB2_62:
0x72e: {  	s22 =	simm.s32 $0x0;
	s13 =	simm.s32 $0x1E880  }
0x72f: {  	[tilespmem:s13], [sflag:$0x1] =	stream.linear.gather [hbm4b:s2+s22], $0x80, $0x38;
	[tilespmem:$0x1F880] =	vst v63  }
0x730: {  	s31 =	rddreg [dreg:$0x13];
	s23 =	simm.s32 $0x1EA80  }
0x731: {  	[tilespmem:s23], [sflag:$0x1] =	stream.linear.gather [hbm4b:s31+s22], $0x80, $0x38;
	[tilespmem:$0x1F880] =	vst v63  }
0x732: {  	s25 =	rddreg [dreg:$0x14];
	s26 =	simm.s32 $0x1EC80  }
0x733: {  	[tilespmem:s26], [sflag:$0x1] =	stream.linear.gather [hbm4b:s25+s22], $0x80, $0x38;
	[tilespmem:$0x1F880] =	vst v63  }
0x734: {  	s30 =	rddreg [dreg:$0x15];
	s31 =	simm.s32 $0x1EE80  }
0x735: {  	[tilespmem:s31], [sflag:$0x1] =	stream.linear.gather [hbm4b:s30+s22], $0x80, $0x38;
	[tilespmem:$0x1F880] =	vst v63  }
0x736: {  	s25 =	rddreg [dreg:$0x5];
	s26 =	simm.s32 $0x1E900  }
0x737: {  	[tilespmem:s26], [sflag:$0x2] =	stream.linear.gather [hbm4b:s25+s22], $0x80, $0x38;
	[tilespmem:$0x1F880] =	vst v63  }
0x738: {  	s30 =	simm.s32 $0x1EB00;
	s31 =	rddreg [dreg:$0x17]  }
0x739: {  	[tilespmem:s30], [sflag:$0x2] =	stream.linear.gather [hbm4b:s31+s22], $0x80, $0x38;
	[tilespmem:$0x1F880] =	vst v63  }
0x73a: {  	s25 =	simm.s32 $0x1ED00;
	s26 =	rddreg [dreg:$0x18]  }
0x73b: {  	[tilespmem:s25], [sflag:$0x2] =	stream.linear.gather [hbm4b:s26+s22], $0x80, $0x38;
	[tilespmem:$0x1F880] =	vst v63  }
0x73c: {  	s30 =	simm.s32 $0x1EF00;
	s31 =	rddreg [dreg:$0x19]  }
0x73d: {  	[tilespmem:s30], [sflag:$0x2] =	stream.linear.gather [hbm4b:s31+s22], $0x80, $0x38;
	[tilespmem:$0x1F880] =	vst v63  }
0x73e: {  	s25 =	rddreg [dreg:$0x7];
	s26 =	simm.s32 $0x1E980  }
0x73f: {  	[tilespmem:s26], [sflag:$0x3] =	stream.linear.gather [hbm4b:s25+s22], $0x80, $0x38;
	[tilespmem:$0x1F880] =	vst v63  }
0x740: {  	s30 =	simm.s32 $0x1EB80;
	s31 =	rddreg [dreg:$0x1a]  }
0x741: {  	[tilespmem:s30], [sflag:$0x3] =	stream.linear.gather [hbm4b:s31+s22], $0x80, $0x38;
	[tilespmem:$0x1F880] =	vst v63  }
0x742: {  	s25 =	simm.s32 $0x1ED80;
	s26 =	rddreg [dreg:$0x1b]  }
0x743: {  	[tilespmem:s25], [sflag:$0x3] =	stream.linear.gather [hbm4b:s26+s22], $0x80, $0x38;
	[tilespmem:$0x1F880] =	vst v63  }
0x744: {  	s30 =	simm.s32 $0x1EF80;
	s31 =	rddreg [dreg:$0x1c]  }
0x745: {  	[tilespmem:s30], [sflag:$0x3] =	stream.linear.gather [hbm4b:s31+s22], $0x80, $0x38;
	[tilespmem:$0x1F880] =	vst v63  }
0x746: {  	s25 =	rddreg [dreg:$0x9]  }
0x747: {  	[tilespmem:s1], [sflag:$0x4] =	stream.linear.gather [hbm4b:s25+s22], $0x80, $0x38;
	[tilespmem:$0x1F880] =	vst v63  }
0x748: {  	s26 =	rddreg [dreg:$0x1d]  }
0x749: {  	[tilespmem:s12], [sflag:$0x4] =	stream.linear.gather [hbm4b:s26+s22], $0x80, $0x38;
	[tilespmem:$0x1F880] =	vst v63  }
0x74a: {  	s30 =	rddreg [dreg:$0x1e]  }
0x74b: {  	[tilespmem:s14], [sflag:$0x4] =	stream.linear.gather [hbm4b:s30+s22], $0x80, $0x38;
	[tilespmem:$0x1F880] =	vst v63  }
0x74c: {  	s31 =	rddreg [dreg:$0x1f]  }
0x74d: {  	[tilespmem:s20], [sflag:$0x4] =	stream.linear.gather [hbm4b:s31+s22], $0x80, $0x38;
	[tilespmem:$0x1F880] =	vst v63  }
.LBB2_63:
0x74e: {  	_ =	swait.ge [sflag:s11], $0x200  }
0x74f: {  	p0 =	seq.s32 s22, $0x0;
	[sflag:s11] =	ssyncset.done $0x0  }
0x750: {  	s13 =	simm.s32 @!p0 $0x5;
	[sflag:s11] =	ssyncadd.s32 $0xFFFFFE00  }
0x751: {  	_ =	swait.ge @!p0 [sflag:s13], $0x200  }
0x752: {  	s23 =	sshll.u32 s22, $0x8;
	[sflag:s13] =	ssyncset.done @!p0 $0x0  }
0x753: {  	p1 =	por $0x1, $0x1;
	s25 =	simm.s32 $0x0;
	[sflag:s13] =	ssyncadd.s32 @!p0 $0xFFFFFE00  }
.LBB2_64:
0x754: {  	v1 =	vld [tilespmem:s25+$0x1E880]  }
0x755: {  	v2 =	vld [tilespmem:s25+$0x1E890]  }
0x756: {  	v3 =	vld [tilespmem:s25+$0x1E8A0]  }
0x757: {  	v4 =	vld [tilespmem:s25+$0x1E8B0]  }
0x758: {  	v5 =	vld [tilespmem:s25+$0x1E8C0]  }
0x759: {  	v6 =	vld [tilespmem:s25+$0x1E8D0]  }
0x75a: {  	v7 =	vld [tilespmem:s25+$0x1E8E0]  }
0x75b: {  	v8 =	vld [tilespmem:s25+$0x1E8F0]  }
0x75c: {  	v9 =	vld [tilespmem:s25+$0x1EA80]  }
0x75d: {  	v10 =	vld [tilespmem:s25+$0x1EA90]  }
0x75e: {  	v11 =	vld [tilespmem:s25+$0x1EAA0]  }
0x75f: {  	v12 =	vld [tilespmem:s25+$0x1EAB0]  }
0x760: {  	v13 =	vld [tilespmem:s25+$0x1EAC0]  }
0x761: {  	v1 =	vld.idx.msk [tilespmem:v1+s3+$0x0], $0xffff  }
0x762: {  	v2 =	vld.idx.msk [tilespmem:v2+s3+$0x0], $0xffff  }
0x763: {  	v3 =	vld.idx.msk [tilespmem:v3+s3+$0x0], $0xffff  }
0x764: {  	v4 =	vld.idx.msk [tilespmem:v4+s3+$0x0], $0xffff  }
0x765: {  	v5 =	vld.idx.msk [tilespmem:v5+s3+$0x0], $0xffff  }
0x766: {  	v6 =	vld.idx.msk [tilespmem:v6+s3+$0x0], $0xffff  }
0x767: {  	v7 =	vld.idx.msk [tilespmem:v7+s3+$0x0], $0xffff  }
0x768: {  	v8 =	vld.idx.msk [tilespmem:v8+s3+$0x0], $0xffff  }
0x769: {  	[tilespmem:s25+$0x1F080] =	vst v1;
	v1 =	vld [tilespmem:s25+$0x1EAD0]  }
0x76a: {  	[tilespmem:s25+$0x1F090] =	vst v2;
	v2 =	vld [tilespmem:s25+$0x1EAE0]  }
0x76b: {  	[tilespmem:s25+$0x1F0A0] =	vst v3;
	v3 =	vld [tilespmem:s25+$0x1EAF0]  }
0x76c: {  	v59 =	vld.idx.msk [tilespmem:v9+s3+$0x0], $0xffff;
	[tilespmem:s25+$0x1F0B0] =	vst v4  }
0x76d: {  	v60 =	vld.idx.msk [tilespmem:v10+s3+$0x0], $0xffff;
	[tilespmem:s25+$0x1F0C0] =	vst v5  }
0x76e: {  	v61 =	vld.idx.msk [tilespmem:v11+s3+$0x0], $0xffff;
	[tilespmem:s25+$0x1F0D0] =	vst v6  }
0x76f: {  	v62 =	vld.idx.msk [tilespmem:v12+s3+$0x0], $0xffff;
	[tilespmem:s25+$0x1F0E0] =	vst v7  }
0x770: {  	v63 =	vld.idx.msk [tilespmem:v13+s3+$0x0], $0xffff;
	[tilespmem:s25+$0x1F0F0] =	vst v8  }
0x771: {  	[tilespmem:s25+$0x1F280] =	vst v59;
	v1 =	vld.idx.msk [tilespmem:v1+s3+$0x0], $0xffff  }
0x772: {  	[tilespmem:s25+$0x1F290] =	vst v60;
	v2 =	vld.idx.msk [tilespmem:v2+s3+$0x0], $0xffff  }
0x773: {  	p2 =	por p1, p1;
	[tilespmem:s25+$0x1F2A0] =	vst v61;
	v3 =	vld.idx.msk [tilespmem:v3+s3+$0x0], $0xffff  }
.Ltmp45:
0x774: {  	[tilespmem:s25+$0x1F2B0] =	vst v62;
	(pc) =	sbr.rel @p2 .LBB2_64-.Ltmp45, $4  }
0x775: {  	[tilespmem:s25+$0x1F2C0] =	vst v63  }
0x776: {  	[tilespmem:s25+$0x1F2D0] =	vst v1  }
0x777: {  	[tilespmem:s25+$0x1F2E0] =	vst v2  }
0x778: {  	p1 =	por $0x0, $0x0;
	[tilespmem:s25+$0x1F2F0] =	vst v3;
	s25 =	simm.s32 $0x400  }
0x779: {  	s25 =	sshll.u32 s22, $0xE  }
0x77a: {  	s13 =	sor.u32 s25, s16  }
0x77b: {  	s13 =	sshrl.u32 s13, $0x3  }
0x77c: {  	s26 =	simm.s32 $0x1F080;
	s13 =	sadd.s32 s7, s13  }
0x77d: {  	[hbm4b:s13+s3] =	stream.linear.scatter [tilespmem:s26], [sflag:$0x5], $0x80, $0x38;
	[tilespmem:$0x1F880] =	vst v63  }
0x77e: {  	s30 =	simm.s32 $0x1F280;
	p1 =	sne.s32 s22, $0x3F;
	s31 =	sadd.s32 $0x80, s13  }
0x77f: {  	[hbm4b:s31+s3] =	stream.linear.scatter [tilespmem:s30], [sflag:$0x5], $0x80, $0x38;
	[tilespmem:$0x1F880] =	vst v63  }
.Ltmp46:
0x780: {  	_ = 	snop;
	(pc) =	sbr.rel @p1 .LBB2_67-.Ltmp46, $4  }
0x781: {  	s26 =	sadd.s32 $0x100, s13;
	s31 =	simm.s32 $0x1F480  }
0x782: {  	[hbm4b:s26+s3] =	stream.linear.scatter [tilespmem:s31], [sflag:$0x5], $0x80, $0x38;
	[tilespmem:$0x1F880] =	vst v63  }
0x783: {  	s13 =	sadd.s32 $0x180, s13;
	s31 =	simm.s32 $0x1F680  }
0x784: {  	[hbm4b:s13+s3] =	stream.linear.scatter [tilespmem:s31], [sflag:$0x5], $0x80, $0x38;
	[tilespmem:$0x1F880] =	vst v63  }
.Ltmp47:
0x785: {  	(pc) =	sbr.rel .LBB2_68-.Ltmp47, $4  }
0x786: {  	_ = 	snop  }
0x787: {  	_ =	swait.ge [sflag:s17], $0x200  }
0x788: {  	[sflag:s17] =	ssyncset.done $0x0  }
0x789: {  	[sflag:s17] =	ssyncadd.s32 $0xFFFFFE00  }
.LBB2_67:
0x78a: {  	s13 =	rddreg [dreg:$0xb]  }
0x78b: {  	s26 =	simm.s32 $0x1E880;
	s13 =	sadd.s32 s23, s13  }
0x78c: {  	[tilespmem:s26], [sflag:$0x1] =	stream.linear.gather [hbm4b:s13+s3], $0x80, $0x38;
	[tilespmem:$0x1F880] =	vst v63  }
0x78d: {  	s30 =	simm.s32 $0x1EA80;
	s31 =	sadd.s32 $0x10, s13  }
0x78e: {  	[tilespmem:s30], [sflag:$0x1] =	stream.linear.gather [hbm4b:s31+s3], $0x80, $0x38;
	[tilespmem:$0x1F880] =	vst v63  }
0x78f: {  	s26 =	sadd.s32 $0x20, s13;
	s31 =	simm.s32 $0x1EC80  }
0x790: {  	[tilespmem:s31], [sflag:$0x1] =	stream.linear.gather [hbm4b:s26+s3], $0x80, $0x38;
	[tilespmem:$0x1F880] =	vst v63  }
.Ltmp48:
0x791: {  	s13 =	sadd.s32 $0x30, s13;
	s31 =	simm.s32 $0x1EE80;
	(pc) =	sbr.rel @p0 .LBB2_69-.Ltmp48, $4  }
0x792: {  	[tilespmem:s31], [sflag:$0x1] =	stream.linear.gather [hbm4b:s13+s3], $0x80, $0x38;
	[tilespmem:$0x1F880] =	vst v63  }
0x793: {  	_ =	swait.ge [sflag:s17], $0x200  }
0x794: {  	[sflag:s17] =	ssyncset.done $0x0  }
0x795: {  	[sflag:s17] =	ssyncadd.s32 $0xFFFFFE00  }
.LBB2_68:
0x796: {  	_ =	swait.ge [sflag:s18], $0x200  }
0x797: {  	[sflag:s18] =	ssyncset.done $0x0  }
0x798: {  	[sflag:s18] =	ssyncadd.s32 $0xFFFFFE00  }
.LBB2_69:
0x799: {  	s26 =	simm.s32 $0x0;
	p2 =	por $0x1, $0x1  }
.LBB2_70:
0x79a: {  	v1 =	vld [tilespmem:s26+$0x1E900]  }
0x79b: {  	v2 =	vld [tilespmem:s26+$0x1E910]  }
0x79c: {  	v3 =	vld [tilespmem:s26+$0x1E920]  }
0x79d: {  	v4 =	vld [tilespmem:s26+$0x1E930]  }
0x79e: {  	v5 =	vld [tilespmem:s26+$0x1E940]  }
0x79f: {  	v6 =	vld [tilespmem:s26+$0x1E950]  }
0x7a0: {  	v7 =	vld [tilespmem:s26+$0x1E960]  }
0x7a1: {  	v8 =	vld [tilespmem:s26+$0x1E970]  }
0x7a2: {  	v9 =	vld [tilespmem:s26+$0x1EB00]  }
0x7a3: {  	v10 =	vld [tilespmem:s26+$0x1EB10]  }
0x7a4: {  	v11 =	vld [tilespmem:s26+$0x1EB20]  }
0x7a5: {  	v12 =	vld [tilespmem:s26+$0x1EB30]  }
0x7a6: {  	v13 =	vld [tilespmem:s26+$0x1EB40]  }
0x7a7: {  	v1 =	vld.idx.msk [tilespmem:v1+s3+$0x0], $0xffff  }
0x7a8: {  	v2 =	vld.idx.msk [tilespmem:v2+s3+$0x0], $0xffff  }
0x7a9: {  	v3 =	vld.idx.msk [tilespmem:v3+s3+$0x0], $0xffff  }
0x7aa: {  	v4 =	vld.idx.msk [tilespmem:v4+s3+$0x0], $0xffff  }
0x7ab: {  	v5 =	vld.idx.msk [tilespmem:v5+s3+$0x0], $0xffff  }
0x7ac: {  	v6 =	vld.idx.msk [tilespmem:v6+s3+$0x0], $0xffff  }
0x7ad: {  	v7 =	vld.idx.msk [tilespmem:v7+s3+$0x0], $0xffff  }
0x7ae: {  	v8 =	vld.idx.msk [tilespmem:v8+s3+$0x0], $0xffff  }
0x7af: {  	[tilespmem:s26+$0x1F100] =	vst v1;
	v1 =	vld [tilespmem:s26+$0x1EB50]  }
0x7b0: {  	[tilespmem:s26+$0x1F110] =	vst v2;
	v2 =	vld [tilespmem:s26+$0x1EB60]  }
0x7b1: {  	[tilespmem:s26+$0x1F120] =	vst v3;
	v3 =	vld [tilespmem:s26+$0x1EB70]  }
0x7b2: {  	v59 =	vld.idx.msk [tilespmem:v9+s3+$0x0], $0xffff;
	[tilespmem:s26+$0x1F130] =	vst v4  }
0x7b3: {  	v60 =	vld.idx.msk [tilespmem:v10+s3+$0x0], $0xffff;
	[tilespmem:s26+$0x1F140] =	vst v5  }
0x7b4: {  	v61 =	vld.idx.msk [tilespmem:v11+s3+$0x0], $0xffff;
	[tilespmem:s26+$0x1F150] =	vst v6  }
0x7b5: {  	v62 =	vld.idx.msk [tilespmem:v12+s3+$0x0], $0xffff;
	[tilespmem:s26+$0x1F160] =	vst v7  }
0x7b6: {  	v63 =	vld.idx.msk [tilespmem:v13+s3+$0x0], $0xffff;
	[tilespmem:s26+$0x1F170] =	vst v8  }
0x7b7: {  	[tilespmem:s26+$0x1F300] =	vst v59;
	v1 =	vld.idx.msk [tilespmem:v1+s3+$0x0], $0xffff  }
0x7b8: {  	[tilespmem:s26+$0x1F310] =	vst v60;
	v2 =	vld.idx.msk [tilespmem:v2+s3+$0x0], $0xffff  }
0x7b9: {  	p3 =	por p2, p2;
	[tilespmem:s26+$0x1F320] =	vst v61;
	v3 =	vld.idx.msk [tilespmem:v3+s3+$0x0], $0xffff  }
.Ltmp49:
0x7ba: {  	[tilespmem:s26+$0x1F330] =	vst v62;
	(pc) =	sbr.rel @p3 .LBB2_70-.Ltmp49, $4  }
0x7bb: {  	[tilespmem:s26+$0x1F340] =	vst v63  }
0x7bc: {  	[tilespmem:s26+$0x1F350] =	vst v1  }
0x7bd: {  	[tilespmem:s26+$0x1F360] =	vst v2  }
0x7be: {  	p2 =	por $0x0, $0x0;
	[tilespmem:s26+$0x1F370] =	vst v3;
	s26 =	simm.s32 $0x400  }
0x7bf: {  	s13 =	sor.u32 s25, s5  }
0x7c0: {  	s25 =	sshrl.u32 s13, $0x3  }
0x7c1: {  	s13 =	sor.u32 $0x80200, s25  }
0x7c2: {  	s26 =	simm.s32 $0x1F100;
	s13 =	sadd.s32 s7, s13  }
0x7c3: {  	[hbm4b:s13+s3] =	stream.linear.scatter [tilespmem:s26], [sflag:$0x6], $0x80, $0x38;
	[tilespmem:$0x1F880] =	vst v63  }
0x7c4: {  	s30 =	simm.s32 $0x1F300;
	s31 =	sadd.s32 $0x80, s13  }
0x7c5: {  	[hbm4b:s31+s3] =	stream.linear.scatter [tilespmem:s30], [sflag:$0x6], $0x80, $0x38;
	[tilespmem:$0x1F880] =	vst v63  }
.Ltmp50:
0x7c6: {  	_ = 	snop;
	(pc) =	sbr.rel @p1 .LBB2_73-.Ltmp50, $4  }
0x7c7: {  	s26 =	sadd.s32 $0x100, s13;
	s31 =	simm.s32 $0x1F500  }
0x7c8: {  	[hbm4b:s26+s3] =	stream.linear.scatter [tilespmem:s31], [sflag:$0x6], $0x80, $0x38;
	[tilespmem:$0x1F880] =	vst v63  }
0x7c9: {  	s13 =	sadd.s32 $0x180, s13;
	s31 =	simm.s32 $0x1F700  }
0x7ca: {  	[hbm4b:s13+s3] =	stream.linear.scatter [tilespmem:s31], [sflag:$0x6], $0x80, $0x38;
	[tilespmem:$0x1F880] =	vst v63  }
.Ltmp51:
0x7cb: {  	(pc) =	sbr.rel .LBB2_74-.Ltmp51, $4  }
0x7cc: {  	_ = 	snop  }
0x7cd: {  	_ =	swait.ge [sflag:s24], $0x200  }
0x7ce: {  	[sflag:s24] =	ssyncset.done $0x0  }
0x7cf: {  	[sflag:s24] =	ssyncadd.s32 $0xFFFFFE00  }
.LBB2_73:
0x7d0: {  	s13 =	rddreg [dreg:$0xc]  }
0x7d1: {  	s26 =	simm.s32 $0x1E900;
	s13 =	sadd.s32 s23, s13  }
0x7d2: {  	[tilespmem:s26], [sflag:$0x2] =	stream.linear.gather [hbm4b:s13+s3], $0x80, $0x38;
	[tilespmem:$0x1F880] =	vst v63  }
0x7d3: {  	s30 =	simm.s32 $0x1EB00;
	s31 =	sadd.s32 $0x10, s13  }
0x7d4: {  	[tilespmem:s30], [sflag:$0x2] =	stream.linear.gather [hbm4b:s31+s3], $0x80, $0x38;
	[tilespmem:$0x1F880] =	vst v63  }
0x7d5: {  	s26 =	sadd.s32 $0x20, s13;
	s31 =	simm.s32 $0x1ED00  }
0x7d6: {  	[tilespmem:s31], [sflag:$0x2] =	stream.linear.gather [hbm4b:s26+s3], $0x80, $0x38;
	[tilespmem:$0x1F880] =	vst v63  }
.Ltmp52:
0x7d7: {  	s13 =	sadd.s32 $0x30, s13;
	s31 =	simm.s32 $0x1EF00;
	(pc) =	sbr.rel @p0 .LBB2_75-.Ltmp52, $4  }
0x7d8: {  	[tilespmem:s31], [sflag:$0x2] =	stream.linear.gather [hbm4b:s13+s3], $0x80, $0x38;
	[tilespmem:$0x1F880] =	vst v63  }
0x7d9: {  	_ =	swait.ge [sflag:s24], $0x200  }
0x7da: {  	[sflag:s24] =	ssyncset.done $0x0  }
0x7db: {  	[sflag:s24] =	ssyncadd.s32 $0xFFFFFE00  }
.LBB2_74:
0x7dc: {  	_ =	swait.ge [sflag:s6], $0x200  }
0x7dd: {  	[sflag:s6] =	ssyncset.done $0x0  }
0x7de: {  	[sflag:s6] =	ssyncadd.s32 $0xFFFFFE00  }
.LBB2_75:
0x7df: {  	s26 =	simm.s32 $0x0;
	p2 =	por $0x1, $0x1  }
.LBB2_76:
0x7e0: {  	v1 =	vld [tilespmem:s26+$0x1E980]  }
0x7e1: {  	v2 =	vld [tilespmem:s26+$0x1E990]  }
0x7e2: {  	v3 =	vld [tilespmem:s26+$0x1E9A0]  }
0x7e3: {  	v4 =	vld [tilespmem:s26+$0x1E9B0]  }
0x7e4: {  	v5 =	vld [tilespmem:s26+$0x1E9C0]  }
0x7e5: {  	v6 =	vld [tilespmem:s26+$0x1E9D0]  }
0x7e6: {  	v7 =	vld [tilespmem:s26+$0x1E9E0]  }
0x7e7: {  	v8 =	vld [tilespmem:s26+$0x1E9F0]  }
0x7e8: {  	v9 =	vld [tilespmem:s26+$0x1EB80]  }
0x7e9: {  	v10 =	vld [tilespmem:s26+$0x1EB90]  }
0x7ea: {  	v11 =	vld [tilespmem:s26+$0x1EBA0]  }
0x7eb: {  	v12 =	vld [tilespmem:s26+$0x1EBB0]  }
0x7ec: {  	v13 =	vld [tilespmem:s26+$0x1EBC0]  }
0x7ed: {  	v1 =	vld.idx.msk [tilespmem:v1+s3+$0x0], $0xffff  }
0x7ee: {  	v2 =	vld.idx.msk [tilespmem:v2+s3+$0x0], $0xffff  }
0x7ef: {  	v3 =	vld.idx.msk [tilespmem:v3+s3+$0x0], $0xffff  }
0x7f0: {  	v4 =	vld.idx.msk [tilespmem:v4+s3+$0x0], $0xffff  }
0x7f1: {  	v5 =	vld.idx.msk [tilespmem:v5+s3+$0x0], $0xffff  }
0x7f2: {  	v6 =	vld.idx.msk [tilespmem:v6+s3+$0x0], $0xffff  }
0x7f3: {  	v7 =	vld.idx.msk [tilespmem:v7+s3+$0x0], $0xffff  }
0x7f4: {  	v8 =	vld.idx.msk [tilespmem:v8+s3+$0x0], $0xffff  }
0x7f5: {  	[tilespmem:s26+$0x1F180] =	vst v1;
	v1 =	vld [tilespmem:s26+$0x1EBD0]  }
0x7f6: {  	[tilespmem:s26+$0x1F190] =	vst v2;
	v2 =	vld [tilespmem:s26+$0x1EBE0]  }
0x7f7: {  	[tilespmem:s26+$0x1F1A0] =	vst v3;
	v3 =	vld [tilespmem:s26+$0x1EBF0]  }
0x7f8: {  	v59 =	vld.idx.msk [tilespmem:v9+s3+$0x0], $0xffff;
	[tilespmem:s26+$0x1F1B0] =	vst v4  }
0x7f9: {  	v60 =	vld.idx.msk [tilespmem:v10+s3+$0x0], $0xffff;
	[tilespmem:s26+$0x1F1C0] =	vst v5  }
0x7fa: {  	v61 =	vld.idx.msk [tilespmem:v11+s3+$0x0], $0xffff;
	[tilespmem:s26+$0x1F1D0] =	vst v6  }
0x7fb: {  	v62 =	vld.idx.msk [tilespmem:v12+s3+$0x0], $0xffff;
	[tilespmem:s26+$0x1F1E0] =	vst v7  }
0x7fc: {  	v63 =	vld.idx.msk [tilespmem:v13+s3+$0x0], $0xffff;
	[tilespmem:s26+$0x1F1F0] =	vst v8  }
0x7fd: {  	[tilespmem:s26+$0x1F380] =	vst v59;
	v1 =	vld.idx.msk [tilespmem:v1+s3+$0x0], $0xffff  }
0x7fe: {  	[tilespmem:s26+$0x1F390] =	vst v60;
	v2 =	vld.idx.msk [tilespmem:v2+s3+$0x0], $0xffff  }
0x7ff: {  	p3 =	por p2, p2;
	[tilespmem:s26+$0x1F3A0] =	vst v61;
	v3 =	vld.idx.msk [tilespmem:v3+s3+$0x0], $0xffff  }
.Ltmp53:
0x800: {  	[tilespmem:s26+$0x1F3B0] =	vst v62;
	(pc) =	sbr.rel @p3 .LBB2_76-.Ltmp53, $4  }
0x801: {  	[tilespmem:s26+$0x1F3C0] =	vst v63  }
0x802: {  	[tilespmem:s26+$0x1F3D0] =	vst v1  }
0x803: {  	[tilespmem:s26+$0x1F3E0] =	vst v2  }
0x804: {  	p2 =	por $0x0, $0x0;
	[tilespmem:s26+$0x1F3F0] =	vst v3;
	s26 =	simm.s32 $0x400  }
0x805: {  	s13 =	sor.u32 $0x80400, s25  }
0x806: {  	s26 =	simm.s32 $0x1F180;
	s13 =	sadd.s32 s7, s13  }
0x807: {  	[hbm4b:s13+s3] =	stream.linear.scatter [tilespmem:s26], [sflag:$0x7], $0x80, $0x38;
	[tilespmem:$0x1F880] =	vst v63  }
0x808: {  	s30 =	simm.s32 $0x1F380;
	s31 =	sadd.s32 $0x80, s13  }
0x809: {  	[hbm4b:s31+s3] =	stream.linear.scatter [tilespmem:s30], [sflag:$0x7], $0x80, $0x38;
	[tilespmem:$0x1F880] =	vst v63  }
.Ltmp54:
0x80a: {  	_ = 	snop;
	(pc) =	sbr.rel @p1 .LBB2_79-.Ltmp54, $4  }
0x80b: {  	s26 =	sadd.s32 $0x100, s13;
	s31 =	simm.s32 $0x1F580  }
0x80c: {  	[hbm4b:s26+s3] =	stream.linear.scatter [tilespmem:s31], [sflag:$0x7], $0x80, $0x38;
	[tilespmem:$0x1F880] =	vst v63  }
0x80d: {  	s13 =	sadd.s32 $0x180, s13  }
0x80e: {  	[hbm4b:s13+s3] =	stream.linear.scatter [tilespmem:s0], [sflag:$0x7], $0x80, $0x38;
	[tilespmem:$0x1F880] =	vst v63  }
.Ltmp55:
0x80f: {  	(pc) =	sbr.rel .LBB2_80-.Ltmp55, $4  }
0x810: {  	_ = 	snop  }
0x811: {  	_ =	swait.ge [sflag:s29], $0x200  }
0x812: {  	[sflag:s29] =	ssyncset.done $0x0  }
0x813: {  	[sflag:s29] =	ssyncadd.s32 $0xFFFFFE00  }
.LBB2_79:
0x814: {  	s13 =	rddreg [dreg:$0xd]  }
0x815: {  	s26 =	simm.s32 $0x1E980;
	s13 =	sadd.s32 s23, s13  }
0x816: {  	[tilespmem:s26], [sflag:$0x3] =	stream.linear.gather [hbm4b:s13+s3], $0x80, $0x38;
	[tilespmem:$0x1F880] =	vst v63  }
0x817: {  	s30 =	simm.s32 $0x1EB80;
	s31 =	sadd.s32 $0x10, s13  }
0x818: {  	[tilespmem:s30], [sflag:$0x3] =	stream.linear.gather [hbm4b:s31+s3], $0x80, $0x38;
	[tilespmem:$0x1F880] =	vst v63  }
0x819: {  	s26 =	sadd.s32 $0x20, s13;
	s31 =	simm.s32 $0x1ED80  }
0x81a: {  	[tilespmem:s31], [sflag:$0x3] =	stream.linear.gather [hbm4b:s26+s3], $0x80, $0x38;
	[tilespmem:$0x1F880] =	vst v63  }
.Ltmp56:
0x81b: {  	s13 =	sadd.s32 $0x30, s13;
	s31 =	simm.s32 $0x1EF80;
	(pc) =	sbr.rel @p0 .LBB2_81-.Ltmp56, $4  }
0x81c: {  	[tilespmem:s31], [sflag:$0x3] =	stream.linear.gather [hbm4b:s13+s3], $0x80, $0x38;
	[tilespmem:$0x1F880] =	vst v63  }
0x81d: {  	_ =	swait.ge [sflag:s29], $0x200  }
0x81e: {  	[sflag:s29] =	ssyncset.done $0x0  }
0x81f: {  	[sflag:s29] =	ssyncadd.s32 $0xFFFFFE00  }
.LBB2_80:
0x820: {  	_ =	swait.ge [sflag:s10], $0x200  }
0x821: {  	[sflag:s10] =	ssyncset.done $0x0  }
0x822: {  	[sflag:s10] =	ssyncadd.s32 $0xFFFFFE00  }
.LBB2_81:
0x823: {  	s26 =	simm.s32 $0x0;
	p0 =	por $0x1, $0x1  }
.LBB2_82:
0x824: {  	v1 =	vld [tilespmem:s26+$0x1EA00]  }
0x825: {  	v2 =	vld [tilespmem:s26+$0x1EA10]  }
0x826: {  	v3 =	vld [tilespmem:s26+$0x1EA20]  }
0x827: {  	v4 =	vld [tilespmem:s26+$0x1EA30]  }
0x828: {  	v5 =	vld [tilespmem:s26+$0x1EA40]  }
0x829: {  	v6 =	vld [tilespmem:s26+$0x1EA50]  }
0x82a: {  	v7 =	vld [tilespmem:s26+$0x1EA60]  }
0x82b: {  	v8 =	vld [tilespmem:s26+$0x1EA70]  }
0x82c: {  	v9 =	vld [tilespmem:s26+$0x1EC00]  }
0x82d: {  	v10 =	vld [tilespmem:s26+$0x1EC10]  }
0x82e: {  	v11 =	vld [tilespmem:s26+$0x1EC20]  }
0x82f: {  	v12 =	vld [tilespmem:s26+$0x1EC30]  }
0x830: {  	v13 =	vld [tilespmem:s26+$0x1EC40]  }
0x831: {  	v1 =	vld.idx.msk [tilespmem:v1+s3+$0x0], $0xffff  }
0x832: {  	v2 =	vld.idx.msk [tilespmem:v2+s3+$0x0], $0xffff  }
0x833: {  	v3 =	vld.idx.msk [tilespmem:v3+s3+$0x0], $0xffff  }
0x834: {  	v4 =	vld.idx.msk [tilespmem:v4+s3+$0x0], $0xffff  }
0x835: {  	v5 =	vld.idx.msk [tilespmem:v5+s3+$0x0], $0xffff  }
0x836: {  	v6 =	vld.idx.msk [tilespmem:v6+s3+$0x0], $0xffff  }
0x837: {  	v7 =	vld.idx.msk [tilespmem:v7+s3+$0x0], $0xffff  }
0x838: {  	v8 =	vld.idx.msk [tilespmem:v8+s3+$0x0], $0xffff  }
0x839: {  	[tilespmem:s26+$0x1F200] =	vst v1;
	v1 =	vld [tilespmem:s26+$0x1EC50]  }
0x83a: {  	[tilespmem:s26+$0x1F210] =	vst v2;
	v2 =	vld [tilespmem:s26+$0x1EC60]  }
0x83b: {  	[tilespmem:s26+$0x1F220] =	vst v3;
	v3 =	vld [tilespmem:s26+$0x1EC70]  }
0x83c: {  	v59 =	vld.idx.msk [tilespmem:v9+s3+$0x0], $0xffff;
	[tilespmem:s26+$0x1F230] =	vst v4  }
0x83d: {  	v60 =	vld.idx.msk [tilespmem:v10+s3+$0x0], $0xffff;
	[tilespmem:s26+$0x1F240] =	vst v5  }
0x83e: {  	v61 =	vld.idx.msk [tilespmem:v11+s3+$0x0], $0xffff;
	[tilespmem:s26+$0x1F250] =	vst v6  }
0x83f: {  	v62 =	vld.idx.msk [tilespmem:v12+s3+$0x0], $0xffff;
	[tilespmem:s26+$0x1F260] =	vst v7  }
0x840: {  	v63 =	vld.idx.msk [tilespmem:v13+s3+$0x0], $0xffff;
	[tilespmem:s26+$0x1F270] =	vst v8  }
0x841: {  	[tilespmem:s26+$0x1F400] =	vst v59;
	v1 =	vld.idx.msk [tilespmem:v1+s3+$0x0], $0xffff  }
0x842: {  	[tilespmem:s26+$0x1F410] =	vst v60;
	v2 =	vld.idx.msk [tilespmem:v2+s3+$0x0], $0xffff  }
0x843: {  	p1 =	por p0, p0;
	[tilespmem:s26+$0x1F420] =	vst v61;
	v3 =	vld.idx.msk [tilespmem:v3+s3+$0x0], $0xffff  }
.Ltmp57:
0x844: {  	[tilespmem:s26+$0x1F430] =	vst v62;
	(pc) =	sbr.rel @p1 .LBB2_82-.Ltmp57, $4  }
0x845: {  	[tilespmem:s26+$0x1F440] =	vst v63  }
0x846: {  	[tilespmem:s26+$0x1F450] =	vst v1  }
0x847: {  	[tilespmem:s26+$0x1F460] =	vst v2  }
0x848: {  	p0 =	por $0x0, $0x0;
	[tilespmem:s26+$0x1F470] =	vst v3;
	s26 =	simm.s32 $0x400  }
0x849: {  	s13 =	sor.u32 $0x80600, s25  }
0x84a: {  	s13 =	sadd.s32 s7, s13  }
0x84b: {  	[hbm4b:s13+s3] =	stream.linear.scatter [tilespmem:s21], [sflag:$0x8], $0x80, $0x38;
	[tilespmem:$0x1F880] =	vst v63  }
0x84c: {  	p0 =	seq.s32 s22, $0x3F;
	s30 =	sadd.s32 $0x80, s13  }
0x84d: {  	[hbm4b:s30+s3] =	stream.linear.scatter [tilespmem:s28], [sflag:$0x8], $0x80, $0x38;
	[tilespmem:$0x1F880] =	vst v63  }
.Ltmp58:
0x84e: {  	_ = 	snop;
	(pc) =	sbr.rel @p0 .LBB2_85-.Ltmp58, $4  }
0x84f: {  	s31 =	sadd.s32 $0x100, s13  }
0x850: {  	[hbm4b:s31+s3] =	stream.linear.scatter [tilespmem:s8], [sflag:$0x8], $0x80, $0x38;
	[tilespmem:$0x1F880] =	vst v63  }
0x851: {  	s13 =	sadd.s32 $0x180, s13  }
0x852: {  	[hbm4b:s13+s3] =	stream.linear.scatter [tilespmem:s9], [sflag:$0x8], $0x80, $0x38;
	[tilespmem:$0x1F880] =	vst v63  }
0x853: {  	s13 =	sadd.s32 s23, s19  }
0x854: {  	[tilespmem:s1], [sflag:$0x4] =	stream.linear.gather [hbm4b:s13+s3], $0x80, $0x38;
	[tilespmem:$0x1F880] =	vst v63  }
0x855: {  	s23 =	sadd.s32 $0x10, s13  }
0x856: {  	[tilespmem:s12], [sflag:$0x4] =	stream.linear.gather [hbm4b:s23+s3], $0x80, $0x38;
	[tilespmem:$0x1F880] =	vst v63  }
.Ltmp59:
0x857: {  	_ = 	snop;
	(pc) =	sbr.rel .LBB2_63-.Ltmp59, $4  }
0x858: {  	s31 =	sadd.s32 $0x20, s13  }
0x859: {  	[tilespmem:s14], [sflag:$0x4] =	stream.linear.gather [hbm4b:s31+s3], $0x80, $0x38;
	[tilespmem:$0x1F880] =	vst v63  }
0x85a: {  	s22 =	sadd.s32 $0x1, s22;
	s13 =	sadd.s32 $0x30, s13  }
0x85b: {  	[tilespmem:s20], [sflag:$0x4] =	stream.linear.gather [hbm4b:s13+s3], $0x80, $0x38;
	[tilespmem:$0x1F880] =	vst v63  }
.LBB2_86:
0x85c: {  	_ =	sfence.sel $0x180000  }
0x85d: {  	[bflag:$0x0] =	sbarrier.arrive $0xFFFF  }
0x85e: {  	_ =	strace $0x90000047  }
0x85f: {  	s0 =	stileid.u32;
	[bflag:$0x2] =	sbarrier.arrive $0xFFFF  }
0x860: {  	p0 =	sne.s32 s0, $0x0;
	s0 =	rddreg [dreg:$0x2]  }
0x861: {  	s0 =	sadd.s32 @!p0 $0x100000, s0  }
0x862: {  	[sflag:s0] =	ssyncadd.tile.s32 @!p0 $0x1;
	_ =	shalt  }
.Lfunc_end2:
_tile_overlayer_lowered:
.L_overlay_start_2:
0x863: {  	(tag) =	ssettag $0x2  }
0x864: {  	s0 =	rddreg [dreg:$0x0];
	s2 =	stileid.u32  }
0x865: {  	s1 =	rddreg [dreg:$0x1];
	p0 =	sne.s32 s2, $0x0  }
0x866: {  	s3 =	rddreg [dreg:$0x2];
	[bflag:$0x3] =	sbarrier.arrive $0xFFFF;
	s2 =	simm.s32 @!p0 $0x1C0A  }
0x867: {  	[timem:s3], [sflag:s2] =	dma.local @!p0 [hbm:s0], s1  }
0x868: {  	s0 =	simm.s32 @!p0 $0xA  }
0x869: {  	_ =	swait.ge @!p0 [sflag:s0], s1  }
0x86a: {  	s1 =	ssub.s32 @!p0 $0x0, s1;
	[sflag:s0] =	ssyncset.done @!p0 $0x0  }
0x86b: {  	[sflag:s0] =	ssyncadd.s32 @!p0 s1  }
0x86c: {  	[bflag:$0x3] =	sbarrier.arrive $0xFFFF  }
0x86d: {  	_ =	shalt  }

</sc_bundles>
